<compile_context>
chip_gen: v7x
topology: tpu7x:2x2x1
jax: 0.10.2.dev20260603
libtpu: 0.0.44.dev20260713+nightly
codegen_flags: <defaults>
</compile_context>

<pallas_src>
import functools

import jax
import jax.numpy as jnp
from jax import lax
from jax.experimental import pallas as pl
from jax.experimental.pallas import tpu as pltpu
from jax.experimental.pallas import tpu_sc as plsc

N = 10000
E = 320000
D = 128
H1 = 4
C1 = 64
C2 = 128

NP = 10008
NA = 10112
ET = E + N
CHUNK = 64
ETP = 335872
ROWW = 144
BIG = 1e30


def _prep1_body(x_ref, w_ref, asm_ref, adm_ref, tbl_ref, adt_ref, mx_ref):
    xl = jnp.dot(x_ref[...], w_ref[...], preferred_element_type=jnp.float32)
    asrc = jnp.dot(xl, asm_ref[...], preferred_element_type=jnp.float32)
    adst = jnp.dot(xl, adm_ref[...], preferred_element_type=jnp.float32)
    tbl_ref[...] = jnp.zeros((2 * NP, ROWW), jnp.float32)
    adt_ref[...] = jnp.zeros((2 * NP, 16), jnp.float32)
    tbl_ref[0:N, 0:128] = xl[:, 0:128]
    tbl_ref[0:N, 128:130] = asrc[:, 0:2]
    tbl_ref[N:NP, 128:130] = jnp.full((NP - N, 2), -BIG, jnp.float32)
    tbl_ref[NP:NP + N, 0:128] = xl[:, 128:256]
    tbl_ref[NP:NP + N, 128:130] = asrc[:, 2:4]
    tbl_ref[NP + N:2 * NP, 128:130] = jnp.full((NP - N, 2), -BIG, jnp.float32)
    adt_ref[0:N, 0:2] = adst[:, 0:2]
    adt_ref[NP:NP + N, 0:2] = adst[:, 2:4]
    mx_ref[0:1, :] = jnp.max(asrc, axis=0, keepdims=True)
    mx_ref[1:2, :] = jnp.max(adst, axis=0, keepdims=True)


def _mid_body(acc_ref, b1_ref, w2_ref, a2s_ref, a2d_ref,
              tbl_ref, adt_ref, mx_ref):
    hcols = []
    for h in range(H1):
        base = (h // 2) * NA
        c0 = (h % 2) * 64
        num = acc_ref[base:base + N, c0:c0 + 64]
        den = acc_ref[base:base + N, 128 + (h % 2):129 + (h % 2)]
        hcols.append(num / den)
    hfeat = jnp.concatenate(hcols, axis=1) + b1_ref[...][None, :]
    hfeat = jnp.where(hfeat > 0, hfeat, jnp.exp(hfeat) - 1.0)
    xl2 = jnp.dot(hfeat, w2_ref[...], preferred_element_type=jnp.float32)
    asrc2 = jnp.dot(xl2, a2s_ref[...], preferred_element_type=jnp.float32)
    adst2 = jnp.dot(xl2, a2d_ref[...], preferred_element_type=jnp.float32)
    tbl_ref[...] = jnp.zeros((NP, ROWW), jnp.float32)
    adt_ref[...] = jnp.zeros((NP, 16), jnp.float32)
    tbl_ref[0:N, 0:128] = xl2
    tbl_ref[0:N, 128:129] = asrc2
    tbl_ref[N:NP, 128:129] = jnp.full((NP - N, 1), -BIG, jnp.float32)
    adt_ref[0:N, 0:1] = adst2
    mx_ref[0:1, 0:1] = jnp.max(asrc2, axis=0, keepdims=True)
    mx_ref[1:2, 0:1] = jnp.max(adst2, axis=0, keepdims=True)


def _final_body(acc_ref, b2_ref, out_ref):
    ssum = acc_ref[0:N, :] + acc_ref[NA:NA + N, :]
    out_ref[...] = ssum[:, 0:128] / ssum[:, 128:129] + b2_ref[...][None, :]


def _edge_pass(tbl, adt, mv, s_all, d_all, *, heads, split_cols):
    ept = ETP // 16 if split_cols else ETP // 32
    nch = ept // CHUNK
    groups_per_head = 8 // heads
    mesh = plsc.VectorSubcoreMesh(core_axis_name="c", subcore_axis_name="s")

    @functools.partial(
        pl.kernel,
        out_type=jax.ShapeDtypeStruct((2 * NA, ROWW), jnp.float32),
        mesh=mesh,
        compiler_params=pltpu.CompilerParams(use_tc_tiling_on_sc=False),
        scratch_types=[
            pltpu.VMEM((2, CHUNK), jnp.int32),
            pltpu.VMEM((2, CHUNK), jnp.int32),
            pltpu.VMEM((2, CHUNK), jnp.int32),
            pltpu.VMEM((2, CHUNK, ROWW), jnp.float32),
            pltpu.VMEM((CHUNK, ROWW), jnp.float32),
            pltpu.VMEM((2, CHUNK, 16), jnp.float32),
            pltpu.VMEM((16,), jnp.float32),
            pltpu.VMEM_SHARED((NA, ROWW), jnp.float32),
            pltpu.SemaphoreType.DMA,
            pltpu.SemaphoreType.DMA,
        ],
    )
    def k(tbl_h, adt_h, mv_h, s_h, d_h, out_h,
          s2, d2, d3, g, msg, adg, mvv, acc_sh, gs0, gs1):
        cid = lax.axis_index("c")
        sid = lax.axis_index("s")
        gsem = (gs0, gs1)

        zv = jnp.zeros((16,), jnp.float32)

        @pl.loop(0, CHUNK)
        def _(r):
            for j in range(ROWW // 16):
                msg[r, pl.ds(j * 16, 16)] = zv

        for i in range(9):
            pltpu.sync_copy(msg,
                            acc_sh.at[pl.ds(sid * 632 + i * CHUNK, CHUNK)])
        pltpu.sync_copy(msg.at[pl.ds(0, 56)],
                        acc_sh.at[pl.ds(sid * 632 + 9 * CHUNK, 56)])
        plsc.subcore_barrier()

        pltpu.sync_copy(mv_h.at[cid], mvv)
        base = (sid if split_cols else cid * 16 + sid) * ept

        def load_and_start(c, b):
            eb = base + c * CHUNK
            pltpu.sync_copy(s_h.at[pl.ds(eb, CHUNK)], s2.at[b])
            pltpu.sync_copy(d_h.at[pl.ds(eb, CHUNK)], d2.at[b])
            if split_cols:
                off = (cid * NP).astype(jnp.int32)
                for j in range(CHUNK // 16):
                    s2[b, pl.ds(j * 16, 16)] = s2[b, pl.ds(j * 16, 16)] + off
                    d3[b, pl.ds(j * 16, 16)] = d2[b, pl.ds(j * 16, 16)] + off
                idx = d3.at[b]
            else:
                idx = d2.at[b]
            pltpu.async_copy(tbl_h.at[s2.at[b]], g.at[b], gsem[b])
            pltpu.async_copy(adt_h.at[idx], adg.at[b], gsem[b])

        def handle(c, b):
            adt_idx = d3.at[b] if split_cols else d2.at[b]
            pltpu.make_async_copy(tbl_h.at[s2.at[b]], g.at[b],
                                  gsem[b]).wait()
            pltpu.make_async_copy(adt_h.at[adt_idx], adg.at[b],
                                  gsem[b]).wait()
            mv_vec = mvv[...]

            @plsc.parallel_loop(0, CHUNK, unroll=16)
            def _(kk):
                row = [g[b, kk, pl.ds(j * 16, 16)] for j in range(8)]
                av = g[b, kk, pl.ds(128, 16)] + adg[b, kk, :]
                lr = jnp.maximum(av, 0.0) + 0.2 * jnp.minimum(av, 0.0)
                ex = jnp.exp(lr - mv_vec)
                msg[kk, pl.ds(128, 16)] = ex
                ehb = [jnp.full((16,), ex[h], jnp.float32)
                       for h in range(heads)]
                out = [row[j] * ehb[j // groups_per_head] for j in range(8)]
                for j in range(8):
                    msg[kk, pl.ds(j * 16, 16)] = out[j]

            pltpu.sync_copy(msg, acc_sh.at[d2.at[b]], add=True)

            @pl.when(c + 2 < nch)
            def _():
                load_and_start(c + 2, b)

        load_and_start(0, 0)
        load_and_start(1, 1)

        @pl.loop(0, nch, step=2)
        def _(c):
            handle(c, 0)
            handle(c + 1, 1)

        plsc.subcore_barrier()
        pltpu.sync_copy(acc_sh.at[pl.ds(sid * 632, 632)],
                        out_h.at[pl.ds(cid * NA + sid * 632, 632)])

    return k(tbl, adt, mv, s_all, d_all)


def _tc_prep1(x, W1, asm, adm):
    return pl.pallas_call(
        _prep1_body,
        out_shape=[
            jax.ShapeDtypeStruct((2 * NP, ROWW), jnp.float32),
            jax.ShapeDtypeStruct((2 * NP, 16), jnp.float32),
            jax.ShapeDtypeStruct((2, H1), jnp.float32),
        ],
    )(x, W1, asm, adm)


def _tc_mid(acc1, b1, W2, a2s, a2d):
    return pl.pallas_call(
        _mid_body,
        out_shape=[
            jax.ShapeDtypeStruct((NP, ROWW), jnp.float32),
            jax.ShapeDtypeStruct((NP, 16), jnp.float32),
            jax.ShapeDtypeStruct((2, 1), jnp.float32),
        ],
    )(acc1, b1, W2, a2s, a2d)


def _tc_final(acc2, b2):
    return pl.pallas_call(
        _final_body,
        out_shape=jax.ShapeDtypeStruct((N, C2), jnp.float32),
    )(acc2, b2)


def _mv_rows(mx, nheads):
    m = mx[0] + mx[1]
    m = jnp.where(m > 0, m, 0.2 * m)
    if nheads == 4:
        mm = m.reshape(2, 2)
    else:
        mm = jnp.concatenate([m.reshape(1, 1), m.reshape(1, 1)], axis=0)
        mm = jnp.concatenate([mm, jnp.full((2, 1), BIG, jnp.float32)], axis=1)
    return jnp.concatenate([mm, jnp.full((2, 14), BIG, jnp.float32)], axis=1)


def kernel(x, edge_index, W1, a_src1, a_dst1, b1, W2, a_src2, a_dst2, b2):
    src = edge_index[0].astype(jnp.int32)
    dst = edge_index[1].astype(jnp.int32)
    loop = jnp.arange(N, dtype=jnp.int32)
    pad = ETP - ET
    s_all = jnp.concatenate([src, loop, jnp.full((pad,), N, jnp.int32)])
    d_all = jnp.concatenate([dst, loop, jnp.zeros((pad,), jnp.int32)])

    eye = jnp.eye(H1, dtype=jnp.float32)
    asm = (eye[:, None, :] * a_src1.reshape(H1, C1)[:, :, None]).reshape(
        H1 * C1, H1)
    adm = (eye[:, None, :] * a_dst1.reshape(H1, C1)[:, :, None]).reshape(
        H1 * C1, H1)
    a2s = a_src2.reshape(C2, 1)
    a2d = a_dst2.reshape(C2, 1)

    tbl1, adt1, mx1 = _tc_prep1(x, W1, asm, adm)
    mv1 = _mv_rows(mx1, 4)
    acc1 = _edge_pass(tbl1, adt1, mv1, s_all, d_all, heads=2, split_cols=True)
    tbl2, adt2, mx2 = _tc_mid(acc1, b1, W2, a2s, a2d)
    mv2 = _mv_rows(mx2, 1)
    acc2 = _edge_pass(tbl2, adt2, mv2, s_all, d_all, heads=1, split_cols=False)
    return _tc_final(acc2, b2)

# --- scband reference (transcript-rebuilt; emitter-appended) ---
"""Pipeline reference for scband-gat-l2-intervention-66271345377531 (READ-ONLY COPY).

The authoritative reference and input builder live on the scoring server;
editing this copy changes nothing except your own understanding.
"""

import jax, jax.numpy as jnp
import numpy as np

N = 10000
E = 320000
D = 128
H1 = 4
C1 = 64
C2 = 128


def setup_inputs(seed: int = 0) -> dict:
    key = jax.random.key(seed)
    ks = jax.random.split(key, 12)
    x = jax.random.normal(ks[0], (N, D), dtype=jnp.float32)
    src = jax.random.randint(ks[1], (E,), 0, N, dtype=jnp.int32)
    dst = jax.random.randint(ks[2], (E,), 0, N, dtype=jnp.int32)
    # remove_self_loops equivalent: ensure no pre-existing self loops (static shapes)
    dst = jnp.where(dst == src, (dst + 1) % N, dst)
    edge_index = jnp.stack([src, dst], axis=0)
    g1 = float(np.sqrt(6.0 / (D + H1 * C1)))
    W1 = jax.random.uniform(ks[3], (D, H1 * C1), minval=-g1, maxval=g1, dtype=jnp.float32)
    ga1 = float(np.sqrt(6.0 / (1 + C1)))
    a_src1 = jax.random.uniform(ks[4], (1, H1, C1), minval=-ga1, maxval=ga1, dtype=jnp.float32)
    a_dst1 = jax.random.uniform(ks[5], (1, H1, C1), minval=-ga1, maxval=ga1, dtype=jnp.float32)
    b1 = jnp.zeros((H1 * C1,), dtype=jnp.float32)
    g2 = float(np.sqrt(6.0 / (H1 * C1 + C2)))
    W2 = jax.random.uniform(ks[6], (H1 * C1, C2), minval=-g2, maxval=g2, dtype=jnp.float32)
    ga2 = float(np.sqrt(6.0 / (1 + C2)))
    a_src2 = jax.random.uniform(ks[7], (1, 1, C2), minval=-ga2, maxval=ga2, dtype=jnp.float32)
    a_dst2 = jax.random.uniform(ks[8], (1, 1, C2), minval=-ga2, maxval=ga2, dtype=jnp.float32)
    b2 = jnp.zeros((C2,), dtype=jnp.float32)
    return {"x": x, "edge_index": edge_index, "W1": W1, "a_src1": a_src1,
            "a_dst1": a_dst1, "b1": b1, "W2": W2, "a_src2": a_src2,
            "a_dst2": a_dst2, "b2": b2}


def _gat_layer(x, edge_index, W, a_src, a_dst, bias, heads, out_ch, concat):
    n = x.shape[0]
    xl = (x @ W).reshape(n, heads, out_ch)
    alpha_src = (xl * a_src).sum(axis=-1)  # [N, H]
    alpha_dst = (xl * a_dst).sum(axis=-1)  # [N, H]
    # add self loops
    loop = jnp.arange(n, dtype=edge_index.dtype)
    ei = jnp.concatenate([edge_index, jnp.stack([loop, loop], axis=0)], axis=1)
    s, d = ei[0], ei[1]
    alpha = alpha_src[s] + alpha_dst[d]  # alpha_j + alpha_i
    alpha = jax.nn.leaky_relu(alpha, 0.2)
    # softmax over incoming edges of each dst node
    amax = jax.ops.segment_max(alpha, d, num_segments=n)
    ex = jnp.exp(alpha - amax[d])
    den = jax.ops.segment_sum(ex, d, num_segments=n)
    alpha = ex / (den[d] + 1e-16)
    # message: alpha.unsqueeze(-1) * x_j ; aggregate: add
    out = jax.ops.segment_sum(alpha[:, :, None] * xl[s], d, num_segments=n)
    if concat:
        out = out.reshape(n, heads * out_ch)
    else:
        out = out.mean(axis=1)
    return out + bias


def reference(x, edge_index, W1, a_src1, a_dst1, b1, W2, a_src2, a_dst2, b2):
    h = _gat_layer(x, edge_index, W1, a_src1, a_dst1, b1, H1, C1, True)
    h = jax.nn.elu(h)
    out = _gat_layer(h, edge_index, W2, a_src2, a_dst2, b2, 1, C2, False)
    return out

if __name__ == "__main__":
    import jax
    _d = setup_inputs()
    print(jax.jit(kernel)(*tuple(_d.values())))

</pallas_src>

<mosaic_0001>
#map = affine_map<(d0, d1) -> (0, 0)>
#map1 = affine_map<(d0, d1) -> (0)>
module attributes {stable_mosaic.version = 14 : i64} {
  func.func @k(%arg0: i32, %arg1: i32, %arg2: memref<20016x144xf32, #tpu.memory_space<hbm>>, %arg3: memref<20016x16xf32, #tpu.memory_space<hbm>>, %arg4: memref<2x16xf32, #tpu.memory_space<hbm>>, %arg5: memref<335872xi32, #tpu.memory_space<hbm>>, %arg6: memref<335872xi32, #tpu.memory_space<hbm>>, %arg7: memref<20224x144xf32, #tpu.memory_space<hbm>>, %arg8: memref<2x64xi32, #tpu.memory_space<vmem>>, %arg9: memref<2x64xi32, #tpu.memory_space<vmem>>, %arg10: memref<2x64xi32, #tpu.memory_space<vmem>>, %arg11: memref<2x64x144xf32, #tpu.memory_space<vmem>>, %arg12: memref<64x144xf32, #tpu.memory_space<vmem>>, %arg13: memref<2x64x16xf32, #tpu.memory_space<vmem>>, %arg14: memref<16xf32, #tpu.memory_space<vmem>>, %arg15: memref<10112x144xf32, #tpu.memory_space<vmem_shared>>, %arg16: memref<!tpu.dma_semaphore, #tpu.memory_space<semaphore_mem>>, %arg17: memref<!tpu.dma_semaphore, #tpu.memory_space<semaphore_mem>>) attributes {dimension_semantics = [#tpu.dimension_semantics<core_parallel>, #tpu.dimension_semantics<subcore_parallel>], iteration_bounds = array<i64: 2, 16>, scalar_prefetch = 0 : i64, scratch_operands = 10 : i64, tpu.core_type = #tpu.core_type<sc_vector_subcore>, window_params = [{transform_indices = #map}, {transform_indices = #map}, {transform_indices = #map}, {transform_indices = #map1}, {transform_indices = #map1}, {transform_indices = #map}]} {
    %broadcast_in_dim3A = arith.constant 0.000000e+00 : f32
    %broadcast_in_dim3A_0 = vector.broadcast %broadcast_in_dim3A : f32 to vector<16xf32>
    %scan3A = arith.constant 0 : i32
    %scan3A_1 = arith.constant 64 : i32
    %scan3A_2 = arith.addi %scan3A, %scan3A_1 : i32
    %scan3A_3 = arith.constant 1 : i32
    scf.for %scan3A_322 = %scan3A to %scan3A_2 step %scan3A_3  : i32 {
      %mul3A_323 = arith.constant 1 : i32
      %mul3A_324 = arith.muli %scan3A_322, %mul3A_323 : i32
      %add3A_325 = arith.constant 0 : i32
      %add3A_326 = arith.addi %add3A_325, %mul3A_324 : i32
      %swap3A_327 = arith.index_cast %add3A_326 : i32 to index
      %swap3A_328 = arith.constant 0 : index
      %swap3A_329 = tpu.vector_load %arg12[%swap3A_327, %swap3A_328] {strides = array<i32>} : memref<64x144xf32, #tpu.memory_space<vmem>>, vector<1x16xf32>,
      %swap3A_330 = vector.shape_cast %swap3A_329 : vector<1x16xf32> to vector<16xf32>
      %swap3A_331 = vector.shape_cast %broadcast_in_dim3A_0 : vector<16xf32> to vector<1x16xf32>
      tpu.vector_store %arg12[%swap3A_327, %swap3A_328], %swap3A_331 {strides = array<i32>} : memref<64x144xf32, #tpu.memory_space<vmem>>, vector<1x16xf32>,
      %swap3A_332 = arith.index_cast %add3A_326 : i32 to index
      %swap3A_333 = arith.constant 16 : index
      %swap3A_334 = tpu.vector_load %arg12[%swap3A_332, %swap3A_333] {strides = array<i32>} : memref<64x144xf32, #tpu.memory_space<vmem>>, vector<1x16xf32>,
      %swap3A_335 = vector.shape_cast %swap3A_334 : vector<1x16xf32> to vector<16xf32>
      %swap3A_336 = vector.shape_cast %broadcast_in_dim3A_0 : vector<16xf32> to vector<1x16xf32>
      tpu.vector_store %arg12[%swap3A_332, %swap3A_333], %swap3A_336 {strides = array<i32>} : memref<64x144xf32, #tpu.memory_space<vmem>>, vector<1x16xf32>,
      %swap3A_337 = arith.index_cast %add3A_326 : i32 to index
      %swap3A_338 = arith.constant 32 : index
      %swap3A_339 = tpu.vector_load %arg12[%swap3A_337, %swap3A_338] {strides = array<i32>} : memref<64x144xf32, #tpu.memory_space<vmem>>, vector<1x16xf32>,
      %swap3A_340 = vector.shape_cast %swap3A_339 : vector<1x16xf32> to vector<16xf32>
      %swap3A_341 = vector.shape_cast %broadcast_in_dim3A_0 : vector<16xf32> to vector<1x16xf32>
      tpu.vector_store %arg12[%swap3A_337, %swap3A_338], %swap3A_341 {strides = array<i32>} : memref<64x144xf32, #tpu.memory_space<vmem>>, vector<1x16xf32>,
      %swap3A_342 = arith.index_cast %add3A_326 : i32 to index
      %swap3A_343 = arith.constant 48 : index
      %swap3A_344 = tpu.vector_load %arg12[%swap3A_342, %swap3A_343] {strides = array<i32>} : memref<64x144xf32, #tpu.memory_space<vmem>>, vector<1x16xf32>,
      %swap3A_345 = vector.shape_cast %swap3A_344 : vector<1x16xf32> to vector<16xf32>
      %swap3A_346 = vector.shape_cast %broadcast_in_dim3A_0 : vector<16xf32> to vector<1x16xf32>
      tpu.vector_store %arg12[%swap3A_342, %swap3A_343], %swap3A_346 {strides = array<i32>} : memref<64x144xf32, #tpu.memory_space<vmem>>, vector<1x16xf32>,
      %swap3A_347 = arith.index_cast %add3A_326 : i32 to index
      %swap3A_348 = arith.constant 64 : index
      %swap3A_349 = tpu.vector_load %arg12[%swap3A_347, %swap3A_348] {strides = array<i32>} : memref<64x144xf32, #tpu.memory_space<vmem>>, vector<1x16xf32>,
      %swap3A_350 = vector.shape_cast %swap3A_349 : vector<1x16xf32> to vector<16xf32>
      %swap3A_351 = vector.shape_cast %broadcast_in_dim3A_0 : vector<16xf32> to vector<1x16xf32>
      tpu.vector_store %arg12[%swap3A_347, %swap3A_348], %swap3A_351 {strides = array<i32>} : memref<64x144xf32, #tpu.memory_space<vmem>>, vector<1x16xf32>,
      %swap3A_352 = arith.index_cast %add3A_326 : i32 to index
      %swap3A_353 = arith.constant 80 : index
      %swap3A_354 = tpu.vector_load %arg12[%swap3A_352, %swap3A_353] {strides = array<i32>} : memref<64x144xf32, #tpu.memory_space<vmem>>, vector<1x16xf32>,
      %swap3A_355 = vector.shape_cast %swap3A_354 : vector<1x16xf32> to vector<16xf32>
      %swap3A_356 = vector.shape_cast %broadcast_in_dim3A_0 : vector<16xf32> to vector<1x16xf32>
      tpu.vector_store %arg12[%swap3A_352, %swap3A_353], %swap3A_356 {strides = array<i32>} : memref<64x144xf32, #tpu.memory_space<vmem>>, vector<1x16xf32>,
      %swap3A_357 = arith.index_cast %add3A_326 : i32 to index
      %swap3A_358 = arith.constant 96 : index
      %swap3A_359 = tpu.vector_load %arg12[%swap3A_357, %swap3A_358] {strides = array<i32>} : memref<64x144xf32, #tpu.memory_space<vmem>>, vector<1x16xf32>,
      %swap3A_360 = vector.shape_cast %swap3A_359 : vector<1x16xf32> to vector<16xf32>
      %swap3A_361 = vector.shape_cast %broadcast_in_dim3A_0 : vector<16xf32> to vector<1x16xf32>
      tpu.vector_store %arg12[%swap3A_357, %swap3A_358], %swap3A_361 {strides = array<i32>} : memref<64x144xf32, #tpu.memory_space<vmem>>, vector<1x16xf32>,
      %swap3A_362 = arith.index_cast %add3A_326 : i32 to index
      %swap3A_363 = arith.constant 112 : index
      %swap3A_364 = tpu.vector_load %arg12[%swap3A_362, %swap3A_363] {strides = array<i32>} : memref<64x144xf32, #tpu.memory_space<vmem>>, vector<1x16xf32>,
      %swap3A_365 = vector.shape_cast %swap3A_364 : vector<1x16xf32> to vector<16xf32>
      %swap3A_366 = vector.shape_cast %broadcast_in_dim3A_0 : vector<16xf32> to vector<1x16xf32>
      tpu.vector_store %arg12[%swap3A_362, %swap3A_363], %swap3A_366 {strides = array<i32>} : memref<64x144xf32, #tpu.memory_space<vmem>>, vector<1x16xf32>,
      %swap3A_367 = arith.index_cast %add3A_326 : i32 to index
      %swap3A_368 = arith.constant 128 : index
      %swap3A_369 = tpu.vector_load %arg12[%swap3A_367, %swap3A_368] {strides = array<i32>} : memref<64x144xf32, #tpu.memory_space<vmem>>, vector<1x16xf32>,
      %swap3A_370 = vector.shape_cast %swap3A_369 : vector<1x16xf32> to vector<16xf32>
      %swap3A_371 = vector.shape_cast %broadcast_in_dim3A_0 : vector<16xf32> to vector<1x16xf32>
      tpu.vector_store %arg12[%swap3A_367, %swap3A_368], %swap3A_371 {strides = array<i32>} : memref<64x144xf32, #tpu.memory_space<vmem>>, vector<1x16xf32>,
    }
    %scan3A_4 = arith.constant 64 : i32
    %mul3A = arith.constant 632 : i32
    %mul3A_5 = arith.muli %arg1, %mul3A : i32
    %add3A = arith.constant 0 : i32
    %add3A_6 = arith.addi %mul3A_5, %add3A : i32
    "tpu.region"() ({
      %run_scoped3A_322 = tpu.sem_alloc : memref<!tpu.dma_semaphore, #tpu.memory_space<semaphore_mem>>
      %dma_start3A_323 = arith.constant 0 : i32
      %dma_start3A_324 = tpu.memref_slice %arg15[%add3A_6, %dma_start3A_323] : memref<10112x144xf32, #tpu.memory_space<vmem_shared>> -> memref<64x144xf32, #tpu.memory_space<vmem_shared>>
      %dma_start3A_325 = arith.constant 0 : i32
      %dma_start3A_326 = tpu.memref_slice %arg15[%add3A_6, %dma_start3A_325] : memref<10112x144xf32, #tpu.memory_space<vmem_shared>> -> memref<64x144xf32, #tpu.memory_space<vmem_shared>>
      tpu.enqueue_dma source(%arg12 : memref<64x144xf32, #tpu.memory_space<vmem>>) target(%dma_start3A_326 : memref<64x144xf32, #tpu.memory_space<vmem_shared>>) target_semaphore(%run_scoped3A_322 : memref<!tpu.dma_semaphore, #tpu.memory_space<semaphore_mem>>)
      %dma_wait3A = arith.constant 0 : i32
      %dma_wait3A_327 = tpu.memref_slice %arg15[%add3A_6, %dma_wait3A] : memref<10112x144xf32, #tpu.memory_space<vmem_shared>> -> memref<64x144xf32, #tpu.memory_space<vmem_shared>>
      %dma_wait3A_328 = arith.constant 0 : i32
      %dma_wait3A_329 = tpu.memref_slice %arg15[%add3A_6, %dma_wait3A_328] : memref<10112x144xf32, #tpu.memory_space<vmem_shared>> -> memref<64x144xf32, #tpu.memory_space<vmem_shared>>
      tpu.wait_dma2 semaphore(%run_scoped3A_322 : memref<!tpu.dma_semaphore, #tpu.memory_space<semaphore_mem>>) src(%arg12 : memref<64x144xf32, #tpu.memory_space<vmem>>) dst(%dma_wait3A_329 : memref<64x144xf32, #tpu.memory_space<vmem_shared>>)
      tpu.yield
    }) : () -> ()
    %mul3A_7 = arith.constant 632 : i32
    %mul3A_8 = arith.muli %arg1, %mul3A_7 : i32
    %add3A_9 = arith.constant 64 : i32
    %add3A_10 = arith.addi %mul3A_8, %add3A_9 : i32
    "tpu.region"() ({
      %run_scoped3A_322 = tpu.sem_alloc : memref<!tpu.dma_semaphore, #tpu.memory_space<semaphore_mem>>
      %dma_start3A_323 = arith.constant 0 : i32
      %dma_start3A_324 = tpu.memref_slice %arg15[%add3A_10, %dma_start3A_323] : memref<10112x144xf32, #tpu.memory_space<vmem_shared>> -> memref<64x144xf32, #tpu.memory_space<vmem_shared>>
      %dma_start3A_325 = arith.constant 0 : i32
      %dma_start3A_326 = tpu.memref_slice %arg15[%add3A_10, %dma_start3A_325] : memref<10112x144xf32, #tpu.memory_space<vmem_shared>> -> memref<64x144xf32, #tpu.memory_space<vmem_shared>>
      tpu.enqueue_dma source(%arg12 : memref<64x144xf32, #tpu.memory_space<vmem>>) target(%dma_start3A_326 : memref<64x144xf32, #tpu.memory_space<vmem_shared>>) target_semaphore(%run_scoped3A_322 : memref<!tpu.dma_semaphore, #tpu.memory_space<semaphore_mem>>)
      %dma_wait3A = arith.constant 0 : i32
      %dma_wait3A_327 = tpu.memref_slice %arg15[%add3A_10, %dma_wait3A] : memref<10112x144xf32, #tpu.memory_space<vmem_shared>> -> memref<64x144xf32, #tpu.memory_space<vmem_shared>>
      %dma_wait3A_328 = arith.constant 0 : i32
      %dma_wait3A_329 = tpu.memref_slice %arg15[%add3A_10, %dma_wait3A_328] : memref<10112x144xf32, #tpu.memory_space<vmem_shared>> -> memref<64x144xf32, #tpu.memory_space<vmem_shared>>
      tpu.wait_dma2 semaphore(%run_scoped3A_322 : memref<!tpu.dma_semaphore, #tpu.memory_space<semaphore_mem>>) src(%arg12 : memref<64x144xf32, #tpu.memory_space<vmem>>) dst(%dma_wait3A_329 : memref<64x144xf32, #tpu.memory_space<vmem_shared>>)
      tpu.yield
    }) : () -> ()
    %mul3A_11 = arith.constant 632 : i32
    %mul3A_12 = arith.muli %arg1, %mul3A_11 : i32
    %add3A_13 = arith.constant 128 : i32
    %add3A_14 = arith.addi %mul3A_12, %add3A_13 : i32
    "tpu.region"() ({
      %run_scoped3A_322 = tpu.sem_alloc : memref<!tpu.dma_semaphore, #tpu.memory_space<semaphore_mem>>
      %dma_start3A_323 = arith.constant 0 : i32
      %dma_start3A_324 = tpu.memref_slice %arg15[%add3A_14, %dma_start3A_323] : memref<10112x144xf32, #tpu.memory_space<vmem_shared>> -> memref<64x144xf32, #tpu.memory_space<vmem_shared>>
      %dma_start3A_325 = arith.constant 0 : i32
      %dma_start3A_326 = tpu.memref_slice %arg15[%add3A_14, %dma_start3A_325] : memref<10112x144xf32, #tpu.memory_space<vmem_shared>> -> memref<64x144xf32, #tpu.memory_space<vmem_shared>>
      tpu.enqueue_dma source(%arg12 : memref<64x144xf32, #tpu.memory_space<vmem>>) target(%dma_start3A_326 : memref<64x144xf32, #tpu.memory_space<vmem_shared>>) target_semaphore(%run_scoped3A_322 : memref<!tpu.dma_semaphore, #tpu.memory_space<semaphore_mem>>)
      %dma_wait3A = arith.constant 0 : i32
      %dma_wait3A_327 = tpu.memref_slice %arg15[%add3A_14, %dma_wait3A] : memref<10112x144xf32, #tpu.memory_space<vmem_shared>> -> memref<64x144xf32, #tpu.memory_space<vmem_shared>>
      %dma_wait3A_328 = arith.constant 0 : i32
      %dma_wait3A_329 = tpu.memref_slice %arg15[%add3A_14, %dma_wait3A_328] : memref<10112x144xf32, #tpu.memory_space<vmem_shared>> -> memref<64x144xf32, #tpu.memory_space<vmem_shared>>
      tpu.wait_dma2 semaphore(%run_scoped3A_322 : memref<!tpu.dma_semaphore, #tpu.memory_space<semaphore_mem>>) src(%arg12 : memref<64x144xf32, #tpu.memory_space<vmem>>) dst(%dma_wait3A_329 : memref<64x144xf32, #tpu.memory_space<vmem_shared>>)
      tpu.yield
    }) : () -> ()
    %mul3A_15 = arith.constant 632 : i32
    %mul3A_16 = arith.muli %arg1, %mul3A_15 : i32
    %add3A_17 = arith.constant 192 : i32
    %add3A_18 = arith.addi %mul3A_16, %add3A_17 : i32
    "tpu.region"() ({
      %run_scoped3A_322 = tpu.sem_alloc : memref<!tpu.dma_semaphore, #tpu.memory_space<semaphore_mem>>
      %dma_start3A_323 = arith.constant 0 : i32
      %dma_start3A_324 = tpu.memref_slice %arg15[%add3A_18, %dma_start3A_323] : memref<10112x144xf32, #tpu.memory_space<vmem_shared>> -> memref<64x144xf32, #tpu.memory_space<vmem_shared>>
      %dma_start3A_325 = arith.constant 0 : i32
      %dma_start3A_326 = tpu.memref_slice %arg15[%add3A_18, %dma_start3A_325] : memref<10112x144xf32, #tpu.memory_space<vmem_shared>> -> memref<64x144xf32, #tpu.memory_space<vmem_shared>>
      tpu.enqueue_dma source(%arg12 : memref<64x144xf32, #tpu.memory_space<vmem>>) target(%dma_start3A_326 : memref<64x144xf32, #tpu.memory_space<vmem_shared>>) target_semaphore(%run_scoped3A_322 : memref<!tpu.dma_semaphore, #tpu.memory_space<semaphore_mem>>)
      %dma_wait3A = arith.constant 0 : i32
      %dma_wait3A_327 = tpu.memref_slice %arg15[%add3A_18, %dma_wait3A] : memref<10112x144xf32, #tpu.memory_space<vmem_shared>> -> memref<64x144xf32, #tpu.memory_space<vmem_shared>>
      %dma_wait3A_328 = arith.constant 0 : i32
      %dma_wait3A_329 = tpu.memref_slice %arg15[%add3A_18, %dma_wait3A_328] : memref<10112x144xf32, #tpu.memory_space<vmem_shared>> -> memref<64x144xf32, #tpu.memory_space<vmem_shared>>
      tpu.wait_dma2 semaphore(%run_scoped3A_322 : memref<!tpu.dma_semaphore, #tpu.memory_space<semaphore_mem>>) src(%arg12 : memref<64x144xf32, #tpu.memory_space<vmem>>) dst(%dma_wait3A_329 : memref<64x144xf32, #tpu.memory_space<vmem_shared>>)
      tpu.yield
    }) : () -> ()
    %mul3A_19 = arith.constant 632 : i32
    %mul3A_20 = arith.muli %arg1, %mul3A_19 : i32
    %add3A_21 = arith.constant 256 : i32
    %add3A_22 = arith.addi %mul3A_20, %add3A_21 : i32
    "tpu.region"() ({
      %run_scoped3A_322 = tpu.sem_alloc : memref<!tpu.dma_semaphore, #tpu.memory_space<semaphore_mem>>
      %dma_start3A_323 = arith.constant 0 : i32
      %dma_start3A_324 = tpu.memref_slice %arg15[%add3A_22, %dma_start3A_323] : memref<10112x144xf32, #tpu.memory_space<vmem_shared>> -> memref<64x144xf32, #tpu.memory_space<vmem_shared>>
      %dma_start3A_325 = arith.constant 0 : i32
      %dma_start3A_326 = tpu.memref_slice %arg15[%add3A_22, %dma_start3A_325] : memref<10112x144xf32, #tpu.memory_space<vmem_shared>> -> memref<64x144xf32, #tpu.memory_space<vmem_shared>>
      tpu.enqueue_dma source(%arg12 : memref<64x144xf32, #tpu.memory_space<vmem>>) target(%dma_start3A_326 : memref<64x144xf32, #tpu.memory_space<vmem_shared>>) target_semaphore(%run_scoped3A_322 : memref<!tpu.dma_semaphore, #tpu.memory_space<semaphore_mem>>)
      %dma_wait3A = arith.constant 0 : i32
      %dma_wait3A_327 = tpu.memref_slice %arg15[%add3A_22, %dma_wait3A] : memref<10112x144xf32, #tpu.memory_space<vmem_shared>> -> memref<64x144xf32, #tpu.memory_space<vmem_shared>>
      %dma_wait3A_328 = arith.constant 0 : i32
      %dma_wait3A_329 = tpu.memref_slice %arg15[%add3A_22, %dma_wait3A_328] : memref<10112x144xf32, #tpu.memory_space<vmem_shared>> -> memref<64x144xf32, #tpu.memory_space<vmem_shared>>
      tpu.wait_dma2 semaphore(%run_scoped3A_322 : memref<!tpu.dma_semaphore, #tpu.memory_space<semaphore_mem>>) src(%arg12 : memref<64x144xf32, #tpu.memory_space<vmem>>) dst(%dma_wait3A_329 : memref<64x144xf32, #tpu.memory_space<vmem_shared>>)
      tpu.yield
    }) : () -> ()
    %mul3A_23 = arith.constant 632 : i32
    %mul3A_24 = arith.muli %arg1, %mul3A_23 : i32
    %add3A_25 = arith.constant 320 : i32
    %add3A_26 = arith.addi %mul3A_24, %add3A_25 : i32
    "tpu.region"() ({
      %run_scoped3A_322 = tpu.sem_alloc : memref<!tpu.dma_semaphore, #tpu.memory_space<semaphore_mem>>
      %dma_start3A_323 = arith.constant 0 : i32
      %dma_start3A_324 = tpu.memref_slice %arg15[%add3A_26, %dma_start3A_323] : memref<10112x144xf32, #tpu.memory_space<vmem_shared>> -> memref<64x144xf32, #tpu.memory_space<vmem_shared>>
      %dma_start3A_325 = arith.constant 0 : i32
      %dma_start3A_326 = tpu.memref_slice %arg15[%add3A_26, %dma_start3A_325] : memref<10112x144xf32, #tpu.memory_space<vmem_shared>> -> memref<64x144xf32, #tpu.memory_space<vmem_shared>>
      tpu.enqueue_dma source(%arg12 : memref<64x144xf32, #tpu.memory_space<vmem>>) target(%dma_start3A_326 : memref<64x144xf32, #tpu.memory_space<vmem_shared>>) target_semaphore(%run_scoped3A_322 : memref<!tpu.dma_semaphore, #tpu.memory_space<semaphore_mem>>)
      %dma_wait3A = arith.constant 0 : i32
      %dma_wait3A_327 = tpu.memref_slice %arg15[%add3A_26, %dma_wait3A] : memref<10112x144xf32, #tpu.memory_space<vmem_shared>> -> memref<64x144xf32, #tpu.memory_space<vmem_shared>>
      %dma_wait3A_328 = arith.constant 0 : i32
      %dma_wait3A_329 = tpu.memref_slice %arg15[%add3A_26, %dma_wait3A_328] : memref<10112x144xf32, #tpu.memory_space<vmem_shared>> -> memref<64x144xf32, #tpu.memory_space<vmem_shared>>
      tpu.wait_dma2 semaphore(%run_scoped3A_322 : memref<!tpu.dma_semaphore, #tpu.memory_space<semaphore_mem>>) src(%arg12 : memref<64x144xf32, #tpu.memory_space<vmem>>) dst(%dma_wait3A_329 : memref<64x144xf32, #tpu.memory_space<vmem_shared>>)
      tpu.yield
    }) : () -> ()
    %mul3A_27 = arith.constant 632 : i32
    %mul3A_28 = arith.muli %arg1, %mul3A_27 : i32
    %add3A_29 = arith.constant 384 : i32
    %add3A_30 = arith.addi %mul3A_28, %add3A_29 : i32
    "tpu.region"() ({
      %run_scoped3A_322 = tpu.sem_alloc : memref<!tpu.dma_semaphore, #tpu.memory_space<semaphore_mem>>
      %dma_start3A_323 = arith.constant 0 : i32
      %dma_start3A_324 = tpu.memref_slice %arg15[%add3A_30, %dma_start3A_323] : memref<10112x144xf32, #tpu.memory_space<vmem_shared>> -> memref<64x144xf32, #tpu.memory_space<vmem_shared>>
      %dma_start3A_325 = arith.constant 0 : i32
      %dma_start3A_326 = tpu.memref_slice %arg15[%add3A_30, %dma_start3A_325] : memref<10112x144xf32, #tpu.memory_space<vmem_shared>> -> memref<64x144xf32, #tpu.memory_space<vmem_shared>>
      tpu.enqueue_dma source(%arg12 : memref<64x144xf32, #tpu.memory_space<vmem>>) target(%dma_start3A_326 : memref<64x144xf32, #tpu.memory_space<vmem_shared>>) target_semaphore(%run_scoped3A_322 : memref<!tpu.dma_semaphore, #tpu.memory_space<semaphore_mem>>)
      %dma_wait3A = arith.constant 0 : i32
      %dma_wait3A_327 = tpu.memref_slice %arg15[%add3A_30, %dma_wait3A] : memref<10112x144xf32, #tpu.memory_space<vmem_shared>> -> memref<64x144xf32, #tpu.memory_space<vmem_shared>>
      %dma_wait3A_328 = arith.constant 0 : i32
      %dma_wait3A_329 = tpu.memref_slice %arg15[%add3A_30, %dma_wait3A_328] : memref<10112x144xf32, #tpu.memory_space<vmem_shared>> -> memref<64x144xf32, #tpu.memory_space<vmem_shared>>
      tpu.wait_dma2 semaphore(%run_scoped3A_322 : memref<!tpu.dma_semaphore, #tpu.memory_space<semaphore_mem>>) src(%arg12 : memref<64x144xf32, #tpu.memory_space<vmem>>) dst(%dma_wait3A_329 : memref<64x144xf32, #tpu.memory_space<vmem_shared>>)
      tpu.yield
    }) : () -> ()
    %mul3A_31 = arith.constant 632 : i32
    %mul3A_32 = arith.muli %arg1, %mul3A_31 : i32
    %add3A_33 = arith.constant 448 : i32
    %add3A_34 = arith.addi %mul3A_32, %add3A_33 : i32
    "tpu.region"() ({
      %run_scoped3A_322 = tpu.sem_alloc : memref<!tpu.dma_semaphore, #tpu.memory_space<semaphore_mem>>
      %dma_start3A_323 = arith.constant 0 : i32
      %dma_start3A_324 = tpu.memref_slice %arg15[%add3A_34, %dma_start3A_323] : memref<10112x144xf32, #tpu.memory_space<vmem_shared>> -> memref<64x144xf32, #tpu.memory_space<vmem_shared>>
      %dma_start3A_325 = arith.constant 0 : i32
      %dma_start3A_326 = tpu.memref_slice %arg15[%add3A_34, %dma_start3A_325] : memref<10112x144xf32, #tpu.memory_space<vmem_shared>> -> memref<64x144xf32, #tpu.memory_space<vmem_shared>>
      tpu.enqueue_dma source(%arg12 : memref<64x144xf32, #tpu.memory_space<vmem>>) target(%dma_start3A_326 : memref<64x144xf32, #tpu.memory_space<vmem_shared>>) target_semaphore(%run_scoped3A_322 : memref<!tpu.dma_semaphore, #tpu.memory_space<semaphore_mem>>)
      %dma_wait3A = arith.constant 0 : i32
      %dma_wait3A_327 = tpu.memref_slice %arg15[%add3A_34, %dma_wait3A] : memref<10112x144xf32, #tpu.memory_space<vmem_shared>> -> memref<64x144xf32, #tpu.memory_space<vmem_shared>>
      %dma_wait3A_328 = arith.constant 0 : i32
      %dma_wait3A_329 = tpu.memref_slice %arg15[%add3A_34, %dma_wait3A_328] : memref<10112x144xf32, #tpu.memory_space<vmem_shared>> -> memref<64x144xf32, #tpu.memory_space<vmem_shared>>
      tpu.wait_dma2 semaphore(%run_scoped3A_322 : memref<!tpu.dma_semaphore, #tpu.memory_space<semaphore_mem>>) src(%arg12 : memref<64x144xf32, #tpu.memory_space<vmem>>) dst(%dma_wait3A_329 : memref<64x144xf32, #tpu.memory_space<vmem_shared>>)
      tpu.yield
    }) : () -> ()
    %mul3A_35 = arith.constant 632 : i32
    %mul3A_36 = arith.muli %arg1, %mul3A_35 : i32
    %add3A_37 = arith.constant 512 : i32
    %add3A_38 = arith.addi %mul3A_36, %add3A_37 : i32
    "tpu.region"() ({
      %run_scoped3A_322 = tpu.sem_alloc : memref<!tpu.dma_semaphore, #tpu.memory_space<semaphore_mem>>
      %dma_start3A_323 = arith.constant 0 : i32
      %dma_start3A_324 = tpu.memref_slice %arg15[%add3A_38, %dma_start3A_323] : memref<10112x144xf32, #tpu.memory_space<vmem_shared>> -> memref<64x144xf32, #tpu.memory_space<vmem_shared>>
      %dma_start3A_325 = arith.constant 0 : i32
      %dma_start3A_326 = tpu.memref_slice %arg15[%add3A_38, %dma_start3A_325] : memref<10112x144xf32, #tpu.memory_space<vmem_shared>> -> memref<64x144xf32, #tpu.memory_space<vmem_shared>>
      tpu.enqueue_dma source(%arg12 : memref<64x144xf32, #tpu.memory_space<vmem>>) target(%dma_start3A_326 : memref<64x144xf32, #tpu.memory_space<vmem_shared>>) target_semaphore(%run_scoped3A_322 : memref<!tpu.dma_semaphore, #tpu.memory_space<semaphore_mem>>)
      %dma_wait3A = arith.constant 0 : i32
      %dma_wait3A_327 = tpu.memref_slice %arg15[%add3A_38, %dma_wait3A] : memref<10112x144xf32, #tpu.memory_space<vmem_shared>> -> memref<64x144xf32, #tpu.memory_space<vmem_shared>>
      %dma_wait3A_328 = arith.constant 0 : i32
      %dma_wait3A_329 = tpu.memref_slice %arg15[%add3A_38, %dma_wait3A_328] : memref<10112x144xf32, #tpu.memory_space<vmem_shared>> -> memref<64x144xf32, #tpu.memory_space<vmem_shared>>
      tpu.wait_dma2 semaphore(%run_scoped3A_322 : memref<!tpu.dma_semaphore, #tpu.memory_space<semaphore_mem>>) src(%arg12 : memref<64x144xf32, #tpu.memory_space<vmem>>) dst(%dma_wait3A_329 : memref<64x144xf32, #tpu.memory_space<vmem_shared>>)
      tpu.yield
    }) : () -> ()
    %mul3A_39 = arith.constant 632 : i32
    %mul3A_40 = arith.muli %arg1, %mul3A_39 : i32
    %add3A_41 = arith.constant 576 : i32
    %add3A_42 = arith.addi %mul3A_40, %add3A_41 : i32
    "tpu.region"() ({
      %run_scoped3A_322 = tpu.sem_alloc : memref<!tpu.dma_semaphore, #tpu.memory_space<semaphore_mem>>
      %dma_start3A_323 = arith.constant 0 : i32
      %dma_start3A_324 = arith.constant 0 : i32
      %dma_start3A_325 = tpu.memref_slice %arg12[%dma_start3A_323, %dma_start3A_324] : memref<64x144xf32, #tpu.memory_space<vmem>> -> memref<56x144xf32, #tpu.memory_space<vmem>>
      %dma_start3A_326 = arith.constant 0 : i32
      %dma_start3A_327 = tpu.memref_slice %arg15[%add3A_42, %dma_start3A_326] : memref<10112x144xf32, #tpu.memory_space<vmem_shared>> -> memref<56x144xf32, #tpu.memory_space<vmem_shared>>
      %dma_start3A_328 = arith.constant 0 : i32
      %dma_start3A_329 = tpu.memref_slice %arg15[%add3A_42, %dma_start3A_328] : memref<10112x144xf32, #tpu.memory_space<vmem_shared>> -> memref<56x144xf32, #tpu.memory_space<vmem_shared>>
      %dma_start3A_330 = arith.constant 0 : i32
      %dma_start3A_331 = arith.constant 0 : i32
      %dma_start3A_332 = tpu.memref_slice %arg12[%dma_start3A_330, %dma_start3A_331] : memref<64x144xf32, #tpu.memory_space<vmem>> -> memref<56x144xf32, #tpu.memory_space<vmem>>
      tpu.enqueue_dma source(%dma_start3A_332 : memref<56x144xf32, #tpu.memory_space<vmem>>) target(%dma_start3A_329 : memref<56x144xf32, #tpu.memory_space<vmem_shared>>) target_semaphore(%run_scoped3A_322 : memref<!tpu.dma_semaphore, #tpu.memory_space<semaphore_mem>>)
      %dma_wait3A = arith.constant 0 : i32
      %dma_wait3A_333 = arith.constant 0 : i32
      %dma_wait3A_334 = tpu.memref_slice %arg12[%dma_wait3A, %dma_wait3A_333] : memref<64x144xf32, #tpu.memory_space<vmem>> -> memref<56x144xf32, #tpu.memory_space<vmem>>
      %dma_wait3A_335 = arith.constant 0 : i32
      %dma_wait3A_336 = tpu.memref_slice %arg15[%add3A_42, %dma_wait3A_335] : memref<10112x144xf32, #tpu.memory_space<vmem_shared>> -> memref<56x144xf32, #tpu.memory_space<vmem_shared>>
      %dma_wait3A_337 = arith.constant 0 : i32
      %dma_wait3A_338 = tpu.memref_slice %arg15[%add3A_42, %dma_wait3A_337] : memref<10112x144xf32, #tpu.memory_space<vmem_shared>> -> memref<56x144xf32, #tpu.memory_space<vmem_shared>>
      %dma_wait3A_339 = arith.constant 0 : i32
      %dma_wait3A_340 = arith.constant 0 : i32
      %dma_wait3A_341 = tpu.memref_slice %arg12[%dma_wait3A_339, %dma_wait3A_340] : memref<64x144xf32, #tpu.memory_space<vmem>> -> memref<56x144xf32, #tpu.memory_space<vmem>>
      tpu.wait_dma2 semaphore(%run_scoped3A_322 : memref<!tpu.dma_semaphore, #tpu.memory_space<semaphore_mem>>) src(%dma_wait3A_341 : memref<56x144xf32, #tpu.memory_space<vmem>>) dst(%dma_wait3A_338 : memref<56x144xf32, #tpu.memory_space<vmem_shared>>)
      tpu.yield
    }) : () -> ()
    %barrier3A = arith.constant 0 : index
    tpu.barrier barrier_id(%barrier3A)
    "tpu.region"() ({
      %run_scoped3A_322 = tpu.sem_alloc : memref<!tpu.dma_semaphore, #tpu.memory_space<semaphore_mem>>
      %dma_start3A_323 = arith.constant 0 : i32
      %dma_start3A_324 = tpu.memref_slice %arg4[%arg0, %dma_start3A_323] : memref<2x16xf32, #tpu.memory_space<hbm>> -> memref<1x16xf32, #tpu.memory_space<hbm>>
      %dma_start3A_325 = tpu.memref_squeeze %dma_start3A_324 : memref<1x16xf32, #tpu.memory_space<hbm>> -> memref<16xf32, #tpu.memory_space<hbm>>
      %dma_start3A_326 = arith.constant 0 : i32
      %dma_start3A_327 = tpu.memref_slice %arg4[%arg0, %dma_start3A_326] : memref<2x16xf32, #tpu.memory_space<hbm>> -> memref<1x16xf32, #tpu.memory_space<hbm>>
      %dma_start3A_328 = tpu.memref_squeeze %dma_start3A_327 : memref<1x16xf32, #tpu.memory_space<hbm>> -> memref<16xf32, #tpu.memory_space<hbm>>
      tpu.enqueue_dma source(%dma_start3A_328 : memref<16xf32, #tpu.memory_space<hbm>>) target(%arg14 : memref<16xf32, #tpu.memory_space<vmem>>) target_semaphore(%run_scoped3A_322 : memref<!tpu.dma_semaphore, #tpu.memory_space<semaphore_mem>>)
      %dma_wait3A = arith.constant 0 : i32
      %dma_wait3A_329 = tpu.memref_slice %arg4[%arg0, %dma_wait3A] : memref<2x16xf32, #tpu.memory_space<hbm>> -> memref<1x16xf32, #tpu.memory_space<hbm>>
      %dma_wait3A_330 = tpu.memref_squeeze %dma_wait3A_329 : memref<1x16xf32, #tpu.memory_space<hbm>> -> memref<16xf32, #tpu.memory_space<hbm>>
      %dma_wait3A_331 = arith.constant 0 : i32
      %dma_wait3A_332 = tpu.memref_slice %arg4[%arg0, %dma_wait3A_331] : memref<2x16xf32, #tpu.memory_space<hbm>> -> memref<1x16xf32, #tpu.memory_space<hbm>>
      %dma_wait3A_333 = tpu.memref_squeeze %dma_wait3A_332 : memref<1x16xf32, #tpu.memory_space<hbm>> -> memref<16xf32, #tpu.memory_space<hbm>>
      tpu.wait_dma2 semaphore(%run_scoped3A_322 : memref<!tpu.dma_semaphore, #tpu.memory_space<semaphore_mem>>) src(%dma_wait3A_333 : memref<16xf32, #tpu.memory_space<hbm>>) dst(%arg14 : memref<16xf32, #tpu.memory_space<vmem>>)
      tpu.yield
    }) : () -> ()
    %mul3A_43 = arith.constant 20992 : i32
    %mul3A_44 = arith.muli %arg1, %mul3A_43 : i32
    %add3A_45 = arith.constant 0 : i32
    %add3A_46 = arith.addi %mul3A_44, %add3A_45 : i32
    %run_scoped3A = arith.constant 0 : i32
    "tpu.region"() ({
      %run_scoped3A_322 = tpu.sem_alloc : memref<!tpu.dma_semaphore, #tpu.memory_space<semaphore_mem>>
      %dma_start3A_323 = arith.constant 0 : i32
      %dma_start3A_324 = tpu.memref_slice %arg8[%run_scoped3A, %dma_start3A_323] : memref<2x64xi32, #tpu.memory_space<vmem>> -> memref<1x64xi32, #tpu.memory_space<vmem>>
      %dma_start3A_325 = tpu.memref_squeeze %dma_start3A_324 : memref<1x64xi32, #tpu.memory_space<vmem>> -> memref<64xi32, #tpu.memory_space<vmem>>
      %dma_start3A_326 = tpu.memref_slice %arg5[%add3A_46] : memref<335872xi32, #tpu.memory_space<hbm>> -> memref<64xi32, #tpu.memory_space<hbm>>
      %dma_start3A_327 = arith.constant 0 : i32
      %dma_start3A_328 = tpu.memref_slice %arg8[%run_scoped3A, %dma_start3A_327] : memref<2x64xi32, #tpu.memory_space<vmem>> -> memref<1x64xi32, #tpu.memory_space<vmem>>
      %dma_start3A_329 = tpu.memref_squeeze %dma_start3A_328 : memref<1x64xi32, #tpu.memory_space<vmem>> -> memref<64xi32, #tpu.memory_space<vmem>>
      %dma_start3A_330 = tpu.memref_slice %arg5[%add3A_46] : memref<335872xi32, #tpu.memory_space<hbm>> -> memref<64xi32, #tpu.memory_space<hbm>>
      tpu.enqueue_dma source(%dma_start3A_330 : memref<64xi32, #tpu.memory_space<hbm>>) target(%dma_start3A_329 : memref<64xi32, #tpu.memory_space<vmem>>) target_semaphore(%run_scoped3A_322 : memref<!tpu.dma_semaphore, #tpu.memory_space<semaphore_mem>>)
      %dma_wait3A = arith.constant 0 : i32
      %dma_wait3A_331 = tpu.memref_slice %arg8[%run_scoped3A, %dma_wait3A] : memref<2x64xi32, #tpu.memory_space<vmem>> -> memref<1x64xi32, #tpu.memory_space<vmem>>
      %dma_wait3A_332 = tpu.memref_squeeze %dma_wait3A_331 : memref<1x64xi32, #tpu.memory_space<vmem>> -> memref<64xi32, #tpu.memory_space<vmem>>
      %dma_wait3A_333 = tpu.memref_slice %arg5[%add3A_46] : memref<335872xi32, #tpu.memory_space<hbm>> -> memref<64xi32, #tpu.memory_space<hbm>>
      %dma_wait3A_334 = arith.constant 0 : i32
      %dma_wait3A_335 = tpu.memref_slice %arg8[%run_scoped3A, %dma_wait3A_334] : memref<2x64xi32, #tpu.memory_space<vmem>> -> memref<1x64xi32, #tpu.memory_space<vmem>>
      %dma_wait3A_336 = tpu.memref_squeeze %dma_wait3A_335 : memref<1x64xi32, #tpu.memory_space<vmem>> -> memref<64xi32, #tpu.memory_space<vmem>>
      %dma_wait3A_337 = tpu.memref_slice %arg5[%add3A_46] : memref<335872xi32, #tpu.memory_space<hbm>> -> memref<64xi32, #tpu.memory_space<hbm>>
      tpu.wait_dma2 semaphore(%run_scoped3A_322 : memref<!tpu.dma_semaphore, #tpu.memory_space<semaphore_mem>>) src(%dma_wait3A_337 : memref<64xi32, #tpu.memory_space<hbm>>) dst(%dma_wait3A_336 : memref<64xi32, #tpu.memory_space<vmem>>)
      tpu.yield
    }) : () -> ()
    %run_scoped3A_47 = arith.constant 0 : i32
    "tpu.region"() ({
      %run_scoped3A_322 = tpu.sem_alloc : memref<!tpu.dma_semaphore, #tpu.memory_space<semaphore_mem>>
      %dma_start3A_323 = arith.constant 0 : i32
      %dma_start3A_324 = tpu.memref_slice %arg9[%run_scoped3A_47, %dma_start3A_323] : memref<2x64xi32, #tpu.memory_space<vmem>> -> memref<1x64xi32, #tpu.memory_space<vmem>>
      %dma_start3A_325 = tpu.memref_squeeze %dma_start3A_324 : memref<1x64xi32, #tpu.memory_space<vmem>> -> memref<64xi32, #tpu.memory_space<vmem>>
      %dma_start3A_326 = tpu.memref_slice %arg6[%add3A_46] : memref<335872xi32, #tpu.memory_space<hbm>> -> memref<64xi32, #tpu.memory_space<hbm>>
      %dma_start3A_327 = arith.constant 0 : i32
      %dma_start3A_328 = tpu.memref_slice %arg9[%run_scoped3A_47, %dma_start3A_327] : memref<2x64xi32, #tpu.memory_space<vmem>> -> memref<1x64xi32, #tpu.memory_space<vmem>>
      %dma_start3A_329 = tpu.memref_squeeze %dma_start3A_328 : memref<1x64xi32, #tpu.memory_space<vmem>> -> memref<64xi32, #tpu.memory_space<vmem>>
      %dma_start3A_330 = tpu.memref_slice %arg6[%add3A_46] : memref<335872xi32, #tpu.memory_space<hbm>> -> memref<64xi32, #tpu.memory_space<hbm>>
      tpu.enqueue_dma source(%dma_start3A_330 : memref<64xi32, #tpu.memory_space<hbm>>) target(%dma_start3A_329 : memref<64xi32, #tpu.memory_space<vmem>>) target_semaphore(%run_scoped3A_322 : memref<!tpu.dma_semaphore, #tpu.memory_space<semaphore_mem>>)
      %dma_wait3A = arith.constant 0 : i32
      %dma_wait3A_331 = tpu.memref_slice %arg9[%run_scoped3A_47, %dma_wait3A] : memref<2x64xi32, #tpu.memory_space<vmem>> -> memref<1x64xi32, #tpu.memory_space<vmem>>
      %dma_wait3A_332 = tpu.memref_squeeze %dma_wait3A_331 : memref<1x64xi32, #tpu.memory_space<vmem>> -> memref<64xi32, #tpu.memory_space<vmem>>
      %dma_wait3A_333 = tpu.memref_slice %arg6[%add3A_46] : memref<335872xi32, #tpu.memory_space<hbm>> -> memref<64xi32, #tpu.memory_space<hbm>>
      %dma_wait3A_334 = arith.constant 0 : i32
      %dma_wait3A_335 = tpu.memref_slice %arg9[%run_scoped3A_47, %dma_wait3A_334] : memref<2x64xi32, #tpu.memory_space<vmem>> -> memref<1x64xi32, #tpu.memory_space<vmem>>
      %dma_wait3A_336 = tpu.memref_squeeze %dma_wait3A_335 : memref<1x64xi32, #tpu.memory_space<vmem>> -> memref<64xi32, #tpu.memory_space<vmem>>
      %dma_wait3A_337 = tpu.memref_slice %arg6[%add3A_46] : memref<335872xi32, #tpu.memory_space<hbm>> -> memref<64xi32, #tpu.memory_space<hbm>>
      tpu.wait_dma2 semaphore(%run_scoped3A_322 : memref<!tpu.dma_semaphore, #tpu.memory_space<semaphore_mem>>) src(%dma_wait3A_337 : memref<64xi32, #tpu.memory_space<hbm>>) dst(%dma_wait3A_336 : memref<64xi32, #tpu.memory_space<vmem>>)
      tpu.yield
    }) : () -> ()
    %mul3A_48 = arith.constant 10008 : i32
    %mul3A_49 = arith.muli %arg0, %mul3A_48 : i32
    %get3A = arith.constant 0 : i32
    %get3A_50 = arith.index_cast %get3A : i32 to index
    %get3A_51 = arith.constant 0 : index
    %get3A_52 = tpu.vector_load %arg8[%get3A_50, %get3A_51] {strides = array<i32>} : memref<2x64xi32, #tpu.memory_space<vmem>>, vector<1x16xi32>,
    %get3A_53 = vector.shape_cast %get3A_52 : vector<1x16xi32> to vector<16xi32>
    %add3A_54 = vector.broadcast %mul3A_49 : i32 to vector<16xi32>
    %add3A_55 = arith.addi %get3A_53, %add3A_54 : vector<16xi32>
    %swap3A = arith.constant 0 : i32
    %swap3A_56 = arith.index_cast %swap3A : i32 to index
    %swap3A_57 = arith.constant 0 : index
    %swap3A_58 = tpu.vector_load %arg8[%swap3A_56, %swap3A_57] {strides = array<i32>} : memref<2x64xi32, #tpu.memory_space<vmem>>, vector<1x16xi32>,
    %swap3A_59 = vector.shape_cast %swap3A_58 : vector<1x16xi32> to vector<16xi32>
    %swap3A_60 = vector.shape_cast %add3A_55 : vector<16xi32> to vector<1x16xi32>
    tpu.vector_store %arg8[%swap3A_56, %swap3A_57], %swap3A_60 {strides = array<i32>} : memref<2x64xi32, #tpu.memory_space<vmem>>, vector<1x16xi32>,
    %get3A_61 = arith.constant 0 : i32
    %get3A_62 = arith.index_cast %get3A_61 : i32 to index
    %get3A_63 = arith.constant 0 : index
    %get3A_64 = tpu.vector_load %arg9[%get3A_62, %get3A_63] {strides = array<i32>} : memref<2x64xi32, #tpu.memory_space<vmem>>, vector<1x16xi32>,
    %get3A_65 = vector.shape_cast %get3A_64 : vector<1x16xi32> to vector<16xi32>
    %add3A_66 = vector.broadcast %mul3A_49 : i32 to vector<16xi32>
    %add3A_67 = arith.addi %get3A_65, %add3A_66 : vector<16xi32>
    %swap3A_68 = arith.constant 0 : i32
    %swap3A_69 = arith.index_cast %swap3A_68 : i32 to index
    %swap3A_70 = arith.constant 0 : index
    %swap3A_71 = tpu.vector_load %arg10[%swap3A_69, %swap3A_70] {strides = array<i32>} : memref<2x64xi32, #tpu.memory_space<vmem>>, vector<1x16xi32>,
    %swap3A_72 = vector.shape_cast %swap3A_71 : vector<1x16xi32> to vector<16xi32>
    %swap3A_73 = vector.shape_cast %add3A_67 : vector<16xi32> to vector<1x16xi32>
    tpu.vector_store %arg10[%swap3A_69, %swap3A_70], %swap3A_73 {strides = array<i32>} : memref<2x64xi32, #tpu.memory_space<vmem>>, vector<1x16xi32>,
    %get3A_74 = arith.constant 0 : i32
    %get3A_75 = arith.index_cast %get3A_74 : i32 to index
    %get3A_76 = arith.constant 16 : index
    %get3A_77 = tpu.vector_load %arg8[%get3A_75, %get3A_76] {strides = array<i32>} : memref<2x64xi32, #tpu.memory_space<vmem>>, vector<1x16xi32>,
    %get3A_78 = vector.shape_cast %get3A_77 : vector<1x16xi32> to vector<16xi32>
    %add3A_79 = vector.broadcast %mul3A_49 : i32 to vector<16xi32>
    %add3A_80 = arith.addi %get3A_78, %add3A_79 : vector<16xi32>
    %swap3A_81 = arith.constant 0 : i32
    %swap3A_82 = arith.index_cast %swap3A_81 : i32 to index
    %swap3A_83 = arith.constant 16 : index
    %swap3A_84 = tpu.vector_load %arg8[%swap3A_82, %swap3A_83] {strides = array<i32>} : memref<2x64xi32, #tpu.memory_space<vmem>>, vector<1x16xi32>,
    %swap3A_85 = vector.shape_cast %swap3A_84 : vector<1x16xi32> to vector<16xi32>
    %swap3A_86 = vector.shape_cast %add3A_80 : vector<16xi32> to vector<1x16xi32>
    tpu.vector_store %arg8[%swap3A_82, %swap3A_83], %swap3A_86 {strides = array<i32>} : memref<2x64xi32, #tpu.memory_space<vmem>>, vector<1x16xi32>,
    %get3A_87 = arith.constant 0 : i32
    %get3A_88 = arith.index_cast %get3A_87 : i32 to index
    %get3A_89 = arith.constant 16 : index
    %get3A_90 = tpu.vector_load %arg9[%get3A_88, %get3A_89] {strides = array<i32>} : memref<2x64xi32, #tpu.memory_space<vmem>>, vector<1x16xi32>,
    %get3A_91 = vector.shape_cast %get3A_90 : vector<1x16xi32> to vector<16xi32>
    %add3A_92 = vector.broadcast %mul3A_49 : i32 to vector<16xi32>
    %add3A_93 = arith.addi %get3A_91, %add3A_92 : vector<16xi32>
    %swap3A_94 = arith.constant 0 : i32
    %swap3A_95 = arith.index_cast %swap3A_94 : i32 to index
    %swap3A_96 = arith.constant 16 : index
    %swap3A_97 = tpu.vector_load %arg10[%swap3A_95, %swap3A_96] {strides = array<i32>} : memref<2x64xi32, #tpu.memory_space<vmem>>, vector<1x16xi32>,
    %swap3A_98 = vector.shape_cast %swap3A_97 : vector<1x16xi32> to vector<16xi32>
    %swap3A_99 = vector.shape_cast %add3A_93 : vector<16xi32> to vector<1x16xi32>
    tpu.vector_store %arg10[%swap3A_95, %swap3A_96], %swap3A_99 {strides = array<i32>} : memref<2x64xi32, #tpu.memory_space<vmem>>, vector<1x16xi32>,
    %get3A_100 = arith.constant 0 : i32
    %get3A_101 = arith.index_cast %get3A_100 : i32 to index
    %get3A_102 = arith.constant 32 : index
    %get3A_103 = tpu.vector_load %arg8[%get3A_101, %get3A_102] {strides = array<i32>} : memref<2x64xi32, #tpu.memory_space<vmem>>, vector<1x16xi32>,
    %get3A_104 = vector.shape_cast %get3A_103 : vector<1x16xi32> to vector<16xi32>
    %add3A_105 = vector.broadcast %mul3A_49 : i32 to vector<16xi32>
    %add3A_106 = arith.addi %get3A_104, %add3A_105 : vector<16xi32>
    %swap3A_107 = arith.constant 0 : i32
    %swap3A_108 = arith.index_cast %swap3A_107 : i32 to index
    %swap3A_109 = arith.constant 32 : index
    %swap3A_110 = tpu.vector_load %arg8[%swap3A_108, %swap3A_109] {strides = array<i32>} : memref<2x64xi32, #tpu.memory_space<vmem>>, vector<1x16xi32>,
    %swap3A_111 = vector.shape_cast %swap3A_110 : vector<1x16xi32> to vector<16xi32>
    %swap3A_112 = vector.shape_cast %add3A_106 : vector<16xi32> to vector<1x16xi32>
    tpu.vector_store %arg8[%swap3A_108, %swap3A_109], %swap3A_112 {strides = array<i32>} : memref<2x64xi32, #tpu.memory_space<vmem>>, vector<1x16xi32>,
    %get3A_113 = arith.constant 0 : i32
    %get3A_114 = arith.index_cast %get3A_113 : i32 to index
    %get3A_115 = arith.constant 32 : index
    %get3A_116 = tpu.vector_load %arg9[%get3A_114, %get3A_115] {strides = array<i32>} : memref<2x64xi32, #tpu.memory_space<vmem>>, vector<1x16xi32>,
    %get3A_117 = vector.shape_cast %get3A_116 : vector<1x16xi32> to vector<16xi32>
    %add3A_118 = vector.broadcast %mul3A_49 : i32 to vector<16xi32>
    %add3A_119 = arith.addi %get3A_117, %add3A_118 : vector<16xi32>
    %swap3A_120 = arith.constant 0 : i32
    %swap3A_121 = arith.index_cast %swap3A_120 : i32 to index
    %swap3A_122 = arith.constant 32 : index
    %swap3A_123 = tpu.vector_load %arg10[%swap3A_121, %swap3A_122] {strides = array<i32>} : memref<2x64xi32, #tpu.memory_space<vmem>>, vector<1x16xi32>,
    %swap3A_124 = vector.shape_cast %swap3A_123 : vector<1x16xi32> to vector<16xi32>
    %swap3A_125 = vector.shape_cast %add3A_119 : vector<16xi32> to vector<1x16xi32>
    tpu.vector_store %arg10[%swap3A_121, %swap3A_122], %swap3A_125 {strides = array<i32>} : memref<2x64xi32, #tpu.memory_space<vmem>>, vector<1x16xi32>,
    %get3A_126 = arith.constant 0 : i32
    %get3A_127 = arith.index_cast %get3A_126 : i32 to index
    %get3A_128 = arith.constant 48 : index
    %get3A_129 = tpu.vector_load %arg8[%get3A_127, %get3A_128] {strides = array<i32>} : memref<2x64xi32, #tpu.memory_space<vmem>>, vector<1x16xi32>,
    %get3A_130 = vector.shape_cast %get3A_129 : vector<1x16xi32> to vector<16xi32>
    %add3A_131 = vector.broadcast %mul3A_49 : i32 to vector<16xi32>
    %add3A_132 = arith.addi %get3A_130, %add3A_131 : vector<16xi32>
    %swap3A_133 = arith.constant 0 : i32
    %swap3A_134 = arith.index_cast %swap3A_133 : i32 to index
    %swap3A_135 = arith.constant 48 : index
    %swap3A_136 = tpu.vector_load %arg8[%swap3A_134, %swap3A_135] {strides = array<i32>} : memref<2x64xi32, #tpu.memory_space<vmem>>, vector<1x16xi32>,
    %swap3A_137 = vector.shape_cast %swap3A_136 : vector<1x16xi32> to vector<16xi32>
    %swap3A_138 = vector.shape_cast %add3A_132 : vector<16xi32> to vector<1x16xi32>
    tpu.vector_store %arg8[%swap3A_134, %swap3A_135], %swap3A_138 {strides = array<i32>} : memref<2x64xi32, #tpu.memory_space<vmem>>, vector<1x16xi32>,
    %get3A_139 = arith.constant 0 : i32
    %get3A_140 = arith.index_cast %get3A_139 : i32 to index
    %get3A_141 = arith.constant 48 : index
    %get3A_142 = tpu.vector_load %arg9[%get3A_140, %get3A_141] {strides = array<i32>} : memref<2x64xi32, #tpu.memory_space<vmem>>, vector<1x16xi32>,
    %get3A_143 = vector.shape_cast %get3A_142 : vector<1x16xi32> to vector<16xi32>
    %add3A_144 = vector.broadcast %mul3A_49 : i32 to vector<16xi32>
    %add3A_145 = arith.addi %get3A_143, %add3A_144 : vector<16xi32>
    %swap3A_146 = arith.constant 0 : i32
    %swap3A_147 = arith.index_cast %swap3A_146 : i32 to index
    %swap3A_148 = arith.constant 48 : index
    %swap3A_149 = tpu.vector_load %arg10[%swap3A_147, %swap3A_148] {strides = array<i32>} : memref<2x64xi32, #tpu.memory_space<vmem>>, vector<1x16xi32>,
    %swap3A_150 = vector.shape_cast %swap3A_149 : vector<1x16xi32> to vector<16xi32>
    %swap3A_151 = vector.shape_cast %add3A_145 : vector<16xi32> to vector<1x16xi32>
    tpu.vector_store %arg10[%swap3A_147, %swap3A_148], %swap3A_151 {strides = array<i32>} : memref<2x64xi32, #tpu.memory_space<vmem>>, vector<1x16xi32>,
    %dma_start3A = arith.constant 0 : i32
    %dma_start3A_152 = arith.constant 0 : i32
    %dma_start3A_153 = arith.constant 0 : i32
    %dma_start3A_154 = arith.constant 0 : i32
    %dma_start3A_155 = tpu.memref_slice %arg11[%dma_start3A_152, %dma_start3A_153, %dma_start3A_154] : memref<2x64x144xf32, #tpu.memory_space<vmem>> -> memref<1x64x144xf32, #tpu.memory_space<vmem>>
    %dma_start3A_156 = tpu.memref_squeeze %dma_start3A_155 : memref<1x64x144xf32, #tpu.memory_space<vmem>> -> memref<64x144xf32, #tpu.memory_space<vmem>>
    %dma_start3A_157 = arith.constant 0 : i32
    %dma_start3A_158 = tpu.memref_slice %arg8[%dma_start3A, %dma_start3A_157] : memref<2x64xi32, #tpu.memory_space<vmem>> -> memref<1x64xi32, #tpu.memory_space<vmem>>
    %dma_start3A_159 = tpu.memref_squeeze %dma_start3A_158 : memref<1x64xi32, #tpu.memory_space<vmem>> -> memref<64xi32, #tpu.memory_space<vmem>>
    %dma_start3A_160 = arith.constant 0 : i32
    %dma_start3A_161 = arith.constant 0 : i32
    %dma_start3A_162 = tpu.memref_slice %arg2[%dma_start3A_160, %dma_start3A_161] : memref<20016x144xf32, #tpu.memory_space<hbm>> -> memref<20016x144xf32, #tpu.memory_space<hbm>>
    tpu.enqueue_indirect_dma source(%dma_start3A_162 : memref<20016x144xf32, #tpu.memory_space<hbm>>) target(%dma_start3A_156 : memref<64x144xf32, #tpu.memory_space<vmem>>) offsets(%dma_start3A_159 : memref<64xi32, #tpu.memory_space<vmem>>) semaphore(%arg16 : memref<!tpu.dma_semaphore, #tpu.memory_space<semaphore_mem>>)
    %dma_start3A_163 = arith.constant 0 : i32
    %dma_start3A_164 = arith.constant 0 : i32
    %dma_start3A_165 = arith.constant 0 : i32
    %dma_start3A_166 = arith.constant 0 : i32
    %dma_start3A_167 = tpu.memref_slice %arg13[%dma_start3A_164, %dma_start3A_165, %dma_start3A_166] : memref<2x64x16xf32, #tpu.memory_space<vmem>> -> memref<1x64x16xf32, #tpu.memory_space<vmem>>
    %dma_start3A_168 = tpu.memref_squeeze %dma_start3A_167 : memref<1x64x16xf32, #tpu.memory_space<vmem>> -> memref<64x16xf32, #tpu.memory_space<vmem>>
    %dma_start3A_169 = arith.constant 0 : i32
    %dma_start3A_170 = tpu.memref_slice %arg10[%dma_start3A_163, %dma_start3A_169] : memref<2x64xi32, #tpu.memory_space<vmem>> -> memref<1x64xi32, #tpu.memory_space<vmem>>
    %dma_start3A_171 = tpu.memref_squeeze %dma_start3A_170 : memref<1x64xi32, #tpu.memory_space<vmem>> -> memref<64xi32, #tpu.memory_space<vmem>>
    %dma_start3A_172 = arith.constant 0 : i32
    %dma_start3A_173 = arith.constant 0 : i32
    %dma_start3A_174 = tpu.memref_slice %arg3[%dma_start3A_172, %dma_start3A_173] : memref<20016x16xf32, #tpu.memory_space<hbm>> -> memref<20016x16xf32, #tpu.memory_space<hbm>>
    tpu.enqueue_indirect_dma source(%dma_start3A_174 : memref<20016x16xf32, #tpu.memory_space<hbm>>) target(%dma_start3A_168 : memref<64x16xf32, #tpu.memory_space<vmem>>) offsets(%dma_start3A_171 : memref<64xi32, #tpu.memory_space<vmem>>) semaphore(%arg16 : memref<!tpu.dma_semaphore, #tpu.memory_space<semaphore_mem>>)
    %add3A_175 = arith.constant 64 : i32
    %add3A_176 = arith.addi %mul3A_44, %add3A_175 : i32
    %run_scoped3A_177 = arith.constant 1 : i32
    "tpu.region"() ({
      %run_scoped3A_322 = tpu.sem_alloc : memref<!tpu.dma_semaphore, #tpu.memory_space<semaphore_mem>>
      %dma_start3A_323 = arith.constant 0 : i32
      %dma_start3A_324 = tpu.memref_slice %arg8[%run_scoped3A_177, %dma_start3A_323] : memref<2x64xi32, #tpu.memory_space<vmem>> -> memref<1x64xi32, #tpu.memory_space<vmem>>
      %dma_start3A_325 = tpu.memref_squeeze %dma_start3A_324 : memref<1x64xi32, #tpu.memory_space<vmem>> -> memref<64xi32, #tpu.memory_space<vmem>>
      %dma_start3A_326 = tpu.memref_slice %arg5[%add3A_176] : memref<335872xi32, #tpu.memory_space<hbm>> -> memref<64xi32, #tpu.memory_space<hbm>>
      %dma_start3A_327 = arith.constant 0 : i32
      %dma_start3A_328 = tpu.memref_slice %arg8[%run_scoped3A_177, %dma_start3A_327] : memref<2x64xi32, #tpu.memory_space<vmem>> -> memref<1x64xi32, #tpu.memory_space<vmem>>
      %dma_start3A_329 = tpu.memref_squeeze %dma_start3A_328 : memref<1x64xi32, #tpu.memory_space<vmem>> -> memref<64xi32, #tpu.memory_space<vmem>>
      %dma_start3A_330 = tpu.memref_slice %arg5[%add3A_176] : memref<335872xi32, #tpu.memory_space<hbm>> -> memref<64xi32, #tpu.memory_space<hbm>>
      tpu.enqueue_dma source(%dma_start3A_330 : memref<64xi32, #tpu.memory_space<hbm>>) target(%dma_start3A_329 : memref<64xi32, #tpu.memory_space<vmem>>) target_semaphore(%run_scoped3A_322 : memref<!tpu.dma_semaphore, #tpu.memory_space<semaphore_mem>>)
      %dma_wait3A = arith.constant 0 : i32
      %dma_wait3A_331 = tpu.memref_slice %arg8[%run_scoped3A_177, %dma_wait3A] : memref<2x64xi32, #tpu.memory_space<vmem>> -> memref<1x64xi32, #tpu.memory_space<vmem>>
      %dma_wait3A_332 = tpu.memref_squeeze %dma_wait3A_331 : memref<1x64xi32, #tpu.memory_space<vmem>> -> memref<64xi32, #tpu.memory_space<vmem>>
      %dma_wait3A_333 = tpu.memref_slice %arg5[%add3A_176] : memref<335872xi32, #tpu.memory_space<hbm>> -> memref<64xi32, #tpu.memory_space<hbm>>
      %dma_wait3A_334 = arith.constant 0 : i32
      %dma_wait3A_335 = tpu.memref_slice %arg8[%run_scoped3A_177, %dma_wait3A_334] : memref<2x64xi32, #tpu.memory_space<vmem>> -> memref<1x64xi32, #tpu.memory_space<vmem>>
      %dma_wait3A_336 = tpu.memref_squeeze %dma_wait3A_335 : memref<1x64xi32, #tpu.memory_space<vmem>> -> memref<64xi32, #tpu.memory_space<vmem>>
      %dma_wait3A_337 = tpu.memref_slice %arg5[%add3A_176] : memref<335872xi32, #tpu.memory_space<hbm>> -> memref<64xi32, #tpu.memory_space<hbm>>
      tpu.wait_dma2 semaphore(%run_scoped3A_322 : memref<!tpu.dma_semaphore, #tpu.memory_space<semaphore_mem>>) src(%dma_wait3A_337 : memref<64xi32, #tpu.memory_space<hbm>>) dst(%dma_wait3A_336 : memref<64xi32, #tpu.memory_space<vmem>>)
      tpu.yield
    }) : () -> ()
    %run_scoped3A_178 = arith.constant 1 : i32
    "tpu.region"() ({
      %run_scoped3A_322 = tpu.sem_alloc : memref<!tpu.dma_semaphore, #tpu.memory_space<semaphore_mem>>
      %dma_start3A_323 = arith.constant 0 : i32
      %dma_start3A_324 = tpu.memref_slice %arg9[%run_scoped3A_178, %dma_start3A_323] : memref<2x64xi32, #tpu.memory_space<vmem>> -> memref<1x64xi32, #tpu.memory_space<vmem>>
      %dma_start3A_325 = tpu.memref_squeeze %dma_start3A_324 : memref<1x64xi32, #tpu.memory_space<vmem>> -> memref<64xi32, #tpu.memory_space<vmem>>
      %dma_start3A_326 = tpu.memref_slice %arg6[%add3A_176] : memref<335872xi32, #tpu.memory_space<hbm>> -> memref<64xi32, #tpu.memory_space<hbm>>
      %dma_start3A_327 = arith.constant 0 : i32
      %dma_start3A_328 = tpu.memref_slice %arg9[%run_scoped3A_178, %dma_start3A_327] : memref<2x64xi32, #tpu.memory_space<vmem>> -> memref<1x64xi32, #tpu.memory_space<vmem>>
      %dma_start3A_329 = tpu.memref_squeeze %dma_start3A_328 : memref<1x64xi32, #tpu.memory_space<vmem>> -> memref<64xi32, #tpu.memory_space<vmem>>
      %dma_start3A_330 = tpu.memref_slice %arg6[%add3A_176] : memref<335872xi32, #tpu.memory_space<hbm>> -> memref<64xi32, #tpu.memory_space<hbm>>
      tpu.enqueue_dma source(%dma_start3A_330 : memref<64xi32, #tpu.memory_space<hbm>>) target(%dma_start3A_329 : memref<64xi32, #tpu.memory_space<vmem>>) target_semaphore(%run_scoped3A_322 : memref<!tpu.dma_semaphore, #tpu.memory_space<semaphore_mem>>)
      %dma_wait3A = arith.constant 0 : i32
      %dma_wait3A_331 = tpu.memref_slice %arg9[%run_scoped3A_178, %dma_wait3A] : memref<2x64xi32, #tpu.memory_space<vmem>> -> memref<1x64xi32, #tpu.memory_space<vmem>>
      %dma_wait3A_332 = tpu.memref_squeeze %dma_wait3A_331 : memref<1x64xi32, #tpu.memory_space<vmem>> -> memref<64xi32, #tpu.memory_space<vmem>>
      %dma_wait3A_333 = tpu.memref_slice %arg6[%add3A_176] : memref<335872xi32, #tpu.memory_space<hbm>> -> memref<64xi32, #tpu.memory_space<hbm>>
      %dma_wait3A_334 = arith.constant 0 : i32
      %dma_wait3A_335 = tpu.memref_slice %arg9[%run_scoped3A_178, %dma_wait3A_334] : memref<2x64xi32, #tpu.memory_space<vmem>> -> memref<1x64xi32, #tpu.memory_space<vmem>>
      %dma_wait3A_336 = tpu.memref_squeeze %dma_wait3A_335 : memref<1x64xi32, #tpu.memory_space<vmem>> -> memref<64xi32, #tpu.memory_space<vmem>>
      %dma_wait3A_337 = tpu.memref_slice %arg6[%add3A_176] : memref<335872xi32, #tpu.memory_space<hbm>> -> memref<64xi32, #tpu.memory_space<hbm>>
      tpu.wait_dma2 semaphore(%run_scoped3A_322 : memref<!tpu.dma_semaphore, #tpu.memory_space<semaphore_mem>>) src(%dma_wait3A_337 : memref<64xi32, #tpu.memory_space<hbm>>) dst(%dma_wait3A_336 : memref<64xi32, #tpu.memory_space<vmem>>)
      tpu.yield
    }) : () -> ()
    %mul3A_179 = arith.constant 10008 : i32
    %mul3A_180 = arith.muli %arg0, %mul3A_179 : i32
    %get3A_181 = arith.constant 1 : i32
    %get3A_182 = arith.index_cast %get3A_181 : i32 to index
    %get3A_183 = arith.constant 0 : index
    %get3A_184 = tpu.vector_load %arg8[%get3A_182, %get3A_183] {strides = array<i32>} : memref<2x64xi32, #tpu.memory_space<vmem>>, vector<1x16xi32>,
    %get3A_185 = vector.shape_cast %get3A_184 : vector<1x16xi32> to vector<16xi32>
    %add3A_186 = vector.broadcast %mul3A_180 : i32 to vector<16xi32>
    %add3A_187 = arith.addi %get3A_185, %add3A_186 : vector<16xi32>
    %swap3A_188 = arith.constant 1 : i32
    %swap3A_189 = arith.index_cast %swap3A_188 : i32 to index
    %swap3A_190 = arith.constant 0 : index
    %swap3A_191 = tpu.vector_load %arg8[%swap3A_189, %swap3A_190] {strides = array<i32>} : memref<2x64xi32, #tpu.memory_space<vmem>>, vector<1x16xi32>,
    %swap3A_192 = vector.shape_cast %swap3A_191 : vector<1x16xi32> to vector<16xi32>
    %swap3A_193 = vector.shape_cast %add3A_187 : vector<16xi32> to vector<1x16xi32>
    tpu.vector_store %arg8[%swap3A_189, %swap3A_190], %swap3A_193 {strides = array<i32>} : memref<2x64xi32, #tpu.memory_space<vmem>>, vector<1x16xi32>,
    %get3A_194 = arith.constant 1 : i32
    %get3A_195 = arith.index_cast %get3A_194 : i32 to index
    %get3A_196 = arith.constant 0 : index
    %get3A_197 = tpu.vector_load %arg9[%get3A_195, %get3A_196] {strides = array<i32>} : memref<2x64xi32, #tpu.memory_space<vmem>>, vector<1x16xi32>,
    %get3A_198 = vector.shape_cast %get3A_197 : vector<1x16xi32> to vector<16xi32>
    %add3A_199 = vector.broadcast %mul3A_180 : i32 to vector<16xi32>
    %add3A_200 = arith.addi %get3A_198, %add3A_199 : vector<16xi32>
    %swap3A_201 = arith.constant 1 : i32
    %swap3A_202 = arith.index_cast %swap3A_201 : i32 to index
    %swap3A_203 = arith.constant 0 : index
    %swap3A_204 = tpu.vector_load %arg10[%swap3A_202, %swap3A_203] {strides = array<i32>} : memref<2x64xi32, #tpu.memory_space<vmem>>, vector<1x16xi32>,
    %swap3A_205 = vector.shape_cast %swap3A_204 : vector<1x16xi32> to vector<16xi32>
    %swap3A_206 = vector.shape_cast %add3A_200 : vector<16xi32> to vector<1x16xi32>
    tpu.vector_store %arg10[%swap3A_202, %swap3A_203], %swap3A_206 {strides = array<i32>} : memref<2x64xi32, #tpu.memory_space<vmem>>, vector<1x16xi32>,
    %get3A_207 = arith.constant 1 : i32
    %get3A_208 = arith.index_cast %get3A_207 : i32 to index
    %get3A_209 = arith.constant 16 : index
    %get3A_210 = tpu.vector_load %arg8[%get3A_208, %get3A_209] {strides = array<i32>} : memref<2x64xi32, #tpu.memory_space<vmem>>, vector<1x16xi32>,
    %get3A_211 = vector.shape_cast %get3A_210 : vector<1x16xi32> to vector<16xi32>
    %add3A_212 = vector.broadcast %mul3A_180 : i32 to vector<16xi32>
    %add3A_213 = arith.addi %get3A_211, %add3A_212 : vector<16xi32>
    %swap3A_214 = arith.constant 1 : i32
    %swap3A_215 = arith.index_cast %swap3A_214 : i32 to index
    %swap3A_216 = arith.constant 16 : index
    %swap3A_217 = tpu.vector_load %arg8[%swap3A_215, %swap3A_216] {strides = array<i32>} : memref<2x64xi32, #tpu.memory_space<vmem>>, vector<1x16xi32>,
    %swap3A_218 = vector.shape_cast %swap3A_217 : vector<1x16xi32> to vector<16xi32>
    %swap3A_219 = vector.shape_cast %add3A_213 : vector<16xi32> to vector<1x16xi32>
    tpu.vector_store %arg8[%swap3A_215, %swap3A_216], %swap3A_219 {strides = array<i32>} : memref<2x64xi32, #tpu.memory_space<vmem>>, vector<1x16xi32>,
    %get3A_220 = arith.constant 1 : i32
    %get3A_221 = arith.index_cast %get3A_220 : i32 to index
    %get3A_222 = arith.constant 16 : index
    %get3A_223 = tpu.vector_load %arg9[%get3A_221, %get3A_222] {strides = array<i32>} : memref<2x64xi32, #tpu.memory_space<vmem>>, vector<1x16xi32>,
    %get3A_224 = vector.shape_cast %get3A_223 : vector<1x16xi32> to vector<16xi32>
    %add3A_225 = vector.broadcast %mul3A_180 : i32 to vector<16xi32>
    %add3A_226 = arith.addi %get3A_224, %add3A_225 : vector<16xi32>
    %swap3A_227 = arith.constant 1 : i32
    %swap3A_228 = arith.index_cast %swap3A_227 : i32 to index
    %swap3A_229 = arith.constant 16 : index
    %swap3A_230 = tpu.vector_load %arg10[%swap3A_228, %swap3A_229] {strides = array<i32>} : memref<2x64xi32, #tpu.memory_space<vmem>>, vector<1x16xi32>,
    %swap3A_231 = vector.shape_cast %swap3A_230 : vector<1x16xi32> to vector<16xi32>
    %swap3A_232 = vector.shape_cast %add3A_226 : vector<16xi32> to vector<1x16xi32>
    tpu.vector_store %arg10[%swap3A_228, %swap3A_229], %swap3A_232 {strides = array<i32>} : memref<2x64xi32, #tpu.memory_space<vmem>>, vector<1x16xi32>,
    %get3A_233 = arith.constant 1 : i32
    %get3A_234 = arith.index_cast %get3A_233 : i32 to index
    %get3A_235 = arith.constant 32 : index
    %get3A_236 = tpu.vector_load %arg8[%get3A_234, %get3A_235] {strides = array<i32>} : memref<2x64xi32, #tpu.memory_space<vmem>>, vector<1x16xi32>,
    %get3A_237 = vector.shape_cast %get3A_236 : vector<1x16xi32> to vector<16xi32>
    %add3A_238 = vector.broadcast %mul3A_180 : i32 to vector<16xi32>
    %add3A_239 = arith.addi %get3A_237, %add3A_238 : vector<16xi32>
    %swap3A_240 = arith.constant 1 : i32
    %swap3A_241 = arith.index_cast %swap3A_240 : i32 to index
    %swap3A_242 = arith.constant 32 : index
    %swap3A_243 = tpu.vector_load %arg8[%swap3A_241, %swap3A_242] {strides = array<i32>} : memref<2x64xi32, #tpu.memory_space<vmem>>, vector<1x16xi32>,
    %swap3A_244 = vector.shape_cast %swap3A_243 : vector<1x16xi32> to vector<16xi32>
    %swap3A_245 = vector.shape_cast %add3A_239 : vector<16xi32> to vector<1x16xi32>
    tpu.vector_store %arg8[%swap3A_241, %swap3A_242], %swap3A_245 {strides = array<i32>} : memref<2x64xi32, #tpu.memory_space<vmem>>, vector<1x16xi32>,
    %get3A_246 = arith.constant 1 : i32
    %get3A_247 = arith.index_cast %get3A_246 : i32 to index
    %get3A_248 = arith.constant 32 : index
    %get3A_249 = tpu.vector_load %arg9[%get3A_247, %get3A_248] {strides = array<i32>} : memref<2x64xi32, #tpu.memory_space<vmem>>, vector<1x16xi32>,
    %get3A_250 = vector.shape_cast %get3A_249 : vector<1x16xi32> to vector<16xi32>
    %add3A_251 = vector.broadcast %mul3A_180 : i32 to vector<16xi32>
    %add3A_252 = arith.addi %get3A_250, %add3A_251 : vector<16xi32>
    %swap3A_253 = arith.constant 1 : i32
    %swap3A_254 = arith.index_cast %swap3A_253 : i32 to index
    %swap3A_255 = arith.constant 32 : index
    %swap3A_256 = tpu.vector_load %arg10[%swap3A_254, %swap3A_255] {strides = array<i32>} : memref<2x64xi32, #tpu.memory_space<vmem>>, vector<1x16xi32>,
    %swap3A_257 = vector.shape_cast %swap3A_256 : vector<1x16xi32> to vector<16xi32>
    %swap3A_258 = vector.shape_cast %add3A_252 : vector<16xi32> to vector<1x16xi32>
    tpu.vector_store %arg10[%swap3A_254, %swap3A_255], %swap3A_258 {strides = array<i32>} : memref<2x64xi32, #tpu.memory_space<vmem>>, vector<1x16xi32>,
    %get3A_259 = arith.constant 1 : i32
    %get3A_260 = arith.index_cast %get3A_259 : i32 to index
    %get3A_261 = arith.constant 48 : index
    %get3A_262 = tpu.vector_load %arg8[%get3A_260, %get3A_261] {strides = array<i32>} : memref<2x64xi32, #tpu.memory_space<vmem>>, vector<1x16xi32>,
    %get3A_263 = vector.shape_cast %get3A_262 : vector<1x16xi32> to vector<16xi32>
    %add3A_264 = vector.broadcast %mul3A_180 : i32 to vector<16xi32>
    %add3A_265 = arith.addi %get3A_263, %add3A_264 : vector<16xi32>
    %swap3A_266 = arith.constant 1 : i32
    %swap3A_267 = arith.index_cast %swap3A_266 : i32 to index
    %swap3A_268 = arith.constant 48 : index
    %swap3A_269 = tpu.vector_load %arg8[%swap3A_267, %swap3A_268] {strides = array<i32>} : memref<2x64xi32, #tpu.memory_space<vmem>>, vector<1x16xi32>,
    %swap3A_270 = vector.shape_cast %swap3A_269 : vector<1x16xi32> to vector<16xi32>
    %swap3A_271 = vector.shape_cast %add3A_265 : vector<16xi32> to vector<1x16xi32>
    tpu.vector_store %arg8[%swap3A_267, %swap3A_268], %swap3A_271 {strides = array<i32>} : memref<2x64xi32, #tpu.memory_space<vmem>>, vector<1x16xi32>,
    %get3A_272 = arith.constant 1 : i32
    %get3A_273 = arith.index_cast %get3A_272 : i32 to index
    %get3A_274 = arith.constant 48 : index
    %get3A_275 = tpu.vector_load %arg9[%get3A_273, %get3A_274] {strides = array<i32>} : memref<2x64xi32, #tpu.memory_space<vmem>>, vector<1x16xi32>,
    %get3A_276 = vector.shape_cast %get3A_275 : vector<1x16xi32> to vector<16xi32>
    %add3A_277 = vector.broadcast %mul3A_180 : i32 to vector<16xi32>
    %add3A_278 = arith.addi %get3A_276, %add3A_277 : vector<16xi32>
    %swap3A_279 = arith.constant 1 : i32
    %swap3A_280 = arith.index_cast %swap3A_279 : i32 to index
    %swap3A_281 = arith.constant 48 : index
    %swap3A_282 = tpu.vector_load %arg10[%swap3A_280, %swap3A_281] {strides = array<i32>} : memref<2x64xi32, #tpu.memory_space<vmem>>, vector<1x16xi32>,
    %swap3A_283 = vector.shape_cast %swap3A_282 : vector<1x16xi32> to vector<16xi32>
    %swap3A_284 = vector.shape_cast %add3A_278 : vector<16xi32> to vector<1x16xi32>
    tpu.vector_store %arg10[%swap3A_280, %swap3A_281], %swap3A_284 {strides = array<i32>} : memref<2x64xi32, #tpu.memory_space<vmem>>, vector<1x16xi32>,
    %dma_start3A_285 = arith.constant 1 : i32
    %dma_start3A_286 = arith.constant 1 : i32
    %dma_start3A_287 = arith.constant 0 : i32
    %dma_start3A_288 = arith.constant 0 : i32
    %dma_start3A_289 = tpu.memref_slice %arg11[%dma_start3A_286, %dma_start3A_287, %dma_start3A_288] : memref<2x64x144xf32, #tpu.memory_space<vmem>> -> memref<1x64x144xf32, #tpu.memory_space<vmem>>
    %dma_start3A_290 = tpu.memref_squeeze %dma_start3A_289 : memref<1x64x144xf32, #tpu.memory_space<vmem>> -> memref<64x144xf32, #tpu.memory_space<vmem>>
    %dma_start3A_291 = arith.constant 0 : i32
    %dma_start3A_292 = tpu.memref_slice %arg8[%dma_start3A_285, %dma_start3A_291] : memref<2x64xi32, #tpu.memory_space<vmem>> -> memref<1x64xi32, #tpu.memory_space<vmem>>
    %dma_start3A_293 = tpu.memref_squeeze %dma_start3A_292 : memref<1x64xi32, #tpu.memory_space<vmem>> -> memref<64xi32, #tpu.memory_space<vmem>>
    %dma_start3A_294 = arith.constant 0 : i32
    %dma_start3A_295 = arith.constant 0 : i32
    %dma_start3A_296 = tpu.memref_slice %arg2[%dma_start3A_294, %dma_start3A_295] : memref<20016x144xf32, #tpu.memory_space<hbm>> -> memref<20016x144xf32, #tpu.memory_space<hbm>>
    tpu.enqueue_indirect_dma source(%dma_start3A_296 : memref<20016x144xf32, #tpu.memory_space<hbm>>) target(%dma_start3A_290 : memref<64x144xf32, #tpu.memory_space<vmem>>) offsets(%dma_start3A_293 : memref<64xi32, #tpu.memory_space<vmem>>) semaphore(%arg17 : memref<!tpu.dma_semaphore, #tpu.memory_space<semaphore_mem>>)
    %dma_start3A_297 = arith.constant 1 : i32
    %dma_start3A_298 = arith.constant 1 : i32
    %dma_start3A_299 = arith.constant 0 : i32
    %dma_start3A_300 = arith.constant 0 : i32
    %dma_start3A_301 = tpu.memref_slice %arg13[%dma_start3A_298, %dma_start3A_299, %dma_start3A_300] : memref<2x64x16xf32, #tpu.memory_space<vmem>> -> memref<1x64x16xf32, #tpu.memory_space<vmem>>
    %dma_start3A_302 = tpu.memref_squeeze %dma_start3A_301 : memref<1x64x16xf32, #tpu.memory_space<vmem>> -> memref<64x16xf32, #tpu.memory_space<vmem>>
    %dma_start3A_303 = arith.constant 0 : i32
    %dma_start3A_304 = tpu.memref_slice %arg10[%dma_start3A_297, %dma_start3A_303] : memref<2x64xi32, #tpu.memory_space<vmem>> -> memref<1x64xi32, #tpu.memory_space<vmem>>
    %dma_start3A_305 = tpu.memref_squeeze %dma_start3A_304 : memref<1x64xi32, #tpu.memory_space<vmem>> -> memref<64xi32, #tpu.memory_space<vmem>>
    %dma_start3A_306 = arith.constant 0 : i32
    %dma_start3A_307 = arith.constant 0 : i32
    %dma_start3A_308 = tpu.memref_slice %arg3[%dma_start3A_306, %dma_start3A_307] : memref<20016x16xf32, #tpu.memory_space<hbm>> -> memref<20016x16xf32, #tpu.memory_space<hbm>>
    tpu.enqueue_indirect_dma source(%dma_start3A_308 : memref<20016x16xf32, #tpu.memory_space<hbm>>) target(%dma_start3A_302 : memref<64x16xf32, #tpu.memory_space<vmem>>) offsets(%dma_start3A_305 : memref<64xi32, #tpu.memory_space<vmem>>) semaphore(%arg17 : memref<!tpu.dma_semaphore, #tpu.memory_space<semaphore_mem>>)
    %scan3A_309 = arith.constant 0 : i32
    %scan3A_310 = arith.constant 164 : i32
    %scan3A_311 = arith.addi %scan3A_309, %scan3A_310 : i32
    %scan3A_312 = arith.constant 1 : i32
    scf.for %scan3A_322 = %scan3A_309 to %scan3A_311 step %scan3A_312  : i32 {
      %mul3A_323 = arith.constant 2 : i32
      %mul3A_324 = arith.muli %scan3A_322, %mul3A_323 : i32
      %add3A_325 = arith.constant 0 : i32
      %add3A_326 = arith.addi %add3A_325, %mul3A_324 : i32
      %dma_wait3A = arith.constant 0 : i32
      %dma_wait3A_327 = arith.constant 0 : i32
      %dma_wait3A_328 = arith.constant 0 : i32
      %dma_wait3A_329 = arith.constant 0 : i32
      %dma_wait3A_330 = tpu.memref_slice %arg11[%dma_wait3A_327, %dma_wait3A_328, %dma_wait3A_329] : memref<2x64x144xf32, #tpu.memory_space<vmem>> -> memref<1x64x144xf32, #tpu.memory_space<vmem>>
      %dma_wait3A_331 = tpu.memref_squeeze %dma_wait3A_330 : memref<1x64x144xf32, #tpu.memory_space<vmem>> -> memref<64x144xf32, #tpu.memory_space<vmem>>
      %dma_wait3A_332 = arith.constant 0 : i32
      %dma_wait3A_333 = tpu.memref_slice %arg8[%dma_wait3A, %dma_wait3A_332] : memref<2x64xi32, #tpu.memory_space<vmem>> -> memref<1x64xi32, #tpu.memory_space<vmem>>
      %dma_wait3A_334 = tpu.memref_squeeze %dma_wait3A_333 : memref<1x64xi32, #tpu.memory_space<vmem>> -> memref<64xi32, #tpu.memory_space<vmem>>
      %dma_wait3A_335 = arith.constant 0 : i32
      %dma_wait3A_336 = arith.constant 0 : i32
      %dma_wait3A_337 = tpu.memref_slice %arg2[%dma_wait3A_335, %dma_wait3A_336] : memref<20016x144xf32, #tpu.memory_space<hbm>> -> memref<20016x144xf32, #tpu.memory_space<hbm>>
      tpu.wait_indirect_dma semaphore(%arg16 : memref<!tpu.dma_semaphore, #tpu.memory_space<semaphore_mem>>) src(%dma_wait3A_337 : memref<20016x144xf32, #tpu.memory_space<hbm>>) dst(%dma_wait3A_331 : memref<64x144xf32, #tpu.memory_space<vmem>>)
      %dma_wait3A_338 = arith.constant 0 : i32
      %dma_wait3A_339 = arith.constant 0 : i32
      %dma_wait3A_340 = arith.constant 0 : i32
      %dma_wait3A_341 = arith.constant 0 : i32
      %dma_wait3A_342 = tpu.memref_slice %arg13[%dma_wait3A_339, %dma_wait3A_340, %dma_wait3A_341] : memref<2x64x16xf32, #tpu.memory_space<vmem>> -> memref<1x64x16xf32, #tpu.memory_space<vmem>>
      %dma_wait3A_343 = tpu.memref_squeeze %dma_wait3A_342 : memref<1x64x16xf32, #tpu.memory_space<vmem>> -> memref<64x16xf32, #tpu.memory_space<vmem>>
      %dma_wait3A_344 = arith.constant 0 : i32
      %dma_wait3A_345 = tpu.memref_slice %arg10[%dma_wait3A_338, %dma_wait3A_344] : memref<2x64xi32, #tpu.memory_space<vmem>> -> memref<1x64xi32, #tpu.memory_space<vmem>>
      %dma_wait3A_346 = tpu.memref_squeeze %dma_wait3A_345 : memref<1x64xi32, #tpu.memory_space<vmem>> -> memref<64xi32, #tpu.memory_space<vmem>>
      %dma_wait3A_347 = arith.constant 0 : i32
      %dma_wait3A_348 = arith.constant 0 : i32
      %dma_wait3A_349 = tpu.memref_slice %arg3[%dma_wait3A_347, %dma_wait3A_348] : memref<20016x16xf32, #tpu.memory_space<hbm>> -> memref<20016x16xf32, #tpu.memory_space<hbm>>
      tpu.wait_indirect_dma semaphore(%arg16 : memref<!tpu.dma_semaphore, #tpu.memory_space<semaphore_mem>>) src(%dma_wait3A_349 : memref<20016x16xf32, #tpu.memory_space<hbm>>) dst(%dma_wait3A_343 : memref<64x16xf32, #tpu.memory_space<vmem>>)
      %get3A_350 = arith.constant 0 : index
      %get3A_351 = tpu.vector_load %arg14[%get3A_350] {strides = array<i32>} : memref<16xf32, #tpu.memory_space<vmem>>, vector<16xf32>,
      %get3A_352 = vector.shape_cast %get3A_351 : vector<16xf32> to vector<16xf32>
      %parallel_loop3A = arith.constant 0 : i32
      %parallel_loop3A_353 = arith.constant 64 : i32
      %parallel_loop3A_354 = arith.constant 1 : i32
      scf.for %parallel_loop3A_400 = %parallel_loop3A to %parallel_loop3A_353 step %parallel_loop3A_354  : i32 {
        %parallel_loop3A_401 = arith.constant 0 : i32
        %parallel_loop3A_402 = arith.index_cast %parallel_loop3A_401 : i32 to index
        %parallel_loop3A_403 = arith.index_cast %parallel_loop3A_400 : i32 to index
        %parallel_loop3A_404 = arith.constant 0 : index
        %parallel_loop3A_405 = tpu.vector_load %arg11[%parallel_loop3A_402, %parallel_loop3A_403, %parallel_loop3A_404] {strides = array<i32>} : memref<2x64x144xf32, #tpu.memory_space<vmem>>, vector<1x1x16xf32>,
        %parallel_loop3A_406 = vector.shape_cast %parallel_loop3A_405 : vector<1x1x16xf32> to vector<16xf32>
        %parallel_loop3A_407 = arith.constant 0 : i32
        %parallel_loop3A_408 = arith.index_cast %parallel_loop3A_407 : i32 to index
        %parallel_loop3A_409 = arith.index_cast %parallel_loop3A_400 : i32 to index
        %parallel_loop3A_410 = arith.constant 16 : index
        %parallel_loop3A_411 = tpu.vector_load %arg11[%parallel_loop3A_408, %parallel_loop3A_409, %parallel_loop3A_410] {strides = array<i32>} : memref<2x64x144xf32, #tpu.memory_space<vmem>>, vector<1x1x16xf32>,
        %parallel_loop3A_412 = vector.shape_cast %parallel_loop3A_411 : vector<1x1x16xf32> to vector<16xf32>
        %parallel_loop3A_413 = arith.constant 0 : i32
        %parallel_loop3A_414 = arith.index_cast %parallel_loop3A_413 : i32 to index
        %parallel_loop3A_415 = arith.index_cast %parallel_loop3A_400 : i32 to index
        %parallel_loop3A_416 = arith.constant 32 : index
        %parallel_loop3A_417 = tpu.vector_load %arg11[%parallel_loop3A_414, %parallel_loop3A_415, %parallel_loop3A_416] {strides = array<i32>} : memref<2x64x144xf32, #tpu.memory_space<vmem>>, vector<1x1x16xf32>,
        %parallel_loop3A_418 = vector.shape_cast %parallel_loop3A_417 : vector<1x1x16xf32> to vector<16xf32>
        %parallel_loop3A_419 = arith.constant 0 : i32
        %parallel_loop3A_420 = arith.index_cast %parallel_loop3A_419 : i32 to index
        %parallel_loop3A_421 = arith.index_cast %parallel_loop3A_400 : i32 to index
        %parallel_loop3A_422 = arith.constant 48 : index
        %parallel_loop3A_423 = tpu.vector_load %arg11[%parallel_loop3A_420, %parallel_loop3A_421, %parallel_loop3A_422] {strides = array<i32>} : memref<2x64x144xf32, #tpu.memory_space<vmem>>, vector<1x1x16xf32>,
        %parallel_loop3A_424 = vector.shape_cast %parallel_loop3A_423 : vector<1x1x16xf32> to vector<16xf32>
        %parallel_loop3A_425 = arith.constant 0 : i32
        %parallel_loop3A_426 = arith.index_cast %parallel_loop3A_425 : i32 to index
        %parallel_loop3A_427 = arith.index_cast %parallel_loop3A_400 : i32 to index
        %parallel_loop3A_428 = arith.constant 64 : index
        %parallel_loop3A_429 = tpu.vector_load %arg11[%parallel_loop3A_426, %parallel_loop3A_427, %parallel_loop3A_428] {strides = array<i32>} : memref<2x64x144xf32, #tpu.memory_space<vmem>>, vector<1x1x16xf32>,
        %parallel_loop3A_430 = vector.shape_cast %parallel_loop3A_429 : vector<1x1x16xf32> to vector<16xf32>
        %parallel_loop3A_431 = arith.constant 0 : i32
        %parallel_loop3A_432 = arith.index_cast %parallel_loop3A_431 : i32 to index
        %parallel_loop3A_433 = arith.index_cast %parallel_loop3A_400 : i32 to index
        %parallel_loop3A_434 = arith.constant 80 : index
        %parallel_loop3A_435 = tpu.vector_load %arg11[%parallel_loop3A_432, %parallel_loop3A_433, %parallel_loop3A_434] {strides = array<i32>} : memref<2x64x144xf32, #tpu.memory_space<vmem>>, vector<1x1x16xf32>,
        %parallel_loop3A_436 = vector.shape_cast %parallel_loop3A_435 : vector<1x1x16xf32> to vector<16xf32>
        %parallel_loop3A_437 = arith.constant 0 : i32
        %parallel_loop3A_438 = arith.index_cast %parallel_loop3A_437 : i32 to index
        %parallel_loop3A_439 = arith.index_cast %parallel_loop3A_400 : i32 to index
        %parallel_loop3A_440 = arith.constant 96 : index
        %parallel_loop3A_441 = tpu.vector_load %arg11[%parallel_loop3A_438, %parallel_loop3A_439, %parallel_loop3A_440] {strides = array<i32>} : memref<2x64x144xf32, #tpu.memory_space<vmem>>, vector<1x1x16xf32>,
        %parallel_loop3A_442 = vector.shape_cast %parallel_loop3A_441 : vector<1x1x16xf32> to vector<16xf32>
        %parallel_loop3A_443 = arith.constant 0 : i32
        %parallel_loop3A_444 = arith.index_cast %parallel_loop3A_443 : i32 to index
        %parallel_loop3A_445 = arith.index_cast %parallel_loop3A_400 : i32 to index
        %parallel_loop3A_446 = arith.constant 112 : index
        %parallel_loop3A_447 = tpu.vector_load %arg11[%parallel_loop3A_444, %parallel_loop3A_445, %parallel_loop3A_446] {strides = array<i32>} : memref<2x64x144xf32, #tpu.memory_space<vmem>>, vector<1x1x16xf32>,
        %parallel_loop3A_448 = vector.shape_cast %parallel_loop3A_447 : vector<1x1x16xf32> to vector<16xf32>
        %parallel_loop3A_449 = arith.constant 0 : i32
        %parallel_loop3A_450 = arith.index_cast %parallel_loop3A_449 : i32 to index
        %parallel_loop3A_451 = arith.index_cast %parallel_loop3A_400 : i32 to index
        %parallel_loop3A_452 = arith.constant 128 : index
        %parallel_loop3A_453 = tpu.vector_load %arg11[%parallel_loop3A_450, %parallel_loop3A_451, %parallel_loop3A_452] {strides = array<i32>} : memref<2x64x144xf32, #tpu.memory_space<vmem>>, vector<1x1x16xf32>,
        %parallel_loop3A_454 = vector.shape_cast %parallel_loop3A_453 : vector<1x1x16xf32> to vector<16xf32>
        %parallel_loop3A_455 = arith.constant 0 : i32
        %parallel_loop3A_456 = arith.index_cast %parallel_loop3A_455 : i32 to index
        %parallel_loop3A_457 = arith.index_cast %parallel_loop3A_400 : i32 to index
        %parallel_loop3A_458 = arith.constant 0 : index
        %parallel_loop3A_459 = tpu.vector_load %arg13[%parallel_loop3A_456, %parallel_loop3A_457, %parallel_loop3A_458] {strides = array<i32>} : memref<2x64x16xf32, #tpu.memory_space<vmem>>, vector<1x1x16xf32>,
        %parallel_loop3A_460 = vector.shape_cast %parallel_loop3A_459 : vector<1x1x16xf32> to vector<16xf32>
        %parallel_loop3A_461 = arith.addf %parallel_loop3A_454, %parallel_loop3A_460 : vector<16xf32>
        %parallel_loop3A_462 = arith.constant 0.000000e+00 : f32
        %parallel_loop3A_463 = vector.broadcast %parallel_loop3A_462 : f32 to vector<16xf32>
        %parallel_loop3A_464 = arith.maximumf %parallel_loop3A_461, %parallel_loop3A_463 : vector<16xf32>
        %parallel_loop3A_465 = arith.constant 0.000000e+00 : f32
        %parallel_loop3A_466 = vector.broadcast %parallel_loop3A_465 : f32 to vector<16xf32>
        %parallel_loop3A_467 = arith.minimumf %parallel_loop3A_461, %parallel_loop3A_466 : vector<16xf32>
        %parallel_loop3A_468 = arith.constant 2.000000e-01 : f32
        %parallel_loop3A_469 = vector.broadcast %parallel_loop3A_468 : f32 to vector<16xf32>
        %parallel_loop3A_470 = arith.mulf %parallel_loop3A_469, %parallel_loop3A_467 : vector<16xf32>
        %parallel_loop3A_471 = arith.addf %parallel_loop3A_464, %parallel_loop3A_470 : vector<16xf32>
        %parallel_loop3A_472 = arith.subf %parallel_loop3A_471, %get3A_352 : vector<16xf32>
        %parallel_loop3A_473 = math.exp %parallel_loop3A_472 : vector<16xf32>
        %parallel_loop3A_474 = arith.index_cast %parallel_loop3A_400 : i32 to index
        %parallel_loop3A_475 = arith.constant 128 : index
        %parallel_loop3A_476 = tpu.vector_load %arg12[%parallel_loop3A_474, %parallel_loop3A_475] {strides = array<i32>} : memref<64x144xf32, #tpu.memory_space<vmem>>, vector<1x16xf32>,
        %parallel_loop3A_477 = vector.shape_cast %parallel_loop3A_476 : vector<1x16xf32> to vector<16xf32>
        %parallel_loop3A_478 = vector.shape_cast %parallel_loop3A_473 : vector<16xf32> to vector<1x16xf32>
        tpu.vector_store %arg12[%parallel_loop3A_474, %parallel_loop3A_475], %parallel_loop3A_478 {strides = array<i32>} : memref<64x144xf32, #tpu.memory_space<vmem>>, vector<1x16xf32>,
        %parallel_loop3A_479 = vector.extract_strided_slice %parallel_loop3A_473 {offsets = [0], sizes = [1], strides = [1]} : vector<16xf32> to vector<1xf32>
        %parallel_loop3A_480 = vector.extract %parallel_loop3A_479[0] : f32 from vector<1xf32>
        %parallel_loop3A_481 = vector.broadcast %parallel_loop3A_480 : f32 to vector<16xf32>
        %parallel_loop3A_482 = vector.extract_strided_slice %parallel_loop3A_473 {offsets = [1], sizes = [1], strides = [1]} : vector<16xf32> to vector<1xf32>
        %parallel_loop3A_483 = vector.extract %parallel_loop3A_482[0] : f32 from vector<1xf32>
        %parallel_loop3A_484 = vector.broadcast %parallel_loop3A_483 : f32 to vector<16xf32>
        %parallel_loop3A_485 = arith.mulf %parallel_loop3A_406, %parallel_loop3A_481 : vector<16xf32>
        %parallel_loop3A_486 = arith.mulf %parallel_loop3A_412, %parallel_loop3A_481 : vector<16xf32>
        %parallel_loop3A_487 = arith.mulf %parallel_loop3A_418, %parallel_loop3A_481 : vector<16xf32>
        %parallel_loop3A_488 = arith.mulf %parallel_loop3A_424, %parallel_loop3A_481 : vector<16xf32>
        %parallel_loop3A_489 = arith.mulf %parallel_loop3A_430, %parallel_loop3A_484 : vector<16xf32>
        %parallel_loop3A_490 = arith.mulf %parallel_loop3A_436, %parallel_loop3A_484 : vector<16xf32>
        %parallel_loop3A_491 = arith.mulf %parallel_loop3A_442, %parallel_loop3A_484 : vector<16xf32>
        %parallel_loop3A_492 = arith.mulf %parallel_loop3A_448, %parallel_loop3A_484 : vector<16xf32>
        %parallel_loop3A_493 = arith.index_cast %parallel_loop3A_400 : i32 to index
        %parallel_loop3A_494 = arith.constant 0 : index
        %parallel_loop3A_495 = tpu.vector_load %arg12[%parallel_loop3A_493, %parallel_loop3A_494] {strides = array<i32>} : memref<64x144xf32, #tpu.memory_space<vmem>>, vector<1x16xf32>,
        %parallel_loop3A_496 = vector.shape_cast %parallel_loop3A_495 : vector<1x16xf32> to vector<16xf32>
        %parallel_loop3A_497 = vector.shape_cast %parallel_loop3A_485 : vector<16xf32> to vector<1x16xf32>
        tpu.vector_store %arg12[%parallel_loop3A_493, %parallel_loop3A_494], %parallel_loop3A_497 {strides = array<i32>} : memref<64x144xf32, #tpu.memory_space<vmem>>, vector<1x16xf32>,
        %parallel_loop3A_498 = arith.index_cast %parallel_loop3A_400 : i32 to index
        %parallel_loop3A_499 = arith.constant 16 : index
        %parallel_loop3A_500 = tpu.vector_load %arg12[%parallel_loop3A_498, %parallel_loop3A_499] {strides = array<i32>} : memref<64x144xf32, #tpu.memory_space<vmem>>, vector<1x16xf32>,
        %parallel_loop3A_501 = vector.shape_cast %parallel_loop3A_500 : vector<1x16xf32> to vector<16xf32>
        %parallel_loop3A_502 = vector.shape_cast %parallel_loop3A_486 : vector<16xf32> to vector<1x16xf32>
        tpu.vector_store %arg12[%parallel_loop3A_498, %parallel_loop3A_499], %parallel_loop3A_502 {strides = array<i32>} : memref<64x144xf32, #tpu.memory_space<vmem>>, vector<1x16xf32>,
        %parallel_loop3A_503 = arith.index_cast %parallel_loop3A_400 : i32 to index
        %parallel_loop3A_504 = arith.constant 32 : index
        %parallel_loop3A_505 = tpu.vector_load %arg12[%parallel_loop3A_503, %parallel_loop3A_504] {strides = array<i32>} : memref<64x144xf32, #tpu.memory_space<vmem>>, vector<1x16xf32>,
        %parallel_loop3A_506 = vector.shape_cast %parallel_loop3A_505 : vector<1x16xf32> to vector<16xf32>
        %parallel_loop3A_507 = vector.shape_cast %parallel_loop3A_487 : vector<16xf32> to vector<1x16xf32>
        tpu.vector_store %arg12[%parallel_loop3A_503, %parallel_loop3A_504], %parallel_loop3A_507 {strides = array<i32>} : memref<64x144xf32, #tpu.memory_space<vmem>>, vector<1x16xf32>,
        %parallel_loop3A_508 = arith.index_cast %parallel_loop3A_400 : i32 to index
        %parallel_loop3A_509 = arith.constant 48 : index
        %parallel_loop3A_510 = tpu.vector_load %arg12[%parallel_loop3A_508, %parallel_loop3A_509] {strides = array<i32>} : memref<64x144xf32, #tpu.memory_space<vmem>>, vector<1x16xf32>,
        %parallel_loop3A_511 = vector.shape_cast %parallel_loop3A_510 : vector<1x16xf32> to vector<16xf32>
        %parallel_loop3A_512 = vector.shape_cast %parallel_loop3A_488 : vector<16xf32> to vector<1x16xf32>
        tpu.vector_store %arg12[%parallel_loop3A_508, %parallel_loop3A_509], %parallel_loop3A_512 {strides = array<i32>} : memref<64x144xf32, #tpu.memory_space<vmem>>, vector<1x16xf32>,
        %parallel_loop3A_513 = arith.index_cast %parallel_loop3A_400 : i32 to index
        %parallel_loop3A_514 = arith.constant 64 : index
        %parallel_loop3A_515 = tpu.vector_load %arg12[%parallel_loop3A_513, %parallel_loop3A_514] {strides = array<i32>} : memref<64x144xf32, #tpu.memory_space<vmem>>, vector<1x16xf32>,
        %parallel_loop3A_516 = vector.shape_cast %parallel_loop3A_515 : vector<1x16xf32> to vector<16xf32>
        %parallel_loop3A_517 = vector.shape_cast %parallel_loop3A_489 : vector<16xf32> to vector<1x16xf32>
        tpu.vector_store %arg12[%parallel_loop3A_513, %parallel_loop3A_514], %parallel_loop3A_517 {strides = array<i32>} : memref<64x144xf32, #tpu.memory_space<vmem>>, vector<1x16xf32>,
        %parallel_loop3A_518 = arith.index_cast %parallel_loop3A_400 : i32 to index
        %parallel_loop3A_519 = arith.constant 80 : index
        %parallel_loop3A_520 = tpu.vector_load %arg12[%parallel_loop3A_518, %parallel_loop3A_519] {strides = array<i32>} : memref<64x144xf32, #tpu.memory_space<vmem>>, vector<1x16xf32>,
        %parallel_loop3A_521 = vector.shape_cast %parallel_loop3A_520 : vector<1x16xf32> to vector<16xf32>
        %parallel_loop3A_522 = vector.shape_cast %parallel_loop3A_490 : vector<16xf32> to vector<1x16xf32>
        tpu.vector_store %arg12[%parallel_loop3A_518, %parallel_loop3A_519], %parallel_loop3A_522 {strides = array<i32>} : memref<64x144xf32, #tpu.memory_space<vmem>>, vector<1x16xf32>,
        %parallel_loop3A_523 = arith.index_cast %parallel_loop3A_400 : i32 to index
        %parallel_loop3A_524 = arith.constant 96 : index
        %parallel_loop3A_525 = tpu.vector_load %arg12[%parallel_loop3A_523, %parallel_loop3A_524] {strides = array<i32>} : memref<64x144xf32, #tpu.memory_space<vmem>>, vector<1x16xf32>,
        %parallel_loop3A_526 = vector.shape_cast %parallel_loop3A_525 : vector<1x16xf32> to vector<16xf32>
        %parallel_loop3A_527 = vector.shape_cast %parallel_loop3A_491 : vector<16xf32> to vector<1x16xf32>
        tpu.vector_store %arg12[%parallel_loop3A_523, %parallel_loop3A_524], %parallel_loop3A_527 {strides = array<i32>} : memref<64x144xf32, #tpu.memory_space<vmem>>, vector<1x16xf32>,
        %parallel_loop3A_528 = arith.index_cast %parallel_loop3A_400 : i32 to index
        %parallel_loop3A_529 = arith.constant 112 : index
        %parallel_loop3A_530 = tpu.vector_load %arg12[%parallel_loop3A_528, %parallel_loop3A_529] {strides = array<i32>} : memref<64x144xf32, #tpu.memory_space<vmem>>, vector<1x16xf32>,
        %parallel_loop3A_531 = vector.shape_cast %parallel_loop3A_530 : vector<1x16xf32> to vector<16xf32>
        %parallel_loop3A_532 = vector.shape_cast %parallel_loop3A_492 : vector<16xf32> to vector<1x16xf32>
        tpu.vector_store %arg12[%parallel_loop3A_528, %parallel_loop3A_529], %parallel_loop3A_532 {strides = array<i32>} : memref<64x144xf32, #tpu.memory_space<vmem>>, vector<1x16xf32>,
      } {sc.loop_unroll_factor = 16 : i64, sc.parallel_access}
      %run_scoped3A_355 = arith.constant 0 : i32
      "tpu.region"() ({
        %run_scoped3A_400 = tpu.sem_alloc : memref<!tpu.dma_semaphore, #tpu.memory_space<semaphore_mem>>
        %dma_start3A_401 = arith.constant 0 : i32
        %dma_start3A_402 = tpu.memref_slice %arg9[%run_scoped3A_355, %dma_start3A_401] : memref<2x64xi32, #tpu.memory_space<vmem>> -> memref<1x64xi32, #tpu.memory_space<vmem>>
        %dma_start3A_403 = tpu.memref_squeeze %dma_start3A_402 : memref<1x64xi32, #tpu.memory_space<vmem>> -> memref<64xi32, #tpu.memory_space<vmem>>
        %dma_start3A_404 = arith.constant 0 : i32
        %dma_start3A_405 = arith.constant 0 : i32
        %dma_start3A_406 = tpu.memref_slice %arg15[%dma_start3A_404, %dma_start3A_405] : memref<10112x144xf32, #tpu.memory_space<vmem_shared>> -> memref<10112x144xf32, #tpu.memory_space<vmem_shared>>
        tpu.enqueue_indirect_dma source(%arg12 : memref<64x144xf32, #tpu.memory_space<vmem>>) target(%dma_start3A_406 : memref<10112x144xf32, #tpu.memory_space<vmem_shared>>) offsets(%dma_start3A_403 : memref<64xi32, #tpu.memory_space<vmem>>) semaphore(%run_scoped3A_400 : memref<!tpu.dma_semaphore, #tpu.memory_space<semaphore_mem>>) {add = true}
        %dma_wait3A_407 = arith.constant 0 : i32
        %dma_wait3A_408 = tpu.memref_slice %arg9[%run_scoped3A_355, %dma_wait3A_407] : memref<2x64xi32, #tpu.memory_space<vmem>> -> memref<1x64xi32, #tpu.memory_space<vmem>>
        %dma_wait3A_409 = tpu.memref_squeeze %dma_wait3A_408 : memref<1x64xi32, #tpu.memory_space<vmem>> -> memref<64xi32, #tpu.memory_space<vmem>>
        %dma_wait3A_410 = arith.constant 0 : i32
        %dma_wait3A_411 = arith.constant 0 : i32
        %dma_wait3A_412 = tpu.memref_slice %arg15[%dma_wait3A_410, %dma_wait3A_411] : memref<10112x144xf32, #tpu.memory_space<vmem_shared>> -> memref<10112x144xf32, #tpu.memory_space<vmem_shared>>
        tpu.wait_indirect_dma semaphore(%run_scoped3A_400 : memref<!tpu.dma_semaphore, #tpu.memory_space<semaphore_mem>>) src(%arg12 : memref<64x144xf32, #tpu.memory_space<vmem>>) dst(%dma_wait3A_412 : memref<10112x144xf32, #tpu.memory_space<vmem_shared>>)
        tpu.yield
      }) : () -> ()
      %add3A_356 = arith.constant 2 : i32
      %add3A_357 = arith.addi %add3A_326, %add3A_356 : i32
      %lt3A = arith.constant 328 : i32
      %lt3A_358 = arith.cmpi slt, %add3A_357, %lt3A : i32
      %convert_element_type3A = arith.extui %lt3A_358 : i1 to i32
      %cond3A = arith.constant 0 : i32
      %cond3A_359 = arith.cmpi ne, %convert_element_type3A, %cond3A : i32
      scf.if %cond3A_359 {
        %add3A_400 = arith.constant 2 : i32
        %add3A_401 = arith.addi %add3A_326, %add3A_400 : i32
        %mul3A_402 = arith.constant 64 : i32
        %mul3A_403 = arith.muli %add3A_401, %mul3A_402 : i32
        %add3A_404 = arith.addi %mul3A_44, %mul3A_403 : i32
        %run_scoped3A_405 = arith.constant 0 : i32
        "tpu.region"() ({
          %run_scoped3A_537 = tpu.sem_alloc : memref<!tpu.dma_semaphore, #tpu.memory_space<semaphore_mem>>
          %dma_start3A_538 = arith.constant 0 : i32
          %dma_start3A_539 = tpu.memref_slice %arg8[%run_scoped3A_405, %dma_start3A_538] : memref<2x64xi32, #tpu.memory_space<vmem>> -> memref<1x64xi32, #tpu.memory_space<vmem>>
          %dma_start3A_540 = tpu.memref_squeeze %dma_start3A_539 : memref<1x64xi32, #tpu.memory_space<vmem>> -> memref<64xi32, #tpu.memory_space<vmem>>
          %dma_start3A_541 = tpu.memref_slice %arg5[%add3A_404] : memref<335872xi32, #tpu.memory_space<hbm>> -> memref<64xi32, #tpu.memory_space<hbm>>
          %dma_start3A_542 = arith.constant 0 : i32
          %dma_start3A_543 = tpu.memref_slice %arg8[%run_scoped3A_405, %dma_start3A_542] : memref<2x64xi32, #tpu.memory_space<vmem>> -> memref<1x64xi32, #tpu.memory_space<vmem>>
          %dma_start3A_544 = tpu.memref_squeeze %dma_start3A_543 : memref<1x64xi32, #tpu.memory_space<vmem>> -> memref<64xi32, #tpu.memory_space<vmem>>
          %dma_start3A_545 = tpu.memref_slice %arg5[%add3A_404] : memref<335872xi32, #tpu.memory_space<hbm>> -> memref<64xi32, #tpu.memory_space<hbm>>
          tpu.enqueue_dma source(%dma_start3A_545 : memref<64xi32, #tpu.memory_space<hbm>>) target(%dma_start3A_544 : memref<64xi32, #tpu.memory_space<vmem>>) target_semaphore(%run_scoped3A_537 : memref<!tpu.dma_semaphore, #tpu.memory_space<semaphore_mem>>)
          %dma_wait3A_546 = arith.constant 0 : i32
          %dma_wait3A_547 = tpu.memref_slice %arg8[%run_scoped3A_405, %dma_wait3A_546] : memref<2x64xi32, #tpu.memory_space<vmem>> -> memref<1x64xi32, #tpu.memory_space<vmem>>
          %dma_wait3A_548 = tpu.memref_squeeze %dma_wait3A_547 : memref<1x64xi32, #tpu.memory_space<vmem>> -> memref<64xi32, #tpu.memory_space<vmem>>
          %dma_wait3A_549 = tpu.memref_slice %arg5[%add3A_404] : memref<335872xi32, #tpu.memory_space<hbm>> -> memref<64xi32, #tpu.memory_space<hbm>>
          %dma_wait3A_550 = arith.constant 0 : i32
          %dma_wait3A_551 = tpu.memref_slice %arg8[%run_scoped3A_405, %dma_wait3A_550] : memref<2x64xi32, #tpu.memory_space<vmem>> -> memref<1x64xi32, #tpu.memory_space<vmem>>
          %dma_wait3A_552 = tpu.memref_squeeze %dma_wait3A_551 : memref<1x64xi32, #tpu.memory_space<vmem>> -> memref<64xi32, #tpu.memory_space<vmem>>
          %dma_wait3A_553 = tpu.memref_slice %arg5[%add3A_404] : memref<335872xi32, #tpu.memory_space<hbm>> -> memref<64xi32, #tpu.memory_space<hbm>>
          tpu.wait_dma2 semaphore(%run_scoped3A_537 : memref<!tpu.dma_semaphore, #tpu.memory_space<semaphore_mem>>) src(%dma_wait3A_553 : memref<64xi32, #tpu.memory_space<hbm>>) dst(%dma_wait3A_552 : memref<64xi32, #tpu.memory_space<vmem>>)
          tpu.yield
        }) : () -> ()
        %run_scoped3A_406 = arith.constant 0 : i32
        "tpu.region"() ({
          %run_scoped3A_537 = tpu.sem_alloc : memref<!tpu.dma_semaphore, #tpu.memory_space<semaphore_mem>>
          %dma_start3A_538 = arith.constant 0 : i32
          %dma_start3A_539 = tpu.memref_slice %arg9[%run_scoped3A_406, %dma_start3A_538] : memref<2x64xi32, #tpu.memory_space<vmem>> -> memref<1x64xi32, #tpu.memory_space<vmem>>
          %dma_start3A_540 = tpu.memref_squeeze %dma_start3A_539 : memref<1x64xi32, #tpu.memory_space<vmem>> -> memref<64xi32, #tpu.memory_space<vmem>>
          %dma_start3A_541 = tpu.memref_slice %arg6[%add3A_404] : memref<335872xi32, #tpu.memory_space<hbm>> -> memref<64xi32, #tpu.memory_space<hbm>>
          %dma_start3A_542 = arith.constant 0 : i32
          %dma_start3A_543 = tpu.memref_slice %arg9[%run_scoped3A_406, %dma_start3A_542] : memref<2x64xi32, #tpu.memory_space<vmem>> -> memref<1x64xi32, #tpu.memory_space<vmem>>
          %dma_start3A_544 = tpu.memref_squeeze %dma_start3A_543 : memref<1x64xi32, #tpu.memory_space<vmem>> -> memref<64xi32, #tpu.memory_space<vmem>>
          %dma_start3A_545 = tpu.memref_slice %arg6[%add3A_404] : memref<335872xi32, #tpu.memory_space<hbm>> -> memref<64xi32, #tpu.memory_space<hbm>>
          tpu.enqueue_dma source(%dma_start3A_545 : memref<64xi32, #tpu.memory_space<hbm>>) target(%dma_start3A_544 : memref<64xi32, #tpu.memory_space<vmem>>) target_semaphore(%run_scoped3A_537 : memref<!tpu.dma_semaphore, #tpu.memory_space<semaphore_mem>>)
          %dma_wait3A_546 = arith.constant 0 : i32
          %dma_wait3A_547 = tpu.memref_slice %arg9[%run_scoped3A_406, %dma_wait3A_546] : memref<2x64xi32, #tpu.memory_space<vmem>> -> memref<1x64xi32, #tpu.memory_space<vmem>>
          %dma_wait3A_548 = tpu.memref_squeeze %dma_wait3A_547 : memref<1x64xi32, #tpu.memory_space<vmem>> -> memref<64xi32, #tpu.memory_space<vmem>>
          %dma_wait3A_549 = tpu.memref_slice %arg6[%add3A_404] : memref<335872xi32, #tpu.memory_space<hbm>> -> memref<64xi32, #tpu.memory_space<hbm>>
          %dma_wait3A_550 = arith.constant 0 : i32
          %dma_wait3A_551 = tpu.memref_slice %arg9[%run_scoped3A_406, %dma_wait3A_550] : memref<2x64xi32, #tpu.memory_space<vmem>> -> memref<1x64xi32, #tpu.memory_space<vmem>>
          %dma_wait3A_552 = tpu.memref_squeeze %dma_wait3A_551 : memref<1x64xi32, #tpu.memory_space<vmem>> -> memref<64xi32, #tpu.memory_space<vmem>>
          %dma_wait3A_553 = tpu.memref_slice %arg6[%add3A_404] : memref<335872xi32, #tpu.memory_space<hbm>> -> memref<64xi32, #tpu.memory_space<hbm>>
          tpu.wait_dma2 semaphore(%run_scoped3A_537 : memref<!tpu.dma_semaphore, #tpu.memory_space<semaphore_mem>>) src(%dma_wait3A_553 : memref<64xi32, #tpu.memory_space<hbm>>) dst(%dma_wait3A_552 : memref<64xi32, #tpu.memory_space<vmem>>)
          tpu.yield
        }) : () -> ()
        %mul3A_407 = arith.constant 10008 : i32
        %mul3A_408 = arith.muli %arg0, %mul3A_407 : i32
        %get3A_409 = arith.constant 0 : i32
        %get3A_410 = arith.index_cast %get3A_409 : i32 to index
        %get3A_411 = arith.constant 0 : index
        %get3A_412 = tpu.vector_load %arg8[%get3A_410, %get3A_411] {strides = array<i32>} : memref<2x64xi32, #tpu.memory_space<vmem>>, vector<1x16xi32>,
        %get3A_413 = vector.shape_cast %get3A_412 : vector<1x16xi32> to vector<16xi32>
        %add3A_414 = vector.broadcast %mul3A_408 : i32 to vector<16xi32>
        %add3A_415 = arith.addi %get3A_413, %add3A_414 : vector<16xi32>
        %swap3A_416 = arith.constant 0 : i32
        %swap3A_417 = arith.index_cast %swap3A_416 : i32 to index
        %swap3A_418 = arith.constant 0 : index
        %swap3A_419 = tpu.vector_load %arg8[%swap3A_417, %swap3A_418] {strides = array<i32>} : memref<2x64xi32, #tpu.memory_space<vmem>>, vector<1x16xi32>,
        %swap3A_420 = vector.shape_cast %swap3A_419 : vector<1x16xi32> to vector<16xi32>
        %swap3A_421 = vector.shape_cast %add3A_415 : vector<16xi32> to vector<1x16xi32>
        tpu.vector_store %arg8[%swap3A_417, %swap3A_418], %swap3A_421 {strides = array<i32>} : memref<2x64xi32, #tpu.memory_space<vmem>>, vector<1x16xi32>,
        %get3A_422 = arith.constant 0 : i32
        %get3A_423 = arith.index_cast %get3A_422 : i32 to index
        %get3A_424 = arith.constant 0 : index
        %get3A_425 = tpu.vector_load %arg9[%get3A_423, %get3A_424] {strides = array<i32>} : memref<2x64xi32, #tpu.memory_space<vmem>>, vector<1x16xi32>,
        %get3A_426 = vector.shape_cast %get3A_425 : vector<1x16xi32> to vector<16xi32>
        %add3A_427 = vector.broadcast %mul3A_408 : i32 to vector<16xi32>
        %add3A_428 = arith.addi %get3A_426, %add3A_427 : vector<16xi32>
        %swap3A_429 = arith.constant 0 : i32
        %swap3A_430 = arith.index_cast %swap3A_429 : i32 to index
        %swap3A_431 = arith.constant 0 : index
        %swap3A_432 = tpu.vector_load %arg10[%swap3A_430, %swap3A_431] {strides = array<i32>} : memref<2x64xi32, #tpu.memory_space<vmem>>, vector<1x16xi32>,
        %swap3A_433 = vector.shape_cast %swap3A_432 : vector<1x16xi32> to vector<16xi32>
        %swap3A_434 = vector.shape_cast %add3A_428 : vector<16xi32> to vector<1x16xi32>
        tpu.vector_store %arg10[%swap3A_430, %swap3A_431], %swap3A_434 {strides = array<i32>} : memref<2x64xi32, #tpu.memory_space<vmem>>, vector<1x16xi32>,
        %get3A_435 = arith.constant 0 : i32
        %get3A_436 = arith.index_cast %get3A_435 : i32 to index
        %get3A_437 = arith.constant 16 : index
        %get3A_438 = tpu.vector_load %arg8[%get3A_436, %get3A_437] {strides = array<i32>} : memref<2x64xi32, #tpu.memory_space<vmem>>, vector<1x16xi32>,
        %get3A_439 = vector.shape_cast %get3A_438 : vector<1x16xi32> to vector<16xi32>
        %add3A_440 = vector.broadcast %mul3A_408 : i32 to vector<16xi32>
        %add3A_441 = arith.addi %get3A_439, %add3A_440 : vector<16xi32>
        %swap3A_442 = arith.constant 0 : i32
        %swap3A_443 = arith.index_cast %swap3A_442 : i32 to index
        %swap3A_444 = arith.constant 16 : index
        %swap3A_445 = tpu.vector_load %arg8[%swap3A_443, %swap3A_444] {strides = array<i32>} : memref<2x64xi32, #tpu.memory_space<vmem>>, vector<1x16xi32>,
        %swap3A_446 = vector.shape_cast %swap3A_445 : vector<1x16xi32> to vector<16xi32>
        %swap3A_447 = vector.shape_cast %add3A_441 : vector<16xi32> to vector<1x16xi32>
        tpu.vector_store %arg8[%swap3A_443, %swap3A_444], %swap3A_447 {strides = array<i32>} : memref<2x64xi32, #tpu.memory_space<vmem>>, vector<1x16xi32>,
        %get3A_448 = arith.constant 0 : i32
        %get3A_449 = arith.index_cast %get3A_448 : i32 to index
        %get3A_450 = arith.constant 16 : index
        %get3A_451 = tpu.vector_load %arg9[%get3A_449, %get3A_450] {strides = array<i32>} : memref<2x64xi32, #tpu.memory_space<vmem>>, vector<1x16xi32>,
        %get3A_452 = vector.shape_cast %get3A_451 : vector<1x16xi32> to vector<16xi32>
        %add3A_453 = vector.broadcast %mul3A_408 : i32 to vector<16xi32>
        %add3A_454 = arith.addi %get3A_452, %add3A_453 : vector<16xi32>
        %swap3A_455 = arith.constant 0 : i32
        %swap3A_456 = arith.index_cast %swap3A_455 : i32 to index
        %swap3A_457 = arith.constant 16 : index
        %swap3A_458 = tpu.vector_load %arg10[%swap3A_456, %swap3A_457] {strides = array<i32>} : memref<2x64xi32, #tpu.memory_space<vmem>>, vector<1x16xi32>,
        %swap3A_459 = vector.shape_cast %swap3A_458 : vector<1x16xi32> to vector<16xi32>
        %swap3A_460 = vector.shape_cast %add3A_454 : vector<16xi32> to vector<1x16xi32>
        tpu.vector_store %arg10[%swap3A_456, %swap3A_457], %swap3A_460 {strides = array<i32>} : memref<2x64xi32, #tpu.memory_space<vmem>>, vector<1x16xi32>,
        %get3A_461 = arith.constant 0 : i32
        %get3A_462 = arith.index_cast %get3A_461 : i32 to index
        %get3A_463 = arith.constant 32 : index
        %get3A_464 = tpu.vector_load %arg8[%get3A_462, %get3A_463] {strides = array<i32>} : memref<2x64xi32, #tpu.memory_space<vmem>>, vector<1x16xi32>,
        %get3A_465 = vector.shape_cast %get3A_464 : vector<1x16xi32> to vector<16xi32>
        %add3A_466 = vector.broadcast %mul3A_408 : i32 to vector<16xi32>
        %add3A_467 = arith.addi %get3A_465, %add3A_466 : vector<16xi32>
        %swap3A_468 = arith.constant 0 : i32
        %swap3A_469 = arith.index_cast %swap3A_468 : i32 to index
        %swap3A_470 = arith.constant 32 : index
        %swap3A_471 = tpu.vector_load %arg8[%swap3A_469, %swap3A_470] {strides = array<i32>} : memref<2x64xi32, #tpu.memory_space<vmem>>, vector<1x16xi32>,
        %swap3A_472 = vector.shape_cast %swap3A_471 : vector<1x16xi32> to vector<16xi32>
        %swap3A_473 = vector.shape_cast %add3A_467 : vector<16xi32> to vector<1x16xi32>
        tpu.vector_store %arg8[%swap3A_469, %swap3A_470], %swap3A_473 {strides = array<i32>} : memref<2x64xi32, #tpu.memory_space<vmem>>, vector<1x16xi32>,
        %get3A_474 = arith.constant 0 : i32
        %get3A_475 = arith.index_cast %get3A_474 : i32 to index
        %get3A_476 = arith.constant 32 : index
        %get3A_477 = tpu.vector_load %arg9[%get3A_475, %get3A_476] {strides = array<i32>} : memref<2x64xi32, #tpu.memory_space<vmem>>, vector<1x16xi32>,
        %get3A_478 = vector.shape_cast %get3A_477 : vector<1x16xi32> to vector<16xi32>
        %add3A_479 = vector.broadcast %mul3A_408 : i32 to vector<16xi32>
        %add3A_480 = arith.addi %get3A_478, %add3A_479 : vector<16xi32>
        %swap3A_481 = arith.constant 0 : i32
        %swap3A_482 = arith.index_cast %swap3A_481 : i32 to index
        %swap3A_483 = arith.constant 32 : index
        %swap3A_484 = tpu.vector_load %arg10[%swap3A_482, %swap3A_483] {strides = array<i32>} : memref<2x64xi32, #tpu.memory_space<vmem>>, vector<1x16xi32>,
        %swap3A_485 = vector.shape_cast %swap3A_484 : vector<1x16xi32> to vector<16xi32>
        %swap3A_486 = vector.shape_cast %add3A_480 : vector<16xi32> to vector<1x16xi32>
        tpu.vector_store %arg10[%swap3A_482, %swap3A_483], %swap3A_486 {strides = array<i32>} : memref<2x64xi32, #tpu.memory_space<vmem>>, vector<1x16xi32>,
        %get3A_487 = arith.constant 0 : i32
        %get3A_488 = arith.index_cast %get3A_487 : i32 to index
        %get3A_489 = arith.constant 48 : index
        %get3A_490 = tpu.vector_load %arg8[%get3A_488, %get3A_489] {strides = array<i32>} : memref<2x64xi32, #tpu.memory_space<vmem>>, vector<1x16xi32>,
        %get3A_491 = vector.shape_cast %get3A_490 : vector<1x16xi32> to vector<16xi32>
        %add3A_492 = vector.broadcast %mul3A_408 : i32 to vector<16xi32>
        %add3A_493 = arith.addi %get3A_491, %add3A_492 : vector<16xi32>
        %swap3A_494 = arith.constant 0 : i32
        %swap3A_495 = arith.index_cast %swap3A_494 : i32 to index
        %swap3A_496 = arith.constant 48 : index
        %swap3A_497 = tpu.vector_load %arg8[%swap3A_495, %swap3A_496] {strides = array<i32>} : memref<2x64xi32, #tpu.memory_space<vmem>>, vector<1x16xi32>,
        %swap3A_498 = vector.shape_cast %swap3A_497 : vector<1x16xi32> to vector<16xi32>
        %swap3A_499 = vector.shape_cast %add3A_493 : vector<16xi32> to vector<1x16xi32>
        tpu.vector_store %arg8[%swap3A_495, %swap3A_496], %swap3A_499 {strides = array<i32>} : memref<2x64xi32, #tpu.memory_space<vmem>>, vector<1x16xi32>,
        %get3A_500 = arith.constant 0 : i32
        %get3A_501 = arith.index_cast %get3A_500 : i32 to index
        %get3A_502 = arith.constant 48 : index
        %get3A_503 = tpu.vector_load %arg9[%get3A_501, %get3A_502] {strides = array<i32>} : memref<2x64xi32, #tpu.memory_space<vmem>>, vector<1x16xi32>,
        %get3A_504 = vector.shape_cast %get3A_503 : vector<1x16xi32> to vector<16xi32>
        %add3A_505 = vector.broadcast %mul3A_408 : i32 to vector<16xi32>
        %add3A_506 = arith.addi %get3A_504, %add3A_505 : vector<16xi32>
        %swap3A_507 = arith.constant 0 : i32
        %swap3A_508 = arith.index_cast %swap3A_507 : i32 to index
        %swap3A_509 = arith.constant 48 : index
        %swap3A_510 = tpu.vector_load %arg10[%swap3A_508, %swap3A_509] {strides = array<i32>} : memref<2x64xi32, #tpu.memory_space<vmem>>, vector<1x16xi32>,
        %swap3A_511 = vector.shape_cast %swap3A_510 : vector<1x16xi32> to vector<16xi32>
        %swap3A_512 = vector.shape_cast %add3A_506 : vector<16xi32> to vector<1x16xi32>
        tpu.vector_store %arg10[%swap3A_508, %swap3A_509], %swap3A_512 {strides = array<i32>} : memref<2x64xi32, #tpu.memory_space<vmem>>, vector<1x16xi32>,
        %dma_start3A_513 = arith.constant 0 : i32
        %dma_start3A_514 = arith.constant 0 : i32
        %dma_start3A_515 = arith.constant 0 : i32
        %dma_start3A_516 = arith.constant 0 : i32
        %dma_start3A_517 = tpu.memref_slice %arg11[%dma_start3A_514, %dma_start3A_515, %dma_start3A_516] : memref<2x64x144xf32, #tpu.memory_space<vmem>> -> memref<1x64x144xf32, #tpu.memory_space<vmem>>
        %dma_start3A_518 = tpu.memref_squeeze %dma_start3A_517 : memref<1x64x144xf32, #tpu.memory_space<vmem>> -> memref<64x144xf32, #tpu.memory_space<vmem>>
        %dma_start3A_519 = arith.constant 0 : i32
        %dma_start3A_520 = tpu.memref_slice %arg8[%dma_start3A_513, %dma_start3A_519] : memref<2x64xi32, #tpu.memory_space<vmem>> -> memref<1x64xi32, #tpu.memory_space<vmem>>
        %dma_start3A_521 = tpu.memref_squeeze %dma_start3A_520 : memref<1x64xi32, #tpu.memory_space<vmem>> -> memref<64xi32, #tpu.memory_space<vmem>>
        %dma_start3A_522 = arith.constant 0 : i32
        %dma_start3A_523 = arith.constant 0 : i32
        %dma_start3A_524 = tpu.memref_slice %arg2[%dma_start3A_522, %dma_start3A_523] : memref<20016x144xf32, #tpu.memory_space<hbm>> -> memref<20016x144xf32, #tpu.memory_space<hbm>>
        tpu.enqueue_indirect_dma source(%dma_start3A_524 : memref<20016x144xf32, #tpu.memory_space<hbm>>) target(%dma_start3A_518 : memref<64x144xf32, #tpu.memory_space<vmem>>) offsets(%dma_start3A_521 : memref<64xi32, #tpu.memory_space<vmem>>) semaphore(%arg16 : memref<!tpu.dma_semaphore, #tpu.memory_space<semaphore_mem>>)
        %dma_start3A_525 = arith.constant 0 : i32
        %dma_start3A_526 = arith.constant 0 : i32
        %dma_start3A_527 = arith.constant 0 : i32
        %dma_start3A_528 = arith.constant 0 : i32
        %dma_start3A_529 = tpu.memref_slice %arg13[%dma_start3A_526, %dma_start3A_527, %dma_start3A_528] : memref<2x64x16xf32, #tpu.memory_space<vmem>> -> memref<1x64x16xf32, #tpu.memory_space<vmem>>
        %dma_start3A_530 = tpu.memref_squeeze %dma_start3A_529 : memref<1x64x16xf32, #tpu.memory_space<vmem>> -> memref<64x16xf32, #tpu.memory_space<vmem>>
        %dma_start3A_531 = arith.constant 0 : i32
        %dma_start3A_532 = tpu.memref_slice %arg10[%dma_start3A_525, %dma_start3A_531] : memref<2x64xi32, #tpu.memory_space<vmem>> -> memref<1x64xi32, #tpu.memory_space<vmem>>
        %dma_start3A_533 = tpu.memref_squeeze %dma_start3A_532 : memref<1x64xi32, #tpu.memory_space<vmem>> -> memref<64xi32, #tpu.memory_space<vmem>>
        %dma_start3A_534 = arith.constant 0 : i32
        %dma_start3A_535 = arith.constant 0 : i32
        %dma_start3A_536 = tpu.memref_slice %arg3[%dma_start3A_534, %dma_start3A_535] : memref<20016x16xf32, #tpu.memory_space<hbm>> -> memref<20016x16xf32, #tpu.memory_space<hbm>>
        tpu.enqueue_indirect_dma source(%dma_start3A_536 : memref<20016x16xf32, #tpu.memory_space<hbm>>) target(%dma_start3A_530 : memref<64x16xf32, #tpu.memory_space<vmem>>) offsets(%dma_start3A_533 : memref<64xi32, #tpu.memory_space<vmem>>) semaphore(%arg16 : memref<!tpu.dma_semaphore, #tpu.memory_space<semaphore_mem>>)
      } else {
      }
      %add3A_360 = arith.constant 1 : i32
      %add3A_361 = arith.addi %add3A_326, %add3A_360 : i32
      %dma_wait3A_362 = arith.constant 1 : i32
      %dma_wait3A_363 = arith.constant 1 : i32
      %dma_wait3A_364 = arith.constant 0 : i32
      %dma_wait3A_365 = arith.constant 0 : i32
      %dma_wait3A_366 = tpu.memref_slice %arg11[%dma_wait3A_363, %dma_wait3A_364, %dma_wait3A_365] : memref<2x64x144xf32, #tpu.memory_space<vmem>> -> memref<1x64x144xf32, #tpu.memory_space<vmem>>
      %dma_wait3A_367 = tpu.memref_squeeze %dma_wait3A_366 : memref<1x64x144xf32, #tpu.memory_space<vmem>> -> memref<64x144xf32, #tpu.memory_space<vmem>>
      %dma_wait3A_368 = arith.constant 0 : i32
      %dma_wait3A_369 = tpu.memref_slice %arg8[%dma_wait3A_362, %dma_wait3A_368] : memref<2x64xi32, #tpu.memory_space<vmem>> -> memref<1x64xi32, #tpu.memory_space<vmem>>
      %dma_wait3A_370 = tpu.memref_squeeze %dma_wait3A_369 : memref<1x64xi32, #tpu.memory_space<vmem>> -> memref<64xi32, #tpu.memory_space<vmem>>
      %dma_wait3A_371 = arith.constant 0 : i32
      %dma_wait3A_372 = arith.constant 0 : i32
      %dma_wait3A_373 = tpu.memref_slice %arg2[%dma_wait3A_371, %dma_wait3A_372] : memref<20016x144xf32, #tpu.memory_space<hbm>> -> memref<20016x144xf32, #tpu.memory_space<hbm>>
      tpu.wait_indirect_dma semaphore(%arg17 : memref<!tpu.dma_semaphore, #tpu.memory_space<semaphore_mem>>) src(%dma_wait3A_373 : memref<20016x144xf32, #tpu.memory_space<hbm>>) dst(%dma_wait3A_367 : memref<64x144xf32, #tpu.memory_space<vmem>>)
      %dma_wait3A_374 = arith.constant 1 : i32
      %dma_wait3A_375 = arith.constant 1 : i32
      %dma_wait3A_376 = arith.constant 0 : i32
      %dma_wait3A_377 = arith.constant 0 : i32
      %dma_wait3A_378 = tpu.memref_slice %arg13[%dma_wait3A_375, %dma_wait3A_376, %dma_wait3A_377] : memref<2x64x16xf32, #tpu.memory_space<vmem>> -> memref<1x64x16xf32, #tpu.memory_space<vmem>>
      %dma_wait3A_379 = tpu.memref_squeeze %dma_wait3A_378 : memref<1x64x16xf32, #tpu.memory_space<vmem>> -> memref<64x16xf32, #tpu.memory_space<vmem>>
      %dma_wait3A_380 = arith.constant 0 : i32
      %dma_wait3A_381 = tpu.memref_slice %arg10[%dma_wait3A_374, %dma_wait3A_380] : memref<2x64xi32, #tpu.memory_space<vmem>> -> memref<1x64xi32, #tpu.memory_space<vmem>>
      %dma_wait3A_382 = tpu.memref_squeeze %dma_wait3A_381 : memref<1x64xi32, #tpu.memory_space<vmem>> -> memref<64xi32, #tpu.memory_space<vmem>>
      %dma_wait3A_383 = arith.constant 0 : i32
      %dma_wait3A_384 = arith.constant 0 : i32
      %dma_wait3A_385 = tpu.memref_slice %arg3[%dma_wait3A_383, %dma_wait3A_384] : memref<20016x16xf32, #tpu.memory_space<hbm>> -> memref<20016x16xf32, #tpu.memory_space<hbm>>
      tpu.wait_indirect_dma semaphore(%arg17 : memref<!tpu.dma_semaphore, #tpu.memory_space<semaphore_mem>>) src(%dma_wait3A_385 : memref<20016x16xf32, #tpu.memory_space<hbm>>) dst(%dma_wait3A_379 : memref<64x16xf32, #tpu.memory_space<vmem>>)
      %get3A_386 = arith.constant 0 : index
      %get3A_387 = tpu.vector_load %arg14[%get3A_386] {strides = array<i32>} : memref<16xf32, #tpu.memory_space<vmem>>, vector<16xf32>,
      %get3A_388 = vector.shape_cast %get3A_387 : vector<16xf32> to vector<16xf32>
      %parallel_loop3A_389 = arith.constant 0 : i32
      %parallel_loop3A_390 = arith.constant 64 : i32
      %parallel_loop3A_391 = arith.constant 1 : i32
      scf.for %parallel_loop3A_400 = %parallel_loop3A_389 to %parallel_loop3A_390 step %parallel_loop3A_391  : i32 {
        %parallel_loop3A_401 = arith.constant 1 : i32
        %parallel_loop3A_402 = arith.index_cast %parallel_loop3A_401 : i32 to index
        %parallel_loop3A_403 = arith.index_cast %parallel_loop3A_400 : i32 to index
        %parallel_loop3A_404 = arith.constant 0 : index
        %parallel_loop3A_405 = tpu.vector_load %arg11[%parallel_loop3A_402, %parallel_loop3A_403, %parallel_loop3A_404] {strides = array<i32>} : memref<2x64x144xf32, #tpu.memory_space<vmem>>, vector<1x1x16xf32>,
        %parallel_loop3A_406 = vector.shape_cast %parallel_loop3A_405 : vector<1x1x16xf32> to vector<16xf32>
        %parallel_loop3A_407 = arith.constant 1 : i32
        %parallel_loop3A_408 = arith.index_cast %parallel_loop3A_407 : i32 to index
        %parallel_loop3A_409 = arith.index_cast %parallel_loop3A_400 : i32 to index
        %parallel_loop3A_410 = arith.constant 16 : index
        %parallel_loop3A_411 = tpu.vector_load %arg11[%parallel_loop3A_408, %parallel_loop3A_409, %parallel_loop3A_410] {strides = array<i32>} : memref<2x64x144xf32, #tpu.memory_space<vmem>>, vector<1x1x16xf32>,
        %parallel_loop3A_412 = vector.shape_cast %parallel_loop3A_411 : vector<1x1x16xf32> to vector<16xf32>
        %parallel_loop3A_413 = arith.constant 1 : i32
        %parallel_loop3A_414 = arith.index_cast %parallel_loop3A_413 : i32 to index
        %parallel_loop3A_415 = arith.index_cast %parallel_loop3A_400 : i32 to index
        %parallel_loop3A_416 = arith.constant 32 : index
        %parallel_loop3A_417 = tpu.vector_load %arg11[%parallel_loop3A_414, %parallel_loop3A_415, %parallel_loop3A_416] {strides = array<i32>} : memref<2x64x144xf32, #tpu.memory_space<vmem>>, vector<1x1x16xf32>,
        %parallel_loop3A_418 = vector.shape_cast %parallel_loop3A_417 : vector<1x1x16xf32> to vector<16xf32>
        %parallel_loop3A_419 = arith.constant 1 : i32
        %parallel_loop3A_420 = arith.index_cast %parallel_loop3A_419 : i32 to index
        %parallel_loop3A_421 = arith.index_cast %parallel_loop3A_400 : i32 to index
        %parallel_loop3A_422 = arith.constant 48 : index
        %parallel_loop3A_423 = tpu.vector_load %arg11[%parallel_loop3A_420, %parallel_loop3A_421, %parallel_loop3A_422] {strides = array<i32>} : memref<2x64x144xf32, #tpu.memory_space<vmem>>, vector<1x1x16xf32>,
        %parallel_loop3A_424 = vector.shape_cast %parallel_loop3A_423 : vector<1x1x16xf32> to vector<16xf32>
        %parallel_loop3A_425 = arith.constant 1 : i32
        %parallel_loop3A_426 = arith.index_cast %parallel_loop3A_425 : i32 to index
        %parallel_loop3A_427 = arith.index_cast %parallel_loop3A_400 : i32 to index
        %parallel_loop3A_428 = arith.constant 64 : index
        %parallel_loop3A_429 = tpu.vector_load %arg11[%parallel_loop3A_426, %parallel_loop3A_427, %parallel_loop3A_428] {strides = array<i32>} : memref<2x64x144xf32, #tpu.memory_space<vmem>>, vector<1x1x16xf32>,
        %parallel_loop3A_430 = vector.shape_cast %parallel_loop3A_429 : vector<1x1x16xf32> to vector<16xf32>
        %parallel_loop3A_431 = arith.constant 1 : i32
        %parallel_loop3A_432 = arith.index_cast %parallel_loop3A_431 : i32 to index
        %parallel_loop3A_433 = arith.index_cast %parallel_loop3A_400 : i32 to index
        %parallel_loop3A_434 = arith.constant 80 : index
        %parallel_loop3A_435 = tpu.vector_load %arg11[%parallel_loop3A_432, %parallel_loop3A_433, %parallel_loop3A_434] {strides = array<i32>} : memref<2x64x144xf32, #tpu.memory_space<vmem>>, vector<1x1x16xf32>,
        %parallel_loop3A_436 = vector.shape_cast %parallel_loop3A_435 : vector<1x1x16xf32> to vector<16xf32>
        %parallel_loop3A_437 = arith.constant 1 : i32
        %parallel_loop3A_438 = arith.index_cast %parallel_loop3A_437 : i32 to index
        %parallel_loop3A_439 = arith.index_cast %parallel_loop3A_400 : i32 to index
        %parallel_loop3A_440 = arith.constant 96 : index
        %parallel_loop3A_441 = tpu.vector_load %arg11[%parallel_loop3A_438, %parallel_loop3A_439, %parallel_loop3A_440] {strides = array<i32>} : memref<2x64x144xf32, #tpu.memory_space<vmem>>, vector<1x1x16xf32>,
        %parallel_loop3A_442 = vector.shape_cast %parallel_loop3A_441 : vector<1x1x16xf32> to vector<16xf32>
        %parallel_loop3A_443 = arith.constant 1 : i32
        %parallel_loop3A_444 = arith.index_cast %parallel_loop3A_443 : i32 to index
        %parallel_loop3A_445 = arith.index_cast %parallel_loop3A_400 : i32 to index
        %parallel_loop3A_446 = arith.constant 112 : index
        %parallel_loop3A_447 = tpu.vector_load %arg11[%parallel_loop3A_444, %parallel_loop3A_445, %parallel_loop3A_446] {strides = array<i32>} : memref<2x64x144xf32, #tpu.memory_space<vmem>>, vector<1x1x16xf32>,
        %parallel_loop3A_448 = vector.shape_cast %parallel_loop3A_447 : vector<1x1x16xf32> to vector<16xf32>
        %parallel_loop3A_449 = arith.constant 1 : i32
        %parallel_loop3A_450 = arith.index_cast %parallel_loop3A_449 : i32 to index
        %parallel_loop3A_451 = arith.index_cast %parallel_loop3A_400 : i32 to index
        %parallel_loop3A_452 = arith.constant 128 : index
        %parallel_loop3A_453 = tpu.vector_load %arg11[%parallel_loop3A_450, %parallel_loop3A_451, %parallel_loop3A_452] {strides = array<i32>} : memref<2x64x144xf32, #tpu.memory_space<vmem>>, vector<1x1x16xf32>,
        %parallel_loop3A_454 = vector.shape_cast %parallel_loop3A_453 : vector<1x1x16xf32> to vector<16xf32>
        %parallel_loop3A_455 = arith.constant 1 : i32
        %parallel_loop3A_456 = arith.index_cast %parallel_loop3A_455 : i32 to index
        %parallel_loop3A_457 = arith.index_cast %parallel_loop3A_400 : i32 to index
        %parallel_loop3A_458 = arith.constant 0 : index
        %parallel_loop3A_459 = tpu.vector_load %arg13[%parallel_loop3A_456, %parallel_loop3A_457, %parallel_loop3A_458] {strides = array<i32>} : memref<2x64x16xf32, #tpu.memory_space<vmem>>, vector<1x1x16xf32>,
        %parallel_loop3A_460 = vector.shape_cast %parallel_loop3A_459 : vector<1x1x16xf32> to vector<16xf32>
        %parallel_loop3A_461 = arith.addf %parallel_loop3A_454, %parallel_loop3A_460 : vector<16xf32>
        %parallel_loop3A_462 = arith.constant 0.000000e+00 : f32
        %parallel_loop3A_463 = vector.broadcast %parallel_loop3A_462 : f32 to vector<16xf32>
        %parallel_loop3A_464 = arith.maximumf %parallel_loop3A_461, %parallel_loop3A_463 : vector<16xf32>
        %parallel_loop3A_465 = arith.constant 0.000000e+00 : f32
        %parallel_loop3A_466 = vector.broadcast %parallel_loop3A_465 : f32 to vector<16xf32>
        %parallel_loop3A_467 = arith.minimumf %parallel_loop3A_461, %parallel_loop3A_466 : vector<16xf32>
        %parallel_loop3A_468 = arith.constant 2.000000e-01 : f32
        %parallel_loop3A_469 = vector.broadcast %parallel_loop3A_468 : f32 to vector<16xf32>
        %parallel_loop3A_470 = arith.mulf %parallel_loop3A_469, %parallel_loop3A_467 : vector<16xf32>
        %parallel_loop3A_471 = arith.addf %parallel_loop3A_464, %parallel_loop3A_470 : vector<16xf32>
        %parallel_loop3A_472 = arith.subf %parallel_loop3A_471, %get3A_388 : vector<16xf32>
        %parallel_loop3A_473 = math.exp %parallel_loop3A_472 : vector<16xf32>
        %parallel_loop3A_474 = arith.index_cast %parallel_loop3A_400 : i32 to index
        %parallel_loop3A_475 = arith.constant 128 : index
        %parallel_loop3A_476 = tpu.vector_load %arg12[%parallel_loop3A_474, %parallel_loop3A_475] {strides = array<i32>} : memref<64x144xf32, #tpu.memory_space<vmem>>, vector<1x16xf32>,
        %parallel_loop3A_477 = vector.shape_cast %parallel_loop3A_476 : vector<1x16xf32> to vector<16xf32>
        %parallel_loop3A_478 = vector.shape_cast %parallel_loop3A_473 : vector<16xf32> to vector<1x16xf32>
        tpu.vector_store %arg12[%parallel_loop3A_474, %parallel_loop3A_475], %parallel_loop3A_478 {strides = array<i32>} : memref<64x144xf32, #tpu.memory_space<vmem>>, vector<1x16xf32>,
        %parallel_loop3A_479 = vector.extract_strided_slice %parallel_loop3A_473 {offsets = [0], sizes = [1], strides = [1]} : vector<16xf32> to vector<1xf32>
        %parallel_loop3A_480 = vector.extract %parallel_loop3A_479[0] : f32 from vector<1xf32>
        %parallel_loop3A_481 = vector.broadcast %parallel_loop3A_480 : f32 to vector<16xf32>
        %parallel_loop3A_482 = vector.extract_strided_slice %parallel_loop3A_473 {offsets = [1], sizes = [1], strides = [1]} : vector<16xf32> to vector<1xf32>
        %parallel_loop3A_483 = vector.extract %parallel_loop3A_482[0] : f32 from vector<1xf32>
        %parallel_loop3A_484 = vector.broadcast %parallel_loop3A_483 : f32 to vector<16xf32>
        %parallel_loop3A_485 = arith.mulf %parallel_loop3A_406, %parallel_loop3A_481 : vector<16xf32>
        %parallel_loop3A_486 = arith.mulf %parallel_loop3A_412, %parallel_loop3A_481 : vector<16xf32>
        %parallel_loop3A_487 = arith.mulf %parallel_loop3A_418, %parallel_loop3A_481 : vector<16xf32>
        %parallel_loop3A_488 = arith.mulf %parallel_loop3A_424, %parallel_loop3A_481 : vector<16xf32>
        %parallel_loop3A_489 = arith.mulf %parallel_loop3A_430, %parallel_loop3A_484 : vector<16xf32>
        %parallel_loop3A_490 = arith.mulf %parallel_loop3A_436, %parallel_loop3A_484 : vector<16xf32>
        %parallel_loop3A_491 = arith.mulf %parallel_loop3A_442, %parallel_loop3A_484 : vector<16xf32>
        %parallel_loop3A_492 = arith.mulf %parallel_loop3A_448, %parallel_loop3A_484 : vector<16xf32>
        %parallel_loop3A_493 = arith.index_cast %parallel_loop3A_400 : i32 to index
        %parallel_loop3A_494 = arith.constant 0 : index
        %parallel_loop3A_495 = tpu.vector_load %arg12[%parallel_loop3A_493, %parallel_loop3A_494] {strides = array<i32>} : memref<64x144xf32, #tpu.memory_space<vmem>>, vector<1x16xf32>,
        %parallel_loop3A_496 = vector.shape_cast %parallel_loop3A_495 : vector<1x16xf32> to vector<16xf32>
        %parallel_loop3A_497 = vector.shape_cast %parallel_loop3A_485 : vector<16xf32> to vector<1x16xf32>
        tpu.vector_store %arg12[%parallel_loop3A_493, %parallel_loop3A_494], %parallel_loop3A_497 {strides = array<i32>} : memref<64x144xf32, #tpu.memory_space<vmem>>, vector<1x16xf32>,
        %parallel_loop3A_498 = arith.index_cast %parallel_loop3A_400 : i32 to index
        %parallel_loop3A_499 = arith.constant 16 : index
        %parallel_loop3A_500 = tpu.vector_load %arg12[%parallel_loop3A_498, %parallel_loop3A_499] {strides = array<i32>} : memref<64x144xf32, #tpu.memory_space<vmem>>, vector<1x16xf32>,
        %parallel_loop3A_501 = vector.shape_cast %parallel_loop3A_500 : vector<1x16xf32> to vector<16xf32>
        %parallel_loop3A_502 = vector.shape_cast %parallel_loop3A_486 : vector<16xf32> to vector<1x16xf32>
        tpu.vector_store %arg12[%parallel_loop3A_498, %parallel_loop3A_499], %parallel_loop3A_502 {strides = array<i32>} : memref<64x144xf32, #tpu.memory_space<vmem>>, vector<1x16xf32>,
        %parallel_loop3A_503 = arith.index_cast %parallel_loop3A_400 : i32 to index
        %parallel_loop3A_504 = arith.constant 32 : index
        %parallel_loop3A_505 = tpu.vector_load %arg12[%parallel_loop3A_503, %parallel_loop3A_504] {strides = array<i32>} : memref<64x144xf32, #tpu.memory_space<vmem>>, vector<1x16xf32>,
        %parallel_loop3A_506 = vector.shape_cast %parallel_loop3A_505 : vector<1x16xf32> to vector<16xf32>
        %parallel_loop3A_507 = vector.shape_cast %parallel_loop3A_487 : vector<16xf32> to vector<1x16xf32>
        tpu.vector_store %arg12[%parallel_loop3A_503, %parallel_loop3A_504], %parallel_loop3A_507 {strides = array<i32>} : memref<64x144xf32, #tpu.memory_space<vmem>>, vector<1x16xf32>,
        %parallel_loop3A_508 = arith.index_cast %parallel_loop3A_400 : i32 to index
        %parallel_loop3A_509 = arith.constant 48 : index
        %parallel_loop3A_510 = tpu.vector_load %arg12[%parallel_loop3A_508, %parallel_loop3A_509] {strides = array<i32>} : memref<64x144xf32, #tpu.memory_space<vmem>>, vector<1x16xf32>,
        %parallel_loop3A_511 = vector.shape_cast %parallel_loop3A_510 : vector<1x16xf32> to vector<16xf32>
        %parallel_loop3A_512 = vector.shape_cast %parallel_loop3A_488 : vector<16xf32> to vector<1x16xf32>
        tpu.vector_store %arg12[%parallel_loop3A_508, %parallel_loop3A_509], %parallel_loop3A_512 {strides = array<i32>} : memref<64x144xf32, #tpu.memory_space<vmem>>, vector<1x16xf32>,
        %parallel_loop3A_513 = arith.index_cast %parallel_loop3A_400 : i32 to index
        %parallel_loop3A_514 = arith.constant 64 : index
        %parallel_loop3A_515 = tpu.vector_load %arg12[%parallel_loop3A_513, %parallel_loop3A_514] {strides = array<i32>} : memref<64x144xf32, #tpu.memory_space<vmem>>, vector<1x16xf32>,
        %parallel_loop3A_516 = vector.shape_cast %parallel_loop3A_515 : vector<1x16xf32> to vector<16xf32>
        %parallel_loop3A_517 = vector.shape_cast %parallel_loop3A_489 : vector<16xf32> to vector<1x16xf32>
        tpu.vector_store %arg12[%parallel_loop3A_513, %parallel_loop3A_514], %parallel_loop3A_517 {strides = array<i32>} : memref<64x144xf32, #tpu.memory_space<vmem>>, vector<1x16xf32>,
        %parallel_loop3A_518 = arith.index_cast %parallel_loop3A_400 : i32 to index
        %parallel_loop3A_519 = arith.constant 80 : index
        %parallel_loop3A_520 = tpu.vector_load %arg12[%parallel_loop3A_518, %parallel_loop3A_519] {strides = array<i32>} : memref<64x144xf32, #tpu.memory_space<vmem>>, vector<1x16xf32>,
        %parallel_loop3A_521 = vector.shape_cast %parallel_loop3A_520 : vector<1x16xf32> to vector<16xf32>
        %parallel_loop3A_522 = vector.shape_cast %parallel_loop3A_490 : vector<16xf32> to vector<1x16xf32>
        tpu.vector_store %arg12[%parallel_loop3A_518, %parallel_loop3A_519], %parallel_loop3A_522 {strides = array<i32>} : memref<64x144xf32, #tpu.memory_space<vmem>>, vector<1x16xf32>,
        %parallel_loop3A_523 = arith.index_cast %parallel_loop3A_400 : i32 to index
        %parallel_loop3A_524 = arith.constant 96 : index
        %parallel_loop3A_525 = tpu.vector_load %arg12[%parallel_loop3A_523, %parallel_loop3A_524] {strides = array<i32>} : memref<64x144xf32, #tpu.memory_space<vmem>>, vector<1x16xf32>,
        %parallel_loop3A_526 = vector.shape_cast %parallel_loop3A_525 : vector<1x16xf32> to vector<16xf32>
        %parallel_loop3A_527 = vector.shape_cast %parallel_loop3A_491 : vector<16xf32> to vector<1x16xf32>
        tpu.vector_store %arg12[%parallel_loop3A_523, %parallel_loop3A_524], %parallel_loop3A_527 {strides = array<i32>} : memref<64x144xf32, #tpu.memory_space<vmem>>, vector<1x16xf32>,
        %parallel_loop3A_528 = arith.index_cast %parallel_loop3A_400 : i32 to index
        %parallel_loop3A_529 = arith.constant 112 : index
        %parallel_loop3A_530 = tpu.vector_load %arg12[%parallel_loop3A_528, %parallel_loop3A_529] {strides = array<i32>} : memref<64x144xf32, #tpu.memory_space<vmem>>, vector<1x16xf32>,
        %parallel_loop3A_531 = vector.shape_cast %parallel_loop3A_530 : vector<1x16xf32> to vector<16xf32>
        %parallel_loop3A_532 = vector.shape_cast %parallel_loop3A_492 : vector<16xf32> to vector<1x16xf32>
        tpu.vector_store %arg12[%parallel_loop3A_528, %parallel_loop3A_529], %parallel_loop3A_532 {strides = array<i32>} : memref<64x144xf32, #tpu.memory_space<vmem>>, vector<1x16xf32>,
      } {sc.loop_unroll_factor = 16 : i64, sc.parallel_access}
      %run_scoped3A_392 = arith.constant 1 : i32
      "tpu.region"() ({
        %run_scoped3A_400 = tpu.sem_alloc : memref<!tpu.dma_semaphore, #tpu.memory_space<semaphore_mem>>
        %dma_start3A_401 = arith.constant 0 : i32
        %dma_start3A_402 = tpu.memref_slice %arg9[%run_scoped3A_392, %dma_start3A_401] : memref<2x64xi32, #tpu.memory_space<vmem>> -> memref<1x64xi32, #tpu.memory_space<vmem>>
        %dma_start3A_403 = tpu.memref_squeeze %dma_start3A_402 : memref<1x64xi32, #tpu.memory_space<vmem>> -> memref<64xi32, #tpu.memory_space<vmem>>
        %dma_start3A_404 = arith.constant 0 : i32
        %dma_start3A_405 = arith.constant 0 : i32
        %dma_start3A_406 = tpu.memref_slice %arg15[%dma_start3A_404, %dma_start3A_405] : memref<10112x144xf32, #tpu.memory_space<vmem_shared>> -> memref<10112x144xf32, #tpu.memory_space<vmem_shared>>
        tpu.enqueue_indirect_dma source(%arg12 : memref<64x144xf32, #tpu.memory_space<vmem>>) target(%dma_start3A_406 : memref<10112x144xf32, #tpu.memory_space<vmem_shared>>) offsets(%dma_start3A_403 : memref<64xi32, #tpu.memory_space<vmem>>) semaphore(%run_scoped3A_400 : memref<!tpu.dma_semaphore, #tpu.memory_space<semaphore_mem>>) {add = true}
        %dma_wait3A_407 = arith.constant 0 : i32
        %dma_wait3A_408 = tpu.memref_slice %arg9[%run_scoped3A_392, %dma_wait3A_407] : memref<2x64xi32, #tpu.memory_space<vmem>> -> memref<1x64xi32, #tpu.memory_space<vmem>>
        %dma_wait3A_409 = tpu.memref_squeeze %dma_wait3A_408 : memref<1x64xi32, #tpu.memory_space<vmem>> -> memref<64xi32, #tpu.memory_space<vmem>>
        %dma_wait3A_410 = arith.constant 0 : i32
        %dma_wait3A_411 = arith.constant 0 : i32
        %dma_wait3A_412 = tpu.memref_slice %arg15[%dma_wait3A_410, %dma_wait3A_411] : memref<10112x144xf32, #tpu.memory_space<vmem_shared>> -> memref<10112x144xf32, #tpu.memory_space<vmem_shared>>
        tpu.wait_indirect_dma semaphore(%run_scoped3A_400 : memref<!tpu.dma_semaphore, #tpu.memory_space<semaphore_mem>>) src(%arg12 : memref<64x144xf32, #tpu.memory_space<vmem>>) dst(%dma_wait3A_412 : memref<10112x144xf32, #tpu.memory_space<vmem_shared>>)
        tpu.yield
      }) : () -> ()
      %add3A_393 = arith.constant 2 : i32
      %add3A_394 = arith.addi %add3A_361, %add3A_393 : i32
      %lt3A_395 = arith.constant 328 : i32
      %lt3A_396 = arith.cmpi slt, %add3A_394, %lt3A_395 : i32
      %convert_element_type3A_397 = arith.extui %lt3A_396 : i1 to i32
      %cond3A_398 = arith.constant 0 : i32
      %cond3A_399 = arith.cmpi ne, %convert_element_type3A_397, %cond3A_398 : i32
      scf.if %cond3A_399 {
        %add3A_400 = arith.constant 2 : i32
        %add3A_401 = arith.addi %add3A_361, %add3A_400 : i32
        %mul3A_402 = arith.constant 64 : i32
        %mul3A_403 = arith.muli %add3A_401, %mul3A_402 : i32
        %add3A_404 = arith.addi %mul3A_44, %mul3A_403 : i32
        %run_scoped3A_405 = arith.constant 1 : i32
        "tpu.region"() ({
          %run_scoped3A_537 = tpu.sem_alloc : memref<!tpu.dma_semaphore, #tpu.memory_space<semaphore_mem>>
          %dma_start3A_538 = arith.constant 0 : i32
          %dma_start3A_539 = tpu.memref_slice %arg8[%run_scoped3A_405, %dma_start3A_538] : memref<2x64xi32, #tpu.memory_space<vmem>> -> memref<1x64xi32, #tpu.memory_space<vmem>>
          %dma_start3A_540 = tpu.memref_squeeze %dma_start3A_539 : memref<1x64xi32, #tpu.memory_space<vmem>> -> memref<64xi32, #tpu.memory_space<vmem>>
          %dma_start3A_541 = tpu.memref_slice %arg5[%add3A_404] : memref<335872xi32, #tpu.memory_space<hbm>> -> memref<64xi32, #tpu.memory_space<hbm>>
          %dma_start3A_542 = arith.constant 0 : i32
          %dma_start3A_543 = tpu.memref_slice %arg8[%run_scoped3A_405, %dma_start3A_542] : memref<2x64xi32, #tpu.memory_space<vmem>> -> memref<1x64xi32, #tpu.memory_space<vmem>>
          %dma_start3A_544 = tpu.memref_squeeze %dma_start3A_543 : memref<1x64xi32, #tpu.memory_space<vmem>> -> memref<64xi32, #tpu.memory_space<vmem>>
          %dma_start3A_545 = tpu.memref_slice %arg5[%add3A_404] : memref<335872xi32, #tpu.memory_space<hbm>> -> memref<64xi32, #tpu.memory_space<hbm>>
          tpu.enqueue_dma source(%dma_start3A_545 : memref<64xi32, #tpu.memory_space<hbm>>) target(%dma_start3A_544 : memref<64xi32, #tpu.memory_space<vmem>>) target_semaphore(%run_scoped3A_537 : memref<!tpu.dma_semaphore, #tpu.memory_space<semaphore_mem>>)
          %dma_wait3A_546 = arith.constant 0 : i32
          %dma_wait3A_547 = tpu.memref_slice %arg8[%run_scoped3A_405, %dma_wait3A_546] : memref<2x64xi32, #tpu.memory_space<vmem>> -> memref<1x64xi32, #tpu.memory_space<vmem>>
          %dma_wait3A_548 = tpu.memref_squeeze %dma_wait3A_547 : memref<1x64xi32, #tpu.memory_space<vmem>> -> memref<64xi32, #tpu.memory_space<vmem>>
          %dma_wait3A_549 = tpu.memref_slice %arg5[%add3A_404] : memref<335872xi32, #tpu.memory_space<hbm>> -> memref<64xi32, #tpu.memory_space<hbm>>
          %dma_wait3A_550 = arith.constant 0 : i32
          %dma_wait3A_551 = tpu.memref_slice %arg8[%run_scoped3A_405, %dma_wait3A_550] : memref<2x64xi32, #tpu.memory_space<vmem>> -> memref<1x64xi32, #tpu.memory_space<vmem>>
          %dma_wait3A_552 = tpu.memref_squeeze %dma_wait3A_551 : memref<1x64xi32, #tpu.memory_space<vmem>> -> memref<64xi32, #tpu.memory_space<vmem>>
          %dma_wait3A_553 = tpu.memref_slice %arg5[%add3A_404] : memref<335872xi32, #tpu.memory_space<hbm>> -> memref<64xi32, #tpu.memory_space<hbm>>
          tpu.wait_dma2 semaphore(%run_scoped3A_537 : memref<!tpu.dma_semaphore, #tpu.memory_space<semaphore_mem>>) src(%dma_wait3A_553 : memref<64xi32, #tpu.memory_space<hbm>>) dst(%dma_wait3A_552 : memref<64xi32, #tpu.memory_space<vmem>>)
          tpu.yield
        }) : () -> ()
        %run_scoped3A_406 = arith.constant 1 : i32
        "tpu.region"() ({
          %run_scoped3A_537 = tpu.sem_alloc : memref<!tpu.dma_semaphore, #tpu.memory_space<semaphore_mem>>
          %dma_start3A_538 = arith.constant 0 : i32
          %dma_start3A_539 = tpu.memref_slice %arg9[%run_scoped3A_406, %dma_start3A_538] : memref<2x64xi32, #tpu.memory_space<vmem>> -> memref<1x64xi32, #tpu.memory_space<vmem>>
          %dma_start3A_540 = tpu.memref_squeeze %dma_start3A_539 : memref<1x64xi32, #tpu.memory_space<vmem>> -> memref<64xi32, #tpu.memory_space<vmem>>
          %dma_start3A_541 = tpu.memref_slice %arg6[%add3A_404] : memref<335872xi32, #tpu.memory_space<hbm>> -> memref<64xi32, #tpu.memory_space<hbm>>
          %dma_start3A_542 = arith.constant 0 : i32
          %dma_start3A_543 = tpu.memref_slice %arg9[%run_scoped3A_406, %dma_start3A_542] : memref<2x64xi32, #tpu.memory_space<vmem>> -> memref<1x64xi32, #tpu.memory_space<vmem>>
          %dma_start3A_544 = tpu.memref_squeeze %dma_start3A_543 : memref<1x64xi32, #tpu.memory_space<vmem>> -> memref<64xi32, #tpu.memory_space<vmem>>
          %dma_start3A_545 = tpu.memref_slice %arg6[%add3A_404] : memref<335872xi32, #tpu.memory_space<hbm>> -> memref<64xi32, #tpu.memory_space<hbm>>
          tpu.enqueue_dma source(%dma_start3A_545 : memref<64xi32, #tpu.memory_space<hbm>>) target(%dma_start3A_544 : memref<64xi32, #tpu.memory_space<vmem>>) target_semaphore(%run_scoped3A_537 : memref<!tpu.dma_semaphore, #tpu.memory_space<semaphore_mem>>)
          %dma_wait3A_546 = arith.constant 0 : i32
          %dma_wait3A_547 = tpu.memref_slice %arg9[%run_scoped3A_406, %dma_wait3A_546] : memref<2x64xi32, #tpu.memory_space<vmem>> -> memref<1x64xi32, #tpu.memory_space<vmem>>
          %dma_wait3A_548 = tpu.memref_squeeze %dma_wait3A_547 : memref<1x64xi32, #tpu.memory_space<vmem>> -> memref<64xi32, #tpu.memory_space<vmem>>
          %dma_wait3A_549 = tpu.memref_slice %arg6[%add3A_404] : memref<335872xi32, #tpu.memory_space<hbm>> -> memref<64xi32, #tpu.memory_space<hbm>>
          %dma_wait3A_550 = arith.constant 0 : i32
          %dma_wait3A_551 = tpu.memref_slice %arg9[%run_scoped3A_406, %dma_wait3A_550] : memref<2x64xi32, #tpu.memory_space<vmem>> -> memref<1x64xi32, #tpu.memory_space<vmem>>
          %dma_wait3A_552 = tpu.memref_squeeze %dma_wait3A_551 : memref<1x64xi32, #tpu.memory_space<vmem>> -> memref<64xi32, #tpu.memory_space<vmem>>
          %dma_wait3A_553 = tpu.memref_slice %arg6[%add3A_404] : memref<335872xi32, #tpu.memory_space<hbm>> -> memref<64xi32, #tpu.memory_space<hbm>>
          tpu.wait_dma2 semaphore(%run_scoped3A_537 : memref<!tpu.dma_semaphore, #tpu.memory_space<semaphore_mem>>) src(%dma_wait3A_553 : memref<64xi32, #tpu.memory_space<hbm>>) dst(%dma_wait3A_552 : memref<64xi32, #tpu.memory_space<vmem>>)
          tpu.yield
        }) : () -> ()
        %mul3A_407 = arith.constant 10008 : i32
        %mul3A_408 = arith.muli %arg0, %mul3A_407 : i32
        %get3A_409 = arith.constant 1 : i32
        %get3A_410 = arith.index_cast %get3A_409 : i32 to index
        %get3A_411 = arith.constant 0 : index
        %get3A_412 = tpu.vector_load %arg8[%get3A_410, %get3A_411] {strides = array<i32>} : memref<2x64xi32, #tpu.memory_space<vmem>>, vector<1x16xi32>,
        %get3A_413 = vector.shape_cast %get3A_412 : vector<1x16xi32> to vector<16xi32>
        %add3A_414 = vector.broadcast %mul3A_408 : i32 to vector<16xi32>
        %add3A_415 = arith.addi %get3A_413, %add3A_414 : vector<16xi32>
        %swap3A_416 = arith.constant 1 : i32
        %swap3A_417 = arith.index_cast %swap3A_416 : i32 to index
        %swap3A_418 = arith.constant 0 : index
        %swap3A_419 = tpu.vector_load %arg8[%swap3A_417, %swap3A_418] {strides = array<i32>} : memref<2x64xi32, #tpu.memory_space<vmem>>, vector<1x16xi32>,
        %swap3A_420 = vector.shape_cast %swap3A_419 : vector<1x16xi32> to vector<16xi32>
        %swap3A_421 = vector.shape_cast %add3A_415 : vector<16xi32> to vector<1x16xi32>
        tpu.vector_store %arg8[%swap3A_417, %swap3A_418], %swap3A_421 {strides = array<i32>} : memref<2x64xi32, #tpu.memory_space<vmem>>, vector<1x16xi32>,
        %get3A_422 = arith.constant 1 : i32
        %get3A_423 = arith.index_cast %get3A_422 : i32 to index
        %get3A_424 = arith.constant 0 : index
        %get3A_425 = tpu.vector_load %arg9[%get3A_423, %get3A_424] {strides = array<i32>} : memref<2x64xi32, #tpu.memory_space<vmem>>, vector<1x16xi32>,
        %get3A_426 = vector.shape_cast %get3A_425 : vector<1x16xi32> to vector<16xi32>
        %add3A_427 = vector.broadcast %mul3A_408 : i32 to vector<16xi32>
        %add3A_428 = arith.addi %get3A_426, %add3A_427 : vector<16xi32>
        %swap3A_429 = arith.constant 1 : i32
        %swap3A_430 = arith.index_cast %swap3A_429 : i32 to index
        %swap3A_431 = arith.constant 0 : index
        %swap3A_432 = tpu.vector_load %arg10[%swap3A_430, %swap3A_431] {strides = array<i32>} : memref<2x64xi32, #tpu.memory_space<vmem>>, vector<1x16xi32>,
        %swap3A_433 = vector.shape_cast %swap3A_432 : vector<1x16xi32> to vector<16xi32>
        %swap3A_434 = vector.shape_cast %add3A_428 : vector<16xi32> to vector<1x16xi32>
        tpu.vector_store %arg10[%swap3A_430, %swap3A_431], %swap3A_434 {strides = array<i32>} : memref<2x64xi32, #tpu.memory_space<vmem>>, vector<1x16xi32>,
        %get3A_435 = arith.constant 1 : i32
        %get3A_436 = arith.index_cast %get3A_435 : i32 to index
        %get3A_437 = arith.constant 16 : index
        %get3A_438 = tpu.vector_load %arg8[%get3A_436, %get3A_437] {strides = array<i32>} : memref<2x64xi32, #tpu.memory_space<vmem>>, vector<1x16xi32>,
        %get3A_439 = vector.shape_cast %get3A_438 : vector<1x16xi32> to vector<16xi32>
        %add3A_440 = vector.broadcast %mul3A_408 : i32 to vector<16xi32>
        %add3A_441 = arith.addi %get3A_439, %add3A_440 : vector<16xi32>
        %swap3A_442 = arith.constant 1 : i32
        %swap3A_443 = arith.index_cast %swap3A_442 : i32 to index
        %swap3A_444 = arith.constant 16 : index
        %swap3A_445 = tpu.vector_load %arg8[%swap3A_443, %swap3A_444] {strides = array<i32>} : memref<2x64xi32, #tpu.memory_space<vmem>>, vector<1x16xi32>,
        %swap3A_446 = vector.shape_cast %swap3A_445 : vector<1x16xi32> to vector<16xi32>
        %swap3A_447 = vector.shape_cast %add3A_441 : vector<16xi32> to vector<1x16xi32>
        tpu.vector_store %arg8[%swap3A_443, %swap3A_444], %swap3A_447 {strides = array<i32>} : memref<2x64xi32, #tpu.memory_space<vmem>>, vector<1x16xi32>,
        %get3A_448 = arith.constant 1 : i32
        %get3A_449 = arith.index_cast %get3A_448 : i32 to index
        %get3A_450 = arith.constant 16 : index
        %get3A_451 = tpu.vector_load %arg9[%get3A_449, %get3A_450] {strides = array<i32>} : memref<2x64xi32, #tpu.memory_space<vmem>>, vector<1x16xi32>,
        %get3A_452 = vector.shape_cast %get3A_451 : vector<1x16xi32> to vector<16xi32>
        %add3A_453 = vector.broadcast %mul3A_408 : i32 to vector<16xi32>
        %add3A_454 = arith.addi %get3A_452, %add3A_453 : vector<16xi32>
        %swap3A_455 = arith.constant 1 : i32
        %swap3A_456 = arith.index_cast %swap3A_455 : i32 to index
        %swap3A_457 = arith.constant 16 : index
        %swap3A_458 = tpu.vector_load %arg10[%swap3A_456, %swap3A_457] {strides = array<i32>} : memref<2x64xi32, #tpu.memory_space<vmem>>, vector<1x16xi32>,
        %swap3A_459 = vector.shape_cast %swap3A_458 : vector<1x16xi32> to vector<16xi32>
        %swap3A_460 = vector.shape_cast %add3A_454 : vector<16xi32> to vector<1x16xi32>
        tpu.vector_store %arg10[%swap3A_456, %swap3A_457], %swap3A_460 {strides = array<i32>} : memref<2x64xi32, #tpu.memory_space<vmem>>, vector<1x16xi32>,
        %get3A_461 = arith.constant 1 : i32
        %get3A_462 = arith.index_cast %get3A_461 : i32 to index
        %get3A_463 = arith.constant 32 : index
        %get3A_464 = tpu.vector_load %arg8[%get3A_462, %get3A_463] {strides = array<i32>} : memref<2x64xi32, #tpu.memory_space<vmem>>, vector<1x16xi32>,
        %get3A_465 = vector.shape_cast %get3A_464 : vector<1x16xi32> to vector<16xi32>
        %add3A_466 = vector.broadcast %mul3A_408 : i32 to vector<16xi32>
        %add3A_467 = arith.addi %get3A_465, %add3A_466 : vector<16xi32>
        %swap3A_468 = arith.constant 1 : i32
        %swap3A_469 = arith.index_cast %swap3A_468 : i32 to index
        %swap3A_470 = arith.constant 32 : index
        %swap3A_471 = tpu.vector_load %arg8[%swap3A_469, %swap3A_470] {strides = array<i32>} : memref<2x64xi32, #tpu.memory_space<vmem>>, vector<1x16xi32>,
        %swap3A_472 = vector.shape_cast %swap3A_471 : vector<1x16xi32> to vector<16xi32>
        %swap3A_473 = vector.shape_cast %add3A_467 : vector<16xi32> to vector<1x16xi32>
        tpu.vector_store %arg8[%swap3A_469, %swap3A_470], %swap3A_473 {strides = array<i32>} : memref<2x64xi32, #tpu.memory_space<vmem>>, vector<1x16xi32>,
        %get3A_474 = arith.constant 1 : i32
        %get3A_475 = arith.index_cast %get3A_474 : i32 to index
        %get3A_476 = arith.constant 32 : index
        %get3A_477 = tpu.vector_load %arg9[%get3A_475, %get3A_476] {strides = array<i32>} : memref<2x64xi32, #tpu.memory_space<vmem>>, vector<1x16xi32>,
        %get3A_478 = vector.shape_cast %get3A_477 : vector<1x16xi32> to vector<16xi32>
        %add3A_479 = vector.broadcast %mul3A_408 : i32 to vector<16xi32>
        %add3A_480 = arith.addi %get3A_478, %add3A_479 : vector<16xi32>
        %swap3A_481 = arith.constant 1 : i32
        %swap3A_482 = arith.index_cast %swap3A_481 : i32 to index
        %swap3A_483 = arith.constant 32 : index
        %swap3A_484 = tpu.vector_load %arg10[%swap3A_482, %swap3A_483] {strides = array<i32>} : memref<2x64xi32, #tpu.memory_space<vmem>>, vector<1x16xi32>,
        %swap3A_485 = vector.shape_cast %swap3A_484 : vector<1x16xi32> to vector<16xi32>
        %swap3A_486 = vector.shape_cast %add3A_480 : vector<16xi32> to vector<1x16xi32>
        tpu.vector_store %arg10[%swap3A_482, %swap3A_483], %swap3A_486 {strides = array<i32>} : memref<2x64xi32, #tpu.memory_space<vmem>>, vector<1x16xi32>,
        %get3A_487 = arith.constant 1 : i32
        %get3A_488 = arith.index_cast %get3A_487 : i32 to index
        %get3A_489 = arith.constant 48 : index
        %get3A_490 = tpu.vector_load %arg8[%get3A_488, %get3A_489] {strides = array<i32>} : memref<2x64xi32, #tpu.memory_space<vmem>>, vector<1x16xi32>,
        %get3A_491 = vector.shape_cast %get3A_490 : vector<1x16xi32> to vector<16xi32>
        %add3A_492 = vector.broadcast %mul3A_408 : i32 to vector<16xi32>
        %add3A_493 = arith.addi %get3A_491, %add3A_492 : vector<16xi32>
        %swap3A_494 = arith.constant 1 : i32
        %swap3A_495 = arith.index_cast %swap3A_494 : i32 to index
        %swap3A_496 = arith.constant 48 : index
        %swap3A_497 = tpu.vector_load %arg8[%swap3A_495, %swap3A_496] {strides = array<i32>} : memref<2x64xi32, #tpu.memory_space<vmem>>, vector<1x16xi32>,
        %swap3A_498 = vector.shape_cast %swap3A_497 : vector<1x16xi32> to vector<16xi32>
        %swap3A_499 = vector.shape_cast %add3A_493 : vector<16xi32> to vector<1x16xi32>
        tpu.vector_store %arg8[%swap3A_495, %swap3A_496], %swap3A_499 {strides = array<i32>} : memref<2x64xi32, #tpu.memory_space<vmem>>, vector<1x16xi32>,
        %get3A_500 = arith.constant 1 : i32
        %get3A_501 = arith.index_cast %get3A_500 : i32 to index
        %get3A_502 = arith.constant 48 : index
        %get3A_503 = tpu.vector_load %arg9[%get3A_501, %get3A_502] {strides = array<i32>} : memref<2x64xi32, #tpu.memory_space<vmem>>, vector<1x16xi32>,
        %get3A_504 = vector.shape_cast %get3A_503 : vector<1x16xi32> to vector<16xi32>
        %add3A_505 = vector.broadcast %mul3A_408 : i32 to vector<16xi32>
        %add3A_506 = arith.addi %get3A_504, %add3A_505 : vector<16xi32>
        %swap3A_507 = arith.constant 1 : i32
        %swap3A_508 = arith.index_cast %swap3A_507 : i32 to index
        %swap3A_509 = arith.constant 48 : index
        %swap3A_510 = tpu.vector_load %arg10[%swap3A_508, %swap3A_509] {strides = array<i32>} : memref<2x64xi32, #tpu.memory_space<vmem>>, vector<1x16xi32>,
        %swap3A_511 = vector.shape_cast %swap3A_510 : vector<1x16xi32> to vector<16xi32>
        %swap3A_512 = vector.shape_cast %add3A_506 : vector<16xi32> to vector<1x16xi32>
        tpu.vector_store %arg10[%swap3A_508, %swap3A_509], %swap3A_512 {strides = array<i32>} : memref<2x64xi32, #tpu.memory_space<vmem>>, vector<1x16xi32>,
        %dma_start3A_513 = arith.constant 1 : i32
        %dma_start3A_514 = arith.constant 1 : i32
        %dma_start3A_515 = arith.constant 0 : i32
        %dma_start3A_516 = arith.constant 0 : i32
        %dma_start3A_517 = tpu.memref_slice %arg11[%dma_start3A_514, %dma_start3A_515, %dma_start3A_516] : memref<2x64x144xf32, #tpu.memory_space<vmem>> -> memref<1x64x144xf32, #tpu.memory_space<vmem>>
        %dma_start3A_518 = tpu.memref_squeeze %dma_start3A_517 : memref<1x64x144xf32, #tpu.memory_space<vmem>> -> memref<64x144xf32, #tpu.memory_space<vmem>>
        %dma_start3A_519 = arith.constant 0 : i32
        %dma_start3A_520 = tpu.memref_slice %arg8[%dma_start3A_513, %dma_start3A_519] : memref<2x64xi32, #tpu.memory_space<vmem>> -> memref<1x64xi32, #tpu.memory_space<vmem>>
        %dma_start3A_521 = tpu.memref_squeeze %dma_start3A_520 : memref<1x64xi32, #tpu.memory_space<vmem>> -> memref<64xi32, #tpu.memory_space<vmem>>
        %dma_start3A_522 = arith.constant 0 : i32
        %dma_start3A_523 = arith.constant 0 : i32
        %dma_start3A_524 = tpu.memref_slice %arg2[%dma_start3A_522, %dma_start3A_523] : memref<20016x144xf32, #tpu.memory_space<hbm>> -> memref<20016x144xf32, #tpu.memory_space<hbm>>
        tpu.enqueue_indirect_dma source(%dma_start3A_524 : memref<20016x144xf32, #tpu.memory_space<hbm>>) target(%dma_start3A_518 : memref<64x144xf32, #tpu.memory_space<vmem>>) offsets(%dma_start3A_521 : memref<64xi32, #tpu.memory_space<vmem>>) semaphore(%arg17 : memref<!tpu.dma_semaphore, #tpu.memory_space<semaphore_mem>>)
        %dma_start3A_525 = arith.constant 1 : i32
        %dma_start3A_526 = arith.constant 1 : i32
        %dma_start3A_527 = arith.constant 0 : i32
        %dma_start3A_528 = arith.constant 0 : i32
        %dma_start3A_529 = tpu.memref_slice %arg13[%dma_start3A_526, %dma_start3A_527, %dma_start3A_528] : memref<2x64x16xf32, #tpu.memory_space<vmem>> -> memref<1x64x16xf32, #tpu.memory_space<vmem>>
        %dma_start3A_530 = tpu.memref_squeeze %dma_start3A_529 : memref<1x64x16xf32, #tpu.memory_space<vmem>> -> memref<64x16xf32, #tpu.memory_space<vmem>>
        %dma_start3A_531 = arith.constant 0 : i32
        %dma_start3A_532 = tpu.memref_slice %arg10[%dma_start3A_525, %dma_start3A_531] : memref<2x64xi32, #tpu.memory_space<vmem>> -> memref<1x64xi32, #tpu.memory_space<vmem>>
        %dma_start3A_533 = tpu.memref_squeeze %dma_start3A_532 : memref<1x64xi32, #tpu.memory_space<vmem>> -> memref<64xi32, #tpu.memory_space<vmem>>
        %dma_start3A_534 = arith.constant 0 : i32
        %dma_start3A_535 = arith.constant 0 : i32
        %dma_start3A_536 = tpu.memref_slice %arg3[%dma_start3A_534, %dma_start3A_535] : memref<20016x16xf32, #tpu.memory_space<hbm>> -> memref<20016x16xf32, #tpu.memory_space<hbm>>
        tpu.enqueue_indirect_dma source(%dma_start3A_536 : memref<20016x16xf32, #tpu.memory_space<hbm>>) target(%dma_start3A_530 : memref<64x16xf32, #tpu.memory_space<vmem>>) offsets(%dma_start3A_533 : memref<64xi32, #tpu.memory_space<vmem>>) semaphore(%arg17 : memref<!tpu.dma_semaphore, #tpu.memory_space<semaphore_mem>>)
      } else {
      }
    }
    %scan3A_313 = arith.constant 164 : i32
    %barrier3A_314 = arith.constant 0 : index
    tpu.barrier barrier_id(%barrier3A_314)
    %mul3A_315 = arith.constant 632 : i32
    %mul3A_316 = arith.muli %arg1, %mul3A_315 : i32
    %mul3A_317 = arith.constant 10112 : i32
    %mul3A_318 = arith.muli %arg0, %mul3A_317 : i32
    %mul3A_319 = arith.constant 632 : i32
    %mul3A_320 = arith.muli %arg1, %mul3A_319 : i32
    %add3A_321 = arith.addi %mul3A_318, %mul3A_320 : i32
    "tpu.region"() ({
      %run_scoped3A_322 = tpu.sem_alloc : memref<!tpu.dma_semaphore, #tpu.memory_space<semaphore_mem>>
      %dma_start3A_323 = arith.constant 0 : i32
      %dma_start3A_324 = tpu.memref_slice %arg7[%add3A_321, %dma_start3A_323] : memref<20224x144xf32, #tpu.memory_space<hbm>> -> memref<632x144xf32, #tpu.memory_space<hbm>>
      %dma_start3A_325 = arith.constant 0 : i32
      %dma_start3A_326 = tpu.memref_slice %arg15[%mul3A_316, %dma_start3A_325] : memref<10112x144xf32, #tpu.memory_space<vmem_shared>> -> memref<632x144xf32, #tpu.memory_space<vmem_shared>>
      tpu.enqueue_dma source(%dma_start3A_326 : memref<632x144xf32, #tpu.memory_space<vmem_shared>>) target(%dma_start3A_324 : memref<632x144xf32, #tpu.memory_space<hbm>>) target_semaphore(%run_scoped3A_322 : memref<!tpu.dma_semaphore, #tpu.memory_space<semaphore_mem>>)
      %dma_wait3A = arith.constant 0 : i32
      %dma_wait3A_327 = tpu.memref_slice %arg7[%add3A_321, %dma_wait3A] : memref<20224x144xf32, #tpu.memory_space<hbm>> -> memref<632x144xf32, #tpu.memory_space<hbm>>
      %dma_wait3A_328 = arith.constant 0 : i32
      %dma_wait3A_329 = tpu.memref_slice %arg15[%mul3A_316, %dma_wait3A_328] : memref<10112x144xf32, #tpu.memory_space<vmem_shared>> -> memref<632x144xf32, #tpu.memory_space<vmem_shared>>
      tpu.wait_dma2 semaphore(%run_scoped3A_322 : memref<!tpu.dma_semaphore, #tpu.memory_space<semaphore_mem>>) src(%dma_wait3A_329 : memref<632x144xf32, #tpu.memory_space<vmem_shared>>) dst(%dma_wait3A_327 : memref<632x144xf32, #tpu.memory_space<hbm>>)
      tpu.yield
    }) : () -> ()
    return
  }
}

#map = affine_map<(d0, d1) -> (0, 0)>
#map1 = affine_map<(d0, d1) -> (0)>
module attributes {stable_mosaic.version = 14 : i64} {
  func.func @k(%arg0: i32, %arg1: i32, %arg2: memref<10008x144xf32, #tpu.memory_space<hbm>>, %arg3: memref<10008x16xf32, #tpu.memory_space<hbm>>, %arg4: memref<2x16xf32, #tpu.memory_space<hbm>>, %arg5: memref<335872xi32, #tpu.memory_space<hbm>>, %arg6: memref<335872xi32, #tpu.memory_space<hbm>>, %arg7: memref<20224x144xf32, #tpu.memory_space<hbm>>, %arg8: memref<2x64xi32, #tpu.memory_space<vmem>>, %arg9: memref<2x64xi32, #tpu.memory_space<vmem>>, %arg10: memref<2x64xi32, #tpu.memory_space<vmem>>, %arg11: memref<2x64x144xf32, #tpu.memory_space<vmem>>, %arg12: memref<64x144xf32, #tpu.memory_space<vmem>>, %arg13: memref<2x64x16xf32, #tpu.memory_space<vmem>>, %arg14: memref<16xf32, #tpu.memory_space<vmem>>, %arg15: memref<10112x144xf32, #tpu.memory_space<vmem_shared>>, %arg16: memref<!tpu.dma_semaphore, #tpu.memory_space<semaphore_mem>>, %arg17: memref<!tpu.dma_semaphore, #tpu.memory_space<semaphore_mem>>) attributes {dimension_semantics = [#tpu.dimension_semantics<core_parallel>, #tpu.dimension_semantics<subcore_parallel>], iteration_bounds = array<i64: 2, 16>, scalar_prefetch = 0 : i64, scratch_operands = 10 : i64, tpu.core_type = #tpu.core_type<sc_vector_subcore>, window_params = [{transform_indices = #map}, {transform_indices = #map}, {transform_indices = #map}, {transform_indices = #map1}, {transform_indices = #map1}, {transform_indices = #map}]} {
    %broadcast_in_dim3A = arith.constant 0.000000e+00 : f32
    %broadcast_in_dim3A_0 = vector.broadcast %broadcast_in_dim3A : f32 to vector<16xf32>
    %scan3A = arith.constant 0 : i32
    %scan3A_1 = arith.constant 64 : i32
    %scan3A_2 = arith.addi %scan3A, %scan3A_1 : i32
    %scan3A_3 = arith.constant 1 : i32
    scf.for %scan3A_115 = %scan3A to %scan3A_2 step %scan3A_3  : i32 {
      %mul3A_116 = arith.constant 1 : i32
      %mul3A_117 = arith.muli %scan3A_115, %mul3A_116 : i32
      %add3A_118 = arith.constant 0 : i32
      %add3A_119 = arith.addi %add3A_118, %mul3A_117 : i32
      %swap3A = arith.index_cast %add3A_119 : i32 to index
      %swap3A_120 = arith.constant 0 : index
      %swap3A_121 = tpu.vector_load %arg12[%swap3A, %swap3A_120] {strides = array<i32>} : memref<64x144xf32, #tpu.memory_space<vmem>>, vector<1x16xf32>,
      %swap3A_122 = vector.shape_cast %swap3A_121 : vector<1x16xf32> to vector<16xf32>
      %swap3A_123 = vector.shape_cast %broadcast_in_dim3A_0 : vector<16xf32> to vector<1x16xf32>
      tpu.vector_store %arg12[%swap3A, %swap3A_120], %swap3A_123 {strides = array<i32>} : memref<64x144xf32, #tpu.memory_space<vmem>>, vector<1x16xf32>,
      %swap3A_124 = arith.index_cast %add3A_119 : i32 to index
      %swap3A_125 = arith.constant 16 : index
      %swap3A_126 = tpu.vector_load %arg12[%swap3A_124, %swap3A_125] {strides = array<i32>} : memref<64x144xf32, #tpu.memory_space<vmem>>, vector<1x16xf32>,
      %swap3A_127 = vector.shape_cast %swap3A_126 : vector<1x16xf32> to vector<16xf32>
      %swap3A_128 = vector.shape_cast %broadcast_in_dim3A_0 : vector<16xf32> to vector<1x16xf32>
      tpu.vector_store %arg12[%swap3A_124, %swap3A_125], %swap3A_128 {strides = array<i32>} : memref<64x144xf32, #tpu.memory_space<vmem>>, vector<1x16xf32>,
      %swap3A_129 = arith.index_cast %add3A_119 : i32 to index
      %swap3A_130 = arith.constant 32 : index
      %swap3A_131 = tpu.vector_load %arg12[%swap3A_129, %swap3A_130] {strides = array<i32>} : memref<64x144xf32, #tpu.memory_space<vmem>>, vector<1x16xf32>,
      %swap3A_132 = vector.shape_cast %swap3A_131 : vector<1x16xf32> to vector<16xf32>
      %swap3A_133 = vector.shape_cast %broadcast_in_dim3A_0 : vector<16xf32> to vector<1x16xf32>
      tpu.vector_store %arg12[%swap3A_129, %swap3A_130], %swap3A_133 {strides = array<i32>} : memref<64x144xf32, #tpu.memory_space<vmem>>, vector<1x16xf32>,
      %swap3A_134 = arith.index_cast %add3A_119 : i32 to index
      %swap3A_135 = arith.constant 48 : index
      %swap3A_136 = tpu.vector_load %arg12[%swap3A_134, %swap3A_135] {strides = array<i32>} : memref<64x144xf32, #tpu.memory_space<vmem>>, vector<1x16xf32>,
      %swap3A_137 = vector.shape_cast %swap3A_136 : vector<1x16xf32> to vector<16xf32>
      %swap3A_138 = vector.shape_cast %broadcast_in_dim3A_0 : vector<16xf32> to vector<1x16xf32>
      tpu.vector_store %arg12[%swap3A_134, %swap3A_135], %swap3A_138 {strides = array<i32>} : memref<64x144xf32, #tpu.memory_space<vmem>>, vector<1x16xf32>,
      %swap3A_139 = arith.index_cast %add3A_119 : i32 to index
      %swap3A_140 = arith.constant 64 : index
      %swap3A_141 = tpu.vector_load %arg12[%swap3A_139, %swap3A_140] {strides = array<i32>} : memref<64x144xf32, #tpu.memory_space<vmem>>, vector<1x16xf32>,
      %swap3A_142 = vector.shape_cast %swap3A_141 : vector<1x16xf32> to vector<16xf32>
      %swap3A_143 = vector.shape_cast %broadcast_in_dim3A_0 : vector<16xf32> to vector<1x16xf32>
      tpu.vector_store %arg12[%swap3A_139, %swap3A_140], %swap3A_143 {strides = array<i32>} : memref<64x144xf32, #tpu.memory_space<vmem>>, vector<1x16xf32>,
      %swap3A_144 = arith.index_cast %add3A_119 : i32 to index
      %swap3A_145 = arith.constant 80 : index
      %swap3A_146 = tpu.vector_load %arg12[%swap3A_144, %swap3A_145] {strides = array<i32>} : memref<64x144xf32, #tpu.memory_space<vmem>>, vector<1x16xf32>,
      %swap3A_147 = vector.shape_cast %swap3A_146 : vector<1x16xf32> to vector<16xf32>
      %swap3A_148 = vector.shape_cast %broadcast_in_dim3A_0 : vector<16xf32> to vector<1x16xf32>
      tpu.vector_store %arg12[%swap3A_144, %swap3A_145], %swap3A_148 {strides = array<i32>} : memref<64x144xf32, #tpu.memory_space<vmem>>, vector<1x16xf32>,
      %swap3A_149 = arith.index_cast %add3A_119 : i32 to index
      %swap3A_150 = arith.constant 96 : index
      %swap3A_151 = tpu.vector_load %arg12[%swap3A_149, %swap3A_150] {strides = array<i32>} : memref<64x144xf32, #tpu.memory_space<vmem>>, vector<1x16xf32>,
      %swap3A_152 = vector.shape_cast %swap3A_151 : vector<1x16xf32> to vector<16xf32>
      %swap3A_153 = vector.shape_cast %broadcast_in_dim3A_0 : vector<16xf32> to vector<1x16xf32>
      tpu.vector_store %arg12[%swap3A_149, %swap3A_150], %swap3A_153 {strides = array<i32>} : memref<64x144xf32, #tpu.memory_space<vmem>>, vector<1x16xf32>,
      %swap3A_154 = arith.index_cast %add3A_119 : i32 to index
      %swap3A_155 = arith.constant 112 : index
      %swap3A_156 = tpu.vector_load %arg12[%swap3A_154, %swap3A_155] {strides = array<i32>} : memref<64x144xf32, #tpu.memory_space<vmem>>, vector<1x16xf32>,
      %swap3A_157 = vector.shape_cast %swap3A_156 : vector<1x16xf32> to vector<16xf32>
      %swap3A_158 = vector.shape_cast %broadcast_in_dim3A_0 : vector<16xf32> to vector<1x16xf32>
      tpu.vector_store %arg12[%swap3A_154, %swap3A_155], %swap3A_158 {strides = array<i32>} : memref<64x144xf32, #tpu.memory_space<vmem>>, vector<1x16xf32>,
      %swap3A_159 = arith.index_cast %add3A_119 : i32 to index
      %swap3A_160 = arith.constant 128 : index
      %swap3A_161 = tpu.vector_load %arg12[%swap3A_159, %swap3A_160] {strides = array<i32>} : memref<64x144xf32, #tpu.memory_space<vmem>>, vector<1x16xf32>,
      %swap3A_162 = vector.shape_cast %swap3A_161 : vector<1x16xf32> to vector<16xf32>
      %swap3A_163 = vector.shape_cast %broadcast_in_dim3A_0 : vector<16xf32> to vector<1x16xf32>
      tpu.vector_store %arg12[%swap3A_159, %swap3A_160], %swap3A_163 {strides = array<i32>} : memref<64x144xf32, #tpu.memory_space<vmem>>, vector<1x16xf32>,
    }
    %scan3A_4 = arith.constant 64 : i32
    %mul3A = arith.constant 632 : i32
    %mul3A_5 = arith.muli %arg1, %mul3A : i32
    %add3A = arith.constant 0 : i32
    %add3A_6 = arith.addi %mul3A_5, %add3A : i32
    "tpu.region"() ({
      %run_scoped3A_115 = tpu.sem_alloc : memref<!tpu.dma_semaphore, #tpu.memory_space<semaphore_mem>>
      %dma_start3A_116 = arith.constant 0 : i32
      %dma_start3A_117 = tpu.memref_slice %arg15[%add3A_6, %dma_start3A_116] : memref<10112x144xf32, #tpu.memory_space<vmem_shared>> -> memref<64x144xf32, #tpu.memory_space<vmem_shared>>
      %dma_start3A_118 = arith.constant 0 : i32
      %dma_start3A_119 = tpu.memref_slice %arg15[%add3A_6, %dma_start3A_118] : memref<10112x144xf32, #tpu.memory_space<vmem_shared>> -> memref<64x144xf32, #tpu.memory_space<vmem_shared>>
      tpu.enqueue_dma source(%arg12 : memref<64x144xf32, #tpu.memory_space<vmem>>) target(%dma_start3A_119 : memref<64x144xf32, #tpu.memory_space<vmem_shared>>) target_semaphore(%run_scoped3A_115 : memref<!tpu.dma_semaphore, #tpu.memory_space<semaphore_mem>>)
      %dma_wait3A = arith.constant 0 : i32
      %dma_wait3A_120 = tpu.memref_slice %arg15[%add3A_6, %dma_wait3A] : memref<10112x144xf32, #tpu.memory_space<vmem_shared>> -> memref<64x144xf32, #tpu.memory_space<vmem_shared>>
      %dma_wait3A_121 = arith.constant 0 : i32
      %dma_wait3A_122 = tpu.memref_slice %arg15[%add3A_6, %dma_wait3A_121] : memref<10112x144xf32, #tpu.memory_space<vmem_shared>> -> memref<64x144xf32, #tpu.memory_space<vmem_shared>>
      tpu.wait_dma2 semaphore(%run_scoped3A_115 : memref<!tpu.dma_semaphore, #tpu.memory_space<semaphore_mem>>) src(%arg12 : memref<64x144xf32, #tpu.memory_space<vmem>>) dst(%dma_wait3A_122 : memref<64x144xf32, #tpu.memory_space<vmem_shared>>)
      tpu.yield
    }) : () -> ()
    %mul3A_7 = arith.constant 632 : i32
    %mul3A_8 = arith.muli %arg1, %mul3A_7 : i32
    %add3A_9 = arith.constant 64 : i32
    %add3A_10 = arith.addi %mul3A_8, %add3A_9 : i32
    "tpu.region"() ({
      %run_scoped3A_115 = tpu.sem_alloc : memref<!tpu.dma_semaphore, #tpu.memory_space<semaphore_mem>>
      %dma_start3A_116 = arith.constant 0 : i32
      %dma_start3A_117 = tpu.memref_slice %arg15[%add3A_10, %dma_start3A_116] : memref<10112x144xf32, #tpu.memory_space<vmem_shared>> -> memref<64x144xf32, #tpu.memory_space<vmem_shared>>
      %dma_start3A_118 = arith.constant 0 : i32
      %dma_start3A_119 = tpu.memref_slice %arg15[%add3A_10, %dma_start3A_118] : memref<10112x144xf32, #tpu.memory_space<vmem_shared>> -> memref<64x144xf32, #tpu.memory_space<vmem_shared>>
      tpu.enqueue_dma source(%arg12 : memref<64x144xf32, #tpu.memory_space<vmem>>) target(%dma_start3A_119 : memref<64x144xf32, #tpu.memory_space<vmem_shared>>) target_semaphore(%run_scoped3A_115 : memref<!tpu.dma_semaphore, #tpu.memory_space<semaphore_mem>>)
      %dma_wait3A = arith.constant 0 : i32
      %dma_wait3A_120 = tpu.memref_slice %arg15[%add3A_10, %dma_wait3A] : memref<10112x144xf32, #tpu.memory_space<vmem_shared>> -> memref<64x144xf32, #tpu.memory_space<vmem_shared>>
      %dma_wait3A_121 = arith.constant 0 : i32
      %dma_wait3A_122 = tpu.memref_slice %arg15[%add3A_10, %dma_wait3A_121] : memref<10112x144xf32, #tpu.memory_space<vmem_shared>> -> memref<64x144xf32, #tpu.memory_space<vmem_shared>>
      tpu.wait_dma2 semaphore(%run_scoped3A_115 : memref<!tpu.dma_semaphore, #tpu.memory_space<semaphore_mem>>) src(%arg12 : memref<64x144xf32, #tpu.memory_space<vmem>>) dst(%dma_wait3A_122 : memref<64x144xf32, #tpu.memory_space<vmem_shared>>)
      tpu.yield
    }) : () -> ()
    %mul3A_11 = arith.constant 632 : i32
    %mul3A_12 = arith.muli %arg1, %mul3A_11 : i32
    %add3A_13 = arith.constant 128 : i32
    %add3A_14 = arith.addi %mul3A_12, %add3A_13 : i32
    "tpu.region"() ({
      %run_scoped3A_115 = tpu.sem_alloc : memref<!tpu.dma_semaphore, #tpu.memory_space<semaphore_mem>>
      %dma_start3A_116 = arith.constant 0 : i32
      %dma_start3A_117 = tpu.memref_slice %arg15[%add3A_14, %dma_start3A_116] : memref<10112x144xf32, #tpu.memory_space<vmem_shared>> -> memref<64x144xf32, #tpu.memory_space<vmem_shared>>
      %dma_start3A_118 = arith.constant 0 : i32
      %dma_start3A_119 = tpu.memref_slice %arg15[%add3A_14, %dma_start3A_118] : memref<10112x144xf32, #tpu.memory_space<vmem_shared>> -> memref<64x144xf32, #tpu.memory_space<vmem_shared>>
      tpu.enqueue_dma source(%arg12 : memref<64x144xf32, #tpu.memory_space<vmem>>) target(%dma_start3A_119 : memref<64x144xf32, #tpu.memory_space<vmem_shared>>) target_semaphore(%run_scoped3A_115 : memref<!tpu.dma_semaphore, #tpu.memory_space<semaphore_mem>>)
      %dma_wait3A = arith.constant 0 : i32
      %dma_wait3A_120 = tpu.memref_slice %arg15[%add3A_14, %dma_wait3A] : memref<10112x144xf32, #tpu.memory_space<vmem_shared>> -> memref<64x144xf32, #tpu.memory_space<vmem_shared>>
      %dma_wait3A_121 = arith.constant 0 : i32
      %dma_wait3A_122 = tpu.memref_slice %arg15[%add3A_14, %dma_wait3A_121] : memref<10112x144xf32, #tpu.memory_space<vmem_shared>> -> memref<64x144xf32, #tpu.memory_space<vmem_shared>>
      tpu.wait_dma2 semaphore(%run_scoped3A_115 : memref<!tpu.dma_semaphore, #tpu.memory_space<semaphore_mem>>) src(%arg12 : memref<64x144xf32, #tpu.memory_space<vmem>>) dst(%dma_wait3A_122 : memref<64x144xf32, #tpu.memory_space<vmem_shared>>)
      tpu.yield
    }) : () -> ()
    %mul3A_15 = arith.constant 632 : i32
    %mul3A_16 = arith.muli %arg1, %mul3A_15 : i32
    %add3A_17 = arith.constant 192 : i32
    %add3A_18 = arith.addi %mul3A_16, %add3A_17 : i32
    "tpu.region"() ({
      %run_scoped3A_115 = tpu.sem_alloc : memref<!tpu.dma_semaphore, #tpu.memory_space<semaphore_mem>>
      %dma_start3A_116 = arith.constant 0 : i32
      %dma_start3A_117 = tpu.memref_slice %arg15[%add3A_18, %dma_start3A_116] : memref<10112x144xf32, #tpu.memory_space<vmem_shared>> -> memref<64x144xf32, #tpu.memory_space<vmem_shared>>
      %dma_start3A_118 = arith.constant 0 : i32
      %dma_start3A_119 = tpu.memref_slice %arg15[%add3A_18, %dma_start3A_118] : memref<10112x144xf32, #tpu.memory_space<vmem_shared>> -> memref<64x144xf32, #tpu.memory_space<vmem_shared>>
      tpu.enqueue_dma source(%arg12 : memref<64x144xf32, #tpu.memory_space<vmem>>) target(%dma_start3A_119 : memref<64x144xf32, #tpu.memory_space<vmem_shared>>) target_semaphore(%run_scoped3A_115 : memref<!tpu.dma_semaphore, #tpu.memory_space<semaphore_mem>>)
      %dma_wait3A = arith.constant 0 : i32
      %dma_wait3A_120 = tpu.memref_slice %arg15[%add3A_18, %dma_wait3A] : memref<10112x144xf32, #tpu.memory_space<vmem_shared>> -> memref<64x144xf32, #tpu.memory_space<vmem_shared>>
      %dma_wait3A_121 = arith.constant 0 : i32
      %dma_wait3A_122 = tpu.memref_slice %arg15[%add3A_18, %dma_wait3A_121] : memref<10112x144xf32, #tpu.memory_space<vmem_shared>> -> memref<64x144xf32, #tpu.memory_space<vmem_shared>>
      tpu.wait_dma2 semaphore(%run_scoped3A_115 : memref<!tpu.dma_semaphore, #tpu.memory_space<semaphore_mem>>) src(%arg12 : memref<64x144xf32, #tpu.memory_space<vmem>>) dst(%dma_wait3A_122 : memref<64x144xf32, #tpu.memory_space<vmem_shared>>)
      tpu.yield
    }) : () -> ()
    %mul3A_19 = arith.constant 632 : i32
    %mul3A_20 = arith.muli %arg1, %mul3A_19 : i32
    %add3A_21 = arith.constant 256 : i32
    %add3A_22 = arith.addi %mul3A_20, %add3A_21 : i32
    "tpu.region"() ({
      %run_scoped3A_115 = tpu.sem_alloc : memref<!tpu.dma_semaphore, #tpu.memory_space<semaphore_mem>>
      %dma_start3A_116 = arith.constant 0 : i32
      %dma_start3A_117 = tpu.memref_slice %arg15[%add3A_22, %dma_start3A_116] : memref<10112x144xf32, #tpu.memory_space<vmem_shared>> -> memref<64x144xf32, #tpu.memory_space<vmem_shared>>
      %dma_start3A_118 = arith.constant 0 : i32
      %dma_start3A_119 = tpu.memref_slice %arg15[%add3A_22, %dma_start3A_118] : memref<10112x144xf32, #tpu.memory_space<vmem_shared>> -> memref<64x144xf32, #tpu.memory_space<vmem_shared>>
      tpu.enqueue_dma source(%arg12 : memref<64x144xf32, #tpu.memory_space<vmem>>) target(%dma_start3A_119 : memref<64x144xf32, #tpu.memory_space<vmem_shared>>) target_semaphore(%run_scoped3A_115 : memref<!tpu.dma_semaphore, #tpu.memory_space<semaphore_mem>>)
      %dma_wait3A = arith.constant 0 : i32
      %dma_wait3A_120 = tpu.memref_slice %arg15[%add3A_22, %dma_wait3A] : memref<10112x144xf32, #tpu.memory_space<vmem_shared>> -> memref<64x144xf32, #tpu.memory_space<vmem_shared>>
      %dma_wait3A_121 = arith.constant 0 : i32
      %dma_wait3A_122 = tpu.memref_slice %arg15[%add3A_22, %dma_wait3A_121] : memref<10112x144xf32, #tpu.memory_space<vmem_shared>> -> memref<64x144xf32, #tpu.memory_space<vmem_shared>>
      tpu.wait_dma2 semaphore(%run_scoped3A_115 : memref<!tpu.dma_semaphore, #tpu.memory_space<semaphore_mem>>) src(%arg12 : memref<64x144xf32, #tpu.memory_space<vmem>>) dst(%dma_wait3A_122 : memref<64x144xf32, #tpu.memory_space<vmem_shared>>)
      tpu.yield
    }) : () -> ()
    %mul3A_23 = arith.constant 632 : i32
    %mul3A_24 = arith.muli %arg1, %mul3A_23 : i32
    %add3A_25 = arith.constant 320 : i32
    %add3A_26 = arith.addi %mul3A_24, %add3A_25 : i32
    "tpu.region"() ({
      %run_scoped3A_115 = tpu.sem_alloc : memref<!tpu.dma_semaphore, #tpu.memory_space<semaphore_mem>>
      %dma_start3A_116 = arith.constant 0 : i32
      %dma_start3A_117 = tpu.memref_slice %arg15[%add3A_26, %dma_start3A_116] : memref<10112x144xf32, #tpu.memory_space<vmem_shared>> -> memref<64x144xf32, #tpu.memory_space<vmem_shared>>
      %dma_start3A_118 = arith.constant 0 : i32
      %dma_start3A_119 = tpu.memref_slice %arg15[%add3A_26, %dma_start3A_118] : memref<10112x144xf32, #tpu.memory_space<vmem_shared>> -> memref<64x144xf32, #tpu.memory_space<vmem_shared>>
      tpu.enqueue_dma source(%arg12 : memref<64x144xf32, #tpu.memory_space<vmem>>) target(%dma_start3A_119 : memref<64x144xf32, #tpu.memory_space<vmem_shared>>) target_semaphore(%run_scoped3A_115 : memref<!tpu.dma_semaphore, #tpu.memory_space<semaphore_mem>>)
      %dma_wait3A = arith.constant 0 : i32
      %dma_wait3A_120 = tpu.memref_slice %arg15[%add3A_26, %dma_wait3A] : memref<10112x144xf32, #tpu.memory_space<vmem_shared>> -> memref<64x144xf32, #tpu.memory_space<vmem_shared>>
      %dma_wait3A_121 = arith.constant 0 : i32
      %dma_wait3A_122 = tpu.memref_slice %arg15[%add3A_26, %dma_wait3A_121] : memref<10112x144xf32, #tpu.memory_space<vmem_shared>> -> memref<64x144xf32, #tpu.memory_space<vmem_shared>>
      tpu.wait_dma2 semaphore(%run_scoped3A_115 : memref<!tpu.dma_semaphore, #tpu.memory_space<semaphore_mem>>) src(%arg12 : memref<64x144xf32, #tpu.memory_space<vmem>>) dst(%dma_wait3A_122 : memref<64x144xf32, #tpu.memory_space<vmem_shared>>)
      tpu.yield
    }) : () -> ()
    %mul3A_27 = arith.constant 632 : i32
    %mul3A_28 = arith.muli %arg1, %mul3A_27 : i32
    %add3A_29 = arith.constant 384 : i32
    %add3A_30 = arith.addi %mul3A_28, %add3A_29 : i32
    "tpu.region"() ({
      %run_scoped3A_115 = tpu.sem_alloc : memref<!tpu.dma_semaphore, #tpu.memory_space<semaphore_mem>>
      %dma_start3A_116 = arith.constant 0 : i32
      %dma_start3A_117 = tpu.memref_slice %arg15[%add3A_30, %dma_start3A_116] : memref<10112x144xf32, #tpu.memory_space<vmem_shared>> -> memref<64x144xf32, #tpu.memory_space<vmem_shared>>
      %dma_start3A_118 = arith.constant 0 : i32
      %dma_start3A_119 = tpu.memref_slice %arg15[%add3A_30, %dma_start3A_118] : memref<10112x144xf32, #tpu.memory_space<vmem_shared>> -> memref<64x144xf32, #tpu.memory_space<vmem_shared>>
      tpu.enqueue_dma source(%arg12 : memref<64x144xf32, #tpu.memory_space<vmem>>) target(%dma_start3A_119 : memref<64x144xf32, #tpu.memory_space<vmem_shared>>) target_semaphore(%run_scoped3A_115 : memref<!tpu.dma_semaphore, #tpu.memory_space<semaphore_mem>>)
      %dma_wait3A = arith.constant 0 : i32
      %dma_wait3A_120 = tpu.memref_slice %arg15[%add3A_30, %dma_wait3A] : memref<10112x144xf32, #tpu.memory_space<vmem_shared>> -> memref<64x144xf32, #tpu.memory_space<vmem_shared>>
      %dma_wait3A_121 = arith.constant 0 : i32
      %dma_wait3A_122 = tpu.memref_slice %arg15[%add3A_30, %dma_wait3A_121] : memref<10112x144xf32, #tpu.memory_space<vmem_shared>> -> memref<64x144xf32, #tpu.memory_space<vmem_shared>>
      tpu.wait_dma2 semaphore(%run_scoped3A_115 : memref<!tpu.dma_semaphore, #tpu.memory_space<semaphore_mem>>) src(%arg12 : memref<64x144xf32, #tpu.memory_space<vmem>>) dst(%dma_wait3A_122 : memref<64x144xf32, #tpu.memory_space<vmem_shared>>)
      tpu.yield
    }) : () -> ()
    %mul3A_31 = arith.constant 632 : i32
    %mul3A_32 = arith.muli %arg1, %mul3A_31 : i32
    %add3A_33 = arith.constant 448 : i32
    %add3A_34 = arith.addi %mul3A_32, %add3A_33 : i32
    "tpu.region"() ({
      %run_scoped3A_115 = tpu.sem_alloc : memref<!tpu.dma_semaphore, #tpu.memory_space<semaphore_mem>>
      %dma_start3A_116 = arith.constant 0 : i32
      %dma_start3A_117 = tpu.memref_slice %arg15[%add3A_34, %dma_start3A_116] : memref<10112x144xf32, #tpu.memory_space<vmem_shared>> -> memref<64x144xf32, #tpu.memory_space<vmem_shared>>
      %dma_start3A_118 = arith.constant 0 : i32
      %dma_start3A_119 = tpu.memref_slice %arg15[%add3A_34, %dma_start3A_118] : memref<10112x144xf32, #tpu.memory_space<vmem_shared>> -> memref<64x144xf32, #tpu.memory_space<vmem_shared>>
      tpu.enqueue_dma source(%arg12 : memref<64x144xf32, #tpu.memory_space<vmem>>) target(%dma_start3A_119 : memref<64x144xf32, #tpu.memory_space<vmem_shared>>) target_semaphore(%run_scoped3A_115 : memref<!tpu.dma_semaphore, #tpu.memory_space<semaphore_mem>>)
      %dma_wait3A = arith.constant 0 : i32
      %dma_wait3A_120 = tpu.memref_slice %arg15[%add3A_34, %dma_wait3A] : memref<10112x144xf32, #tpu.memory_space<vmem_shared>> -> memref<64x144xf32, #tpu.memory_space<vmem_shared>>
      %dma_wait3A_121 = arith.constant 0 : i32
      %dma_wait3A_122 = tpu.memref_slice %arg15[%add3A_34, %dma_wait3A_121] : memref<10112x144xf32, #tpu.memory_space<vmem_shared>> -> memref<64x144xf32, #tpu.memory_space<vmem_shared>>
      tpu.wait_dma2 semaphore(%run_scoped3A_115 : memref<!tpu.dma_semaphore, #tpu.memory_space<semaphore_mem>>) src(%arg12 : memref<64x144xf32, #tpu.memory_space<vmem>>) dst(%dma_wait3A_122 : memref<64x144xf32, #tpu.memory_space<vmem_shared>>)
      tpu.yield
    }) : () -> ()
    %mul3A_35 = arith.constant 632 : i32
    %mul3A_36 = arith.muli %arg1, %mul3A_35 : i32
    %add3A_37 = arith.constant 512 : i32
    %add3A_38 = arith.addi %mul3A_36, %add3A_37 : i32
    "tpu.region"() ({
      %run_scoped3A_115 = tpu.sem_alloc : memref<!tpu.dma_semaphore, #tpu.memory_space<semaphore_mem>>
      %dma_start3A_116 = arith.constant 0 : i32
      %dma_start3A_117 = tpu.memref_slice %arg15[%add3A_38, %dma_start3A_116] : memref<10112x144xf32, #tpu.memory_space<vmem_shared>> -> memref<64x144xf32, #tpu.memory_space<vmem_shared>>
      %dma_start3A_118 = arith.constant 0 : i32
      %dma_start3A_119 = tpu.memref_slice %arg15[%add3A_38, %dma_start3A_118] : memref<10112x144xf32, #tpu.memory_space<vmem_shared>> -> memref<64x144xf32, #tpu.memory_space<vmem_shared>>
      tpu.enqueue_dma source(%arg12 : memref<64x144xf32, #tpu.memory_space<vmem>>) target(%dma_start3A_119 : memref<64x144xf32, #tpu.memory_space<vmem_shared>>) target_semaphore(%run_scoped3A_115 : memref<!tpu.dma_semaphore, #tpu.memory_space<semaphore_mem>>)
      %dma_wait3A = arith.constant 0 : i32
      %dma_wait3A_120 = tpu.memref_slice %arg15[%add3A_38, %dma_wait3A] : memref<10112x144xf32, #tpu.memory_space<vmem_shared>> -> memref<64x144xf32, #tpu.memory_space<vmem_shared>>
      %dma_wait3A_121 = arith.constant 0 : i32
      %dma_wait3A_122 = tpu.memref_slice %arg15[%add3A_38, %dma_wait3A_121] : memref<10112x144xf32, #tpu.memory_space<vmem_shared>> -> memref<64x144xf32, #tpu.memory_space<vmem_shared>>
      tpu.wait_dma2 semaphore(%run_scoped3A_115 : memref<!tpu.dma_semaphore, #tpu.memory_space<semaphore_mem>>) src(%arg12 : memref<64x144xf32, #tpu.memory_space<vmem>>) dst(%dma_wait3A_122 : memref<64x144xf32, #tpu.memory_space<vmem_shared>>)
      tpu.yield
    }) : () -> ()
    %mul3A_39 = arith.constant 632 : i32
    %mul3A_40 = arith.muli %arg1, %mul3A_39 : i32
    %add3A_41 = arith.constant 576 : i32
    %add3A_42 = arith.addi %mul3A_40, %add3A_41 : i32
    "tpu.region"() ({
      %run_scoped3A_115 = tpu.sem_alloc : memref<!tpu.dma_semaphore, #tpu.memory_space<semaphore_mem>>
      %dma_start3A_116 = arith.constant 0 : i32
      %dma_start3A_117 = arith.constant 0 : i32
      %dma_start3A_118 = tpu.memref_slice %arg12[%dma_start3A_116, %dma_start3A_117] : memref<64x144xf32, #tpu.memory_space<vmem>> -> memref<56x144xf32, #tpu.memory_space<vmem>>
      %dma_start3A_119 = arith.constant 0 : i32
      %dma_start3A_120 = tpu.memref_slice %arg15[%add3A_42, %dma_start3A_119] : memref<10112x144xf32, #tpu.memory_space<vmem_shared>> -> memref<56x144xf32, #tpu.memory_space<vmem_shared>>
      %dma_start3A_121 = arith.constant 0 : i32
      %dma_start3A_122 = tpu.memref_slice %arg15[%add3A_42, %dma_start3A_121] : memref<10112x144xf32, #tpu.memory_space<vmem_shared>> -> memref<56x144xf32, #tpu.memory_space<vmem_shared>>
      %dma_start3A_123 = arith.constant 0 : i32
      %dma_start3A_124 = arith.constant 0 : i32
      %dma_start3A_125 = tpu.memref_slice %arg12[%dma_start3A_123, %dma_start3A_124] : memref<64x144xf32, #tpu.memory_space<vmem>> -> memref<56x144xf32, #tpu.memory_space<vmem>>
      tpu.enqueue_dma source(%dma_start3A_125 : memref<56x144xf32, #tpu.memory_space<vmem>>) target(%dma_start3A_122 : memref<56x144xf32, #tpu.memory_space<vmem_shared>>) target_semaphore(%run_scoped3A_115 : memref<!tpu.dma_semaphore, #tpu.memory_space<semaphore_mem>>)
      %dma_wait3A = arith.constant 0 : i32
      %dma_wait3A_126 = arith.constant 0 : i32
      %dma_wait3A_127 = tpu.memref_slice %arg12[%dma_wait3A, %dma_wait3A_126] : memref<64x144xf32, #tpu.memory_space<vmem>> -> memref<56x144xf32, #tpu.memory_space<vmem>>
      %dma_wait3A_128 = arith.constant 0 : i32
      %dma_wait3A_129 = tpu.memref_slice %arg15[%add3A_42, %dma_wait3A_128] : memref<10112x144xf32, #tpu.memory_space<vmem_shared>> -> memref<56x144xf32, #tpu.memory_space<vmem_shared>>
      %dma_wait3A_130 = arith.constant 0 : i32
      %dma_wait3A_131 = tpu.memref_slice %arg15[%add3A_42, %dma_wait3A_130] : memref<10112x144xf32, #tpu.memory_space<vmem_shared>> -> memref<56x144xf32, #tpu.memory_space<vmem_shared>>
      %dma_wait3A_132 = arith.constant 0 : i32
      %dma_wait3A_133 = arith.constant 0 : i32
      %dma_wait3A_134 = tpu.memref_slice %arg12[%dma_wait3A_132, %dma_wait3A_133] : memref<64x144xf32, #tpu.memory_space<vmem>> -> memref<56x144xf32, #tpu.memory_space<vmem>>
      tpu.wait_dma2 semaphore(%run_scoped3A_115 : memref<!tpu.dma_semaphore, #tpu.memory_space<semaphore_mem>>) src(%dma_wait3A_134 : memref<56x144xf32, #tpu.memory_space<vmem>>) dst(%dma_wait3A_131 : memref<56x144xf32, #tpu.memory_space<vmem_shared>>)
      tpu.yield
    }) : () -> ()
    %barrier3A = arith.constant 0 : index
    tpu.barrier barrier_id(%barrier3A)
    "tpu.region"() ({
      %run_scoped3A_115 = tpu.sem_alloc : memref<!tpu.dma_semaphore, #tpu.memory_space<semaphore_mem>>
      %dma_start3A_116 = arith.constant 0 : i32
      %dma_start3A_117 = tpu.memref_slice %arg4[%arg0, %dma_start3A_116] : memref<2x16xf32, #tpu.memory_space<hbm>> -> memref<1x16xf32, #tpu.memory_space<hbm>>
      %dma_start3A_118 = tpu.memref_squeeze %dma_start3A_117 : memref<1x16xf32, #tpu.memory_space<hbm>> -> memref<16xf32, #tpu.memory_space<hbm>>
      %dma_start3A_119 = arith.constant 0 : i32
      %dma_start3A_120 = tpu.memref_slice %arg4[%arg0, %dma_start3A_119] : memref<2x16xf32, #tpu.memory_space<hbm>> -> memref<1x16xf32, #tpu.memory_space<hbm>>
      %dma_start3A_121 = tpu.memref_squeeze %dma_start3A_120 : memref<1x16xf32, #tpu.memory_space<hbm>> -> memref<16xf32, #tpu.memory_space<hbm>>
      tpu.enqueue_dma source(%dma_start3A_121 : memref<16xf32, #tpu.memory_space<hbm>>) target(%arg14 : memref<16xf32, #tpu.memory_space<vmem>>) target_semaphore(%run_scoped3A_115 : memref<!tpu.dma_semaphore, #tpu.memory_space<semaphore_mem>>)
      %dma_wait3A = arith.constant 0 : i32
      %dma_wait3A_122 = tpu.memref_slice %arg4[%arg0, %dma_wait3A] : memref<2x16xf32, #tpu.memory_space<hbm>> -> memref<1x16xf32, #tpu.memory_space<hbm>>
      %dma_wait3A_123 = tpu.memref_squeeze %dma_wait3A_122 : memref<1x16xf32, #tpu.memory_space<hbm>> -> memref<16xf32, #tpu.memory_space<hbm>>
      %dma_wait3A_124 = arith.constant 0 : i32
      %dma_wait3A_125 = tpu.memref_slice %arg4[%arg0, %dma_wait3A_124] : memref<2x16xf32, #tpu.memory_space<hbm>> -> memref<1x16xf32, #tpu.memory_space<hbm>>
      %dma_wait3A_126 = tpu.memref_squeeze %dma_wait3A_125 : memref<1x16xf32, #tpu.memory_space<hbm>> -> memref<16xf32, #tpu.memory_space<hbm>>
      tpu.wait_dma2 semaphore(%run_scoped3A_115 : memref<!tpu.dma_semaphore, #tpu.memory_space<semaphore_mem>>) src(%dma_wait3A_126 : memref<16xf32, #tpu.memory_space<hbm>>) dst(%arg14 : memref<16xf32, #tpu.memory_space<vmem>>)
      tpu.yield
    }) : () -> ()
    %mul3A_43 = arith.constant 16 : i32
    %mul3A_44 = arith.muli %arg0, %mul3A_43 : i32
    %add3A_45 = arith.addi %mul3A_44, %arg1 : i32
    %mul3A_46 = arith.constant 10496 : i32
    %mul3A_47 = arith.muli %add3A_45, %mul3A_46 : i32
    %add3A_48 = arith.constant 0 : i32
    %add3A_49 = arith.addi %mul3A_47, %add3A_48 : i32
    %run_scoped3A = arith.constant 0 : i32
    "tpu.region"() ({
      %run_scoped3A_115 = tpu.sem_alloc : memref<!tpu.dma_semaphore, #tpu.memory_space<semaphore_mem>>
      %dma_start3A_116 = arith.constant 0 : i32
      %dma_start3A_117 = tpu.memref_slice %arg8[%run_scoped3A, %dma_start3A_116] : memref<2x64xi32, #tpu.memory_space<vmem>> -> memref<1x64xi32, #tpu.memory_space<vmem>>
      %dma_start3A_118 = tpu.memref_squeeze %dma_start3A_117 : memref<1x64xi32, #tpu.memory_space<vmem>> -> memref<64xi32, #tpu.memory_space<vmem>>
      %dma_start3A_119 = tpu.memref_slice %arg5[%add3A_49] : memref<335872xi32, #tpu.memory_space<hbm>> -> memref<64xi32, #tpu.memory_space<hbm>>
      %dma_start3A_120 = arith.constant 0 : i32
      %dma_start3A_121 = tpu.memref_slice %arg8[%run_scoped3A, %dma_start3A_120] : memref<2x64xi32, #tpu.memory_space<vmem>> -> memref<1x64xi32, #tpu.memory_space<vmem>>
      %dma_start3A_122 = tpu.memref_squeeze %dma_start3A_121 : memref<1x64xi32, #tpu.memory_space<vmem>> -> memref<64xi32, #tpu.memory_space<vmem>>
      %dma_start3A_123 = tpu.memref_slice %arg5[%add3A_49] : memref<335872xi32, #tpu.memory_space<hbm>> -> memref<64xi32, #tpu.memory_space<hbm>>
      tpu.enqueue_dma source(%dma_start3A_123 : memref<64xi32, #tpu.memory_space<hbm>>) target(%dma_start3A_122 : memref<64xi32, #tpu.memory_space<vmem>>) target_semaphore(%run_scoped3A_115 : memref<!tpu.dma_semaphore, #tpu.memory_space<semaphore_mem>>)
      %dma_wait3A = arith.constant 0 : i32
      %dma_wait3A_124 = tpu.memref_slice %arg8[%run_scoped3A, %dma_wait3A] : memref<2x64xi32, #tpu.memory_space<vmem>> -> memref<1x64xi32, #tpu.memory_space<vmem>>
      %dma_wait3A_125 = tpu.memref_squeeze %dma_wait3A_124 : memref<1x64xi32, #tpu.memory_space<vmem>> -> memref<64xi32, #tpu.memory_space<vmem>>
      %dma_wait3A_126 = tpu.memref_slice %arg5[%add3A_49] : memref<335872xi32, #tpu.memory_space<hbm>> -> memref<64xi32, #tpu.memory_space<hbm>>
      %dma_wait3A_127 = arith.constant 0 : i32
      %dma_wait3A_128 = tpu.memref_slice %arg8[%run_scoped3A, %dma_wait3A_127] : memref<2x64xi32, #tpu.memory_space<vmem>> -> memref<1x64xi32, #tpu.memory_space<vmem>>
      %dma_wait3A_129 = tpu.memref_squeeze %dma_wait3A_128 : memref<1x64xi32, #tpu.memory_space<vmem>> -> memref<64xi32, #tpu.memory_space<vmem>>
      %dma_wait3A_130 = tpu.memref_slice %arg5[%add3A_49] : memref<335872xi32, #tpu.memory_space<hbm>> -> memref<64xi32, #tpu.memory_space<hbm>>
      tpu.wait_dma2 semaphore(%run_scoped3A_115 : memref<!tpu.dma_semaphore, #tpu.memory_space<semaphore_mem>>) src(%dma_wait3A_130 : memref<64xi32, #tpu.memory_space<hbm>>) dst(%dma_wait3A_129 : memref<64xi32, #tpu.memory_space<vmem>>)
      tpu.yield
    }) : () -> ()
    %run_scoped3A_50 = arith.constant 0 : i32
    "tpu.region"() ({
      %run_scoped3A_115 = tpu.sem_alloc : memref<!tpu.dma_semaphore, #tpu.memory_space<semaphore_mem>>
      %dma_start3A_116 = arith.constant 0 : i32
      %dma_start3A_117 = tpu.memref_slice %arg9[%run_scoped3A_50, %dma_start3A_116] : memref<2x64xi32, #tpu.memory_space<vmem>> -> memref<1x64xi32, #tpu.memory_space<vmem>>
      %dma_start3A_118 = tpu.memref_squeeze %dma_start3A_117 : memref<1x64xi32, #tpu.memory_space<vmem>> -> memref<64xi32, #tpu.memory_space<vmem>>
      %dma_start3A_119 = tpu.memref_slice %arg6[%add3A_49] : memref<335872xi32, #tpu.memory_space<hbm>> -> memref<64xi32, #tpu.memory_space<hbm>>
      %dma_start3A_120 = arith.constant 0 : i32
      %dma_start3A_121 = tpu.memref_slice %arg9[%run_scoped3A_50, %dma_start3A_120] : memref<2x64xi32, #tpu.memory_space<vmem>> -> memref<1x64xi32, #tpu.memory_space<vmem>>
      %dma_start3A_122 = tpu.memref_squeeze %dma_start3A_121 : memref<1x64xi32, #tpu.memory_space<vmem>> -> memref<64xi32, #tpu.memory_space<vmem>>
      %dma_start3A_123 = tpu.memref_slice %arg6[%add3A_49] : memref<335872xi32, #tpu.memory_space<hbm>> -> memref<64xi32, #tpu.memory_space<hbm>>
      tpu.enqueue_dma source(%dma_start3A_123 : memref<64xi32, #tpu.memory_space<hbm>>) target(%dma_start3A_122 : memref<64xi32, #tpu.memory_space<vmem>>) target_semaphore(%run_scoped3A_115 : memref<!tpu.dma_semaphore, #tpu.memory_space<semaphore_mem>>)
      %dma_wait3A = arith.constant 0 : i32
      %dma_wait3A_124 = tpu.memref_slice %arg9[%run_scoped3A_50, %dma_wait3A] : memref<2x64xi32, #tpu.memory_space<vmem>> -> memref<1x64xi32, #tpu.memory_space<vmem>>
      %dma_wait3A_125 = tpu.memref_squeeze %dma_wait3A_124 : memref<1x64xi32, #tpu.memory_space<vmem>> -> memref<64xi32, #tpu.memory_space<vmem>>
      %dma_wait3A_126 = tpu.memref_slice %arg6[%add3A_49] : memref<335872xi32, #tpu.memory_space<hbm>> -> memref<64xi32, #tpu.memory_space<hbm>>
      %dma_wait3A_127 = arith.constant 0 : i32
      %dma_wait3A_128 = tpu.memref_slice %arg9[%run_scoped3A_50, %dma_wait3A_127] : memref<2x64xi32, #tpu.memory_space<vmem>> -> memref<1x64xi32, #tpu.memory_space<vmem>>
      %dma_wait3A_129 = tpu.memref_squeeze %dma_wait3A_128 : memref<1x64xi32, #tpu.memory_space<vmem>> -> memref<64xi32, #tpu.memory_space<vmem>>
      %dma_wait3A_130 = tpu.memref_slice %arg6[%add3A_49] : memref<335872xi32, #tpu.memory_space<hbm>> -> memref<64xi32, #tpu.memory_space<hbm>>
      tpu.wait_dma2 semaphore(%run_scoped3A_115 : memref<!tpu.dma_semaphore, #tpu.memory_space<semaphore_mem>>) src(%dma_wait3A_130 : memref<64xi32, #tpu.memory_space<hbm>>) dst(%dma_wait3A_129 : memref<64xi32, #tpu.memory_space<vmem>>)
      tpu.yield
    }) : () -> ()
    %dma_start3A = arith.constant 0 : i32
    %dma_start3A_51 = arith.constant 0 : i32
    %dma_start3A_52 = arith.constant 0 : i32
    %dma_start3A_53 = arith.constant 0 : i32
    %dma_start3A_54 = tpu.memref_slice %arg11[%dma_start3A_51, %dma_start3A_52, %dma_start3A_53] : memref<2x64x144xf32, #tpu.memory_space<vmem>> -> memref<1x64x144xf32, #tpu.memory_space<vmem>>
    %dma_start3A_55 = tpu.memref_squeeze %dma_start3A_54 : memref<1x64x144xf32, #tpu.memory_space<vmem>> -> memref<64x144xf32, #tpu.memory_space<vmem>>
    %dma_start3A_56 = arith.constant 0 : i32
    %dma_start3A_57 = tpu.memref_slice %arg8[%dma_start3A, %dma_start3A_56] : memref<2x64xi32, #tpu.memory_space<vmem>> -> memref<1x64xi32, #tpu.memory_space<vmem>>
    %dma_start3A_58 = tpu.memref_squeeze %dma_start3A_57 : memref<1x64xi32, #tpu.memory_space<vmem>> -> memref<64xi32, #tpu.memory_space<vmem>>
    %dma_start3A_59 = arith.constant 0 : i32
    %dma_start3A_60 = arith.constant 0 : i32
    %dma_start3A_61 = tpu.memref_slice %arg2[%dma_start3A_59, %dma_start3A_60] : memref<10008x144xf32, #tpu.memory_space<hbm>> -> memref<10008x144xf32, #tpu.memory_space<hbm>>
    tpu.enqueue_indirect_dma source(%dma_start3A_61 : memref<10008x144xf32, #tpu.memory_space<hbm>>) target(%dma_start3A_55 : memref<64x144xf32, #tpu.memory_space<vmem>>) offsets(%dma_start3A_58 : memref<64xi32, #tpu.memory_space<vmem>>) semaphore(%arg16 : memref<!tpu.dma_semaphore, #tpu.memory_space<semaphore_mem>>)
    %dma_start3A_62 = arith.constant 0 : i32
    %dma_start3A_63 = arith.constant 0 : i32
    %dma_start3A_64 = arith.constant 0 : i32
    %dma_start3A_65 = arith.constant 0 : i32
    %dma_start3A_66 = tpu.memref_slice %arg13[%dma_start3A_63, %dma_start3A_64, %dma_start3A_65] : memref<2x64x16xf32, #tpu.memory_space<vmem>> -> memref<1x64x16xf32, #tpu.memory_space<vmem>>
    %dma_start3A_67 = tpu.memref_squeeze %dma_start3A_66 : memref<1x64x16xf32, #tpu.memory_space<vmem>> -> memref<64x16xf32, #tpu.memory_space<vmem>>
    %dma_start3A_68 = arith.constant 0 : i32
    %dma_start3A_69 = tpu.memref_slice %arg9[%dma_start3A_62, %dma_start3A_68] : memref<2x64xi32, #tpu.memory_space<vmem>> -> memref<1x64xi32, #tpu.memory_space<vmem>>
    %dma_start3A_70 = tpu.memref_squeeze %dma_start3A_69 : memref<1x64xi32, #tpu.memory_space<vmem>> -> memref<64xi32, #tpu.memory_space<vmem>>
    %dma_start3A_71 = arith.constant 0 : i32
    %dma_start3A_72 = arith.constant 0 : i32
    %dma_start3A_73 = tpu.memref_slice %arg3[%dma_start3A_71, %dma_start3A_72] : memref<10008x16xf32, #tpu.memory_space<hbm>> -> memref<10008x16xf32, #tpu.memory_space<hbm>>
    tpu.enqueue_indirect_dma source(%dma_start3A_73 : memref<10008x16xf32, #tpu.memory_space<hbm>>) target(%dma_start3A_67 : memref<64x16xf32, #tpu.memory_space<vmem>>) offsets(%dma_start3A_70 : memref<64xi32, #tpu.memory_space<vmem>>) semaphore(%arg16 : memref<!tpu.dma_semaphore, #tpu.memory_space<semaphore_mem>>)
    %add3A_74 = arith.constant 64 : i32
    %add3A_75 = arith.addi %mul3A_47, %add3A_74 : i32
    %run_scoped3A_76 = arith.constant 1 : i32
    "tpu.region"() ({
      %run_scoped3A_115 = tpu.sem_alloc : memref<!tpu.dma_semaphore, #tpu.memory_space<semaphore_mem>>
      %dma_start3A_116 = arith.constant 0 : i32
      %dma_start3A_117 = tpu.memref_slice %arg8[%run_scoped3A_76, %dma_start3A_116] : memref<2x64xi32, #tpu.memory_space<vmem>> -> memref<1x64xi32, #tpu.memory_space<vmem>>
      %dma_start3A_118 = tpu.memref_squeeze %dma_start3A_117 : memref<1x64xi32, #tpu.memory_space<vmem>> -> memref<64xi32, #tpu.memory_space<vmem>>
      %dma_start3A_119 = tpu.memref_slice %arg5[%add3A_75] : memref<335872xi32, #tpu.memory_space<hbm>> -> memref<64xi32, #tpu.memory_space<hbm>>
      %dma_start3A_120 = arith.constant 0 : i32
      %dma_start3A_121 = tpu.memref_slice %arg8[%run_scoped3A_76, %dma_start3A_120] : memref<2x64xi32, #tpu.memory_space<vmem>> -> memref<1x64xi32, #tpu.memory_space<vmem>>
      %dma_start3A_122 = tpu.memref_squeeze %dma_start3A_121 : memref<1x64xi32, #tpu.memory_space<vmem>> -> memref<64xi32, #tpu.memory_space<vmem>>
      %dma_start3A_123 = tpu.memref_slice %arg5[%add3A_75] : memref<335872xi32, #tpu.memory_space<hbm>> -> memref<64xi32, #tpu.memory_space<hbm>>
      tpu.enqueue_dma source(%dma_start3A_123 : memref<64xi32, #tpu.memory_space<hbm>>) target(%dma_start3A_122 : memref<64xi32, #tpu.memory_space<vmem>>) target_semaphore(%run_scoped3A_115 : memref<!tpu.dma_semaphore, #tpu.memory_space<semaphore_mem>>)
      %dma_wait3A = arith.constant 0 : i32
      %dma_wait3A_124 = tpu.memref_slice %arg8[%run_scoped3A_76, %dma_wait3A] : memref<2x64xi32, #tpu.memory_space<vmem>> -> memref<1x64xi32, #tpu.memory_space<vmem>>
      %dma_wait3A_125 = tpu.memref_squeeze %dma_wait3A_124 : memref<1x64xi32, #tpu.memory_space<vmem>> -> memref<64xi32, #tpu.memory_space<vmem>>
      %dma_wait3A_126 = tpu.memref_slice %arg5[%add3A_75] : memref<335872xi32, #tpu.memory_space<hbm>> -> memref<64xi32, #tpu.memory_space<hbm>>
      %dma_wait3A_127 = arith.constant 0 : i32
      %dma_wait3A_128 = tpu.memref_slice %arg8[%run_scoped3A_76, %dma_wait3A_127] : memref<2x64xi32, #tpu.memory_space<vmem>> -> memref<1x64xi32, #tpu.memory_space<vmem>>
      %dma_wait3A_129 = tpu.memref_squeeze %dma_wait3A_128 : memref<1x64xi32, #tpu.memory_space<vmem>> -> memref<64xi32, #tpu.memory_space<vmem>>
      %dma_wait3A_130 = tpu.memref_slice %arg5[%add3A_75] : memref<335872xi32, #tpu.memory_space<hbm>> -> memref<64xi32, #tpu.memory_space<hbm>>
      tpu.wait_dma2 semaphore(%run_scoped3A_115 : memref<!tpu.dma_semaphore, #tpu.memory_space<semaphore_mem>>) src(%dma_wait3A_130 : memref<64xi32, #tpu.memory_space<hbm>>) dst(%dma_wait3A_129 : memref<64xi32, #tpu.memory_space<vmem>>)
      tpu.yield
    }) : () -> ()
    %run_scoped3A_77 = arith.constant 1 : i32
    "tpu.region"() ({
      %run_scoped3A_115 = tpu.sem_alloc : memref<!tpu.dma_semaphore, #tpu.memory_space<semaphore_mem>>
      %dma_start3A_116 = arith.constant 0 : i32
      %dma_start3A_117 = tpu.memref_slice %arg9[%run_scoped3A_77, %dma_start3A_116] : memref<2x64xi32, #tpu.memory_space<vmem>> -> memref<1x64xi32, #tpu.memory_space<vmem>>
      %dma_start3A_118 = tpu.memref_squeeze %dma_start3A_117 : memref<1x64xi32, #tpu.memory_space<vmem>> -> memref<64xi32, #tpu.memory_space<vmem>>
      %dma_start3A_119 = tpu.memref_slice %arg6[%add3A_75] : memref<335872xi32, #tpu.memory_space<hbm>> -> memref<64xi32, #tpu.memory_space<hbm>>
      %dma_start3A_120 = arith.constant 0 : i32
      %dma_start3A_121 = tpu.memref_slice %arg9[%run_scoped3A_77, %dma_start3A_120] : memref<2x64xi32, #tpu.memory_space<vmem>> -> memref<1x64xi32, #tpu.memory_space<vmem>>
      %dma_start3A_122 = tpu.memref_squeeze %dma_start3A_121 : memref<1x64xi32, #tpu.memory_space<vmem>> -> memref<64xi32, #tpu.memory_space<vmem>>
      %dma_start3A_123 = tpu.memref_slice %arg6[%add3A_75] : memref<335872xi32, #tpu.memory_space<hbm>> -> memref<64xi32, #tpu.memory_space<hbm>>
      tpu.enqueue_dma source(%dma_start3A_123 : memref<64xi32, #tpu.memory_space<hbm>>) target(%dma_start3A_122 : memref<64xi32, #tpu.memory_space<vmem>>) target_semaphore(%run_scoped3A_115 : memref<!tpu.dma_semaphore, #tpu.memory_space<semaphore_mem>>)
      %dma_wait3A = arith.constant 0 : i32
      %dma_wait3A_124 = tpu.memref_slice %arg9[%run_scoped3A_77, %dma_wait3A] : memref<2x64xi32, #tpu.memory_space<vmem>> -> memref<1x64xi32, #tpu.memory_space<vmem>>
      %dma_wait3A_125 = tpu.memref_squeeze %dma_wait3A_124 : memref<1x64xi32, #tpu.memory_space<vmem>> -> memref<64xi32, #tpu.memory_space<vmem>>
      %dma_wait3A_126 = tpu.memref_slice %arg6[%add3A_75] : memref<335872xi32, #tpu.memory_space<hbm>> -> memref<64xi32, #tpu.memory_space<hbm>>
      %dma_wait3A_127 = arith.constant 0 : i32
      %dma_wait3A_128 = tpu.memref_slice %arg9[%run_scoped3A_77, %dma_wait3A_127] : memref<2x64xi32, #tpu.memory_space<vmem>> -> memref<1x64xi32, #tpu.memory_space<vmem>>
      %dma_wait3A_129 = tpu.memref_squeeze %dma_wait3A_128 : memref<1x64xi32, #tpu.memory_space<vmem>> -> memref<64xi32, #tpu.memory_space<vmem>>
      %dma_wait3A_130 = tpu.memref_slice %arg6[%add3A_75] : memref<335872xi32, #tpu.memory_space<hbm>> -> memref<64xi32, #tpu.memory_space<hbm>>
      tpu.wait_dma2 semaphore(%run_scoped3A_115 : memref<!tpu.dma_semaphore, #tpu.memory_space<semaphore_mem>>) src(%dma_wait3A_130 : memref<64xi32, #tpu.memory_space<hbm>>) dst(%dma_wait3A_129 : memref<64xi32, #tpu.memory_space<vmem>>)
      tpu.yield
    }) : () -> ()
    %dma_start3A_78 = arith.constant 1 : i32
    %dma_start3A_79 = arith.constant 1 : i32
    %dma_start3A_80 = arith.constant 0 : i32
    %dma_start3A_81 = arith.constant 0 : i32
    %dma_start3A_82 = tpu.memref_slice %arg11[%dma_start3A_79, %dma_start3A_80, %dma_start3A_81] : memref<2x64x144xf32, #tpu.memory_space<vmem>> -> memref<1x64x144xf32, #tpu.memory_space<vmem>>
    %dma_start3A_83 = tpu.memref_squeeze %dma_start3A_82 : memref<1x64x144xf32, #tpu.memory_space<vmem>> -> memref<64x144xf32, #tpu.memory_space<vmem>>
    %dma_start3A_84 = arith.constant 0 : i32
    %dma_start3A_85 = tpu.memref_slice %arg8[%dma_start3A_78, %dma_start3A_84] : memref<2x64xi32, #tpu.memory_space<vmem>> -> memref<1x64xi32, #tpu.memory_space<vmem>>
    %dma_start3A_86 = tpu.memref_squeeze %dma_start3A_85 : memref<1x64xi32, #tpu.memory_space<vmem>> -> memref<64xi32, #tpu.memory_space<vmem>>
    %dma_start3A_87 = arith.constant 0 : i32
    %dma_start3A_88 = arith.constant 0 : i32
    %dma_start3A_89 = tpu.memref_slice %arg2[%dma_start3A_87, %dma_start3A_88] : memref<10008x144xf32, #tpu.memory_space<hbm>> -> memref<10008x144xf32, #tpu.memory_space<hbm>>
    tpu.enqueue_indirect_dma source(%dma_start3A_89 : memref<10008x144xf32, #tpu.memory_space<hbm>>) target(%dma_start3A_83 : memref<64x144xf32, #tpu.memory_space<vmem>>) offsets(%dma_start3A_86 : memref<64xi32, #tpu.memory_space<vmem>>) semaphore(%arg17 : memref<!tpu.dma_semaphore, #tpu.memory_space<semaphore_mem>>)
    %dma_start3A_90 = arith.constant 1 : i32
    %dma_start3A_91 = arith.constant 1 : i32
    %dma_start3A_92 = arith.constant 0 : i32
    %dma_start3A_93 = arith.constant 0 : i32
    %dma_start3A_94 = tpu.memref_slice %arg13[%dma_start3A_91, %dma_start3A_92, %dma_start3A_93] : memref<2x64x16xf32, #tpu.memory_space<vmem>> -> memref<1x64x16xf32, #tpu.memory_space<vmem>>
    %dma_start3A_95 = tpu.memref_squeeze %dma_start3A_94 : memref<1x64x16xf32, #tpu.memory_space<vmem>> -> memref<64x16xf32, #tpu.memory_space<vmem>>
    %dma_start3A_96 = arith.constant 0 : i32
    %dma_start3A_97 = tpu.memref_slice %arg9[%dma_start3A_90, %dma_start3A_96] : memref<2x64xi32, #tpu.memory_space<vmem>> -> memref<1x64xi32, #tpu.memory_space<vmem>>
    %dma_start3A_98 = tpu.memref_squeeze %dma_start3A_97 : memref<1x64xi32, #tpu.memory_space<vmem>> -> memref<64xi32, #tpu.memory_space<vmem>>
    %dma_start3A_99 = arith.constant 0 : i32
    %dma_start3A_100 = arith.constant 0 : i32
    %dma_start3A_101 = tpu.memref_slice %arg3[%dma_start3A_99, %dma_start3A_100] : memref<10008x16xf32, #tpu.memory_space<hbm>> -> memref<10008x16xf32, #tpu.memory_space<hbm>>
    tpu.enqueue_indirect_dma source(%dma_start3A_101 : memref<10008x16xf32, #tpu.memory_space<hbm>>) target(%dma_start3A_95 : memref<64x16xf32, #tpu.memory_space<vmem>>) offsets(%dma_start3A_98 : memref<64xi32, #tpu.memory_space<vmem>>) semaphore(%arg17 : memref<!tpu.dma_semaphore, #tpu.memory_space<semaphore_mem>>)
    %scan3A_102 = arith.constant 0 : i32
    %scan3A_103 = arith.constant 82 : i32
    %scan3A_104 = arith.addi %scan3A_102, %scan3A_103 : i32
    %scan3A_105 = arith.constant 1 : i32
    scf.for %scan3A_115 = %scan3A_102 to %scan3A_104 step %scan3A_105  : i32 {
      %mul3A_116 = arith.constant 2 : i32
      %mul3A_117 = arith.muli %scan3A_115, %mul3A_116 : i32
      %add3A_118 = arith.constant 0 : i32
      %add3A_119 = arith.addi %add3A_118, %mul3A_117 : i32
      %dma_wait3A = arith.constant 0 : i32
      %dma_wait3A_120 = arith.constant 0 : i32
      %dma_wait3A_121 = arith.constant 0 : i32
      %dma_wait3A_122 = arith.constant 0 : i32
      %dma_wait3A_123 = tpu.memref_slice %arg11[%dma_wait3A_120, %dma_wait3A_121, %dma_wait3A_122] : memref<2x64x144xf32, #tpu.memory_space<vmem>> -> memref<1x64x144xf32, #tpu.memory_space<vmem>>
      %dma_wait3A_124 = tpu.memref_squeeze %dma_wait3A_123 : memref<1x64x144xf32, #tpu.memory_space<vmem>> -> memref<64x144xf32, #tpu.memory_space<vmem>>
      %dma_wait3A_125 = arith.constant 0 : i32
      %dma_wait3A_126 = tpu.memref_slice %arg8[%dma_wait3A, %dma_wait3A_125] : memref<2x64xi32, #tpu.memory_space<vmem>> -> memref<1x64xi32, #tpu.memory_space<vmem>>
      %dma_wait3A_127 = tpu.memref_squeeze %dma_wait3A_126 : memref<1x64xi32, #tpu.memory_space<vmem>> -> memref<64xi32, #tpu.memory_space<vmem>>
      %dma_wait3A_128 = arith.constant 0 : i32
      %dma_wait3A_129 = arith.constant 0 : i32
      %dma_wait3A_130 = tpu.memref_slice %arg2[%dma_wait3A_128, %dma_wait3A_129] : memref<10008x144xf32, #tpu.memory_space<hbm>> -> memref<10008x144xf32, #tpu.memory_space<hbm>>
      tpu.wait_indirect_dma semaphore(%arg16 : memref<!tpu.dma_semaphore, #tpu.memory_space<semaphore_mem>>) src(%dma_wait3A_130 : memref<10008x144xf32, #tpu.memory_space<hbm>>) dst(%dma_wait3A_124 : memref<64x144xf32, #tpu.memory_space<vmem>>)
      %dma_wait3A_131 = arith.constant 0 : i32
      %dma_wait3A_132 = arith.constant 0 : i32
      %dma_wait3A_133 = arith.constant 0 : i32
      %dma_wait3A_134 = arith.constant 0 : i32
      %dma_wait3A_135 = tpu.memref_slice %arg13[%dma_wait3A_132, %dma_wait3A_133, %dma_wait3A_134] : memref<2x64x16xf32, #tpu.memory_space<vmem>> -> memref<1x64x16xf32, #tpu.memory_space<vmem>>
      %dma_wait3A_136 = tpu.memref_squeeze %dma_wait3A_135 : memref<1x64x16xf32, #tpu.memory_space<vmem>> -> memref<64x16xf32, #tpu.memory_space<vmem>>
      %dma_wait3A_137 = arith.constant 0 : i32
      %dma_wait3A_138 = tpu.memref_slice %arg9[%dma_wait3A_131, %dma_wait3A_137] : memref<2x64xi32, #tpu.memory_space<vmem>> -> memref<1x64xi32, #tpu.memory_space<vmem>>
      %dma_wait3A_139 = tpu.memref_squeeze %dma_wait3A_138 : memref<1x64xi32, #tpu.memory_space<vmem>> -> memref<64xi32, #tpu.memory_space<vmem>>
      %dma_wait3A_140 = arith.constant 0 : i32
      %dma_wait3A_141 = arith.constant 0 : i32
      %dma_wait3A_142 = tpu.memref_slice %arg3[%dma_wait3A_140, %dma_wait3A_141] : memref<10008x16xf32, #tpu.memory_space<hbm>> -> memref<10008x16xf32, #tpu.memory_space<hbm>>
      tpu.wait_indirect_dma semaphore(%arg16 : memref<!tpu.dma_semaphore, #tpu.memory_space<semaphore_mem>>) src(%dma_wait3A_142 : memref<10008x16xf32, #tpu.memory_space<hbm>>) dst(%dma_wait3A_136 : memref<64x16xf32, #tpu.memory_space<vmem>>)
      %get3A = arith.constant 0 : index
      %get3A_143 = tpu.vector_load %arg14[%get3A] {strides = array<i32>} : memref<16xf32, #tpu.memory_space<vmem>>, vector<16xf32>,
      %get3A_144 = vector.shape_cast %get3A_143 : vector<16xf32> to vector<16xf32>
      %parallel_loop3A = arith.constant 0 : i32
      %parallel_loop3A_145 = arith.constant 64 : i32
      %parallel_loop3A_146 = arith.constant 1 : i32
      scf.for %parallel_loop3A_192 = %parallel_loop3A to %parallel_loop3A_145 step %parallel_loop3A_146  : i32 {
        %parallel_loop3A_193 = arith.constant 0 : i32
        %parallel_loop3A_194 = arith.index_cast %parallel_loop3A_193 : i32 to index
        %parallel_loop3A_195 = arith.index_cast %parallel_loop3A_192 : i32 to index
        %parallel_loop3A_196 = arith.constant 0 : index
        %parallel_loop3A_197 = tpu.vector_load %arg11[%parallel_loop3A_194, %parallel_loop3A_195, %parallel_loop3A_196] {strides = array<i32>} : memref<2x64x144xf32, #tpu.memory_space<vmem>>, vector<1x1x16xf32>,
        %parallel_loop3A_198 = vector.shape_cast %parallel_loop3A_197 : vector<1x1x16xf32> to vector<16xf32>
        %parallel_loop3A_199 = arith.constant 0 : i32
        %parallel_loop3A_200 = arith.index_cast %parallel_loop3A_199 : i32 to index
        %parallel_loop3A_201 = arith.index_cast %parallel_loop3A_192 : i32 to index
        %parallel_loop3A_202 = arith.constant 16 : index
        %parallel_loop3A_203 = tpu.vector_load %arg11[%parallel_loop3A_200, %parallel_loop3A_201, %parallel_loop3A_202] {strides = array<i32>} : memref<2x64x144xf32, #tpu.memory_space<vmem>>, vector<1x1x16xf32>,
        %parallel_loop3A_204 = vector.shape_cast %parallel_loop3A_203 : vector<1x1x16xf32> to vector<16xf32>
        %parallel_loop3A_205 = arith.constant 0 : i32
        %parallel_loop3A_206 = arith.index_cast %parallel_loop3A_205 : i32 to index
        %parallel_loop3A_207 = arith.index_cast %parallel_loop3A_192 : i32 to index
        %parallel_loop3A_208 = arith.constant 32 : index
        %parallel_loop3A_209 = tpu.vector_load %arg11[%parallel_loop3A_206, %parallel_loop3A_207, %parallel_loop3A_208] {strides = array<i32>} : memref<2x64x144xf32, #tpu.memory_space<vmem>>, vector<1x1x16xf32>,
        %parallel_loop3A_210 = vector.shape_cast %parallel_loop3A_209 : vector<1x1x16xf32> to vector<16xf32>
        %parallel_loop3A_211 = arith.constant 0 : i32
        %parallel_loop3A_212 = arith.index_cast %parallel_loop3A_211 : i32 to index
        %parallel_loop3A_213 = arith.index_cast %parallel_loop3A_192 : i32 to index
        %parallel_loop3A_214 = arith.constant 48 : index
        %parallel_loop3A_215 = tpu.vector_load %arg11[%parallel_loop3A_212, %parallel_loop3A_213, %parallel_loop3A_214] {strides = array<i32>} : memref<2x64x144xf32, #tpu.memory_space<vmem>>, vector<1x1x16xf32>,
        %parallel_loop3A_216 = vector.shape_cast %parallel_loop3A_215 : vector<1x1x16xf32> to vector<16xf32>
        %parallel_loop3A_217 = arith.constant 0 : i32
        %parallel_loop3A_218 = arith.index_cast %parallel_loop3A_217 : i32 to index
        %parallel_loop3A_219 = arith.index_cast %parallel_loop3A_192 : i32 to index
        %parallel_loop3A_220 = arith.constant 64 : index
        %parallel_loop3A_221 = tpu.vector_load %arg11[%parallel_loop3A_218, %parallel_loop3A_219, %parallel_loop3A_220] {strides = array<i32>} : memref<2x64x144xf32, #tpu.memory_space<vmem>>, vector<1x1x16xf32>,
        %parallel_loop3A_222 = vector.shape_cast %parallel_loop3A_221 : vector<1x1x16xf32> to vector<16xf32>
        %parallel_loop3A_223 = arith.constant 0 : i32
        %parallel_loop3A_224 = arith.index_cast %parallel_loop3A_223 : i32 to index
        %parallel_loop3A_225 = arith.index_cast %parallel_loop3A_192 : i32 to index
        %parallel_loop3A_226 = arith.constant 80 : index
        %parallel_loop3A_227 = tpu.vector_load %arg11[%parallel_loop3A_224, %parallel_loop3A_225, %parallel_loop3A_226] {strides = array<i32>} : memref<2x64x144xf32, #tpu.memory_space<vmem>>, vector<1x1x16xf32>,
        %parallel_loop3A_228 = vector.shape_cast %parallel_loop3A_227 : vector<1x1x16xf32> to vector<16xf32>
        %parallel_loop3A_229 = arith.constant 0 : i32
        %parallel_loop3A_230 = arith.index_cast %parallel_loop3A_229 : i32 to index
        %parallel_loop3A_231 = arith.index_cast %parallel_loop3A_192 : i32 to index
        %parallel_loop3A_232 = arith.constant 96 : index
        %parallel_loop3A_233 = tpu.vector_load %arg11[%parallel_loop3A_230, %parallel_loop3A_231, %parallel_loop3A_232] {strides = array<i32>} : memref<2x64x144xf32, #tpu.memory_space<vmem>>, vector<1x1x16xf32>,
        %parallel_loop3A_234 = vector.shape_cast %parallel_loop3A_233 : vector<1x1x16xf32> to vector<16xf32>
        %parallel_loop3A_235 = arith.constant 0 : i32
        %parallel_loop3A_236 = arith.index_cast %parallel_loop3A_235 : i32 to index
        %parallel_loop3A_237 = arith.index_cast %parallel_loop3A_192 : i32 to index
        %parallel_loop3A_238 = arith.constant 112 : index
        %parallel_loop3A_239 = tpu.vector_load %arg11[%parallel_loop3A_236, %parallel_loop3A_237, %parallel_loop3A_238] {strides = array<i32>} : memref<2x64x144xf32, #tpu.memory_space<vmem>>, vector<1x1x16xf32>,
        %parallel_loop3A_240 = vector.shape_cast %parallel_loop3A_239 : vector<1x1x16xf32> to vector<16xf32>
        %parallel_loop3A_241 = arith.constant 0 : i32
        %parallel_loop3A_242 = arith.index_cast %parallel_loop3A_241 : i32 to index
        %parallel_loop3A_243 = arith.index_cast %parallel_loop3A_192 : i32 to index
        %parallel_loop3A_244 = arith.constant 128 : index
        %parallel_loop3A_245 = tpu.vector_load %arg11[%parallel_loop3A_242, %parallel_loop3A_243, %parallel_loop3A_244] {strides = array<i32>} : memref<2x64x144xf32, #tpu.memory_space<vmem>>, vector<1x1x16xf32>,
        %parallel_loop3A_246 = vector.shape_cast %parallel_loop3A_245 : vector<1x1x16xf32> to vector<16xf32>
        %parallel_loop3A_247 = arith.constant 0 : i32
        %parallel_loop3A_248 = arith.index_cast %parallel_loop3A_247 : i32 to index
        %parallel_loop3A_249 = arith.index_cast %parallel_loop3A_192 : i32 to index
        %parallel_loop3A_250 = arith.constant 0 : index
        %parallel_loop3A_251 = tpu.vector_load %arg13[%parallel_loop3A_248, %parallel_loop3A_249, %parallel_loop3A_250] {strides = array<i32>} : memref<2x64x16xf32, #tpu.memory_space<vmem>>, vector<1x1x16xf32>,
        %parallel_loop3A_252 = vector.shape_cast %parallel_loop3A_251 : vector<1x1x16xf32> to vector<16xf32>
        %parallel_loop3A_253 = arith.addf %parallel_loop3A_246, %parallel_loop3A_252 : vector<16xf32>
        %parallel_loop3A_254 = arith.constant 0.000000e+00 : f32
        %parallel_loop3A_255 = vector.broadcast %parallel_loop3A_254 : f32 to vector<16xf32>
        %parallel_loop3A_256 = arith.maximumf %parallel_loop3A_253, %parallel_loop3A_255 : vector<16xf32>
        %parallel_loop3A_257 = arith.constant 0.000000e+00 : f32
        %parallel_loop3A_258 = vector.broadcast %parallel_loop3A_257 : f32 to vector<16xf32>
        %parallel_loop3A_259 = arith.minimumf %parallel_loop3A_253, %parallel_loop3A_258 : vector<16xf32>
        %parallel_loop3A_260 = arith.constant 2.000000e-01 : f32
        %parallel_loop3A_261 = vector.broadcast %parallel_loop3A_260 : f32 to vector<16xf32>
        %parallel_loop3A_262 = arith.mulf %parallel_loop3A_261, %parallel_loop3A_259 : vector<16xf32>
        %parallel_loop3A_263 = arith.addf %parallel_loop3A_256, %parallel_loop3A_262 : vector<16xf32>
        %parallel_loop3A_264 = arith.subf %parallel_loop3A_263, %get3A_144 : vector<16xf32>
        %parallel_loop3A_265 = math.exp %parallel_loop3A_264 : vector<16xf32>
        %parallel_loop3A_266 = arith.index_cast %parallel_loop3A_192 : i32 to index
        %parallel_loop3A_267 = arith.constant 128 : index
        %parallel_loop3A_268 = tpu.vector_load %arg12[%parallel_loop3A_266, %parallel_loop3A_267] {strides = array<i32>} : memref<64x144xf32, #tpu.memory_space<vmem>>, vector<1x16xf32>,
        %parallel_loop3A_269 = vector.shape_cast %parallel_loop3A_268 : vector<1x16xf32> to vector<16xf32>
        %parallel_loop3A_270 = vector.shape_cast %parallel_loop3A_265 : vector<16xf32> to vector<1x16xf32>
        tpu.vector_store %arg12[%parallel_loop3A_266, %parallel_loop3A_267], %parallel_loop3A_270 {strides = array<i32>} : memref<64x144xf32, #tpu.memory_space<vmem>>, vector<1x16xf32>,
        %parallel_loop3A_271 = vector.extract_strided_slice %parallel_loop3A_265 {offsets = [0], sizes = [1], strides = [1]} : vector<16xf32> to vector<1xf32>
        %parallel_loop3A_272 = vector.extract %parallel_loop3A_271[0] : f32 from vector<1xf32>
        %parallel_loop3A_273 = vector.broadcast %parallel_loop3A_272 : f32 to vector<16xf32>
        %parallel_loop3A_274 = arith.mulf %parallel_loop3A_198, %parallel_loop3A_273 : vector<16xf32>
        %parallel_loop3A_275 = arith.mulf %parallel_loop3A_204, %parallel_loop3A_273 : vector<16xf32>
        %parallel_loop3A_276 = arith.mulf %parallel_loop3A_210, %parallel_loop3A_273 : vector<16xf32>
        %parallel_loop3A_277 = arith.mulf %parallel_loop3A_216, %parallel_loop3A_273 : vector<16xf32>
        %parallel_loop3A_278 = arith.mulf %parallel_loop3A_222, %parallel_loop3A_273 : vector<16xf32>
        %parallel_loop3A_279 = arith.mulf %parallel_loop3A_228, %parallel_loop3A_273 : vector<16xf32>
        %parallel_loop3A_280 = arith.mulf %parallel_loop3A_234, %parallel_loop3A_273 : vector<16xf32>
        %parallel_loop3A_281 = arith.mulf %parallel_loop3A_240, %parallel_loop3A_273 : vector<16xf32>
        %parallel_loop3A_282 = arith.index_cast %parallel_loop3A_192 : i32 to index
        %parallel_loop3A_283 = arith.constant 0 : index
        %parallel_loop3A_284 = tpu.vector_load %arg12[%parallel_loop3A_282, %parallel_loop3A_283] {strides = array<i32>} : memref<64x144xf32, #tpu.memory_space<vmem>>, vector<1x16xf32>,
        %parallel_loop3A_285 = vector.shape_cast %parallel_loop3A_284 : vector<1x16xf32> to vector<16xf32>
        %parallel_loop3A_286 = vector.shape_cast %parallel_loop3A_274 : vector<16xf32> to vector<1x16xf32>
        tpu.vector_store %arg12[%parallel_loop3A_282, %parallel_loop3A_283], %parallel_loop3A_286 {strides = array<i32>} : memref<64x144xf32, #tpu.memory_space<vmem>>, vector<1x16xf32>,
        %parallel_loop3A_287 = arith.index_cast %parallel_loop3A_192 : i32 to index
        %parallel_loop3A_288 = arith.constant 16 : index
        %parallel_loop3A_289 = tpu.vector_load %arg12[%parallel_loop3A_287, %parallel_loop3A_288] {strides = array<i32>} : memref<64x144xf32, #tpu.memory_space<vmem>>, vector<1x16xf32>,
        %parallel_loop3A_290 = vector.shape_cast %parallel_loop3A_289 : vector<1x16xf32> to vector<16xf32>
        %parallel_loop3A_291 = vector.shape_cast %parallel_loop3A_275 : vector<16xf32> to vector<1x16xf32>
        tpu.vector_store %arg12[%parallel_loop3A_287, %parallel_loop3A_288], %parallel_loop3A_291 {strides = array<i32>} : memref<64x144xf32, #tpu.memory_space<vmem>>, vector<1x16xf32>,
        %parallel_loop3A_292 = arith.index_cast %parallel_loop3A_192 : i32 to index
        %parallel_loop3A_293 = arith.constant 32 : index
        %parallel_loop3A_294 = tpu.vector_load %arg12[%parallel_loop3A_292, %parallel_loop3A_293] {strides = array<i32>} : memref<64x144xf32, #tpu.memory_space<vmem>>, vector<1x16xf32>,
        %parallel_loop3A_295 = vector.shape_cast %parallel_loop3A_294 : vector<1x16xf32> to vector<16xf32>
        %parallel_loop3A_296 = vector.shape_cast %parallel_loop3A_276 : vector<16xf32> to vector<1x16xf32>
        tpu.vector_store %arg12[%parallel_loop3A_292, %parallel_loop3A_293], %parallel_loop3A_296 {strides = array<i32>} : memref<64x144xf32, #tpu.memory_space<vmem>>, vector<1x16xf32>,
        %parallel_loop3A_297 = arith.index_cast %parallel_loop3A_192 : i32 to index
        %parallel_loop3A_298 = arith.constant 48 : index
        %parallel_loop3A_299 = tpu.vector_load %arg12[%parallel_loop3A_297, %parallel_loop3A_298] {strides = array<i32>} : memref<64x144xf32, #tpu.memory_space<vmem>>, vector<1x16xf32>,
        %parallel_loop3A_300 = vector.shape_cast %parallel_loop3A_299 : vector<1x16xf32> to vector<16xf32>
        %parallel_loop3A_301 = vector.shape_cast %parallel_loop3A_277 : vector<16xf32> to vector<1x16xf32>
        tpu.vector_store %arg12[%parallel_loop3A_297, %parallel_loop3A_298], %parallel_loop3A_301 {strides = array<i32>} : memref<64x144xf32, #tpu.memory_space<vmem>>, vector<1x16xf32>,
        %parallel_loop3A_302 = arith.index_cast %parallel_loop3A_192 : i32 to index
        %parallel_loop3A_303 = arith.constant 64 : index
        %parallel_loop3A_304 = tpu.vector_load %arg12[%parallel_loop3A_302, %parallel_loop3A_303] {strides = array<i32>} : memref<64x144xf32, #tpu.memory_space<vmem>>, vector<1x16xf32>,
        %parallel_loop3A_305 = vector.shape_cast %parallel_loop3A_304 : vector<1x16xf32> to vector<16xf32>
        %parallel_loop3A_306 = vector.shape_cast %parallel_loop3A_278 : vector<16xf32> to vector<1x16xf32>
        tpu.vector_store %arg12[%parallel_loop3A_302, %parallel_loop3A_303], %parallel_loop3A_306 {strides = array<i32>} : memref<64x144xf32, #tpu.memory_space<vmem>>, vector<1x16xf32>,
        %parallel_loop3A_307 = arith.index_cast %parallel_loop3A_192 : i32 to index
        %parallel_loop3A_308 = arith.constant 80 : index
        %parallel_loop3A_309 = tpu.vector_load %arg12[%parallel_loop3A_307, %parallel_loop3A_308] {strides = array<i32>} : memref<64x144xf32, #tpu.memory_space<vmem>>, vector<1x16xf32>,
        %parallel_loop3A_310 = vector.shape_cast %parallel_loop3A_309 : vector<1x16xf32> to vector<16xf32>
        %parallel_loop3A_311 = vector.shape_cast %parallel_loop3A_279 : vector<16xf32> to vector<1x16xf32>
        tpu.vector_store %arg12[%parallel_loop3A_307, %parallel_loop3A_308], %parallel_loop3A_311 {strides = array<i32>} : memref<64x144xf32, #tpu.memory_space<vmem>>, vector<1x16xf32>,
        %parallel_loop3A_312 = arith.index_cast %parallel_loop3A_192 : i32 to index
        %parallel_loop3A_313 = arith.constant 96 : index
        %parallel_loop3A_314 = tpu.vector_load %arg12[%parallel_loop3A_312, %parallel_loop3A_313] {strides = array<i32>} : memref<64x144xf32, #tpu.memory_space<vmem>>, vector<1x16xf32>,
        %parallel_loop3A_315 = vector.shape_cast %parallel_loop3A_314 : vector<1x16xf32> to vector<16xf32>
        %parallel_loop3A_316 = vector.shape_cast %parallel_loop3A_280 : vector<16xf32> to vector<1x16xf32>
        tpu.vector_store %arg12[%parallel_loop3A_312, %parallel_loop3A_313], %parallel_loop3A_316 {strides = array<i32>} : memref<64x144xf32, #tpu.memory_space<vmem>>, vector<1x16xf32>,
        %parallel_loop3A_317 = arith.index_cast %parallel_loop3A_192 : i32 to index
        %parallel_loop3A_318 = arith.constant 112 : index
        %parallel_loop3A_319 = tpu.vector_load %arg12[%parallel_loop3A_317, %parallel_loop3A_318] {strides = array<i32>} : memref<64x144xf32, #tpu.memory_space<vmem>>, vector<1x16xf32>,
        %parallel_loop3A_320 = vector.shape_cast %parallel_loop3A_319 : vector<1x16xf32> to vector<16xf32>
        %parallel_loop3A_321 = vector.shape_cast %parallel_loop3A_281 : vector<16xf32> to vector<1x16xf32>
        tpu.vector_store %arg12[%parallel_loop3A_317, %parallel_loop3A_318], %parallel_loop3A_321 {strides = array<i32>} : memref<64x144xf32, #tpu.memory_space<vmem>>, vector<1x16xf32>,
      } {sc.loop_unroll_factor = 16 : i64, sc.parallel_access}
      %run_scoped3A_147 = arith.constant 0 : i32
      "tpu.region"() ({
        %run_scoped3A_192 = tpu.sem_alloc : memref<!tpu.dma_semaphore, #tpu.memory_space<semaphore_mem>>
        %dma_start3A_193 = arith.constant 0 : i32
        %dma_start3A_194 = tpu.memref_slice %arg9[%run_scoped3A_147, %dma_start3A_193] : memref<2x64xi32, #tpu.memory_space<vmem>> -> memref<1x64xi32, #tpu.memory_space<vmem>>
        %dma_start3A_195 = tpu.memref_squeeze %dma_start3A_194 : memref<1x64xi32, #tpu.memory_space<vmem>> -> memref<64xi32, #tpu.memory_space<vmem>>
        %dma_start3A_196 = arith.constant 0 : i32
        %dma_start3A_197 = arith.constant 0 : i32
        %dma_start3A_198 = tpu.memref_slice %arg15[%dma_start3A_196, %dma_start3A_197] : memref<10112x144xf32, #tpu.memory_space<vmem_shared>> -> memref<10112x144xf32, #tpu.memory_space<vmem_shared>>
        tpu.enqueue_indirect_dma source(%arg12 : memref<64x144xf32, #tpu.memory_space<vmem>>) target(%dma_start3A_198 : memref<10112x144xf32, #tpu.memory_space<vmem_shared>>) offsets(%dma_start3A_195 : memref<64xi32, #tpu.memory_space<vmem>>) semaphore(%run_scoped3A_192 : memref<!tpu.dma_semaphore, #tpu.memory_space<semaphore_mem>>) {add = true}
        %dma_wait3A_199 = arith.constant 0 : i32
        %dma_wait3A_200 = tpu.memref_slice %arg9[%run_scoped3A_147, %dma_wait3A_199] : memref<2x64xi32, #tpu.memory_space<vmem>> -> memref<1x64xi32, #tpu.memory_space<vmem>>
        %dma_wait3A_201 = tpu.memref_squeeze %dma_wait3A_200 : memref<1x64xi32, #tpu.memory_space<vmem>> -> memref<64xi32, #tpu.memory_space<vmem>>
        %dma_wait3A_202 = arith.constant 0 : i32
        %dma_wait3A_203 = arith.constant 0 : i32
        %dma_wait3A_204 = tpu.memref_slice %arg15[%dma_wait3A_202, %dma_wait3A_203] : memref<10112x144xf32, #tpu.memory_space<vmem_shared>> -> memref<10112x144xf32, #tpu.memory_space<vmem_shared>>
        tpu.wait_indirect_dma semaphore(%run_scoped3A_192 : memref<!tpu.dma_semaphore, #tpu.memory_space<semaphore_mem>>) src(%arg12 : memref<64x144xf32, #tpu.memory_space<vmem>>) dst(%dma_wait3A_204 : memref<10112x144xf32, #tpu.memory_space<vmem_shared>>)
        tpu.yield
      }) : () -> ()
      %add3A_148 = arith.constant 2 : i32
      %add3A_149 = arith.addi %add3A_119, %add3A_148 : i32
      %lt3A = arith.constant 164 : i32
      %lt3A_150 = arith.cmpi slt, %add3A_149, %lt3A : i32
      %convert_element_type3A = arith.extui %lt3A_150 : i1 to i32
      %cond3A = arith.constant 0 : i32
      %cond3A_151 = arith.cmpi ne, %convert_element_type3A, %cond3A : i32
      scf.if %cond3A_151 {
        %add3A_192 = arith.constant 2 : i32
        %add3A_193 = arith.addi %add3A_119, %add3A_192 : i32
        %mul3A_194 = arith.constant 64 : i32
        %mul3A_195 = arith.muli %add3A_193, %mul3A_194 : i32
        %add3A_196 = arith.addi %mul3A_47, %mul3A_195 : i32
        %run_scoped3A_197 = arith.constant 0 : i32
        "tpu.region"() ({
          %run_scoped3A_223 = tpu.sem_alloc : memref<!tpu.dma_semaphore, #tpu.memory_space<semaphore_mem>>
          %dma_start3A_224 = arith.constant 0 : i32
          %dma_start3A_225 = tpu.memref_slice %arg8[%run_scoped3A_197, %dma_start3A_224] : memref<2x64xi32, #tpu.memory_space<vmem>> -> memref<1x64xi32, #tpu.memory_space<vmem>>
          %dma_start3A_226 = tpu.memref_squeeze %dma_start3A_225 : memref<1x64xi32, #tpu.memory_space<vmem>> -> memref<64xi32, #tpu.memory_space<vmem>>
          %dma_start3A_227 = tpu.memref_slice %arg5[%add3A_196] : memref<335872xi32, #tpu.memory_space<hbm>> -> memref<64xi32, #tpu.memory_space<hbm>>
          %dma_start3A_228 = arith.constant 0 : i32
          %dma_start3A_229 = tpu.memref_slice %arg8[%run_scoped3A_197, %dma_start3A_228] : memref<2x64xi32, #tpu.memory_space<vmem>> -> memref<1x64xi32, #tpu.memory_space<vmem>>
          %dma_start3A_230 = tpu.memref_squeeze %dma_start3A_229 : memref<1x64xi32, #tpu.memory_space<vmem>> -> memref<64xi32, #tpu.memory_space<vmem>>
          %dma_start3A_231 = tpu.memref_slice %arg5[%add3A_196] : memref<335872xi32, #tpu.memory_space<hbm>> -> memref<64xi32, #tpu.memory_space<hbm>>
          tpu.enqueue_dma source(%dma_start3A_231 : memref<64xi32, #tpu.memory_space<hbm>>) target(%dma_start3A_230 : memref<64xi32, #tpu.memory_space<vmem>>) target_semaphore(%run_scoped3A_223 : memref<!tpu.dma_semaphore, #tpu.memory_space<semaphore_mem>>)
          %dma_wait3A_232 = arith.constant 0 : i32
          %dma_wait3A_233 = tpu.memref_slice %arg8[%run_scoped3A_197, %dma_wait3A_232] : memref<2x64xi32, #tpu.memory_space<vmem>> -> memref<1x64xi32, #tpu.memory_space<vmem>>
          %dma_wait3A_234 = tpu.memref_squeeze %dma_wait3A_233 : memref<1x64xi32, #tpu.memory_space<vmem>> -> memref<64xi32, #tpu.memory_space<vmem>>
          %dma_wait3A_235 = tpu.memref_slice %arg5[%add3A_196] : memref<335872xi32, #tpu.memory_space<hbm>> -> memref<64xi32, #tpu.memory_space<hbm>>
          %dma_wait3A_236 = arith.constant 0 : i32
          %dma_wait3A_237 = tpu.memref_slice %arg8[%run_scoped3A_197, %dma_wait3A_236] : memref<2x64xi32, #tpu.memory_space<vmem>> -> memref<1x64xi32, #tpu.memory_space<vmem>>
          %dma_wait3A_238 = tpu.memref_squeeze %dma_wait3A_237 : memref<1x64xi32, #tpu.memory_space<vmem>> -> memref<64xi32, #tpu.memory_space<vmem>>
          %dma_wait3A_239 = tpu.memref_slice %arg5[%add3A_196] : memref<335872xi32, #tpu.memory_space<hbm>> -> memref<64xi32, #tpu.memory_space<hbm>>
          tpu.wait_dma2 semaphore(%run_scoped3A_223 : memref<!tpu.dma_semaphore, #tpu.memory_space<semaphore_mem>>) src(%dma_wait3A_239 : memref<64xi32, #tpu.memory_space<hbm>>) dst(%dma_wait3A_238 : memref<64xi32, #tpu.memory_space<vmem>>)
          tpu.yield
        }) : () -> ()
        %run_scoped3A_198 = arith.constant 0 : i32
        "tpu.region"() ({
          %run_scoped3A_223 = tpu.sem_alloc : memref<!tpu.dma_semaphore, #tpu.memory_space<semaphore_mem>>
          %dma_start3A_224 = arith.constant 0 : i32
          %dma_start3A_225 = tpu.memref_slice %arg9[%run_scoped3A_198, %dma_start3A_224] : memref<2x64xi32, #tpu.memory_space<vmem>> -> memref<1x64xi32, #tpu.memory_space<vmem>>
          %dma_start3A_226 = tpu.memref_squeeze %dma_start3A_225 : memref<1x64xi32, #tpu.memory_space<vmem>> -> memref<64xi32, #tpu.memory_space<vmem>>
          %dma_start3A_227 = tpu.memref_slice %arg6[%add3A_196] : memref<335872xi32, #tpu.memory_space<hbm>> -> memref<64xi32, #tpu.memory_space<hbm>>
          %dma_start3A_228 = arith.constant 0 : i32
          %dma_start3A_229 = tpu.memref_slice %arg9[%run_scoped3A_198, %dma_start3A_228] : memref<2x64xi32, #tpu.memory_space<vmem>> -> memref<1x64xi32, #tpu.memory_space<vmem>>
          %dma_start3A_230 = tpu.memref_squeeze %dma_start3A_229 : memref<1x64xi32, #tpu.memory_space<vmem>> -> memref<64xi32, #tpu.memory_space<vmem>>
          %dma_start3A_231 = tpu.memref_slice %arg6[%add3A_196] : memref<335872xi32, #tpu.memory_space<hbm>> -> memref<64xi32, #tpu.memory_space<hbm>>
          tpu.enqueue_dma source(%dma_start3A_231 : memref<64xi32, #tpu.memory_space<hbm>>) target(%dma_start3A_230 : memref<64xi32, #tpu.memory_space<vmem>>) target_semaphore(%run_scoped3A_223 : memref<!tpu.dma_semaphore, #tpu.memory_space<semaphore_mem>>)
          %dma_wait3A_232 = arith.constant 0 : i32
          %dma_wait3A_233 = tpu.memref_slice %arg9[%run_scoped3A_198, %dma_wait3A_232] : memref<2x64xi32, #tpu.memory_space<vmem>> -> memref<1x64xi32, #tpu.memory_space<vmem>>
          %dma_wait3A_234 = tpu.memref_squeeze %dma_wait3A_233 : memref<1x64xi32, #tpu.memory_space<vmem>> -> memref<64xi32, #tpu.memory_space<vmem>>
          %dma_wait3A_235 = tpu.memref_slice %arg6[%add3A_196] : memref<335872xi32, #tpu.memory_space<hbm>> -> memref<64xi32, #tpu.memory_space<hbm>>
          %dma_wait3A_236 = arith.constant 0 : i32
          %dma_wait3A_237 = tpu.memref_slice %arg9[%run_scoped3A_198, %dma_wait3A_236] : memref<2x64xi32, #tpu.memory_space<vmem>> -> memref<1x64xi32, #tpu.memory_space<vmem>>
          %dma_wait3A_238 = tpu.memref_squeeze %dma_wait3A_237 : memref<1x64xi32, #tpu.memory_space<vmem>> -> memref<64xi32, #tpu.memory_space<vmem>>
          %dma_wait3A_239 = tpu.memref_slice %arg6[%add3A_196] : memref<335872xi32, #tpu.memory_space<hbm>> -> memref<64xi32, #tpu.memory_space<hbm>>
          tpu.wait_dma2 semaphore(%run_scoped3A_223 : memref<!tpu.dma_semaphore, #tpu.memory_space<semaphore_mem>>) src(%dma_wait3A_239 : memref<64xi32, #tpu.memory_space<hbm>>) dst(%dma_wait3A_238 : memref<64xi32, #tpu.memory_space<vmem>>)
          tpu.yield
        }) : () -> ()
        %dma_start3A_199 = arith.constant 0 : i32
        %dma_start3A_200 = arith.constant 0 : i32
        %dma_start3A_201 = arith.constant 0 : i32
        %dma_start3A_202 = arith.constant 0 : i32
        %dma_start3A_203 = tpu.memref_slice %arg11[%dma_start3A_200, %dma_start3A_201, %dma_start3A_202] : memref<2x64x144xf32, #tpu.memory_space<vmem>> -> memref<1x64x144xf32, #tpu.memory_space<vmem>>
        %dma_start3A_204 = tpu.memref_squeeze %dma_start3A_203 : memref<1x64x144xf32, #tpu.memory_space<vmem>> -> memref<64x144xf32, #tpu.memory_space<vmem>>
        %dma_start3A_205 = arith.constant 0 : i32
        %dma_start3A_206 = tpu.memref_slice %arg8[%dma_start3A_199, %dma_start3A_205] : memref<2x64xi32, #tpu.memory_space<vmem>> -> memref<1x64xi32, #tpu.memory_space<vmem>>
        %dma_start3A_207 = tpu.memref_squeeze %dma_start3A_206 : memref<1x64xi32, #tpu.memory_space<vmem>> -> memref<64xi32, #tpu.memory_space<vmem>>
        %dma_start3A_208 = arith.constant 0 : i32
        %dma_start3A_209 = arith.constant 0 : i32
        %dma_start3A_210 = tpu.memref_slice %arg2[%dma_start3A_208, %dma_start3A_209] : memref<10008x144xf32, #tpu.memory_space<hbm>> -> memref<10008x144xf32, #tpu.memory_space<hbm>>
        tpu.enqueue_indirect_dma source(%dma_start3A_210 : memref<10008x144xf32, #tpu.memory_space<hbm>>) target(%dma_start3A_204 : memref<64x144xf32, #tpu.memory_space<vmem>>) offsets(%dma_start3A_207 : memref<64xi32, #tpu.memory_space<vmem>>) semaphore(%arg16 : memref<!tpu.dma_semaphore, #tpu.memory_space<semaphore_mem>>)
        %dma_start3A_211 = arith.constant 0 : i32
        %dma_start3A_212 = arith.constant 0 : i32
        %dma_start3A_213 = arith.constant 0 : i32
        %dma_start3A_214 = arith.constant 0 : i32
        %dma_start3A_215 = tpu.memref_slice %arg13[%dma_start3A_212, %dma_start3A_213, %dma_start3A_214] : memref<2x64x16xf32, #tpu.memory_space<vmem>> -> memref<1x64x16xf32, #tpu.memory_space<vmem>>
        %dma_start3A_216 = tpu.memref_squeeze %dma_start3A_215 : memref<1x64x16xf32, #tpu.memory_space<vmem>> -> memref<64x16xf32, #tpu.memory_space<vmem>>
        %dma_start3A_217 = arith.constant 0 : i32
        %dma_start3A_218 = tpu.memref_slice %arg9[%dma_start3A_211, %dma_start3A_217] : memref<2x64xi32, #tpu.memory_space<vmem>> -> memref<1x64xi32, #tpu.memory_space<vmem>>
        %dma_start3A_219 = tpu.memref_squeeze %dma_start3A_218 : memref<1x64xi32, #tpu.memory_space<vmem>> -> memref<64xi32, #tpu.memory_space<vmem>>
        %dma_start3A_220 = arith.constant 0 : i32
        %dma_start3A_221 = arith.constant 0 : i32
        %dma_start3A_222 = tpu.memref_slice %arg3[%dma_start3A_220, %dma_start3A_221] : memref<10008x16xf32, #tpu.memory_space<hbm>> -> memref<10008x16xf32, #tpu.memory_space<hbm>>
        tpu.enqueue_indirect_dma source(%dma_start3A_222 : memref<10008x16xf32, #tpu.memory_space<hbm>>) target(%dma_start3A_216 : memref<64x16xf32, #tpu.memory_space<vmem>>) offsets(%dma_start3A_219 : memref<64xi32, #tpu.memory_space<vmem>>) semaphore(%arg16 : memref<!tpu.dma_semaphore, #tpu.memory_space<semaphore_mem>>)
      } else {
      }
      %add3A_152 = arith.constant 1 : i32
      %add3A_153 = arith.addi %add3A_119, %add3A_152 : i32
      %dma_wait3A_154 = arith.constant 1 : i32
      %dma_wait3A_155 = arith.constant 1 : i32
      %dma_wait3A_156 = arith.constant 0 : i32
      %dma_wait3A_157 = arith.constant 0 : i32
      %dma_wait3A_158 = tpu.memref_slice %arg11[%dma_wait3A_155, %dma_wait3A_156, %dma_wait3A_157] : memref<2x64x144xf32, #tpu.memory_space<vmem>> -> memref<1x64x144xf32, #tpu.memory_space<vmem>>
      %dma_wait3A_159 = tpu.memref_squeeze %dma_wait3A_158 : memref<1x64x144xf32, #tpu.memory_space<vmem>> -> memref<64x144xf32, #tpu.memory_space<vmem>>
      %dma_wait3A_160 = arith.constant 0 : i32
      %dma_wait3A_161 = tpu.memref_slice %arg8[%dma_wait3A_154, %dma_wait3A_160] : memref<2x64xi32, #tpu.memory_space<vmem>> -> memref<1x64xi32, #tpu.memory_space<vmem>>
      %dma_wait3A_162 = tpu.memref_squeeze %dma_wait3A_161 : memref<1x64xi32, #tpu.memory_space<vmem>> -> memref<64xi32, #tpu.memory_space<vmem>>
      %dma_wait3A_163 = arith.constant 0 : i32
      %dma_wait3A_164 = arith.constant 0 : i32
      %dma_wait3A_165 = tpu.memref_slice %arg2[%dma_wait3A_163, %dma_wait3A_164] : memref<10008x144xf32, #tpu.memory_space<hbm>> -> memref<10008x144xf32, #tpu.memory_space<hbm>>
      tpu.wait_indirect_dma semaphore(%arg17 : memref<!tpu.dma_semaphore, #tpu.memory_space<semaphore_mem>>) src(%dma_wait3A_165 : memref<10008x144xf32, #tpu.memory_space<hbm>>) dst(%dma_wait3A_159 : memref<64x144xf32, #tpu.memory_space<vmem>>)
      %dma_wait3A_166 = arith.constant 1 : i32
      %dma_wait3A_167 = arith.constant 1 : i32
      %dma_wait3A_168 = arith.constant 0 : i32
      %dma_wait3A_169 = arith.constant 0 : i32
      %dma_wait3A_170 = tpu.memref_slice %arg13[%dma_wait3A_167, %dma_wait3A_168, %dma_wait3A_169] : memref<2x64x16xf32, #tpu.memory_space<vmem>> -> memref<1x64x16xf32, #tpu.memory_space<vmem>>
      %dma_wait3A_171 = tpu.memref_squeeze %dma_wait3A_170 : memref<1x64x16xf32, #tpu.memory_space<vmem>> -> memref<64x16xf32, #tpu.memory_space<vmem>>
      %dma_wait3A_172 = arith.constant 0 : i32
      %dma_wait3A_173 = tpu.memref_slice %arg9[%dma_wait3A_166, %dma_wait3A_172] : memref<2x64xi32, #tpu.memory_space<vmem>> -> memref<1x64xi32, #tpu.memory_space<vmem>>
      %dma_wait3A_174 = tpu.memref_squeeze %dma_wait3A_173 : memref<1x64xi32, #tpu.memory_space<vmem>> -> memref<64xi32, #tpu.memory_space<vmem>>
      %dma_wait3A_175 = arith.constant 0 : i32
      %dma_wait3A_176 = arith.constant 0 : i32
      %dma_wait3A_177 = tpu.memref_slice %arg3[%dma_wait3A_175, %dma_wait3A_176] : memref<10008x16xf32, #tpu.memory_space<hbm>> -> memref<10008x16xf32, #tpu.memory_space<hbm>>
      tpu.wait_indirect_dma semaphore(%arg17 : memref<!tpu.dma_semaphore, #tpu.memory_space<semaphore_mem>>) src(%dma_wait3A_177 : memref<10008x16xf32, #tpu.memory_space<hbm>>) dst(%dma_wait3A_171 : memref<64x16xf32, #tpu.memory_space<vmem>>)
      %get3A_178 = arith.constant 0 : index
      %get3A_179 = tpu.vector_load %arg14[%get3A_178] {strides = array<i32>} : memref<16xf32, #tpu.memory_space<vmem>>, vector<16xf32>,
      %get3A_180 = vector.shape_cast %get3A_179 : vector<16xf32> to vector<16xf32>
      %parallel_loop3A_181 = arith.constant 0 : i32
      %parallel_loop3A_182 = arith.constant 64 : i32
      %parallel_loop3A_183 = arith.constant 1 : i32
      scf.for %parallel_loop3A_192 = %parallel_loop3A_181 to %parallel_loop3A_182 step %parallel_loop3A_183  : i32 {
        %parallel_loop3A_193 = arith.constant 1 : i32
        %parallel_loop3A_194 = arith.index_cast %parallel_loop3A_193 : i32 to index
        %parallel_loop3A_195 = arith.index_cast %parallel_loop3A_192 : i32 to index
        %parallel_loop3A_196 = arith.constant 0 : index
        %parallel_loop3A_197 = tpu.vector_load %arg11[%parallel_loop3A_194, %parallel_loop3A_195, %parallel_loop3A_196] {strides = array<i32>} : memref<2x64x144xf32, #tpu.memory_space<vmem>>, vector<1x1x16xf32>,
        %parallel_loop3A_198 = vector.shape_cast %parallel_loop3A_197 : vector<1x1x16xf32> to vector<16xf32>
        %parallel_loop3A_199 = arith.constant 1 : i32
        %parallel_loop3A_200 = arith.index_cast %parallel_loop3A_199 : i32 to index
        %parallel_loop3A_201 = arith.index_cast %parallel_loop3A_192 : i32 to index
        %parallel_loop3A_202 = arith.constant 16 : index
        %parallel_loop3A_203 = tpu.vector_load %arg11[%parallel_loop3A_200, %parallel_loop3A_201, %parallel_loop3A_202] {strides = array<i32>} : memref<2x64x144xf32, #tpu.memory_space<vmem>>, vector<1x1x16xf32>,
        %parallel_loop3A_204 = vector.shape_cast %parallel_loop3A_203 : vector<1x1x16xf32> to vector<16xf32>
        %parallel_loop3A_205 = arith.constant 1 : i32
        %parallel_loop3A_206 = arith.index_cast %parallel_loop3A_205 : i32 to index
        %parallel_loop3A_207 = arith.index_cast %parallel_loop3A_192 : i32 to index
        %parallel_loop3A_208 = arith.constant 32 : index
        %parallel_loop3A_209 = tpu.vector_load %arg11[%parallel_loop3A_206, %parallel_loop3A_207, %parallel_loop3A_208] {strides = array<i32>} : memref<2x64x144xf32, #tpu.memory_space<vmem>>, vector<1x1x16xf32>,
        %parallel_loop3A_210 = vector.shape_cast %parallel_loop3A_209 : vector<1x1x16xf32> to vector<16xf32>
        %parallel_loop3A_211 = arith.constant 1 : i32
        %parallel_loop3A_212 = arith.index_cast %parallel_loop3A_211 : i32 to index
        %parallel_loop3A_213 = arith.index_cast %parallel_loop3A_192 : i32 to index
        %parallel_loop3A_214 = arith.constant 48 : index
        %parallel_loop3A_215 = tpu.vector_load %arg11[%parallel_loop3A_212, %parallel_loop3A_213, %parallel_loop3A_214] {strides = array<i32>} : memref<2x64x144xf32, #tpu.memory_space<vmem>>, vector<1x1x16xf32>,
        %parallel_loop3A_216 = vector.shape_cast %parallel_loop3A_215 : vector<1x1x16xf32> to vector<16xf32>
        %parallel_loop3A_217 = arith.constant 1 : i32
        %parallel_loop3A_218 = arith.index_cast %parallel_loop3A_217 : i32 to index
        %parallel_loop3A_219 = arith.index_cast %parallel_loop3A_192 : i32 to index
        %parallel_loop3A_220 = arith.constant 64 : index
        %parallel_loop3A_221 = tpu.vector_load %arg11[%parallel_loop3A_218, %parallel_loop3A_219, %parallel_loop3A_220] {strides = array<i32>} : memref<2x64x144xf32, #tpu.memory_space<vmem>>, vector<1x1x16xf32>,
        %parallel_loop3A_222 = vector.shape_cast %parallel_loop3A_221 : vector<1x1x16xf32> to vector<16xf32>
        %parallel_loop3A_223 = arith.constant 1 : i32
        %parallel_loop3A_224 = arith.index_cast %parallel_loop3A_223 : i32 to index
        %parallel_loop3A_225 = arith.index_cast %parallel_loop3A_192 : i32 to index
        %parallel_loop3A_226 = arith.constant 80 : index
        %parallel_loop3A_227 = tpu.vector_load %arg11[%parallel_loop3A_224, %parallel_loop3A_225, %parallel_loop3A_226] {strides = array<i32>} : memref<2x64x144xf32, #tpu.memory_space<vmem>>, vector<1x1x16xf32>,
        %parallel_loop3A_228 = vector.shape_cast %parallel_loop3A_227 : vector<1x1x16xf32> to vector<16xf32>
        %parallel_loop3A_229 = arith.constant 1 : i32
        %parallel_loop3A_230 = arith.index_cast %parallel_loop3A_229 : i32 to index
        %parallel_loop3A_231 = arith.index_cast %parallel_loop3A_192 : i32 to index
        %parallel_loop3A_232 = arith.constant 96 : index
        %parallel_loop3A_233 = tpu.vector_load %arg11[%parallel_loop3A_230, %parallel_loop3A_231, %parallel_loop3A_232] {strides = array<i32>} : memref<2x64x144xf32, #tpu.memory_space<vmem>>, vector<1x1x16xf32>,
        %parallel_loop3A_234 = vector.shape_cast %parallel_loop3A_233 : vector<1x1x16xf32> to vector<16xf32>
        %parallel_loop3A_235 = arith.constant 1 : i32
        %parallel_loop3A_236 = arith.index_cast %parallel_loop3A_235 : i32 to index
        %parallel_loop3A_237 = arith.index_cast %parallel_loop3A_192 : i32 to index
        %parallel_loop3A_238 = arith.constant 112 : index
        %parallel_loop3A_239 = tpu.vector_load %arg11[%parallel_loop3A_236, %parallel_loop3A_237, %parallel_loop3A_238] {strides = array<i32>} : memref<2x64x144xf32, #tpu.memory_space<vmem>>, vector<1x1x16xf32>,
        %parallel_loop3A_240 = vector.shape_cast %parallel_loop3A_239 : vector<1x1x16xf32> to vector<16xf32>
        %parallel_loop3A_241 = arith.constant 1 : i32
        %parallel_loop3A_242 = arith.index_cast %parallel_loop3A_241 : i32 to index
        %parallel_loop3A_243 = arith.index_cast %parallel_loop3A_192 : i32 to index
        %parallel_loop3A_244 = arith.constant 128 : index
        %parallel_loop3A_245 = tpu.vector_load %arg11[%parallel_loop3A_242, %parallel_loop3A_243, %parallel_loop3A_244] {strides = array<i32>} : memref<2x64x144xf32, #tpu.memory_space<vmem>>, vector<1x1x16xf32>,
        %parallel_loop3A_246 = vector.shape_cast %parallel_loop3A_245 : vector<1x1x16xf32> to vector<16xf32>
        %parallel_loop3A_247 = arith.constant 1 : i32
        %parallel_loop3A_248 = arith.index_cast %parallel_loop3A_247 : i32 to index
        %parallel_loop3A_249 = arith.index_cast %parallel_loop3A_192 : i32 to index
        %parallel_loop3A_250 = arith.constant 0 : index
        %parallel_loop3A_251 = tpu.vector_load %arg13[%parallel_loop3A_248, %parallel_loop3A_249, %parallel_loop3A_250] {strides = array<i32>} : memref<2x64x16xf32, #tpu.memory_space<vmem>>, vector<1x1x16xf32>,
        %parallel_loop3A_252 = vector.shape_cast %parallel_loop3A_251 : vector<1x1x16xf32> to vector<16xf32>
        %parallel_loop3A_253 = arith.addf %parallel_loop3A_246, %parallel_loop3A_252 : vector<16xf32>
        %parallel_loop3A_254 = arith.constant 0.000000e+00 : f32
        %parallel_loop3A_255 = vector.broadcast %parallel_loop3A_254 : f32 to vector<16xf32>
        %parallel_loop3A_256 = arith.maximumf %parallel_loop3A_253, %parallel_loop3A_255 : vector<16xf32>
        %parallel_loop3A_257 = arith.constant 0.000000e+00 : f32
        %parallel_loop3A_258 = vector.broadcast %parallel_loop3A_257 : f32 to vector<16xf32>
        %parallel_loop3A_259 = arith.minimumf %parallel_loop3A_253, %parallel_loop3A_258 : vector<16xf32>
        %parallel_loop3A_260 = arith.constant 2.000000e-01 : f32
        %parallel_loop3A_261 = vector.broadcast %parallel_loop3A_260 : f32 to vector<16xf32>
        %parallel_loop3A_262 = arith.mulf %parallel_loop3A_261, %parallel_loop3A_259 : vector<16xf32>
        %parallel_loop3A_263 = arith.addf %parallel_loop3A_256, %parallel_loop3A_262 : vector<16xf32>
        %parallel_loop3A_264 = arith.subf %parallel_loop3A_263, %get3A_180 : vector<16xf32>
        %parallel_loop3A_265 = math.exp %parallel_loop3A_264 : vector<16xf32>
        %parallel_loop3A_266 = arith.index_cast %parallel_loop3A_192 : i32 to index
        %parallel_loop3A_267 = arith.constant 128 : index
        %parallel_loop3A_268 = tpu.vector_load %arg12[%parallel_loop3A_266, %parallel_loop3A_267] {strides = array<i32>} : memref<64x144xf32, #tpu.memory_space<vmem>>, vector<1x16xf32>,
        %parallel_loop3A_269 = vector.shape_cast %parallel_loop3A_268 : vector<1x16xf32> to vector<16xf32>
        %parallel_loop3A_270 = vector.shape_cast %parallel_loop3A_265 : vector<16xf32> to vector<1x16xf32>
        tpu.vector_store %arg12[%parallel_loop3A_266, %parallel_loop3A_267], %parallel_loop3A_270 {strides = array<i32>} : memref<64x144xf32, #tpu.memory_space<vmem>>, vector<1x16xf32>,
        %parallel_loop3A_271 = vector.extract_strided_slice %parallel_loop3A_265 {offsets = [0], sizes = [1], strides = [1]} : vector<16xf32> to vector<1xf32>
        %parallel_loop3A_272 = vector.extract %parallel_loop3A_271[0] : f32 from vector<1xf32>
        %parallel_loop3A_273 = vector.broadcast %parallel_loop3A_272 : f32 to vector<16xf32>
        %parallel_loop3A_274 = arith.mulf %parallel_loop3A_198, %parallel_loop3A_273 : vector<16xf32>
        %parallel_loop3A_275 = arith.mulf %parallel_loop3A_204, %parallel_loop3A_273 : vector<16xf32>
        %parallel_loop3A_276 = arith.mulf %parallel_loop3A_210, %parallel_loop3A_273 : vector<16xf32>
        %parallel_loop3A_277 = arith.mulf %parallel_loop3A_216, %parallel_loop3A_273 : vector<16xf32>
        %parallel_loop3A_278 = arith.mulf %parallel_loop3A_222, %parallel_loop3A_273 : vector<16xf32>
        %parallel_loop3A_279 = arith.mulf %parallel_loop3A_228, %parallel_loop3A_273 : vector<16xf32>
        %parallel_loop3A_280 = arith.mulf %parallel_loop3A_234, %parallel_loop3A_273 : vector<16xf32>
        %parallel_loop3A_281 = arith.mulf %parallel_loop3A_240, %parallel_loop3A_273 : vector<16xf32>
        %parallel_loop3A_282 = arith.index_cast %parallel_loop3A_192 : i32 to index
        %parallel_loop3A_283 = arith.constant 0 : index
        %parallel_loop3A_284 = tpu.vector_load %arg12[%parallel_loop3A_282, %parallel_loop3A_283] {strides = array<i32>} : memref<64x144xf32, #tpu.memory_space<vmem>>, vector<1x16xf32>,
        %parallel_loop3A_285 = vector.shape_cast %parallel_loop3A_284 : vector<1x16xf32> to vector<16xf32>
        %parallel_loop3A_286 = vector.shape_cast %parallel_loop3A_274 : vector<16xf32> to vector<1x16xf32>
        tpu.vector_store %arg12[%parallel_loop3A_282, %parallel_loop3A_283], %parallel_loop3A_286 {strides = array<i32>} : memref<64x144xf32, #tpu.memory_space<vmem>>, vector<1x16xf32>,
        %parallel_loop3A_287 = arith.index_cast %parallel_loop3A_192 : i32 to index
        %parallel_loop3A_288 = arith.constant 16 : index
        %parallel_loop3A_289 = tpu.vector_load %arg12[%parallel_loop3A_287, %parallel_loop3A_288] {strides = array<i32>} : memref<64x144xf32, #tpu.memory_space<vmem>>, vector<1x16xf32>,
        %parallel_loop3A_290 = vector.shape_cast %parallel_loop3A_289 : vector<1x16xf32> to vector<16xf32>
        %parallel_loop3A_291 = vector.shape_cast %parallel_loop3A_275 : vector<16xf32> to vector<1x16xf32>
        tpu.vector_store %arg12[%parallel_loop3A_287, %parallel_loop3A_288], %parallel_loop3A_291 {strides = array<i32>} : memref<64x144xf32, #tpu.memory_space<vmem>>, vector<1x16xf32>,
        %parallel_loop3A_292 = arith.index_cast %parallel_loop3A_192 : i32 to index
        %parallel_loop3A_293 = arith.constant 32 : index
        %parallel_loop3A_294 = tpu.vector_load %arg12[%parallel_loop3A_292, %parallel_loop3A_293] {strides = array<i32>} : memref<64x144xf32, #tpu.memory_space<vmem>>, vector<1x16xf32>,
        %parallel_loop3A_295 = vector.shape_cast %parallel_loop3A_294 : vector<1x16xf32> to vector<16xf32>
        %parallel_loop3A_296 = vector.shape_cast %parallel_loop3A_276 : vector<16xf32> to vector<1x16xf32>
        tpu.vector_store %arg12[%parallel_loop3A_292, %parallel_loop3A_293], %parallel_loop3A_296 {strides = array<i32>} : memref<64x144xf32, #tpu.memory_space<vmem>>, vector<1x16xf32>,
        %parallel_loop3A_297 = arith.index_cast %parallel_loop3A_192 : i32 to index
        %parallel_loop3A_298 = arith.constant 48 : index
        %parallel_loop3A_299 = tpu.vector_load %arg12[%parallel_loop3A_297, %parallel_loop3A_298] {strides = array<i32>} : memref<64x144xf32, #tpu.memory_space<vmem>>, vector<1x16xf32>,
        %parallel_loop3A_300 = vector.shape_cast %parallel_loop3A_299 : vector<1x16xf32> to vector<16xf32>
        %parallel_loop3A_301 = vector.shape_cast %parallel_loop3A_277 : vector<16xf32> to vector<1x16xf32>
        tpu.vector_store %arg12[%parallel_loop3A_297, %parallel_loop3A_298], %parallel_loop3A_301 {strides = array<i32>} : memref<64x144xf32, #tpu.memory_space<vmem>>, vector<1x16xf32>,
        %parallel_loop3A_302 = arith.index_cast %parallel_loop3A_192 : i32 to index
        %parallel_loop3A_303 = arith.constant 64 : index
        %parallel_loop3A_304 = tpu.vector_load %arg12[%parallel_loop3A_302, %parallel_loop3A_303] {strides = array<i32>} : memref<64x144xf32, #tpu.memory_space<vmem>>, vector<1x16xf32>,
        %parallel_loop3A_305 = vector.shape_cast %parallel_loop3A_304 : vector<1x16xf32> to vector<16xf32>
        %parallel_loop3A_306 = vector.shape_cast %parallel_loop3A_278 : vector<16xf32> to vector<1x16xf32>
        tpu.vector_store %arg12[%parallel_loop3A_302, %parallel_loop3A_303], %parallel_loop3A_306 {strides = array<i32>} : memref<64x144xf32, #tpu.memory_space<vmem>>, vector<1x16xf32>,
        %parallel_loop3A_307 = arith.index_cast %parallel_loop3A_192 : i32 to index
        %parallel_loop3A_308 = arith.constant 80 : index
        %parallel_loop3A_309 = tpu.vector_load %arg12[%parallel_loop3A_307, %parallel_loop3A_308] {strides = array<i32>} : memref<64x144xf32, #tpu.memory_space<vmem>>, vector<1x16xf32>,
        %parallel_loop3A_310 = vector.shape_cast %parallel_loop3A_309 : vector<1x16xf32> to vector<16xf32>
        %parallel_loop3A_311 = vector.shape_cast %parallel_loop3A_279 : vector<16xf32> to vector<1x16xf32>
        tpu.vector_store %arg12[%parallel_loop3A_307, %parallel_loop3A_308], %parallel_loop3A_311 {strides = array<i32>} : memref<64x144xf32, #tpu.memory_space<vmem>>, vector<1x16xf32>,
        %parallel_loop3A_312 = arith.index_cast %parallel_loop3A_192 : i32 to index
        %parallel_loop3A_313 = arith.constant 96 : index
        %parallel_loop3A_314 = tpu.vector_load %arg12[%parallel_loop3A_312, %parallel_loop3A_313] {strides = array<i32>} : memref<64x144xf32, #tpu.memory_space<vmem>>, vector<1x16xf32>,
        %parallel_loop3A_315 = vector.shape_cast %parallel_loop3A_314 : vector<1x16xf32> to vector<16xf32>
        %parallel_loop3A_316 = vector.shape_cast %parallel_loop3A_280 : vector<16xf32> to vector<1x16xf32>
        tpu.vector_store %arg12[%parallel_loop3A_312, %parallel_loop3A_313], %parallel_loop3A_316 {strides = array<i32>} : memref<64x144xf32, #tpu.memory_space<vmem>>, vector<1x16xf32>,
        %parallel_loop3A_317 = arith.index_cast %parallel_loop3A_192 : i32 to index
        %parallel_loop3A_318 = arith.constant 112 : index
        %parallel_loop3A_319 = tpu.vector_load %arg12[%parallel_loop3A_317, %parallel_loop3A_318] {strides = array<i32>} : memref<64x144xf32, #tpu.memory_space<vmem>>, vector<1x16xf32>,
        %parallel_loop3A_320 = vector.shape_cast %parallel_loop3A_319 : vector<1x16xf32> to vector<16xf32>
        %parallel_loop3A_321 = vector.shape_cast %parallel_loop3A_281 : vector<16xf32> to vector<1x16xf32>
        tpu.vector_store %arg12[%parallel_loop3A_317, %parallel_loop3A_318], %parallel_loop3A_321 {strides = array<i32>} : memref<64x144xf32, #tpu.memory_space<vmem>>, vector<1x16xf32>,
      } {sc.loop_unroll_factor = 16 : i64, sc.parallel_access}
      %run_scoped3A_184 = arith.constant 1 : i32
      "tpu.region"() ({
        %run_scoped3A_192 = tpu.sem_alloc : memref<!tpu.dma_semaphore, #tpu.memory_space<semaphore_mem>>
        %dma_start3A_193 = arith.constant 0 : i32
        %dma_start3A_194 = tpu.memref_slice %arg9[%run_scoped3A_184, %dma_start3A_193] : memref<2x64xi32, #tpu.memory_space<vmem>> -> memref<1x64xi32, #tpu.memory_space<vmem>>
        %dma_start3A_195 = tpu.memref_squeeze %dma_start3A_194 : memref<1x64xi32, #tpu.memory_space<vmem>> -> memref<64xi32, #tpu.memory_space<vmem>>
        %dma_start3A_196 = arith.constant 0 : i32
        %dma_start3A_197 = arith.constant 0 : i32
        %dma_start3A_198 = tpu.memref_slice %arg15[%dma_start3A_196, %dma_start3A_197] : memref<10112x144xf32, #tpu.memory_space<vmem_shared>> -> memref<10112x144xf32, #tpu.memory_space<vmem_shared>>
        tpu.enqueue_indirect_dma source(%arg12 : memref<64x144xf32, #tpu.memory_space<vmem>>) target(%dma_start3A_198 : memref<10112x144xf32, #tpu.memory_space<vmem_shared>>) offsets(%dma_start3A_195 : memref<64xi32, #tpu.memory_space<vmem>>) semaphore(%run_scoped3A_192 : memref<!tpu.dma_semaphore, #tpu.memory_space<semaphore_mem>>) {add = true}
        %dma_wait3A_199 = arith.constant 0 : i32
        %dma_wait3A_200 = tpu.memref_slice %arg9[%run_scoped3A_184, %dma_wait3A_199] : memref<2x64xi32, #tpu.memory_space<vmem>> -> memref<1x64xi32, #tpu.memory_space<vmem>>
        %dma_wait3A_201 = tpu.memref_squeeze %dma_wait3A_200 : memref<1x64xi32, #tpu.memory_space<vmem>> -> memref<64xi32, #tpu.memory_space<vmem>>
        %dma_wait3A_202 = arith.constant 0 : i32
        %dma_wait3A_203 = arith.constant 0 : i32
        %dma_wait3A_204 = tpu.memref_slice %arg15[%dma_wait3A_202, %dma_wait3A_203] : memref<10112x144xf32, #tpu.memory_space<vmem_shared>> -> memref<10112x144xf32, #tpu.memory_space<vmem_shared>>
        tpu.wait_indirect_dma semaphore(%run_scoped3A_192 : memref<!tpu.dma_semaphore, #tpu.memory_space<semaphore_mem>>) src(%arg12 : memref<64x144xf32, #tpu.memory_space<vmem>>) dst(%dma_wait3A_204 : memref<10112x144xf32, #tpu.memory_space<vmem_shared>>)
        tpu.yield
      }) : () -> ()
      %add3A_185 = arith.constant 2 : i32
      %add3A_186 = arith.addi %add3A_153, %add3A_185 : i32
      %lt3A_187 = arith.constant 164 : i32
      %lt3A_188 = arith.cmpi slt, %add3A_186, %lt3A_187 : i32
      %convert_element_type3A_189 = arith.extui %lt3A_188 : i1 to i32
      %cond3A_190 = arith.constant 0 : i32
      %cond3A_191 = arith.cmpi ne, %convert_element_type3A_189, %cond3A_190 : i32
      scf.if %cond3A_191 {
        %add3A_192 = arith.constant 2 : i32
        %add3A_193 = arith.addi %add3A_153, %add3A_192 : i32
        %mul3A_194 = arith.constant 64 : i32
        %mul3A_195 = arith.muli %add3A_193, %mul3A_194 : i32
        %add3A_196 = arith.addi %mul3A_47, %mul3A_195 : i32
        %run_scoped3A_197 = arith.constant 1 : i32
        "tpu.region"() ({
          %run_scoped3A_223 = tpu.sem_alloc : memref<!tpu.dma_semaphore, #tpu.memory_space<semaphore_mem>>
          %dma_start3A_224 = arith.constant 0 : i32
          %dma_start3A_225 = tpu.memref_slice %arg8[%run_scoped3A_197, %dma_start3A_224] : memref<2x64xi32, #tpu.memory_space<vmem>> -> memref<1x64xi32, #tpu.memory_space<vmem>>
          %dma_start3A_226 = tpu.memref_squeeze %dma_start3A_225 : memref<1x64xi32, #tpu.memory_space<vmem>> -> memref<64xi32, #tpu.memory_space<vmem>>
          %dma_start3A_227 = tpu.memref_slice %arg5[%add3A_196] : memref<335872xi32, #tpu.memory_space<hbm>> -> memref<64xi32, #tpu.memory_space<hbm>>
          %dma_start3A_228 = arith.constant 0 : i32
          %dma_start3A_229 = tpu.memref_slice %arg8[%run_scoped3A_197, %dma_start3A_228] : memref<2x64xi32, #tpu.memory_space<vmem>> -> memref<1x64xi32, #tpu.memory_space<vmem>>
          %dma_start3A_230 = tpu.memref_squeeze %dma_start3A_229 : memref<1x64xi32, #tpu.memory_space<vmem>> -> memref<64xi32, #tpu.memory_space<vmem>>
          %dma_start3A_231 = tpu.memref_slice %arg5[%add3A_196] : memref<335872xi32, #tpu.memory_space<hbm>> -> memref<64xi32, #tpu.memory_space<hbm>>
          tpu.enqueue_dma source(%dma_start3A_231 : memref<64xi32, #tpu.memory_space<hbm>>) target(%dma_start3A_230 : memref<64xi32, #tpu.memory_space<vmem>>) target_semaphore(%run_scoped3A_223 : memref<!tpu.dma_semaphore, #tpu.memory_space<semaphore_mem>>)
          %dma_wait3A_232 = arith.constant 0 : i32
          %dma_wait3A_233 = tpu.memref_slice %arg8[%run_scoped3A_197, %dma_wait3A_232] : memref<2x64xi32, #tpu.memory_space<vmem>> -> memref<1x64xi32, #tpu.memory_space<vmem>>
          %dma_wait3A_234 = tpu.memref_squeeze %dma_wait3A_233 : memref<1x64xi32, #tpu.memory_space<vmem>> -> memref<64xi32, #tpu.memory_space<vmem>>
          %dma_wait3A_235 = tpu.memref_slice %arg5[%add3A_196] : memref<335872xi32, #tpu.memory_space<hbm>> -> memref<64xi32, #tpu.memory_space<hbm>>
          %dma_wait3A_236 = arith.constant 0 : i32
          %dma_wait3A_237 = tpu.memref_slice %arg8[%run_scoped3A_197, %dma_wait3A_236] : memref<2x64xi32, #tpu.memory_space<vmem>> -> memref<1x64xi32, #tpu.memory_space<vmem>>
          %dma_wait3A_238 = tpu.memref_squeeze %dma_wait3A_237 : memref<1x64xi32, #tpu.memory_space<vmem>> -> memref<64xi32, #tpu.memory_space<vmem>>
          %dma_wait3A_239 = tpu.memref_slice %arg5[%add3A_196] : memref<335872xi32, #tpu.memory_space<hbm>> -> memref<64xi32, #tpu.memory_space<hbm>>
          tpu.wait_dma2 semaphore(%run_scoped3A_223 : memref<!tpu.dma_semaphore, #tpu.memory_space<semaphore_mem>>) src(%dma_wait3A_239 : memref<64xi32, #tpu.memory_space<hbm>>) dst(%dma_wait3A_238 : memref<64xi32, #tpu.memory_space<vmem>>)
          tpu.yield
        }) : () -> ()
        %run_scoped3A_198 = arith.constant 1 : i32
        "tpu.region"() ({
          %run_scoped3A_223 = tpu.sem_alloc : memref<!tpu.dma_semaphore, #tpu.memory_space<semaphore_mem>>
          %dma_start3A_224 = arith.constant 0 : i32
          %dma_start3A_225 = tpu.memref_slice %arg9[%run_scoped3A_198, %dma_start3A_224] : memref<2x64xi32, #tpu.memory_space<vmem>> -> memref<1x64xi32, #tpu.memory_space<vmem>>
          %dma_start3A_226 = tpu.memref_squeeze %dma_start3A_225 : memref<1x64xi32, #tpu.memory_space<vmem>> -> memref<64xi32, #tpu.memory_space<vmem>>
          %dma_start3A_227 = tpu.memref_slice %arg6[%add3A_196] : memref<335872xi32, #tpu.memory_space<hbm>> -> memref<64xi32, #tpu.memory_space<hbm>>
          %dma_start3A_228 = arith.constant 0 : i32
          %dma_start3A_229 = tpu.memref_slice %arg9[%run_scoped3A_198, %dma_start3A_228] : memref<2x64xi32, #tpu.memory_space<vmem>> -> memref<1x64xi32, #tpu.memory_space<vmem>>
          %dma_start3A_230 = tpu.memref_squeeze %dma_start3A_229 : memref<1x64xi32, #tpu.memory_space<vmem>> -> memref<64xi32, #tpu.memory_space<vmem>>
          %dma_start3A_231 = tpu.memref_slice %arg6[%add3A_196] : memref<335872xi32, #tpu.memory_space<hbm>> -> memref<64xi32, #tpu.memory_space<hbm>>
          tpu.enqueue_dma source(%dma_start3A_231 : memref<64xi32, #tpu.memory_space<hbm>>) target(%dma_start3A_230 : memref<64xi32, #tpu.memory_space<vmem>>) target_semaphore(%run_scoped3A_223 : memref<!tpu.dma_semaphore, #tpu.memory_space<semaphore_mem>>)
          %dma_wait3A_232 = arith.constant 0 : i32
          %dma_wait3A_233 = tpu.memref_slice %arg9[%run_scoped3A_198, %dma_wait3A_232] : memref<2x64xi32, #tpu.memory_space<vmem>> -> memref<1x64xi32, #tpu.memory_space<vmem>>
          %dma_wait3A_234 = tpu.memref_squeeze %dma_wait3A_233 : memref<1x64xi32, #tpu.memory_space<vmem>> -> memref<64xi32, #tpu.memory_space<vmem>>
          %dma_wait3A_235 = tpu.memref_slice %arg6[%add3A_196] : memref<335872xi32, #tpu.memory_space<hbm>> -> memref<64xi32, #tpu.memory_space<hbm>>
          %dma_wait3A_236 = arith.constant 0 : i32
          %dma_wait3A_237 = tpu.memref_slice %arg9[%run_scoped3A_198, %dma_wait3A_236] : memref<2x64xi32, #tpu.memory_space<vmem>> -> memref<1x64xi32, #tpu.memory_space<vmem>>
          %dma_wait3A_238 = tpu.memref_squeeze %dma_wait3A_237 : memref<1x64xi32, #tpu.memory_space<vmem>> -> memref<64xi32, #tpu.memory_space<vmem>>
          %dma_wait3A_239 = tpu.memref_slice %arg6[%add3A_196] : memref<335872xi32, #tpu.memory_space<hbm>> -> memref<64xi32, #tpu.memory_space<hbm>>
          tpu.wait_dma2 semaphore(%run_scoped3A_223 : memref<!tpu.dma_semaphore, #tpu.memory_space<semaphore_mem>>) src(%dma_wait3A_239 : memref<64xi32, #tpu.memory_space<hbm>>) dst(%dma_wait3A_238 : memref<64xi32, #tpu.memory_space<vmem>>)
          tpu.yield
        }) : () -> ()
        %dma_start3A_199 = arith.constant 1 : i32
        %dma_start3A_200 = arith.constant 1 : i32
        %dma_start3A_201 = arith.constant 0 : i32
        %dma_start3A_202 = arith.constant 0 : i32
        %dma_start3A_203 = tpu.memref_slice %arg11[%dma_start3A_200, %dma_start3A_201, %dma_start3A_202] : memref<2x64x144xf32, #tpu.memory_space<vmem>> -> memref<1x64x144xf32, #tpu.memory_space<vmem>>
        %dma_start3A_204 = tpu.memref_squeeze %dma_start3A_203 : memref<1x64x144xf32, #tpu.memory_space<vmem>> -> memref<64x144xf32, #tpu.memory_space<vmem>>
        %dma_start3A_205 = arith.constant 0 : i32
        %dma_start3A_206 = tpu.memref_slice %arg8[%dma_start3A_199, %dma_start3A_205] : memref<2x64xi32, #tpu.memory_space<vmem>> -> memref<1x64xi32, #tpu.memory_space<vmem>>
        %dma_start3A_207 = tpu.memref_squeeze %dma_start3A_206 : memref<1x64xi32, #tpu.memory_space<vmem>> -> memref<64xi32, #tpu.memory_space<vmem>>
        %dma_start3A_208 = arith.constant 0 : i32
        %dma_start3A_209 = arith.constant 0 : i32
        %dma_start3A_210 = tpu.memref_slice %arg2[%dma_start3A_208, %dma_start3A_209] : memref<10008x144xf32, #tpu.memory_space<hbm>> -> memref<10008x144xf32, #tpu.memory_space<hbm>>
        tpu.enqueue_indirect_dma source(%dma_start3A_210 : memref<10008x144xf32, #tpu.memory_space<hbm>>) target(%dma_start3A_204 : memref<64x144xf32, #tpu.memory_space<vmem>>) offsets(%dma_start3A_207 : memref<64xi32, #tpu.memory_space<vmem>>) semaphore(%arg17 : memref<!tpu.dma_semaphore, #tpu.memory_space<semaphore_mem>>)
        %dma_start3A_211 = arith.constant 1 : i32
        %dma_start3A_212 = arith.constant 1 : i32
        %dma_start3A_213 = arith.constant 0 : i32
        %dma_start3A_214 = arith.constant 0 : i32
        %dma_start3A_215 = tpu.memref_slice %arg13[%dma_start3A_212, %dma_start3A_213, %dma_start3A_214] : memref<2x64x16xf32, #tpu.memory_space<vmem>> -> memref<1x64x16xf32, #tpu.memory_space<vmem>>
        %dma_start3A_216 = tpu.memref_squeeze %dma_start3A_215 : memref<1x64x16xf32, #tpu.memory_space<vmem>> -> memref<64x16xf32, #tpu.memory_space<vmem>>
        %dma_start3A_217 = arith.constant 0 : i32
        %dma_start3A_218 = tpu.memref_slice %arg9[%dma_start3A_211, %dma_start3A_217] : memref<2x64xi32, #tpu.memory_space<vmem>> -> memref<1x64xi32, #tpu.memory_space<vmem>>
        %dma_start3A_219 = tpu.memref_squeeze %dma_start3A_218 : memref<1x64xi32, #tpu.memory_space<vmem>> -> memref<64xi32, #tpu.memory_space<vmem>>
        %dma_start3A_220 = arith.constant 0 : i32
        %dma_start3A_221 = arith.constant 0 : i32
        %dma_start3A_222 = tpu.memref_slice %arg3[%dma_start3A_220, %dma_start3A_221] : memref<10008x16xf32, #tpu.memory_space<hbm>> -> memref<10008x16xf32, #tpu.memory_space<hbm>>
        tpu.enqueue_indirect_dma source(%dma_start3A_222 : memref<10008x16xf32, #tpu.memory_space<hbm>>) target(%dma_start3A_216 : memref<64x16xf32, #tpu.memory_space<vmem>>) offsets(%dma_start3A_219 : memref<64xi32, #tpu.memory_space<vmem>>) semaphore(%arg17 : memref<!tpu.dma_semaphore, #tpu.memory_space<semaphore_mem>>)
      } else {
      }
    }
    %scan3A_106 = arith.constant 82 : i32
    %barrier3A_107 = arith.constant 0 : index
    tpu.barrier barrier_id(%barrier3A_107)
    %mul3A_108 = arith.constant 632 : i32
    %mul3A_109 = arith.muli %arg1, %mul3A_108 : i32
    %mul3A_110 = arith.constant 10112 : i32
    %mul3A_111 = arith.muli %arg0, %mul3A_110 : i32
    %mul3A_112 = arith.constant 632 : i32
    %mul3A_113 = arith.muli %arg1, %mul3A_112 : i32
    %add3A_114 = arith.addi %mul3A_111, %mul3A_113 : i32
    "tpu.region"() ({
      %run_scoped3A_115 = tpu.sem_alloc : memref<!tpu.dma_semaphore, #tpu.memory_space<semaphore_mem>>
      %dma_start3A_116 = arith.constant 0 : i32
      %dma_start3A_117 = tpu.memref_slice %arg7[%add3A_114, %dma_start3A_116] : memref<20224x144xf32, #tpu.memory_space<hbm>> -> memref<632x144xf32, #tpu.memory_space<hbm>>
      %dma_start3A_118 = arith.constant 0 : i32
      %dma_start3A_119 = tpu.memref_slice %arg15[%mul3A_109, %dma_start3A_118] : memref<10112x144xf32, #tpu.memory_space<vmem_shared>> -> memref<632x144xf32, #tpu.memory_space<vmem_shared>>
      tpu.enqueue_dma source(%dma_start3A_119 : memref<632x144xf32, #tpu.memory_space<vmem_shared>>) target(%dma_start3A_117 : memref<632x144xf32, #tpu.memory_space<hbm>>) target_semaphore(%run_scoped3A_115 : memref<!tpu.dma_semaphore, #tpu.memory_space<semaphore_mem>>)
      %dma_wait3A = arith.constant 0 : i32
      %dma_wait3A_120 = tpu.memref_slice %arg7[%add3A_114, %dma_wait3A] : memref<20224x144xf32, #tpu.memory_space<hbm>> -> memref<632x144xf32, #tpu.memory_space<hbm>>
      %dma_wait3A_121 = arith.constant 0 : i32
      %dma_wait3A_122 = tpu.memref_slice %arg15[%mul3A_109, %dma_wait3A_121] : memref<10112x144xf32, #tpu.memory_space<vmem_shared>> -> memref<632x144xf32, #tpu.memory_space<vmem_shared>>
      tpu.wait_dma2 semaphore(%run_scoped3A_115 : memref<!tpu.dma_semaphore, #tpu.memory_space<semaphore_mem>>) src(%dma_wait3A_122 : memref<632x144xf32, #tpu.memory_space<vmem_shared>>) dst(%dma_wait3A_120 : memref<632x144xf32, #tpu.memory_space<hbm>>)
      tpu.yield
    }) : () -> ()
    return
  }
}

module attributes {stable_mosaic.version = 14 : i64} {
  func.func @_prep1_body(%arg0: memref<10000x128xf32, #tpu.memory_space<vmem>>, %arg1: memref<128x256xf32, #tpu.memory_space<vmem>>, %arg2: memref<256x4xf32, #tpu.memory_space<vmem>>, %arg3: memref<256x4xf32, #tpu.memory_space<vmem>>, %arg4: memref<20016x144xf32, #tpu.memory_space<vmem>>, %arg5: memref<20016x16xf32, #tpu.memory_space<vmem>>, %arg6: memref<2x4xf32, #tpu.memory_space<vmem>>) attributes {dimension_semantics = [], scalar_prefetch = 0 : i64, scratch_operands = 0 : i64, tpu.core_type = #tpu.core_type<tc>} {
    %get3A = arith.constant 0 : index
    %get3A_0 = arith.constant 0 : index
    %get3A_1 = vector.load %arg0[%get3A, %get3A_0] : memref<10000x128xf32, #tpu.memory_space<vmem>>, vector<10000x128xf32>
    %get3A_2 = arith.constant 0 : index
    %get3A_3 = arith.constant 0 : index
    %get3A_4 = vector.load %arg1[%get3A_2, %get3A_3] : memref<128x256xf32, #tpu.memory_space<vmem>>, vector<128x256xf32>
    %dot_general3A = arith.constant dense<0.000000e+00> : vector<10000x256xf32>
    %dot_general3A_5 = tpu.matmul %get3A_1, %get3A_4, %dot_general3A {dimension_numbers = #tpu.dot_dimension_numbers<[1], [0], [0], [1], [0, 0, 1, 1], [], []>, transpose_lhs_hint = false} : vector<10000x128xf32>, vector<128x256xf32>, vector<10000x256xf32> -> vector<10000x256xf32>
    %get3A_6 = arith.constant 0 : index
    %get3A_7 = arith.constant 0 : index
    %get3A_8 = vector.load %arg2[%get3A_6, %get3A_7] : memref<256x4xf32, #tpu.memory_space<vmem>>, vector<256x4xf32>
    %dot_general3A_9 = arith.constant dense<0.000000e+00> : vector<10000x4xf32>
    %dot_general3A_10 = tpu.matmul %dot_general3A_5, %get3A_8, %dot_general3A_9 {dimension_numbers = #tpu.dot_dimension_numbers<[1], [0], [0], [1], [0, 0, 1, 1], [], []>, transpose_lhs_hint = false} : vector<10000x256xf32>, vector<256x4xf32>, vector<10000x4xf32> -> vector<10000x4xf32>
    %get3A_11 = arith.constant 0 : index
    %get3A_12 = arith.constant 0 : index
    %get3A_13 = vector.load %arg3[%get3A_11, %get3A_12] : memref<256x4xf32, #tpu.memory_space<vmem>>, vector<256x4xf32>
    %dot_general3A_14 = arith.constant dense<0.000000e+00> : vector<10000x4xf32>
    %dot_general3A_15 = tpu.matmul %dot_general3A_5, %get3A_13, %dot_general3A_14 {dimension_numbers = #tpu.dot_dimension_numbers<[1], [0], [0], [1], [0, 0, 1, 1], [], []>, transpose_lhs_hint = false} : vector<10000x256xf32>, vector<256x4xf32>, vector<10000x4xf32> -> vector<10000x4xf32>
    %broadcast_in_dim3A = arith.constant 0.000000e+00 : f32
    %broadcast_in_dim3A_16 = vector.broadcast %broadcast_in_dim3A : f32 to vector<20016x144xf32>
    %swap3A = arith.constant 0 : index
    %swap3A_17 = arith.constant 0 : index
    %swap3A_18 = vector.load %arg4[%swap3A, %swap3A_17] : memref<20016x144xf32, #tpu.memory_space<vmem>>, vector<20016x144xf32>
    tpu.vector_store %arg4[%swap3A, %swap3A_17], %broadcast_in_dim3A_16 {strides = array<i32>} : memref<20016x144xf32, #tpu.memory_space<vmem>>, vector<20016x144xf32>,
    %broadcast_in_dim3A_19 = arith.constant 0.000000e+00 : f32
    %broadcast_in_dim3A_20 = vector.broadcast %broadcast_in_dim3A_19 : f32 to vector<20016x16xf32>
    %swap3A_21 = arith.constant 0 : index
    %swap3A_22 = arith.constant 0 : index
    %swap3A_23 = vector.load %arg5[%swap3A_21, %swap3A_22] : memref<20016x16xf32, #tpu.memory_space<vmem>>, vector<20016x16xf32>
    tpu.vector_store %arg5[%swap3A_21, %swap3A_22], %broadcast_in_dim3A_20 {strides = array<i32>} : memref<20016x16xf32, #tpu.memory_space<vmem>>, vector<20016x16xf32>,
    %slice3A = vector.extract_strided_slice %dot_general3A_5 {offsets = [0, 0], sizes = [10000, 128], strides = [1, 1]} : vector<10000x256xf32> to vector<10000x128xf32>
    %swap3A_24 = arith.constant 0 : index
    %swap3A_25 = arith.constant 0 : index
    %swap3A_26 = vector.load %arg4[%swap3A_24, %swap3A_25] : memref<20016x144xf32, #tpu.memory_space<vmem>>, vector<10000x128xf32>
    tpu.vector_store %arg4[%swap3A_24, %swap3A_25], %slice3A {strides = array<i32>} : memref<20016x144xf32, #tpu.memory_space<vmem>>, vector<10000x128xf32>,
    %slice3A_27 = vector.extract_strided_slice %dot_general3A_10 {offsets = [0, 0], sizes = [10000, 2], strides = [1, 1]} : vector<10000x4xf32> to vector<10000x2xf32>
    %swap3A_28 = arith.constant 0 : index
    %swap3A_29 = arith.constant 128 : index
    %swap3A_30 = vector.load %arg4[%swap3A_28, %swap3A_29] : memref<20016x144xf32, #tpu.memory_space<vmem>>, vector<10000x2xf32>
    tpu.vector_store %arg4[%swap3A_28, %swap3A_29], %slice3A_27 {strides = array<i32>} : memref<20016x144xf32, #tpu.memory_space<vmem>>, vector<10000x2xf32>,
    %broadcast_in_dim3A_31 = arith.constant -1.000000e+30 : f32
    %broadcast_in_dim3A_32 = vector.broadcast %broadcast_in_dim3A_31 : f32 to vector<8x2xf32>
    %swap3A_33 = arith.constant 10000 : index
    %swap3A_34 = arith.constant 128 : index
    %swap3A_35 = vector.load %arg4[%swap3A_33, %swap3A_34] : memref<20016x144xf32, #tpu.memory_space<vmem>>, vector<8x2xf32>
    tpu.vector_store %arg4[%swap3A_33, %swap3A_34], %broadcast_in_dim3A_32 {strides = array<i32>} : memref<20016x144xf32, #tpu.memory_space<vmem>>, vector<8x2xf32>,
    %slice3A_36 = vector.extract_strided_slice %dot_general3A_5 {offsets = [0, 128], sizes = [10000, 128], strides = [1, 1]} : vector<10000x256xf32> to vector<10000x128xf32>
    %swap3A_37 = arith.constant 10008 : index
    %swap3A_38 = arith.constant 0 : index
    %swap3A_39 = vector.load %arg4[%swap3A_37, %swap3A_38] : memref<20016x144xf32, #tpu.memory_space<vmem>>, vector<10000x128xf32>
    tpu.vector_store %arg4[%swap3A_37, %swap3A_38], %slice3A_36 {strides = array<i32>} : memref<20016x144xf32, #tpu.memory_space<vmem>>, vector<10000x128xf32>,
    %slice3A_40 = vector.extract_strided_slice %dot_general3A_10 {offsets = [0, 2], sizes = [10000, 2], strides = [1, 1]} : vector<10000x4xf32> to vector<10000x2xf32>
    %swap3A_41 = arith.constant 10008 : index
    %swap3A_42 = arith.constant 128 : index
    %swap3A_43 = vector.load %arg4[%swap3A_41, %swap3A_42] : memref<20016x144xf32, #tpu.memory_space<vmem>>, vector<10000x2xf32>
    tpu.vector_store %arg4[%swap3A_41, %swap3A_42], %slice3A_40 {strides = array<i32>} : memref<20016x144xf32, #tpu.memory_space<vmem>>, vector<10000x2xf32>,
    %broadcast_in_dim3A_44 = arith.constant -1.000000e+30 : f32
    %broadcast_in_dim3A_45 = vector.broadcast %broadcast_in_dim3A_44 : f32 to vector<8x2xf32>
    %swap3A_46 = arith.constant 20008 : index
    %swap3A_47 = arith.constant 128 : index
    %swap3A_48 = vector.load %arg4[%swap3A_46, %swap3A_47] : memref<20016x144xf32, #tpu.memory_space<vmem>>, vector<8x2xf32>
    tpu.vector_store %arg4[%swap3A_46, %swap3A_47], %broadcast_in_dim3A_45 {strides = array<i32>} : memref<20016x144xf32, #tpu.memory_space<vmem>>, vector<8x2xf32>,
    %slice3A_49 = vector.extract_strided_slice %dot_general3A_15 {offsets = [0, 0], sizes = [10000, 2], strides = [1, 1]} : vector<10000x4xf32> to vector<10000x2xf32>
    %swap3A_50 = arith.constant 0 : index
    %swap3A_51 = arith.constant 0 : index
    %swap3A_52 = vector.load %arg5[%swap3A_50, %swap3A_51] : memref<20016x16xf32, #tpu.memory_space<vmem>>, vector<10000x2xf32>
    tpu.vector_store %arg5[%swap3A_50, %swap3A_51], %slice3A_49 {strides = array<i32>} : memref<20016x16xf32, #tpu.memory_space<vmem>>, vector<10000x2xf32>,
    %slice3A_53 = vector.extract_strided_slice %dot_general3A_15 {offsets = [0, 2], sizes = [10000, 2], strides = [1, 1]} : vector<10000x4xf32> to vector<10000x2xf32>
    %swap3A_54 = arith.constant 10008 : index
    %swap3A_55 = arith.constant 0 : index
    %swap3A_56 = vector.load %arg5[%swap3A_54, %swap3A_55] : memref<20016x16xf32, #tpu.memory_space<vmem>>, vector<10000x2xf32>
    tpu.vector_store %arg5[%swap3A_54, %swap3A_55], %slice3A_53 {strides = array<i32>} : memref<20016x16xf32, #tpu.memory_space<vmem>>, vector<10000x2xf32>,
    %reduce_max3A = arith.constant dense<0xFF800000> : vector<4xf32>
    %reduce_max3A_57 = vector.multi_reduction <maximumf>, %dot_general3A_10, %reduce_max3A [0] : vector<10000x4xf32> to vector<4xf32>
    %broadcast_in_dim3A_58 = vector.shape_cast %reduce_max3A_57 : vector<4xf32> to vector<1x4xf32>
    %swap3A_59 = arith.constant 0 : index
    %swap3A_60 = arith.constant 0 : index
    %swap3A_61 = vector.load %arg6[%swap3A_59, %swap3A_60] : memref<2x4xf32, #tpu.memory_space<vmem>>, vector<1x4xf32>
    tpu.vector_store %arg6[%swap3A_59, %swap3A_60], %broadcast_in_dim3A_58 {strides = array<i32>} : memref<2x4xf32, #tpu.memory_space<vmem>>, vector<1x4xf32>,
    %reduce_max3A_62 = arith.constant dense<0xFF800000> : vector<4xf32>
    %reduce_max3A_63 = vector.multi_reduction <maximumf>, %dot_general3A_15, %reduce_max3A_62 [0] : vector<10000x4xf32> to vector<4xf32>
    %broadcast_in_dim3A_64 = vector.shape_cast %reduce_max3A_63 : vector<4xf32> to vector<1x4xf32>
    %swap3A_65 = arith.constant 1 : index
    %swap3A_66 = arith.constant 0 : index
    %swap3A_67 = vector.load %arg6[%swap3A_65, %swap3A_66] : memref<2x4xf32, #tpu.memory_space<vmem>>, vector<1x4xf32>
    tpu.vector_store %arg6[%swap3A_65, %swap3A_66], %broadcast_in_dim3A_64 {strides = array<i32>} : memref<2x4xf32, #tpu.memory_space<vmem>>, vector<1x4xf32>,
    return
  }
}

module attributes {stable_mosaic.version = 14 : i64} {
  func.func @_mid_body(%arg0: memref<20224x144xf32, #tpu.memory_space<vmem>>, %arg1: memref<256xf32, #tpu.memory_space<vmem>>, %arg2: memref<256x128xf32, #tpu.memory_space<vmem>>, %arg3: memref<128x1xf32, #tpu.memory_space<vmem>>, %arg4: memref<128x1xf32, #tpu.memory_space<vmem>>, %arg5: memref<10008x144xf32, #tpu.memory_space<vmem>>, %arg6: memref<10008x16xf32, #tpu.memory_space<vmem>>, %arg7: memref<2x1xf32, #tpu.memory_space<vmem>>) attributes {dimension_semantics = [], scalar_prefetch = 0 : i64, scratch_operands = 0 : i64, tpu.core_type = #tpu.core_type<tc>} {
    %get3A = arith.constant 0 : index
    %get3A_0 = arith.constant 0 : index
    %get3A_1 = vector.load %arg0[%get3A, %get3A_0] : memref<20224x144xf32, #tpu.memory_space<vmem>>, vector<10000x64xf32>
    %get3A_2 = arith.constant 0 : index
    %get3A_3 = arith.constant 128 : index
    %get3A_4 = vector.load %arg0[%get3A_2, %get3A_3] : memref<20224x144xf32, #tpu.memory_space<vmem>>, vector<10000x1xf32>
    %div3A = vector.broadcast %get3A_4 : vector<10000x1xf32> to vector<10000x64xf32>
    %div3A_5 = arith.divf %get3A_1, %div3A : vector<10000x64xf32>
    %get3A_6 = arith.constant 0 : index
    %get3A_7 = arith.constant 64 : index
    %get3A_8 = vector.load %arg0[%get3A_6, %get3A_7] : memref<20224x144xf32, #tpu.memory_space<vmem>>, vector<10000x64xf32>
    %get3A_9 = arith.constant 0 : index
    %get3A_10 = arith.constant 129 : index
    %get3A_11 = vector.load %arg0[%get3A_9, %get3A_10] : memref<20224x144xf32, #tpu.memory_space<vmem>>, vector<10000x1xf32>
    %div3A_12 = vector.broadcast %get3A_11 : vector<10000x1xf32> to vector<10000x64xf32>
    %div3A_13 = arith.divf %get3A_8, %div3A_12 : vector<10000x64xf32>
    %get3A_14 = arith.constant 10112 : index
    %get3A_15 = arith.constant 0 : index
    %get3A_16 = vector.load %arg0[%get3A_14, %get3A_15] : memref<20224x144xf32, #tpu.memory_space<vmem>>, vector<10000x64xf32>
    %get3A_17 = arith.constant 10112 : index
    %get3A_18 = arith.constant 128 : index
    %get3A_19 = vector.load %arg0[%get3A_17, %get3A_18] : memref<20224x144xf32, #tpu.memory_space<vmem>>, vector<10000x1xf32>
    %div3A_20 = vector.broadcast %get3A_19 : vector<10000x1xf32> to vector<10000x64xf32>
    %div3A_21 = arith.divf %get3A_16, %div3A_20 : vector<10000x64xf32>
    %get3A_22 = arith.constant 10112 : index
    %get3A_23 = arith.constant 64 : index
    %get3A_24 = vector.load %arg0[%get3A_22, %get3A_23] : memref<20224x144xf32, #tpu.memory_space<vmem>>, vector<10000x64xf32>
    %get3A_25 = arith.constant 10112 : index
    %get3A_26 = arith.constant 129 : index
    %get3A_27 = vector.load %arg0[%get3A_25, %get3A_26] : memref<20224x144xf32, #tpu.memory_space<vmem>>, vector<10000x1xf32>
    %div3A_28 = vector.broadcast %get3A_27 : vector<10000x1xf32> to vector<10000x64xf32>
    %div3A_29 = arith.divf %get3A_24, %div3A_28 : vector<10000x64xf32>
    %concatenate3A = tpu.concatenate %div3A_5, %div3A_13, %div3A_21, %div3A_29 in 1 : vector<10000x64xf32>, vector<10000x64xf32>, vector<10000x64xf32>, vector<10000x64xf32> -> vector<10000x256xf32>
    %get3A_30 = arith.constant 0 : index
    %get3A_31 = vector.load %arg1[%get3A_30] : memref<256xf32, #tpu.memory_space<vmem>>, vector<256xf32>
    %broadcast_in_dim3A = vector.shape_cast %get3A_31 : vector<256xf32> to vector<1x256xf32>
    %add3A = vector.broadcast %broadcast_in_dim3A : vector<1x256xf32> to vector<10000x256xf32>
    %add3A_32 = arith.addf %concatenate3A, %add3A : vector<10000x256xf32>
    %gt3A = arith.constant 0.000000e+00 : f32
    %gt3A_33 = vector.broadcast %gt3A : f32 to vector<10000x256xf32>
    %gt3A_34 = arith.cmpf ogt, %add3A_32, %gt3A_33 : vector<10000x256xf32>
    %exp3A = math.exp %add3A_32 : vector<10000x256xf32>
    %sub3A = arith.constant 1.000000e+00 : f32
    %sub3A_35 = vector.broadcast %sub3A : f32 to vector<10000x256xf32>
    %sub3A_36 = arith.subf %exp3A, %sub3A_35 : vector<10000x256xf32>
    %select_n3A = arith.select %gt3A_34, %add3A_32, %sub3A_36 : vector<10000x256xi1>, vector<10000x256xf32>
    %get3A_37 = arith.constant 0 : index
    %get3A_38 = arith.constant 0 : index
    %get3A_39 = vector.load %arg2[%get3A_37, %get3A_38] : memref<256x128xf32, #tpu.memory_space<vmem>>, vector<256x128xf32>
    %dot_general3A = arith.constant dense<0.000000e+00> : vector<10000x128xf32>
    %dot_general3A_40 = tpu.matmul %select_n3A, %get3A_39, %dot_general3A {dimension_numbers = #tpu.dot_dimension_numbers<[1], [0], [0], [1], [0, 0, 1, 1], [], []>, transpose_lhs_hint = false} : vector<10000x256xf32>, vector<256x128xf32>, vector<10000x128xf32> -> vector<10000x128xf32>
    %get3A_41 = arith.constant 0 : index
    %get3A_42 = arith.constant 0 : index
    %get3A_43 = vector.load %arg3[%get3A_41, %get3A_42] : memref<128x1xf32, #tpu.memory_space<vmem>>, vector<128x1xf32>
    %dot_general3A_44 = arith.constant dense<0.000000e+00> : vector<10000x1xf32>
    %dot_general3A_45 = tpu.matmul %dot_general3A_40, %get3A_43, %dot_general3A_44 {dimension_numbers = #tpu.dot_dimension_numbers<[1], [0], [0], [1], [0, 0, 1, 1], [], []>, transpose_lhs_hint = false} : vector<10000x128xf32>, vector<128x1xf32>, vector<10000x1xf32> -> vector<10000x1xf32>
    %get3A_46 = arith.constant 0 : index
    %get3A_47 = arith.constant 0 : index
    %get3A_48 = vector.load %arg4[%get3A_46, %get3A_47] : memref<128x1xf32, #tpu.memory_space<vmem>>, vector<128x1xf32>
    %dot_general3A_49 = arith.constant dense<0.000000e+00> : vector<10000x1xf32>
    %dot_general3A_50 = tpu.matmul %dot_general3A_40, %get3A_48, %dot_general3A_49 {dimension_numbers = #tpu.dot_dimension_numbers<[1], [0], [0], [1], [0, 0, 1, 1], [], []>, transpose_lhs_hint = false} : vector<10000x128xf32>, vector<128x1xf32>, vector<10000x1xf32> -> vector<10000x1xf32>
    %broadcast_in_dim3A_51 = arith.constant 0.000000e+00 : f32
    %broadcast_in_dim3A_52 = vector.broadcast %broadcast_in_dim3A_51 : f32 to vector<10008x144xf32>
    %swap3A = arith.constant 0 : index
    %swap3A_53 = arith.constant 0 : index
    %swap3A_54 = vector.load %arg5[%swap3A, %swap3A_53] : memref<10008x144xf32, #tpu.memory_space<vmem>>, vector<10008x144xf32>
    tpu.vector_store %arg5[%swap3A, %swap3A_53], %broadcast_in_dim3A_52 {strides = array<i32>} : memref<10008x144xf32, #tpu.memory_space<vmem>>, vector<10008x144xf32>,
    %broadcast_in_dim3A_55 = arith.constant 0.000000e+00 : f32
    %broadcast_in_dim3A_56 = vector.broadcast %broadcast_in_dim3A_55 : f32 to vector<10008x16xf32>
    %swap3A_57 = arith.constant 0 : index
    %swap3A_58 = arith.constant 0 : index
    %swap3A_59 = vector.load %arg6[%swap3A_57, %swap3A_58] : memref<10008x16xf32, #tpu.memory_space<vmem>>, vector<10008x16xf32>
    tpu.vector_store %arg6[%swap3A_57, %swap3A_58], %broadcast_in_dim3A_56 {strides = array<i32>} : memref<10008x16xf32, #tpu.memory_space<vmem>>, vector<10008x16xf32>,
    %swap3A_60 = arith.constant 0 : index
    %swap3A_61 = arith.constant 0 : index
    %swap3A_62 = vector.load %arg5[%swap3A_60, %swap3A_61] : memref<10008x144xf32, #tpu.memory_space<vmem>>, vector<10000x128xf32>
    tpu.vector_store %arg5[%swap3A_60, %swap3A_61], %dot_general3A_40 {strides = array<i32>} : memref<10008x144xf32, #tpu.memory_space<vmem>>, vector<10000x128xf32>,
    %swap3A_63 = arith.constant 0 : index
    %swap3A_64 = arith.constant 128 : index
    %swap3A_65 = vector.load %arg5[%swap3A_63, %swap3A_64] : memref<10008x144xf32, #tpu.memory_space<vmem>>, vector<10000x1xf32>
    tpu.vector_store %arg5[%swap3A_63, %swap3A_64], %dot_general3A_45 {strides = array<i32>} : memref<10008x144xf32, #tpu.memory_space<vmem>>, vector<10000x1xf32>,
    %broadcast_in_dim3A_66 = arith.constant -1.000000e+30 : f32
    %broadcast_in_dim3A_67 = vector.broadcast %broadcast_in_dim3A_66 : f32 to vector<8x1xf32>
    %swap3A_68 = arith.constant 10000 : index
    %swap3A_69 = arith.constant 128 : index
    %swap3A_70 = vector.load %arg5[%swap3A_68, %swap3A_69] : memref<10008x144xf32, #tpu.memory_space<vmem>>, vector<8x1xf32>
    tpu.vector_store %arg5[%swap3A_68, %swap3A_69], %broadcast_in_dim3A_67 {strides = array<i32>} : memref<10008x144xf32, #tpu.memory_space<vmem>>, vector<8x1xf32>,
    %swap3A_71 = arith.constant 0 : index
    %swap3A_72 = arith.constant 0 : index
    %swap3A_73 = vector.load %arg6[%swap3A_71, %swap3A_72] : memref<10008x16xf32, #tpu.memory_space<vmem>>, vector<10000x1xf32>
    tpu.vector_store %arg6[%swap3A_71, %swap3A_72], %dot_general3A_50 {strides = array<i32>} : memref<10008x16xf32, #tpu.memory_space<vmem>>, vector<10000x1xf32>,
    %reduce_max3A = arith.constant dense<0xFF800000> : vector<1xf32>
    %reduce_max3A_74 = vector.multi_reduction <maximumf>, %dot_general3A_45, %reduce_max3A [0] : vector<10000x1xf32> to vector<1xf32>
    %broadcast_in_dim3A_75 = vector.shape_cast %reduce_max3A_74 : vector<1xf32> to vector<1x1xf32>
    %swap3A_76 = arith.constant 0 : index
    %swap3A_77 = arith.constant 0 : index
    %swap3A_78 = vector.load %arg7[%swap3A_76, %swap3A_77] : memref<2x1xf32, #tpu.memory_space<vmem>>, vector<1x1xf32>
    tpu.vector_store %arg7[%swap3A_76, %swap3A_77], %broadcast_in_dim3A_75 {strides = array<i32>} : memref<2x1xf32, #tpu.memory_space<vmem>>, vector<1x1xf32>,
    %reduce_max3A_79 = arith.constant dense<0xFF800000> : vector<1xf32>
    %reduce_max3A_80 = vector.multi_reduction <maximumf>, %dot_general3A_50, %reduce_max3A_79 [0] : vector<10000x1xf32> to vector<1xf32>
    %broadcast_in_dim3A_81 = vector.shape_cast %reduce_max3A_80 : vector<1xf32> to vector<1x1xf32>
    %swap3A_82 = arith.constant 1 : index
    %swap3A_83 = arith.constant 0 : index
    %swap3A_84 = vector.load %arg7[%swap3A_82, %swap3A_83] : memref<2x1xf32, #tpu.memory_space<vmem>>, vector<1x1xf32>
    tpu.vector_store %arg7[%swap3A_82, %swap3A_83], %broadcast_in_dim3A_81 {strides = array<i32>} : memref<2x1xf32, #tpu.memory_space<vmem>>, vector<1x1xf32>,
    return
  }
}

module attributes {stable_mosaic.version = 14 : i64} {
  func.func @_final_body(%arg0: memref<20224x144xf32, #tpu.memory_space<vmem>>, %arg1: memref<128xf32, #tpu.memory_space<vmem>>, %arg2: memref<10000x128xf32, #tpu.memory_space<vmem>>) attributes {dimension_semantics = [], scalar_prefetch = 0 : i64, scratch_operands = 0 : i64, tpu.core_type = #tpu.core_type<tc>} {
    %get3A = arith.constant 0 : index
    %get3A_0 = arith.constant 0 : index
    %get3A_1 = vector.load %arg0[%get3A, %get3A_0] : memref<20224x144xf32, #tpu.memory_space<vmem>>, vector<10000x144xf32>
    %get3A_2 = arith.constant 10112 : index
    %get3A_3 = arith.constant 0 : index
    %get3A_4 = vector.load %arg0[%get3A_2, %get3A_3] : memref<20224x144xf32, #tpu.memory_space<vmem>>, vector<10000x144xf32>
    %add3A = arith.addf %get3A_1, %get3A_4 : vector<10000x144xf32>
    %slice3A = vector.extract_strided_slice %add3A {offsets = [0, 0], sizes = [10000, 128], strides = [1, 1]} : vector<10000x144xf32> to vector<10000x128xf32>
    %slice3A_5 = vector.extract_strided_slice %add3A {offsets = [0, 128], sizes = [10000, 1], strides = [1, 1]} : vector<10000x144xf32> to vector<10000x1xf32>
    %div3A = vector.broadcast %slice3A_5 : vector<10000x1xf32> to vector<10000x128xf32>
    %div3A_6 = arith.divf %slice3A, %div3A : vector<10000x128xf32>
    %get3A_7 = arith.constant 0 : index
    %get3A_8 = vector.load %arg1[%get3A_7] : memref<128xf32, #tpu.memory_space<vmem>>, vector<128xf32>
    %broadcast_in_dim3A = vector.shape_cast %get3A_8 : vector<128xf32> to vector<1x128xf32>
    %add3A_9 = vector.broadcast %broadcast_in_dim3A : vector<1x128xf32> to vector<10000x128xf32>
    %add3A_10 = arith.addf %div3A_6, %add3A_9 : vector<10000x128xf32>
    %swap3A = arith.constant 0 : index
    %swap3A_11 = arith.constant 0 : index
    %swap3A_12 = vector.load %arg2[%swap3A, %swap3A_11] : memref<10000x128xf32, #tpu.memory_space<vmem>>, vector<10000x128xf32>
    tpu.vector_store %arg2[%swap3A, %swap3A_11], %add3A_10 {strides = array<i32>} : memref<10000x128xf32, #tpu.memory_space<vmem>>, vector<10000x128xf32>,
    return
  }
}

</mosaic_0001>

<sc_bundles>
// kernel: kernel.10.cloned.1.call-start
scs
__scs_entry_jumppad:
0x0: {  	(pc) =	sbr.rel $0x88, $3  }
0x1: {  	(tag) =	ssettag $0x0;
	lr =	simm.s32 $0x1  }
0x2: {  	[smem:$0x3F97] =	sst lr;
	_ =	strace $0xD0000000  }
0x3: {  	_ = 	snop  }
0x4: {  	_ = 	snop  }
0x5: {  	_ = 	snop  }
0x6: {  	_ = 	snop  }
0x7: {  	_ = 	snop  }
__scs_overlays_trampoline_lowered:
0x8: {  	[smem:$0x3FA6] =	sst s0  }
0x9: {  	[smem:$0x3FA7] =	sst s1  }
0xa: {  	[smem:$0x3FA8] =	sst s2  }
0xb: {  	[smem:$0x3FA9] =	sst s3  }
0xc: {  	[smem:$0x3FAA] =	sst s4  }
0xd: {  	[smem:$0x3FAB] =	sst s5  }
0xe: {  	[smem:$0x3FAC] =	sst s6  }
0xf: {  	[smem:$0x3FAD] =	sst s7  }
0x10: {  	[smem:$0x3FAE] =	sst s8  }
0x11: {  	[smem:$0x3FAF] =	sst s9;
	s0 =	simm.s32 @!p0 $0x0  }
0x12: {  	s1 =	sld [smem:$0x3F95];
	s0 =	simm.s32 @p0 $0x1  }
0x13: {  	[smem:$0x3FB0] =	sst s0;
	s0 =	simm.s32 @!p1 $0x0  }
0x14: {  	s2 =	sld [smem:$0x3F94];
	s0 =	simm.s32 @p1 $0x1  }
0x15: {  	[smem:$0x3FB1] =	sst s0;
	s0 =	simm.s32 @!p2 $0x0  }
0x16: {  	s3 =	sld [smem:$0x3FDB];
	s0 =	simm.s32 @p2 $0x1  }
0x17: {  	s4 =	simm.s32 $0x1BF5;
	[smem:$0x3FB3] =	sst s0  }
0x18: {  	s0 =	sld [smem:$0x3F96];
	_ =	swait.ge [sflag:s4], $0x0  }
0x19: {  	s7 =	sld [smem:$0x3F97]  }
0x1a: {  	s8 =	sadd.s32 $0xFFFFE003, lr  }
0x1b: {  	s9 =	sadd.s32 $0xFFFFFEF7, lr;
	s5 =	simm.s32 $0xFFFFFFFF;
	p2 =	slt.u32 s8, $0xFFFFF086  }
0x1c: {  	p1 =	slt.u32 s9, $0xF7A;
	s5 =	simm.s32 @!p2 $0x0  }
0x1d: {  	s5 =	simm.s32 @p1 $0x1;
	p0 =	seq.s32 s7, s2  }
0x1e: {  	s7 =	smul.u32 @!p0 $0xF7A, s2;
	p2 =	seq.s32 @!p0 s5, $0x0  }
0x1f: {  	s9 =	smul.u32 $0xF7A, s1;
	s8 =	simm.s32 @!p0 $0x1BF5;
	p2 =	por !p2, p0  }
0x20: {  	[sflag:s8] =	ssyncset.s32 @!p0 $0xFFFFF086;
	s6 =	sadd.s32 @!p0 s3, s7;
	s7 =	simm.s32 @!p0 $0x108  }
0x21: {  	s3 =	sadd.s32 s3, s9;
	s6 =	sadd.s32 @!p0 $0x88, s6;
	s7 =	simm.s32 @p2 $0x1082  }
0x22: {  	[simem:s7], [sflag:s8] =	dma.local @!p0 [hbm:s6], $0xF7A  }
0x23: {  	s9 =	sor.u32 $0xD0000000, s2;
	s6 =	simm.s32 $0x108;
	_ =	swait.ge @!p0 [sflag:s8], $0x0  }
0x24: {  	s3 =	sadd.s32 $0x88, s3;
	s6 =	simm.s32 @!p1 $0x1082;
	[sflag:s4] =	ssyncset.s32 $0xFFFFF086  }
0x25: {  	[simem:s6], [sflag:s4] =	dma.local [hbm:s3], $0xF7A  }
0x26: {  	[smem:$0x3F97] =	sst s1;
	(tag) =	ssettag s2;
	_ =	strace s9  }
0x27: {  	s1 =	sld [smem:$0x3FA7]  }
0x28: {  	s2 =	sld [smem:$0x3FA8]  }
0x29: {  	s4 =	sld [smem:$0x3FAA]  }
0x2a: {  	p0 =	seq.s32 s5, $0x0;
	s5 =	sld [smem:$0x3FAB]  }
0x2b: {  	s6 =	sld [smem:$0x3FAC]  }
0x2c: {  	s7 =	sld [smem:$0x3FAD]  }
0x2d: {  	s3 =	simm.s32 $0x108;
	s8 =	sld [smem:$0x3FAE]  }
0x2e: {  	s3 =	simm.s32 @!p0 $0x1082;
	s9 =	sld [smem:$0x3FAF]  }
0x2f: {  	lr =	sadd.s32 s0, s3;
	s0 =	sld [smem:$0x3FA6]  }
0x30: {  	s3 =	sld [smem:$0x3FA9]  }
0x31: {  	[smem:$0x3FB2] =	sst s10  }
0x32: {  	s10 =	sld [smem:$0x3FB0];
	_ =	sdelay $0x3  }
0x33: {  	p0 =	seq.s32 s10, $0x1;
	s10 =	sld [smem:$0x3FB2];
	_ =	sdelay $0x3  }
0x34: {  	[smem:$0x3FB2] =	sst s10  }
0x35: {  	s10 =	sld [smem:$0x3FB1];
	_ =	sdelay $0x3  }
0x36: {  	p1 =	seq.s32 s10, $0x1;
	s10 =	sld [smem:$0x3FB2];
	_ =	sdelay $0x3  }
0x37: {  	[smem:$0x3FB2] =	sst s10  }
0x38: {  	s10 =	sld [smem:$0x3FB3]  }
0x39: {  	_ = 	snop;
	(pc) =	sbr.ind lr, $3  }
0x3a: {  	_ = 	snop  }
0x3b: {  	_ = 	snop  }
0x3c: {  	p2 =	seq.s32 s10, $0x1;
	s10 =	sld [smem:$0x3FB2]  }
0x3d: {  	_ =	shalt  }
0x3e: {  	_ =	shalt  }
0x3f: {  	_ =	shalt  }
0x40: {  	_ =	shalt  }
0x41: {  	_ =	shalt  }
0x42: {  	_ =	shalt  }
0x43: {  	_ =	shalt  }
0x44: {  	_ =	shalt  }
0x45: {  	_ =	shalt  }
0x46: {  	_ =	shalt  }
0x47: {  	_ =	shalt  }
0x48: {  	_ =	shalt  }
0x49: {  	_ =	shalt  }
0x4a: {  	_ =	shalt  }
0x4b: {  	_ =	shalt  }
0x4c: {  	_ =	shalt  }
0x4d: {  	_ =	shalt  }
0x4e: {  	_ =	shalt  }
0x4f: {  	_ =	shalt  }
0x50: {  	_ =	shalt  }
0x51: {  	_ =	shalt  }
0x52: {  	_ =	shalt  }
0x53: {  	_ =	shalt  }
0x54: {  	_ =	shalt  }
0x55: {  	_ =	shalt  }
0x56: {  	_ =	shalt  }
0x57: {  	_ =	shalt  }
0x58: {  	_ =	shalt  }
0x59: {  	_ =	shalt  }
0x5a: {  	_ =	shalt  }
0x5b: {  	_ =	shalt  }
0x5c: {  	_ =	shalt  }
0x5d: {  	_ =	shalt  }
0x5e: {  	_ =	shalt  }
0x5f: {  	_ =	shalt  }
0x60: {  	_ =	shalt  }
0x61: {  	_ =	shalt  }
0x62: {  	_ =	shalt  }
0x63: {  	_ =	shalt  }
0x64: {  	_ =	shalt  }
0x65: {  	_ =	shalt  }
0x66: {  	_ =	shalt  }
0x67: {  	_ =	shalt  }
0x68: {  	_ =	shalt  }
0x69: {  	_ =	shalt  }
0x6a: {  	_ =	shalt  }
0x6b: {  	_ =	shalt  }
0x6c: {  	_ =	shalt  }
0x6d: {  	_ =	shalt  }
0x6e: {  	_ =	shalt  }
0x6f: {  	_ =	shalt  }
0x70: {  	_ =	shalt  }
0x71: {  	_ =	shalt  }
0x72: {  	_ =	shalt  }
0x73: {  	_ =	shalt  }
0x74: {  	_ =	shalt  }
0x75: {  	_ =	shalt  }
0x76: {  	_ =	shalt  }
0x77: {  	_ =	shalt  }
0x78: {  	_ =	shalt  }
0x79: {  	_ =	shalt  }
0x7a: {  	_ =	shalt  }
0x7b: {  	_ =	shalt  }
0x7c: {  	_ =	shalt  }
0x7d: {  	_ =	shalt  }
0x7e: {  	_ =	shalt  }
0x7f: {  	_ =	shalt  }
0x80: {  	_ =	shalt  }
0x81: {  	_ =	shalt  }
0x82: {  	_ =	shalt  }
0x83: {  	_ =	shalt  }
0x84: {  	_ =	shalt  }
0x85: {  	_ =	shalt  }
0x86: {  	_ =	shalt  }
0x87: {  	_ =	shalt  }
.Lfunc_end0:
.L_simem_size_0:
called_computation.1_lowered:
.L_overlay_start_0:
0x88: {  	s2 =	sld [smem:$0x3FD9]  }
0x89: {  	s3 =	sld [smem:$0x3FFE];
	_ =	sdelay $0x1  }
0x8a: {  	s1 =	srdreg.scid  }
0x8b: {  	s0 =	sand.u32 $0x1, s1  }
0x8c: {  	s17 =	sshll.u32 s0, $0xA;
	s2 =	sadd.s32 s3, s2  }
0x8d: {  	s2 =	sadd.s32 s2, s17  }
0x8e: {  	[smem:$0x3FBE] =	sst s2  }
0x8f: {  	_ = 	snop  }
0x90: {  	s2 =	sld [smem:$0x3FD0];
	(tm) =	ssettm $0x1  }
0x91: {  	s18 =	sld [smem:$0x3FFB];
	_ =	sdelay $0x3  }
0x92: {  	_ =	strace s18  }
0x93: {  	s3 =	sld [smem:$0x3FFC];
	_ =	sdelay $0x3  }
0x94: {  	_ =	strace s3  }
0x95: {  	s3 =	sld [smem:$0x3FFD];
	_ =	sdelay $0x3  }
0x96: {  	_ =	strace s3  }
0x97: {  	_ =	strace $0x8FFFFFFF  }
0x98: {  	s19 =	sld [smem:$0x3FDB];
	_ =	sdelay $0x1  }
0x99: {  	s4 =	simm.s32 $_scs_section_size  }
0x9a: {  	s5 =	simm.s32 $_size__tile_overlayer_lowered;
	s6 =	simm.s32 $_tile_overlayer_lowered  }
0x9b: {  	s22 =	simm.s32 $0x1BFF;
	s21 =	sshll.u32 s6, $0x1;
	s3 =	sadd.s32 s4, s19  }
0x9c: {  	s7 =	simm.s32 $0x0;
	s20 =	sshll.u32 s5, $0x1;
	s5 =	sadd.s32 s21, s3  }
0x9d: {  	[timem:s7], [sflag:s22] =	dma.local [hbm:s5], s20  }
0x9e: {  	_ =	swait.ge [sflag:s22], s20  }
0x9f: {  	s4 =	ssub.s32 $0x0, s20;
	[sflag:s22] =	ssyncset.done $0x0  }
0xa0: {  	[sflag:s22] =	ssyncadd.s32 s4;
	_ =	sdelay $0x1  }
0xa1: {  	s23 =	simm.s32 $0x1B8B  }
0xa2: {  	_ =	swait.ge [sflag:s23], $0x1  }
0xa3: {  	[sflag:s23] =	ssyncset.done $0x0  }
0xa4: {  	s25 =	simm.s32 $0x1B8E;
	s24 =	sld [smem:$0x3FFE];
	[sflag:s23] =	ssyncadd.s32 $0xFFFFFFFF  }
0xa5: {  	s26 =	simm.s32 $execute0_lowered;
	[smem:$0x3FD2] =	sst s25  }
0xa6: {  	s5 =	sshll.u32 s26, $0x1;
	_ =	strace $0x80000049;
	[dreg:$0x1] =	wrdreg $0xFFFFFFFF  }
0xa7: {  	s28 =	simm.s32 $_size_execute0_lowered;
	s3 =	sadd.s32 s3, s5;
	[dreg:$0x0] =	wrdreg $0x0  }
0xa8: {  	s5 =	sshll.u32 s28, $0x1;
	[dreg:$0x2] =	wrdreg s3  }
0xa9: {  	[dreg:$0x3] =	wrdreg s5  }
0xaa: {  	[dreg:$0x4] =	wrdreg $0xC0  }
0xab: {  	_ =	task [dreg:s7], $0x5FFFF  }
0xac: {  	[dreg:$0x1] =	wrdreg $0xFFFFFFFF  }
0xad: {  	[dreg:$0x0] =	wrdreg $0x60  }
0xae: {  	[dreg:$0x2] =	wrdreg s24  }
0xaf: {  	[dreg:$0x3] =	wrdreg s2  }
0xb0: {  	[dreg:$0x4] =	wrdreg $0x75100  }
0xb1: {  	[dreg:$0x5] =	wrdreg $0x9  }
0xb2: {  	_ =	task.clear_ibuf [dreg:s7], $0x6FFFF;
	_ =	strace $0x90000049  }
0xb3: {  	s29 =	simm.s32 $0x9;
	_ =	strace $0x8000004B  }
0xb4: {  	_ =	swait.ge [sflag:s29], $0x1  }
0xb5: {  	[sflag:s29] =	ssyncadd.s32 $0xFFFFFFFF  }
0xb6: {  	_ =	strace $0x9000004B  }
0xb7: {  	_ =	sfence  }
0xb8: {  	s30 =	sld [smem:$0x0];
	_ =	sdelay $0x2  }
0xb9: {  	s31 =	sshll.u32 s1, $0xD;
	s1 =	sshrl.u32 s1, $0x2  }
0xba: {  	s3 =	sand.u32 $0x4000, s31;
	s1 =	sadd.s32 s1, s30  }
0xbb: {  	s0 =	sor.u32 s3, s0;
	s1 =	sshll.u32 s1, $0x11  }
0xbc: {  	s0 =	sor.u32 s1, s0  }
0xbd: {  	s0 =	sadd.s32 $0x8F2B, s0  }
0xbe: {  	[sflag:s0] =	ssyncadd.remote.s32 $0x1  }
0xbf: {  	_ =	sfence.sel $0xFFFF  }
0xc0: {  	[dreg:$0x0] =	wrdreg $0xFFFFFFFF;
	(pc) =	sbr.abs _section_cstart, $3  }
0xc1: {  	[dreg:$0x1] =	wrdreg $0xFFFFFFFF  }
0xc2: {  	_ =	task.clear_ibuf [dreg:s7], $0x2FFFF;
	_ =	strace $0x9FFFFFFF  }
0xc3: {  	(tm) =	ssettm $0x7FFFFFFF  }
tec
execute0_lowered:
.L_overlay_start_1:
0x0: {  	(tag) =	ssettag $0x1  }
0x1: {  	s0 =	rddreg [dreg:$0x0]  }
0x2: {  	s3 =	rddreg [dreg:$0x1]  }
0x3: {  	s11 =	rddreg [dreg:$0x2];
	s2 =	simm.s32 $0x0  }
0x4: {  	s1 =	srdreg.scid;
	s10 =	stileid.u32;
	s28 =	simm.s32 $0x4900  }
0x5: {  	[smem:$0x7FF] =	sst s2;
	s1 =	sand.u32 $0x1, s1;
	s26 =	smul.u32 $0x2C70, s10  }
0x6: {  	s5 =	sadd.s32 $0x15600, s0;
	s8 =	smul.u32 $0x58E00, s10;
	s7 =	sshll.u32 s1, $0x1  }
0x7: {  	s6 =	sadd.s32 $0x1400, s0;
	_ =	strace $0x8000004A;
	s9 =	sadd.s32 s7, s0  }
0x8: {  	s4 =	smul.u32 $0x2C700, s1;
	s12 =	sshrl.u32 s8, $0x2;
	s22 =	sadd.s32 $0x1200, s9  }
0x9: {  	s31 =	ssub.s32 $0x2, s1;
	s12 =	sadd.s32 s12, s11;
	[dreg:$0xd] =	wrdreg s22  }
0xa: {  	s2 =	sadd.s32 s26, s4;
	s4 =	sadd.s32 $0x2400, s12;
	[dreg:$0x4] =	wrdreg s12  }
0xb: {  	s1 =	sshll.u32 s1, $0x4;
	s14 =	sadd.s32 $0x4800, s12;
	[dreg:$0x5] =	wrdreg s4  }
0xc: {  	s7 =	sadd.s32 $0xB200, s0;
	s15 =	sadd.s32 $0x6C00, s12;
	[dreg:$0x6] =	wrdreg s14  }
0xd: {  	s13 =	sshrl.u32 s31, $0x1;
	s16 =	sadd.s32 $0x9000, s12;
	[dreg:$0x7] =	wrdreg s15  }
0xe: {  	s1 =	sor.u32 s10, s1;
	s17 =	sadd.s32 $0xB400, s12;
	[dreg:$0x8] =	wrdreg s16  }
0xf: {  	s1 =	smul.u32 $0x2900, s1;
	s18 =	sadd.s32 $0xD800, s12;
	[dreg:$0x9] =	wrdreg s17  }
0x10: {  	s0 =	sadd.s32 s2, s0;
	s19 =	sadd.s32 $0xFC00, s12;
	[dreg:$0xa] =	wrdreg s18  }
0x11: {  	s2 =	ssub.s32 s31, s13;
	s20 =	sadd.s32 $0x12000, s12;
	[dreg:$0xb] =	wrdreg s19  }
0x12: {  	s31 =	sadd.s32 $0x14400, s12;
	[dreg:$0xc] =	wrdreg s20;
	s21 =	sshrl.u32 s1, $0x3  }
0x13: {  	s22 =	sor.u32 $0x80, s1;
	s1 =	sor.u32 $0xC0, s1;
	[dreg:$0x15] =	wrdreg s31  }
0x14: {  	s29 =	simm.s32 $0x3;
	s0 =	sadd.s32 $0x41600, s0;
	[dreg:$0x12] =	wrdreg s1  }
0x15: {  	s30 =	simm.s32 $0xC0;
	s26 =	smax.u32 s2, $0x1;
	[dreg:$0x13] =	wrdreg s0  }
.Ltmp0:
0x16: {  	s23 =	sadd.s32 s3, s21;
	[dreg:$0x14] =	wrdreg s26;
	(pc) =	sbr.rel .LBB2_1-.Ltmp0, $4  }
0x17: {  	s24 =	sor.u32 $0x8, s21;
	s4 =	sadd.s32 s7, s21;
	[dreg:$0xe] =	wrdreg s23  }
0x18: {  	s10 =	simm.s32 $0x1;
	[dreg:$0xf] =	wrdreg s4;
	s3 =	sadd.s32 s3, s24  }
0x19: {  	s11 =	simm.s32 $0x2;
	s25 =	sadd.s32 s7, s24;
	[dreg:$0x10] =	wrdreg s3  }
0x1a: {  	v0 =	vimm.f32 $0.0e+00;
	s2 =	simm.s32 $0x0;
	s0 =	simm.s32 $0x40;
	[dreg:$0x11] =	wrdreg s25  }
.LBB2_10:
0x1b: {  	s1 =	stileid.u32;
	[bflag:$0x0] =	sbarrier.arrive $0xFFFF  }
0x1c: {  	s1 =	sshll.u32 s1, $0x6;
	s12 =	rddreg [dreg:$0x4]  }
0x1d: {  	s3 =	rddreg [dreg:$0x13];
	s1 =	sor.u32 $0x1C03, s1;
	s2 =	sshrl.u32 s12, $0x3  }
0x1e: {  	[hbm:s3], [sflag:s1] =	dma.local [spmem:s2], $0x2C70  }
0x1f: {  	_ =	swait.ge [sflag:s29], $0x2C70  }
0x20: {  	s26 =	rddreg [dreg:$0x16]  }
0x21: {  	s31 =	rddreg [dreg:$0x14];
	s2 =	sadd.s32 $0x1, s26  }
0x22: {  	p0 =	sne.s32 s2, s31  }
.Ltmp1:
0x23: {  	_ = 	snop;
	(pc) =	sbr.rel @!p0 .LBB2_11-.Ltmp1, $3  }
0x24: {  	_ =	sdelay $0x1  }
0x25: {  	[sflag:s29] =	ssyncset.done $0x0  }
0x26: {  	[sflag:s29] =	ssyncadd.s32 $0xFFFFD390  }
.LBB2_1:
0x27: {  	[dreg:$0x16] =	wrdreg s2;
	s1 =	simm.s32 $0x0;
	s2 =	simm.s32 $0x240  }
.LBB2_2:
0x28: {  	p0 =	sne.s32 s2, $0x8DC0;
	[tilespmem:s1+$0x4980] =	vst v0  }
0x29: {  	[tilespmem:s1+$0x4900] =	vst v0  }
0x2a: {  	[tilespmem:s1+$0x4910] =	vst v0  }
0x2b: {  	[tilespmem:s1+$0x4920] =	vst v0  }
.Ltmp2:
0x2c: {  	[tilespmem:s1+$0x4930] =	vst v0;
	(pc) =	sbr.rel @p0 .LBB2_2-.Ltmp2, $4  }
0x2d: {  	[tilespmem:s1+$0x4940] =	vst v0  }
0x2e: {  	[tilespmem:s1+$0x4950] =	vst v0  }
0x2f: {  	[tilespmem:s1+$0x4960] =	vst v0  }
0x30: {  	[tilespmem:s1+$0x4970] =	vst v0;
	s1 =	sshra.s32 s2, $0x2;
	s2 =	sadd.s32 $0x240, s2  }
0x31: {  	[tilespmem:s1+$0x4980] =	vst v0  }
0x32: {  	[tilespmem:s1+$0x4900] =	vst v0  }
0x33: {  	[tilespmem:s1+$0x4910] =	vst v0  }
0x34: {  	[tilespmem:s1+$0x4920] =	vst v0  }
0x35: {  	[tilespmem:s1+$0x4930] =	vst v0  }
0x36: {  	[tilespmem:s1+$0x4940] =	vst v0  }
0x37: {  	[tilespmem:s1+$0x4950] =	vst v0  }
0x38: {  	[tilespmem:s1+$0x4960] =	vst v0  }
0x39: {  	[tilespmem:s1+$0x4970] =	vst v0  }
0x3a: {  	[spmem:s12] =	stream.linear.scatter [tilespmem:s28], [sflag:$0x3], $0x2400, $0x38;
	[tilespmem:$0x1D890] =	vst v63  }
0x3b: {  	_ =	swait.ge [sflag:s29], $0x2400  }
0x3c: {  	[sflag:s29] =	ssyncset.done $0x0  }
0x3d: {  	s3 =	rddreg [dreg:$0x5];
	[sflag:s29] =	ssyncadd.s32 $0xFFFFDC00  }
0x3e: {  	[spmem:s3] =	stream.linear.scatter [tilespmem:s28], [sflag:$0x3], $0x2400, $0x38;
	[tilespmem:$0x1D890] =	vst v63  }
0x3f: {  	_ =	swait.ge [sflag:s29], $0x2400  }
0x40: {  	[sflag:s29] =	ssyncset.done $0x0  }
0x41: {  	s4 =	rddreg [dreg:$0x6];
	[sflag:s29] =	ssyncadd.s32 $0xFFFFDC00  }
0x42: {  	[spmem:s4] =	stream.linear.scatter [tilespmem:s28], [sflag:$0x3], $0x2400, $0x38;
	[tilespmem:$0x1D890] =	vst v63  }
0x43: {  	_ =	swait.ge [sflag:s29], $0x2400  }
0x44: {  	[sflag:s29] =	ssyncset.done $0x0  }
0x45: {  	s8 =	rddreg [dreg:$0x7];
	[sflag:s29] =	ssyncadd.s32 $0xFFFFDC00  }
0x46: {  	[spmem:s8] =	stream.linear.scatter [tilespmem:s28], [sflag:$0x3], $0x2400, $0x38;
	[tilespmem:$0x1D890] =	vst v63  }
0x47: {  	_ =	swait.ge [sflag:s29], $0x2400  }
0x48: {  	[sflag:s29] =	ssyncset.done $0x0  }
0x49: {  	s9 =	rddreg [dreg:$0x8];
	[sflag:s29] =	ssyncadd.s32 $0xFFFFDC00  }
0x4a: {  	[spmem:s9] =	stream.linear.scatter [tilespmem:s28], [sflag:$0x3], $0x2400, $0x38;
	[tilespmem:$0x1D890] =	vst v63  }
0x4b: {  	_ =	swait.ge [sflag:s29], $0x2400  }
0x4c: {  	[sflag:s29] =	ssyncset.done $0x0  }
0x4d: {  	s12 =	rddreg [dreg:$0x9];
	[sflag:s29] =	ssyncadd.s32 $0xFFFFDC00  }
0x4e: {  	[spmem:s12] =	stream.linear.scatter [tilespmem:s28], [sflag:$0x3], $0x2400, $0x38;
	[tilespmem:$0x1D890] =	vst v63  }
0x4f: {  	_ =	swait.ge [sflag:s29], $0x2400  }
0x50: {  	[sflag:s29] =	ssyncset.done $0x0  }
0x51: {  	s13 =	rddreg [dreg:$0xa];
	[sflag:s29] =	ssyncadd.s32 $0xFFFFDC00  }
0x52: {  	[spmem:s13] =	stream.linear.scatter [tilespmem:s28], [sflag:$0x3], $0x2400, $0x38;
	[tilespmem:$0x1D890] =	vst v63  }
0x53: {  	_ =	swait.ge [sflag:s29], $0x2400  }
0x54: {  	[sflag:s29] =	ssyncset.done $0x0  }
0x55: {  	s14 =	rddreg [dreg:$0xb];
	[sflag:s29] =	ssyncadd.s32 $0xFFFFDC00  }
0x56: {  	[spmem:s14] =	stream.linear.scatter [tilespmem:s28], [sflag:$0x3], $0x2400, $0x38;
	[tilespmem:$0x1D890] =	vst v63  }
0x57: {  	_ =	swait.ge [sflag:s29], $0x2400  }
0x58: {  	[sflag:s29] =	ssyncset.done $0x0  }
0x59: {  	s15 =	rddreg [dreg:$0xc];
	[sflag:s29] =	ssyncadd.s32 $0xFFFFDC00  }
0x5a: {  	[spmem:s15] =	stream.linear.scatter [tilespmem:s28], [sflag:$0x3], $0x2400, $0x38;
	[tilespmem:$0x1D890] =	vst v63  }
0x5b: {  	_ =	swait.ge [sflag:s29], $0x2400  }
0x5c: {  	[sflag:s29] =	ssyncset.done $0x0  }
0x5d: {  	s16 =	rddreg [dreg:$0x15];
	[sflag:s29] =	ssyncadd.s32 $0xFFFFDC00  }
0x5e: {  	[spmem:s16] =	stream.linear.scatter [tilespmem:s28], [sflag:$0x3], $0x1F80, $0x38;
	[tilespmem:$0x1D890] =	vst v63  }
0x5f: {  	_ =	swait.ge [sflag:s29], $0x1F80  }
0x60: {  	[sflag:s29] =	ssyncset.done $0x0  }
0x61: {  	[sflag:s29] =	ssyncadd.s32 $0xFFFFE080  }
0x62: {  	[bflag:$0x0] =	sbarrier.arrive $0xFFFF  }
0x63: {  	s2 =	simm.s32 $0x7500;
	s13 =	simm.s32 $0x0;
	s17 =	rddreg [dreg:$0xd]  }
0x64: {  	[tilespmem:s2], [sflag:$0x3] =	stream.linear.gather [hbm4b:s17+s13], $0x10, $0x38;
	[tilespmem:$0x1D890] =	vst v63  }
0x65: {  	_ =	swait.ge [sflag:s29], $0x10  }
0x66: {  	[sflag:s29] =	ssyncset.done $0x0  }
0x67: {  	s18 =	rddreg [dreg:$0xe];
	[sflag:s29] =	ssyncadd.s32 $0xFFFFFFF0  }
0x68: {  	[tilespmem:s13], [sflag:$0x3] =	stream.linear.gather [hbm4b:s18+s13], $0x40, $0x38;
	[tilespmem:$0x1D890] =	vst v63  }
0x69: {  	_ =	swait.ge [sflag:s29], $0x40  }
0x6a: {  	[sflag:s29] =	ssyncset.done $0x0  }
0x6b: {  	s20 =	simm.s32 $0x80;
	s19 =	rddreg [dreg:$0xf];
	[sflag:s29] =	ssyncadd.s32 $0xFFFFFFC0  }
0x6c: {  	[tilespmem:s20], [sflag:$0x3] =	stream.linear.gather [hbm4b:s19+s13], $0x40, $0x38;
	[tilespmem:$0x1D890] =	vst v63  }
0x6d: {  	_ =	swait.ge [sflag:s29], $0x40  }
0x6e: {  	[sflag:s29] =	ssyncset.done $0x0  }
0x6f: {  	s21 =	simm.s32 $0x100;
	[sflag:s29] =	ssyncadd.s32 $0xFFFFFFC0  }
0x70: {  	[tilespmem:s21], [sflag:$0x1] =	stream.indirect.gather [hbm4b:s5+s0], $0x90, s13, s0, $0xb8;
	[tilespmem:$0x1D890] =	vst v63  }
0x71: {  	s23 =	simm.s32 $0x6D00  }
0x72: {  	[tilespmem:s23], [sflag:$0x1] =	stream.indirect.gather [hbm4b:s6+s0], $0x10, s20, s0, $0xb8;
	[tilespmem:$0x1D890] =	vst v63  }
0x73: {  	s24 =	rddreg [dreg:$0x10]  }
0x74: {  	[tilespmem:s0], [sflag:$0x3] =	stream.linear.gather [hbm4b:s24+s13], $0x40, $0x38;
	[tilespmem:$0x1D890] =	vst v63  }
0x75: {  	_ =	swait.ge [sflag:s29], $0x40  }
0x76: {  	[sflag:s29] =	ssyncset.done $0x0  }
0x77: {  	s25 =	rddreg [dreg:$0x11];
	[sflag:s29] =	ssyncadd.s32 $0xFFFFFFC0  }
0x78: {  	[tilespmem:s30], [sflag:$0x3] =	stream.linear.gather [hbm4b:s25+s13], $0x40, $0x38;
	[tilespmem:$0x1D890] =	vst v63  }
0x79: {  	_ =	swait.ge [sflag:s29], $0x40  }
0x7a: {  	[sflag:s29] =	ssyncset.done $0x0  }
0x7b: {  	s26 =	simm.s32 $0x2500;
	[sflag:s29] =	ssyncadd.s32 $0xFFFFFFC0  }
0x7c: {  	[tilespmem:s26], [sflag:$0x2] =	stream.indirect.gather [hbm4b:s5+s0], $0x90, s0, s0, $0xb8;
	[tilespmem:$0x1D890] =	vst v63  }
0x7d: {  	s31 =	simm.s32 $0x7100  }
0x7e: {  	[tilespmem:s31], [sflag:$0x2] =	stream.indirect.gather [hbm4b:s6+s0], $0x10, s30, s0, $0xb8;
	[tilespmem:$0x1D890] =	vst v63  }
.LBB2_4:
0x7f: {  	_ =	swait.ge [sflag:s10], $0x2400  }
0x80: {  	[sflag:s10] =	ssyncset.done $0x0  }
0x81: {  	[sflag:s10] =	ssyncadd.s32 $0xFFFFDC00  }
0x82: {  	_ =	swait.ge [sflag:s10], $0x400  }
0x83: {  	[sflag:s10] =	ssyncset.done $0x0  }
0x84: {  	[sflag:s10] =	ssyncadd.s32 $0xFFFFFC00  }
0x85: {  	s14 =	simm.s32 $0x0;
	v1 =	vld [tilespmem:$0x7500]  }
.LBB2_5:
0x86: {  	s4 =	smul.u32 $0x90, s14  }
0x87: {  	s1 =	sshll.u32 s14, $0x4  }
0x88: {  	s1 =	sand.u32 $0x3FFFFFF0, s1;
	v2 =	vld [tilespmem:s4+$0x180]  }
0x89: {  	v3 =	vld [tilespmem:s1+$0x6D00];
	_ =	sdelay $0x3  }
0x8a: {  	v18 =	vld [tilespmem:s4+$0x100]  }
0x8b: {  	s19 =	sor.u32 $0x1, s14;
	v19 =	vld [tilespmem:s4+$0x110];
	v2 =	vadd.f32 v3, v2  }
0x8c: {  	s1 =	sshll.u32 s19, $0x4;
	v20 =	vld [tilespmem:s4+$0x120]  }
0x8d: {  	s12 =	smul.u32 $0x90, s19;
	v50 =	vld [tilespmem:s4+$0x130];
	s1 =	sand.u32 $0x3FFFFFF0, s1;
	v4 =	vmin.f32 v2, $0.0e+00  }
0x8e: {  	v5 =	vld [tilespmem:s1+$0x6D00];
	v4 =	vmul.f32 $2.000000030e-01, v4  }
0x8f: {  	v3 =	vld [tilespmem:s12+$0x180];
	v2 =	vmax.f32 v2, $0.0e+00  }
0x90: {  	v21 =	vld [tilespmem:s4+$0x140];
	v2 =	vadd.f32 v4, v2  }
0x91: {  	s20 =	sor.u32 $0x2, s14;
	v23 =	vld [tilespmem:s4+$0x150]  }
0x92: {  	s26 =	smul.u32 $0x90, s20;
	v52 =	vld [tilespmem:s4+$0x160];
	v2 =	vsub.f32 v2, v1  }
0x93: {  	s2 =	sor.u32 $0x3, s14;
	s25 =	sor.u32 $0x7, s14;
	v53 =	vld [tilespmem:s4+$0x170];
	s1 =	sshll.u32 s20, $0x4  }
0x94: {  	s9 =	sshll.u32 s2, $0x4;
	s3 =	sshll.u32 s25, $0x4;
	v13 =	vld [tilespmem:s26+$0x180];
	s8 =	sand.u32 $0x3FFFFFF0, s1;
	v3 =	vadd.f32 v5, v3;
	v2 =	vmul.f32 $1.442695020e+00, v2  }
0x95: {  	s21 =	sand.u32 $0x3FFFFFF0, s9;
	s9 =	sor.u32 $0x5, s14;
	v14 =	vld [tilespmem:s8+$0x6D00];
	s8 =	sor.u32 $0x6, s14  }
0x96: {  	s17 =	sand.u32 $0x3FFFFFF0, s3;
	v15 =	vld [tilespmem:s21+$0x6D00];
	s16 =	sshll.u32 s9, $0x4;
	s24 =	sshll.u32 s8, $0x4;
	v49 =	vmin.f32 v3, $0.0e+00;
	(erf) = vpow2.f32 v2  }
0x97: {  	s21 =	sor.u32 $0x9, s14;
	v10 =	vld [tilespmem:s17+$0x6D00];
	s31 =	sand.u32 $0x3FFFFFF0, s24;
	s24 =	sor.u32 $0x8, s14;
	v17 =	vmul.f32 $2.000000030e-01, v49  }
0x98: {  	v54 =	vld [tilespmem:s12+$0x100];
	s23 =	sand.u32 $0x3FFFFFF0, s16;
	s20 =	sor.u32 $0xA, s14;
	s18 =	sshll.u32 s24, $0x4;
	v2 =	vmax.f32 v3, $0.0e+00  }
0x99: {  	v12 =	vld [tilespmem:s23+$0x6D00];
	s23 =	sshll.u32 s21, $0x4;
	s3 =	sshll.u32 s20, $0x4;
	s19 =	sand.u32 $0x3FFFFFF0, s18;
	v17 =	vadd.f32 v17, v2  }
0x9a: {  	s17 =	sand.u32 $0x3FFFFFF0, s3;
	s18 =	sor.u32 $0xC, s14;
	v9 =	vld [tilespmem:s19+$0x6D00];
	s19 =	sor.u32 $0xB, s14  }
0x9b: {  	v11 =	vld [tilespmem:s31+$0x6D00];
	s31 =	sand.u32 $0x3FFFFFF0, s23;
	s3 =	sshll.u32 s18, $0x4;
	s23 =	sshll.u32 s19, $0x4;
	v17 =	vsub.f32 v17, v1  }
0x9c: {  	s16 =	sor.u32 $0xE, s14;
	v8 =	vld [tilespmem:s31+$0x6D00];
	s31 =	sand.u32 $0x3FFFFFF0, s23;
	s23 =	sand.u32 $0x3FFFFFF0, s3  }
0x9d: {  	v13 =	vadd.f32 v14, v13;
	v5 =	vld [tilespmem:s23+$0x6D00];
	s23 =	sshll.u32 s16, $0x4;
	v17 =	vmul.f32 $1.442695020e+00, v17  }
0x9e: {  	v55 =	vld [tilespmem:s12+$0x110];
	s23 =	sand.u32 $0x3FFFFFF0, s23  }
0x9f: {  	v51 =	vmin.f32 v13, $0.0e+00;
	v3 =	vld [tilespmem:s23+$0x6D00];
	s23 =	smul.u32 $0x90, s2;
	v22 =	vpop (erf);
	(erf) = vpow2.f32 v17  }
0xa0: {  	v56 =	vld [tilespmem:s12+$0x120];
	v17 =	vmul.f32 $2.000000030e-01, v51;
	v24 =	vbroadcast v22, $0x0  }
0xa1: {  	v13 =	vmax.f32 v13, $0.0e+00;
	v25 =	vld [tilespmem:s23+$0x180]  }
0xa2: {  	v57 =	vld [tilespmem:s12+$0x130];
	v13 =	vadd.f32 v17, v13;
	v18 =	vmul.f32 v24, v18  }
0xa3: {  	v58 =	vld [tilespmem:s12+$0x140];
	[tilespmem:s4+$0x4980] =	vst v22;
	v19 =	vmul.f32 v24, v19  }
0xa4: {  	v61 =	vld [tilespmem:s12+$0x150];
	v20 =	vmul.f32 v24, v20;
	v13 =	vsub.f32 v13, v1;
	[tilespmem:s4+$0x4900] =	vst v18  }
0xa5: {  	v26 =	vld [tilespmem:s12+$0x160];
	v14 =	vmul.f32 v24, v50;
	[tilespmem:s4+$0x4910] =	vst v19  }
0xa6: {  	v27 =	vld [tilespmem:s12+$0x170];
	s1 =	sor.u32 $0x4, s14;
	v15 =	vadd.f32 v15, v25;
	v21 =	vmul.f32 v24, v21;
	[tilespmem:s4+$0x4920] =	vst v20;
	v13 =	vmul.f32 $1.442695020e+00, v13  }
0xa7: {  	v28 =	vld [tilespmem:s26+$0x100];
	s15 =	sshll.u32 s1, $0x4;
	v23 =	vmul.f32 v24, v23;
	v17 =	vmul.f32 v24, v52;
	[tilespmem:s4+$0x4930] =	vst v14  }
0xa8: {  	v29 =	vld [tilespmem:s26+$0x110];
	s1 =	smul.u32 $0x90, s1;
	s15 =	sand.u32 $0x3FFFFFF0, s15;
	v60 =	vmin.f32 v15, $0.0e+00;
	v22 =	vmul.f32 v24, v53;
	[tilespmem:s4+$0x4940] =	vst v21;
	v59 =	vpop (erf);
	(erf) = vpow2.f32 v13  }
0xa9: {  	v16 =	vld [tilespmem:s15+$0x6D00];
	[tilespmem:s4+$0x4950] =	vst v23;
	v13 =	vmul.f32 $2.000000030e-01, v60;
	v62 =	vbroadcast v59, $0x0  }
0xaa: {  	v63 =	vld [tilespmem:s1+$0x180];
	v15 =	vmax.f32 v15, $0.0e+00;
	[tilespmem:s4+$0x4960] =	vst v17  }
0xab: {  	v30 =	vld [tilespmem:s26+$0x120];
	[tilespmem:s4+$0x4970] =	vst v22;
	v13 =	vadd.f32 v13, v15;
	v18 =	vmul.f32 v62, v54  }
0xac: {  	v32 =	vld [tilespmem:s26+$0x130];
	[tilespmem:s12+$0x4980] =	vst v59;
	v19 =	vmul.f32 v62, v55  }
0xad: {  	v33 =	vld [tilespmem:s26+$0x140];
	v20 =	vmul.f32 v62, v56;
	v13 =	vsub.f32 v13, v1;
	[tilespmem:s12+$0x4900] =	vst v18  }
0xae: {  	v36 =	vld [tilespmem:s26+$0x150];
	v14 =	vmul.f32 v62, v57;
	[tilespmem:s12+$0x4910] =	vst v19  }
0xaf: {  	s9 =	smul.u32 $0x90, s9;
	v40 =	vld [tilespmem:s26+$0x160];
	v16 =	vadd.f32 v16, v63;
	v21 =	vmul.f32 v62, v58;
	[tilespmem:s12+$0x4920] =	vst v20;
	v13 =	vmul.f32 $1.442695020e+00, v13  }
0xb0: {  	v41 =	vld [tilespmem:s26+$0x170];
	v31 =	vmul.f32 v62, v61;
	v15 =	vmul.f32 v62, v26;
	[tilespmem:s12+$0x4930] =	vst v14  }
0xb1: {  	v39 =	vld [tilespmem:s9+$0x180];
	v35 =	vmin.f32 v16, $0.0e+00;
	v22 =	vmul.f32 v62, v27;
	[tilespmem:s12+$0x4940] =	vst v21;
	v34 =	vpop (erf);
	(erf) = vpow2.f32 v13  }
0xb2: {  	v7 =	vld [tilespmem:s17+$0x6D00];
	s17 =	sor.u32 $0xD, s14;
	[tilespmem:s12+$0x4950] =	vst v31;
	v13 =	vmul.f32 $2.000000030e-01, v35;
	v37 =	vbroadcast v34, $0x0  }
0xb3: {  	v6 =	vld [tilespmem:s31+$0x6D00];
	s31 =	sshll.u32 s17, $0x4;
	v38 =	vmax.f32 v16, $0.0e+00;
	[tilespmem:s12+$0x4960] =	vst v15  }
0xb4: {  	v63 =	vld [tilespmem:s1+$0x140];
	s31 =	sand.u32 $0x3FFFFFF0, s31;
	[tilespmem:s12+$0x4970] =	vst v22;
	v13 =	vadd.f32 v13, v38;
	v18 =	vmul.f32 v37, v28  }
0xb5: {  	v4 =	vld [tilespmem:s31+$0x6D00];
	[tilespmem:s26+$0x4980] =	vst v34;
	v19 =	vmul.f32 v37, v29  }
0xb6: {  	v42 =	vld [tilespmem:s23+$0x100];
	v20 =	vmul.f32 v37, v30;
	v13 =	vsub.f32 v13, v1;
	[tilespmem:s26+$0x4900] =	vst v18  }
0xb7: {  	v43 =	vld [tilespmem:s23+$0x110];
	v14 =	vmul.f32 v37, v32;
	[tilespmem:s26+$0x4910] =	vst v19  }
0xb8: {  	v12 =	vadd.f32 v12, v39;
	v44 =	vld [tilespmem:s23+$0x120];
	v21 =	vmul.f32 v37, v33;
	[tilespmem:s26+$0x4920] =	vst v20;
	v13 =	vmul.f32 $1.442695020e+00, v13  }
0xb9: {  	v46 =	vld [tilespmem:s23+$0x130];
	v45 =	vmul.f32 v37, v36;
	v15 =	vmul.f32 v37, v40;
	[tilespmem:s26+$0x4930] =	vst v14  }
0xba: {  	s8 =	smul.u32 $0x90, s8;
	v48 =	vld [tilespmem:s23+$0x140];
	v50 =	vmin.f32 v12, $0.0e+00;
	v47 =	vmul.f32 v37, v41;
	[tilespmem:s26+$0x4940] =	vst v21;
	v49 =	vpop (erf);
	(erf) = vpow2.f32 v13  }
0xbb: {  	v51 =	vld [tilespmem:s23+$0x150];
	[tilespmem:s26+$0x4950] =	vst v45;
	v13 =	vmul.f32 $2.000000030e-01, v50;
	v52 =	vbroadcast v49, $0x0  }
0xbc: {  	s15 =	sor.u32 $0xF, s14;
	v12 =	vmax.f32 v12, $0.0e+00;
	v53 =	vld [tilespmem:s8+$0x180];
	[tilespmem:s26+$0x4960] =	vst v15  }
0xbd: {  	s3 =	sshll.u32 s15, $0x4;
	v54 =	vld [tilespmem:s23+$0x160];
	[tilespmem:s26+$0x4970] =	vst v47;
	v12 =	vadd.f32 v13, v12;
	v55 =	vmul.f32 v52, v42  }
0xbe: {  	s3 =	sand.u32 $0x3FFFFFF0, s3;
	v56 =	vld [tilespmem:s23+$0x170];
	[tilespmem:s23+$0x4980] =	vst v49;
	v19 =	vmul.f32 v52, v43  }
0xbf: {  	v2 =	vld [tilespmem:s3+$0x6D00];
	v20 =	vmul.f32 v52, v44;
	v12 =	vsub.f32 v12, v1;
	[tilespmem:s23+$0x4900] =	vst v55  }
0xc0: {  	v59 =	vld [tilespmem:s1+$0x120];
	v14 =	vmul.f32 v52, v46;
	[tilespmem:s23+$0x4910] =	vst v19  }
0xc1: {  	v11 =	vadd.f32 v11, v53;
	v57 =	vld [tilespmem:s1+$0x100];
	v21 =	vmul.f32 v52, v48;
	[tilespmem:s23+$0x4920] =	vst v20;
	v12 =	vmul.f32 $1.442695020e+00, v12  }
0xc2: {  	v58 =	vld [tilespmem:s1+$0x110];
	v60 =	vmul.f32 v52, v51;
	v13 =	vmul.f32 v52, v54;
	[tilespmem:s23+$0x4930] =	vst v14  }
0xc3: {  	s3 =	smul.u32 $0x90, s25;
	v25 =	vmin.f32 v11, $0.0e+00;
	v61 =	vld [tilespmem:s1+$0x130];
	v62 =	vmul.f32 v52, v56;
	[tilespmem:s23+$0x4940] =	vst v21;
	v24 =	vpop (erf);
	(erf) = vpow2.f32 v12  }
0xc4: {  	v26 =	vld [tilespmem:s1+$0x150];
	[tilespmem:s23+$0x4950] =	vst v60;
	v12 =	vmul.f32 $2.000000030e-01, v25;
	v27 =	vbroadcast v24, $0x0  }
0xc5: {  	v11 =	vmax.f32 v11, $0.0e+00;
	v28 =	vld [tilespmem:s3+$0x180];
	[tilespmem:s23+$0x4960] =	vst v13  }
0xc6: {  	v29 =	vld [tilespmem:s1+$0x160];
	[tilespmem:s23+$0x4970] =	vst v62;
	v11 =	vadd.f32 v12, v11;
	v30 =	vmul.f32 v27, v57  }
0xc7: {  	v31 =	vld [tilespmem:s1+$0x170];
	[tilespmem:s1+$0x4980] =	vst v24;
	v19 =	vmul.f32 v27, v58  }
0xc8: {  	v34 =	vld [tilespmem:s9+$0x120];
	v20 =	vmul.f32 v27, v59;
	v11 =	vsub.f32 v11, v1;
	[tilespmem:s1+$0x4900] =	vst v30  }
0xc9: {  	v38 =	vld [tilespmem:s9+$0x140];
	v14 =	vmul.f32 v27, v61;
	[tilespmem:s1+$0x4910] =	vst v19  }
0xca: {  	v32 =	vld [tilespmem:s9+$0x100];
	v10 =	vadd.f32 v10, v28;
	v18 =	vmul.f32 v27, v63;
	[tilespmem:s1+$0x4920] =	vst v20;
	v11 =	vmul.f32 $1.442695020e+00, v11  }
0xcb: {  	v33 =	vld [tilespmem:s9+$0x110];
	v35 =	vmul.f32 v27, v26;
	v12 =	vmul.f32 v27, v29;
	[tilespmem:s1+$0x4930] =	vst v14  }
0xcc: {  	s24 =	smul.u32 $0x90, s24;
	v36 =	vld [tilespmem:s9+$0x130];
	v40 =	vmin.f32 v10, $0.0e+00;
	v37 =	vmul.f32 v27, v31;
	[tilespmem:s1+$0x4940] =	vst v18;
	v39 =	vpop (erf);
	(erf) = vpow2.f32 v11  }
0xcd: {  	v41 =	vld [tilespmem:s9+$0x150];
	[tilespmem:s1+$0x4950] =	vst v35;
	v11 =	vmul.f32 $2.000000030e-01, v40;
	v42 =	vbroadcast v39, $0x0  }
0xce: {  	v10 =	vmax.f32 v10, $0.0e+00;
	v43 =	vld [tilespmem:s24+$0x180];
	[tilespmem:s1+$0x4960] =	vst v12  }
0xcf: {  	v44 =	vld [tilespmem:s9+$0x160];
	[tilespmem:s1+$0x4970] =	vst v37;
	v10 =	vadd.f32 v11, v10;
	v45 =	vmul.f32 v42, v32  }
0xd0: {  	v46 =	vld [tilespmem:s9+$0x170];
	[tilespmem:s9+$0x4980] =	vst v39;
	v47 =	vmul.f32 v42, v33  }
0xd1: {  	v53 =	vld [tilespmem:s8+$0x130];
	v48 =	vmul.f32 v42, v34;
	v10 =	vsub.f32 v10, v1;
	[tilespmem:s9+$0x4900] =	vst v45  }
0xd2: {  	v50 =	vld [tilespmem:s8+$0x110];
	v14 =	vmul.f32 v42, v36;
	[tilespmem:s9+$0x4910] =	vst v47  }
0xd3: {  	v49 =	vld [tilespmem:s8+$0x100];
	v9 =	vadd.f32 v9, v43;
	v17 =	vmul.f32 v42, v38;
	[tilespmem:s9+$0x4920] =	vst v48;
	v10 =	vmul.f32 $1.442695020e+00, v10  }
0xd4: {  	s4 =	smul.u32 $0x90, s21;
	v51 =	vld [tilespmem:s8+$0x120];
	v52 =	vmul.f32 v42, v41;
	v11 =	vmul.f32 v42, v44;
	[tilespmem:s9+$0x4930] =	vst v14  }
0xd5: {  	v55 =	vld [tilespmem:s8+$0x140];
	v57 =	vmin.f32 v9, $0.0e+00;
	v54 =	vmul.f32 v42, v46;
	[tilespmem:s9+$0x4940] =	vst v17;
	v56 =	vpop (erf);
	(erf) = vpow2.f32 v10  }
0xd6: {  	v60 =	vld [tilespmem:s4+$0x180];
	[tilespmem:s9+$0x4950] =	vst v52;
	v10 =	vmul.f32 $2.000000030e-01, v57;
	v59 =	vbroadcast v56, $0x0  }
0xd7: {  	v58 =	vld [tilespmem:s8+$0x150];
	v9 =	vmax.f32 v9, $0.0e+00;
	[tilespmem:s9+$0x4960] =	vst v11  }
0xd8: {  	v61 =	vld [tilespmem:s8+$0x160];
	[tilespmem:s9+$0x4970] =	vst v54;
	v9 =	vadd.f32 v10, v9;
	v62 =	vmul.f32 v59, v49  }
0xd9: {  	v63 =	vld [tilespmem:s8+$0x170];
	[tilespmem:s8+$0x4980] =	vst v56;
	v21 =	vmul.f32 v59, v50  }
0xda: {  	v23 =	vld [tilespmem:s3+$0x100];
	v22 =	vmul.f32 v59, v51;
	v9 =	vsub.f32 v9, v1;
	[tilespmem:s8+$0x4900] =	vst v62  }
0xdb: {  	v25 =	vld [tilespmem:s3+$0x120];
	v13 =	vmul.f32 v59, v53;
	[tilespmem:s8+$0x4910] =	vst v21  }
0xdc: {  	v24 =	vld [tilespmem:s3+$0x110];
	v8 =	vadd.f32 v8, v60;
	v16 =	vmul.f32 v59, v55;
	[tilespmem:s8+$0x4920] =	vst v22;
	v9 =	vmul.f32 $1.442695020e+00, v9  }
0xdd: {  	v27 =	vld [tilespmem:s3+$0x130];
	v26 =	vmul.f32 v59, v58;
	v10 =	vmul.f32 v59, v61;
	[tilespmem:s8+$0x4930] =	vst v13  }
0xde: {  	s20 =	smul.u32 $0x90, s20;
	v29 =	vld [tilespmem:s3+$0x140];
	v31 =	vmin.f32 v8, $0.0e+00;
	v28 =	vmul.f32 v59, v63;
	[tilespmem:s8+$0x4940] =	vst v16;
	v30 =	vpop (erf);
	(erf) = vpow2.f32 v9  }
0xdf: {  	v35 =	vld [tilespmem:s3+$0x160];
	[tilespmem:s8+$0x4950] =	vst v26;
	v9 =	vmul.f32 $2.000000030e-01, v31;
	v33 =	vbroadcast v30, $0x0  }
0xe0: {  	v8 =	vmax.f32 v8, $0.0e+00;
	v34 =	vld [tilespmem:s20+$0x180];
	[tilespmem:s8+$0x4960] =	vst v10  }
0xe1: {  	v32 =	vld [tilespmem:s3+$0x150];
	[tilespmem:s8+$0x4970] =	vst v28;
	v8 =	vadd.f32 v9, v8;
	v36 =	vmul.f32 v33, v23  }
0xe2: {  	v37 =	vld [tilespmem:s3+$0x170];
	[tilespmem:s3+$0x4980] =	vst v30;
	v38 =	vmul.f32 v33, v24  }
0xe3: {  	v40 =	vld [tilespmem:s24+$0x100];
	v39 =	vmul.f32 v33, v25;
	v8 =	vsub.f32 v8, v1;
	[tilespmem:s3+$0x4900] =	vst v36  }
0xe4: {  	v41 =	vld [tilespmem:s24+$0x110];
	v12 =	vmul.f32 v33, v27;
	[tilespmem:s3+$0x4910] =	vst v38  }
0xe5: {  	v42 =	vld [tilespmem:s24+$0x120];
	v7 =	vadd.f32 v7, v34;
	v15 =	vmul.f32 v33, v29;
	[tilespmem:s3+$0x4920] =	vst v39;
	v8 =	vmul.f32 $1.442695020e+00, v8  }
0xe6: {  	v44 =	vld [tilespmem:s24+$0x130];
	v43 =	vmul.f32 v33, v32;
	v9 =	vmul.f32 v33, v35;
	[tilespmem:s3+$0x4930] =	vst v12  }
0xe7: {  	s21 =	smul.u32 $0x90, s19;
	v46 =	vld [tilespmem:s24+$0x140];
	v48 =	vmin.f32 v7, $0.0e+00;
	v45 =	vmul.f32 v33, v37;
	[tilespmem:s3+$0x4940] =	vst v15;
	v47 =	vpop (erf);
	(erf) = vpow2.f32 v8  }
0xe8: {  	v52 =	vld [tilespmem:s24+$0x160];
	[tilespmem:s3+$0x4950] =	vst v43;
	v8 =	vmul.f32 $2.000000030e-01, v48;
	v50 =	vbroadcast v47, $0x0  }
0xe9: {  	v7 =	vmax.f32 v7, $0.0e+00;
	v51 =	vld [tilespmem:s21+$0x180];
	[tilespmem:s3+$0x4960] =	vst v9  }
0xea: {  	v49 =	vld [tilespmem:s24+$0x150];
	[tilespmem:s3+$0x4970] =	vst v45;
	v7 =	vadd.f32 v8, v7;
	v53 =	vmul.f32 v50, v40  }
0xeb: {  	v54 =	vld [tilespmem:s24+$0x170];
	[tilespmem:s24+$0x4980] =	vst v47;
	v55 =	vmul.f32 v50, v41  }
0xec: {  	v57 =	vld [tilespmem:s4+$0x100];
	v56 =	vmul.f32 v50, v42;
	v7 =	vsub.f32 v7, v1;
	[tilespmem:s24+$0x4900] =	vst v53  }
0xed: {  	v58 =	vld [tilespmem:s4+$0x110];
	v11 =	vmul.f32 v50, v44;
	[tilespmem:s24+$0x4910] =	vst v55  }
0xee: {  	v59 =	vld [tilespmem:s4+$0x120];
	v6 =	vadd.f32 v6, v51;
	v14 =	vmul.f32 v50, v46;
	[tilespmem:s24+$0x4920] =	vst v56;
	v7 =	vmul.f32 $1.442695020e+00, v7  }
0xef: {  	v61 =	vld [tilespmem:s4+$0x130];
	v60 =	vmul.f32 v50, v49;
	v8 =	vmul.f32 v50, v52;
	[tilespmem:s24+$0x4930] =	vst v11  }
0xf0: {  	s23 =	smul.u32 $0x90, s18;
	v63 =	vld [tilespmem:s4+$0x140];
	v21 =	vmin.f32 v6, $0.0e+00;
	v62 =	vmul.f32 v50, v54;
	[tilespmem:s24+$0x4940] =	vst v14;
	v20 =	vpop (erf);
	(erf) = vpow2.f32 v7  }
0xf1: {  	v22 =	vld [tilespmem:s4+$0x150];
	[tilespmem:s24+$0x4950] =	vst v60;
	v7 =	vmul.f32 $2.000000030e-01, v21;
	v23 =	vbroadcast v20, $0x0  }
0xf2: {  	v6 =	vmax.f32 v6, $0.0e+00;
	v24 =	vld [tilespmem:s23+$0x180];
	[tilespmem:s24+$0x4960] =	vst v8  }
0xf3: {  	v25 =	vld [tilespmem:s4+$0x160];
	[tilespmem:s24+$0x4970] =	vst v62;
	v6 =	vadd.f32 v7, v6;
	v26 =	vmul.f32 v23, v57  }
0xf4: {  	v27 =	vld [tilespmem:s4+$0x170];
	[tilespmem:s4+$0x4980] =	vst v20;
	v28 =	vmul.f32 v23, v58  }
0xf5: {  	v34 =	vld [tilespmem:s20+$0x130];
	v29 =	vmul.f32 v23, v59;
	v6 =	vsub.f32 v6, v1;
	[tilespmem:s4+$0x4900] =	vst v26  }
0xf6: {  	v31 =	vld [tilespmem:s20+$0x110];
	v10 =	vmul.f32 v23, v61;
	[tilespmem:s4+$0x4910] =	vst v28  }
0xf7: {  	v30 =	vld [tilespmem:s20+$0x100];
	v5 =	vadd.f32 v5, v24;
	v13 =	vmul.f32 v23, v63;
	[tilespmem:s4+$0x4920] =	vst v29;
	v6 =	vmul.f32 $1.442695020e+00, v6  }
0xf8: {  	v32 =	vld [tilespmem:s20+$0x120];
	v33 =	vmul.f32 v23, v22;
	v7 =	vmul.f32 v23, v25;
	[tilespmem:s4+$0x4930] =	vst v10  }
0xf9: {  	v36 =	vld [tilespmem:s20+$0x140];
	v38 =	vmin.f32 v5, $0.0e+00;
	s24 =	smul.u32 $0x90, s17;
	v35 =	vmul.f32 v23, v27;
	[tilespmem:s4+$0x4940] =	vst v13;
	v37 =	vpop (erf);
	(erf) = vpow2.f32 v6  }
0xfa: {  	v39 =	vld [tilespmem:s20+$0x150];
	[tilespmem:s4+$0x4950] =	vst v33;
	v6 =	vmul.f32 $2.000000030e-01, v38;
	v40 =	vbroadcast v37, $0x0  }
0xfb: {  	v5 =	vmax.f32 v5, $0.0e+00;
	v41 =	vld [tilespmem:s24+$0x180];
	[tilespmem:s4+$0x4960] =	vst v7  }
0xfc: {  	v42 =	vld [tilespmem:s20+$0x160];
	[tilespmem:s4+$0x4970] =	vst v35;
	v5 =	vadd.f32 v6, v5;
	v43 =	vmul.f32 v40, v30  }
0xfd: {  	v44 =	vld [tilespmem:s20+$0x170];
	[tilespmem:s20+$0x4980] =	vst v37;
	v45 =	vmul.f32 v40, v31  }
0xfe: {  	v51 =	vld [tilespmem:s21+$0x130];
	v46 =	vmul.f32 v40, v32;
	v5 =	vsub.f32 v5, v1;
	[tilespmem:s20+$0x4900] =	vst v43  }
0xff: {  	v48 =	vld [tilespmem:s21+$0x110];
	v9 =	vmul.f32 v40, v34;
	[tilespmem:s20+$0x4910] =	vst v45  }
0x100: {  	v47 =	vld [tilespmem:s21+$0x100];
	v4 =	vadd.f32 v4, v41;
	v12 =	vmul.f32 v40, v36;
	[tilespmem:s20+$0x4920] =	vst v46;
	v5 =	vmul.f32 $1.442695020e+00, v5  }
0x101: {  	v49 =	vld [tilespmem:s21+$0x120];
	v50 =	vmul.f32 v40, v39;
	v6 =	vmul.f32 v40, v42;
	[tilespmem:s20+$0x4930] =	vst v9  }
0x102: {  	s25 =	smul.u32 $0x90, s16;
	v53 =	vld [tilespmem:s21+$0x140];
	v55 =	vmin.f32 v4, $0.0e+00;
	v52 =	vmul.f32 v40, v44;
	[tilespmem:s20+$0x4940] =	vst v12;
	v54 =	vpop (erf);
	(erf) = vpow2.f32 v5  }
0x103: {  	v56 =	vld [tilespmem:s21+$0x150];
	[tilespmem:s20+$0x4950] =	vst v50;
	v5 =	vmul.f32 $2.000000030e-01, v55;
	v57 =	vbroadcast v54, $0x0  }
0x104: {  	v58 =	vld [tilespmem:s25+$0x180];
	v4 =	vmax.f32 v4, $0.0e+00;
	[tilespmem:s20+$0x4960] =	vst v6  }
0x105: {  	v59 =	vld [tilespmem:s21+$0x160];
	[tilespmem:s20+$0x4970] =	vst v52;
	v4 =	vadd.f32 v5, v4;
	v60 =	vmul.f32 v57, v47  }
0x106: {  	v61 =	vld [tilespmem:s21+$0x170];
	[tilespmem:s21+$0x4980] =	vst v54;
	v62 =	vmul.f32 v57, v48  }
0x107: {  	v18 =	vld [tilespmem:s23+$0x120];
	v63 =	vmul.f32 v57, v49;
	v4 =	vsub.f32 v4, v1;
	[tilespmem:s21+$0x4900] =	vst v60  }
0x108: {  	v17 =	vld [tilespmem:s23+$0x110];
	v8 =	vmul.f32 v57, v51;
	[tilespmem:s21+$0x4910] =	vst v62  }
0x109: {  	v16 =	vld [tilespmem:s23+$0x100];
	v3 =	vadd.f32 v3, v58;
	v11 =	vmul.f32 v57, v53;
	[tilespmem:s21+$0x4920] =	vst v63;
	v4 =	vmul.f32 $1.442695020e+00, v4  }
0x10a: {  	v20 =	vld [tilespmem:s23+$0x130];
	v19 =	vmul.f32 v57, v56;
	v5 =	vmul.f32 v57, v59;
	[tilespmem:s21+$0x4930] =	vst v8  }
0x10b: {  	s26 =	smul.u32 $0x90, s15;
	v22 =	vld [tilespmem:s23+$0x140];
	v24 =	vmin.f32 v3, $0.0e+00;
	v21 =	vmul.f32 v57, v61;
	[tilespmem:s21+$0x4940] =	vst v11;
	v23 =	vpop (erf);
	(erf) = vpow2.f32 v4  }
0x10c: {  	v25 =	vld [tilespmem:s23+$0x150];
	[tilespmem:s21+$0x4950] =	vst v19;
	v4 =	vmul.f32 $2.000000030e-01, v24;
	v26 =	vbroadcast v23, $0x0  }
0x10d: {  	v27 =	vld [tilespmem:s26+$0x180];
	v3 =	vmax.f32 v3, $0.0e+00;
	[tilespmem:s21+$0x4960] =	vst v5  }
0x10e: {  	v28 =	vld [tilespmem:s23+$0x160];
	[tilespmem:s21+$0x4970] =	vst v21;
	v3 =	vadd.f32 v4, v3;
	v29 =	vmul.f32 v26, v16  }
0x10f: {  	v30 =	vld [tilespmem:s23+$0x170];
	[tilespmem:s23+$0x4980] =	vst v23;
	v31 =	vmul.f32 v26, v17  }
0x110: {  	v32 =	vmul.f32 v26, v18;
	v3 =	vsub.f32 v3, v1;
	[tilespmem:s23+$0x4900] =	vst v29  }
0x111: {  	v7 =	vmul.f32 v26, v20;
	[tilespmem:s23+$0x4910] =	vst v31  }
0x112: {  	v33 =	vld [tilespmem:s24+$0x100];
	v2 =	vadd.f32 v2, v27;
	v10 =	vmul.f32 v26, v22;
	[tilespmem:s23+$0x4920] =	vst v32;
	v3 =	vmul.f32 $1.442695020e+00, v3  }
0x113: {  	v35 =	vld [tilespmem:s24+$0x110];
	v34 =	vmul.f32 v26, v25;
	v4 =	vmul.f32 v26, v28;
	[tilespmem:s23+$0x4930] =	vst v7  }
0x114: {  	v37 =	vld [tilespmem:s24+$0x120];
	v36 =	vmul.f32 v26, v30;
	[tilespmem:s23+$0x4940] =	vst v10;
	v38 =	vpop (erf);
	(erf) = vpow2.f32 v3;
	v3 =	vmin.f32 v2, $0.0e+00  }
0x115: {  	v39 =	vld [tilespmem:s24+$0x130];
	[tilespmem:s23+$0x4950] =	vst v34;
	v40 =	vbroadcast v38, $0x0;
	v3 =	vmul.f32 $2.000000030e-01, v3  }
0x116: {  	v41 =	vld [tilespmem:s24+$0x140];
	[tilespmem:s23+$0x4960] =	vst v4;
	v2 =	vmax.f32 v2, $0.0e+00  }
0x117: {  	v42 =	vld [tilespmem:s24+$0x150];
	[tilespmem:s23+$0x4970] =	vst v36;
	v8 =	vmul.f32 v40, v33;
	v2 =	vadd.f32 v3, v2  }
0x118: {  	[tilespmem:s24+$0x4980] =	vst v38;
	v3 =	vld [tilespmem:s24+$0x160];
	v6 =	vmul.f32 v40, v35  }
0x119: {  	v9 =	vmul.f32 v40, v37;
	[tilespmem:s24+$0x4900] =	vst v8;
	v2 =	vsub.f32 v2, v1  }
0x11a: {  	v43 =	vld [tilespmem:s24+$0x170];
	v5 =	vmul.f32 v40, v39;
	[tilespmem:s24+$0x4910] =	vst v6  }
0x11b: {  	v44 =	vld [tilespmem:s25+$0x100];
	v4 =	vmul.f32 v40, v41;
	[tilespmem:s24+$0x4920] =	vst v9;
	v2 =	vmul.f32 $1.442695020e+00, v2  }
0x11c: {  	v45 =	vld [tilespmem:s25+$0x110];
	v7 =	vmul.f32 v40, v42;
	[tilespmem:s24+$0x4930] =	vst v5  }
0x11d: {  	v46 =	vld [tilespmem:s25+$0x120];
	[tilespmem:s24+$0x4940] =	vst v4;
	v3 =	vmul.f32 v40, v3;
	v47 =	vpop (erf);
	(erf) = vpow2.f32 v2  }
0x11e: {  	v48 =	vld [tilespmem:s25+$0x130];
	[tilespmem:s24+$0x4950] =	vst v7;
	v49 =	vbroadcast v47, $0x0  }
0x11f: {  	v50 =	vld [tilespmem:s25+$0x160];
	v2 =	vmul.f32 v40, v43;
	[tilespmem:s24+$0x4960] =	vst v3  }
0x120: {  	v51 =	vld [tilespmem:s25+$0x170];
	[tilespmem:s25+$0x4980] =	vst v47;
	v6 =	vmul.f32 v49, v44  }
0x121: {  	v3 =	vld [tilespmem:s25+$0x140];
	[tilespmem:s24+$0x4970] =	vst v2;
	v5 =	vmul.f32 v49, v45  }
0x122: {  	v2 =	vld [tilespmem:s25+$0x150];
	v4 =	vmul.f32 v49, v46;
	[tilespmem:s25+$0x4900] =	vst v6  }
0x123: {  	v52 =	vmul.f32 v49, v48;
	[tilespmem:s25+$0x4910] =	vst v5  }
0x124: {  	v53 =	vld [tilespmem:s26+$0x100];
	v55 =	vmul.f32 v49, v50;
	[tilespmem:s25+$0x4920] =	vst v4  }
0x125: {  	v54 =	vld [tilespmem:s26+$0x110];
	v8 =	vmul.f32 v49, v51;
	[tilespmem:s25+$0x4930] =	vst v52  }
0x126: {  	v58 =	vld [tilespmem:s26+$0x140];
	[tilespmem:s25+$0x4960] =	vst v55;
	v3 =	vmul.f32 v49, v3;
	v56 =	vpop (erf)  }
0x127: {  	v61 =	vld [tilespmem:s26+$0x170];
	[tilespmem:s25+$0x4970] =	vst v8;
	v2 =	vmul.f32 v49, v2;
	v57 =	vbroadcast v56, $0x0  }
0x128: {  	[tilespmem:s25+$0x4940] =	vst v3;
	v3 =	vld [tilespmem:s26+$0x120]  }
0x129: {  	[tilespmem:s25+$0x4950] =	vst v2;
	v2 =	vld [tilespmem:s26+$0x130];
	v4 =	vmul.f32 v57, v53  }
0x12a: {  	v59 =	vld [tilespmem:s26+$0x150];
	[tilespmem:s26+$0x4980] =	vst v56;
	v5 =	vmul.f32 v57, v54  }
0x12b: {  	v60 =	vld [tilespmem:s26+$0x160];
	v62 =	vmul.f32 v57, v58;
	[tilespmem:s26+$0x4900] =	vst v4  }
0x12c: {  	v63 =	vmul.f32 v57, v61;
	[tilespmem:s26+$0x4910] =	vst v5  }
0x12d: {  	p0 =	slt.u32 s14, $0x30;
	v3 =	vmul.f32 v57, v3;
	[tilespmem:s26+$0x4940] =	vst v62  }
.Ltmp3:
0x12e: {  	v2 =	vmul.f32 v57, v2;
	[tilespmem:s26+$0x4970] =	vst v63;
	(pc) =	sbr.rel @p0 .LBB2_5-.Ltmp3, $4  }
0x12f: {  	[tilespmem:s26+$0x4920] =	vst v3;
	v3 =	vmul.f32 v57, v59  }
0x130: {  	[tilespmem:s26+$0x4930] =	vst v2;
	v2 =	vmul.f32 v57, v60  }
0x131: {  	s31 =	sadd.s32 $0x10, s14;
	[tilespmem:s26+$0x4950] =	vst v3  }
0x132: {  	s14 =	smov.u32 s31;
	[tilespmem:s26+$0x4960] =	vst v2  }
0x133: {  	s1 =	rddreg [dreg:$0x2];
	s2 =	simm.s32 $0x80  }
0x134: {  	[spmem:s1] =	stream.indirect.scatter.add.f32 [tilespmem:s28], [sflag:$0x3], $0x90, s2, s0, $0xb8;
	[tilespmem:$0x1D890] =	vst v63  }
0x135: {  	_ =	swait.ge [sflag:s29], $0x2400  }
0x136: {  	s14 =	sshll.u32 s13, $0x7;
	p0 =	seq.s32 s13, $0x51;
	[sflag:s29] =	ssyncset.done $0x0  }
0x137: {  	s1 =	sadd.s32 @!p0 s14, s22;
	[sflag:s29] =	ssyncadd.s32 $0xFFFFDC00  }
0x138: {  	s1 =	sshrl.u32 @!p0 s1, $0x3;
	s2 =	rddreg [dreg:$0x1]  }
0x139: {  	s4 =	simm.s32 @!p0 $0x0;
	s2 =	sadd.s32 @!p0 s2, s1  }
0x13a: {  	[tilespmem:s4], [sflag:$0x3] =	stream.linear.gather @!p0 [hbm4b:s2+s4], $0x40, $0x38;
	[tilespmem:$0x1D890] =	vst v63  }
0x13b: {  	s2 =	simm.s32 @!p0 $0x3  }
0x13c: {  	_ =	swait.ge @!p0 [sflag:s2], $0x40  }
0x13d: {  	[sflag:s2] =	ssyncset.done @!p0 $0x0  }
0x13e: {  	s8 =	simm.s32 @!p0 $0x80;
	s1 =	sadd.s32 @!p0 s7, s1;
	[sflag:s2] =	ssyncadd.s32 @!p0 $0xFFFFFFC0  }
0x13f: {  	[tilespmem:s8], [sflag:$0x3] =	stream.linear.gather @!p0 [hbm4b:s1+s4], $0x40, $0x38;
	[tilespmem:$0x1D890] =	vst v63  }
0x140: {  	_ =	swait.ge @!p0 [sflag:s2], $0x40  }
0x141: {  	[sflag:s2] =	ssyncset.done @!p0 $0x0  }
0x142: {  	s1 =	simm.s32 @!p0 $0x40;
	[sflag:s2] =	ssyncadd.s32 @!p0 $0xFFFFFFC0;
	s2 =	simm.s32 @!p0 $0x100  }
0x143: {  	[tilespmem:s2], [sflag:$0x1] =	stream.indirect.gather @!p0 [hbm4b:s5+s1], $0x90, s4, s1, $0xb8;
	[tilespmem:$0x1D890] =	vst v63  }
0x144: {  	s2 =	simm.s32 @!p0 $0x6D00  }
0x145: {  	[tilespmem:s2], [sflag:$0x1] =	stream.indirect.gather @!p0 [hbm4b:s6+s1], $0x10, s8, s1, $0xb8;
	[tilespmem:$0x1D890] =	vst v63  }
0x146: {  	_ =	swait.ge [sflag:s11], $0x2400  }
0x147: {  	[sflag:s11] =	ssyncset.done $0x0  }
0x148: {  	[sflag:s11] =	ssyncadd.s32 $0xFFFFDC00  }
0x149: {  	_ =	swait.ge [sflag:s11], $0x400  }
0x14a: {  	[sflag:s11] =	ssyncset.done $0x0  }
0x14b: {  	[sflag:s11] =	ssyncadd.s32 $0xFFFFFC00  }
0x14c: {  	s15 =	simm.s32 $0x0;
	v1 =	vld [tilespmem:$0x7500]  }
.LBB2_7:
0x14d: {  	s31 =	smul.u32 $0x90, s15  }
0x14e: {  	s1 =	sshll.u32 s15, $0x4  }
0x14f: {  	s1 =	sand.u32 $0x3FFFFFF0, s1;
	v2 =	vld [tilespmem:s31+$0x2580]  }
0x150: {  	v3 =	vld [tilespmem:s1+$0x7100];
	_ =	sdelay $0x2  }
0x151: {  	v18 =	vld [tilespmem:s31+$0x2500]  }
0x152: {  	v19 =	vld [tilespmem:s31+$0x2510]  }
0x153: {  	s23 =	sor.u32 $0x1, s15;
	v20 =	vld [tilespmem:s31+$0x2520];
	v2 =	vadd.f32 v3, v2  }
0x154: {  	s1 =	sshll.u32 s23, $0x4;
	v50 =	vld [tilespmem:s31+$0x2530]  }
0x155: {  	s2 =	smul.u32 $0x90, s23;
	v21 =	vld [tilespmem:s31+$0x2540];
	s1 =	sand.u32 $0x3FFFFFF0, s1;
	v4 =	vmin.f32 v2, $0.0e+00  }
0x156: {  	v5 =	vld [tilespmem:s1+$0x7100];
	v4 =	vmul.f32 $2.000000030e-01, v4  }
0x157: {  	v3 =	vld [tilespmem:s2+$0x2580];
	v2 =	vmax.f32 v2, $0.0e+00  }
0x158: {  	s24 =	sor.u32 $0x2, s15;
	v23 =	vld [tilespmem:s31+$0x2550];
	v2 =	vadd.f32 v4, v2  }
0x159: {  	s4 =	sor.u32 $0x3, s15;
	s8 =	smul.u32 $0x90, s24;
	v52 =	vld [tilespmem:s31+$0x2560]  }
0x15a: {  	s9 =	sor.u32 $0x4, s15;
	s12 =	sshll.u32 s4, $0x4;
	v53 =	vld [tilespmem:s31+$0x2570];
	v2 =	vsub.f32 v2, v1  }
0x15b: {  	s26 =	sor.u32 $0x7, s15;
	s16 =	sshll.u32 s9, $0x4;
	s12 =	sand.u32 $0x3FFFFFF0, s12;
	v13 =	vld [tilespmem:s8+$0x2580]  }
0x15c: {  	s19 =	sshll.u32 s26, $0x4;
	s16 =	sand.u32 $0x3FFFFFF0, s16;
	v15 =	vld [tilespmem:s12+$0x7100];
	v3 =	vadd.f32 v5, v3;
	v2 =	vmul.f32 $1.442695020e+00, v2  }
0x15d: {  	s4 =	smul.u32 $0x90, s4;
	s20 =	sand.u32 $0x3FFFFFF0, s19;
	v16 =	vld [tilespmem:s16+$0x7100]  }
0x15e: {  	v10 =	vld [tilespmem:s20+$0x7100];
	s1 =	sshll.u32 s24, $0x4;
	v49 =	vmin.f32 v3, $0.0e+00;
	(erf) = vpow2.f32 v2  }
0x15f: {  	v25 =	vld [tilespmem:s4+$0x2580];
	s1 =	sand.u32 $0x3FFFFFF0, s1;
	v17 =	vmul.f32 $2.000000030e-01, v49  }
0x160: {  	v14 =	vld [tilespmem:s1+$0x7100];
	v2 =	vmax.f32 v3, $0.0e+00  }
0x161: {  	v54 =	vld [tilespmem:s2+$0x2500];
	v17 =	vadd.f32 v17, v2  }
0x162: {  	v55 =	vld [tilespmem:s2+$0x2510]  }
0x163: {  	v56 =	vld [tilespmem:s2+$0x2520];
	v17 =	vsub.f32 v17, v1  }
0x164: {  	v57 =	vld [tilespmem:s2+$0x2530]  }
0x165: {  	s9 =	smul.u32 $0x90, s9;
	v58 =	vld [tilespmem:s2+$0x2540];
	v13 =	vadd.f32 v14, v13;
	v17 =	vmul.f32 $1.442695020e+00, v17  }
0x166: {  	v61 =	vld [tilespmem:s2+$0x2550]  }
0x167: {  	v63 =	vld [tilespmem:s9+$0x2580];
	v51 =	vmin.f32 v13, $0.0e+00;
	v22 =	vpop (erf);
	(erf) = vpow2.f32 v17  }
0x168: {  	v26 =	vld [tilespmem:s2+$0x2560];
	v17 =	vmul.f32 $2.000000030e-01, v51;
	v24 =	vbroadcast v22, $0x0  }
0x169: {  	v27 =	vld [tilespmem:s2+$0x2570];
	v13 =	vmax.f32 v13, $0.0e+00  }
0x16a: {  	v28 =	vld [tilespmem:s8+$0x2500];
	v13 =	vadd.f32 v17, v13;
	v18 =	vmul.f32 v24, v18  }
0x16b: {  	v29 =	vld [tilespmem:s8+$0x2510];
	[tilespmem:s31+$0x4980] =	vst v22;
	v19 =	vmul.f32 v24, v19  }
0x16c: {  	v30 =	vld [tilespmem:s8+$0x2520];
	v20 =	vmul.f32 v24, v20;
	v13 =	vsub.f32 v13, v1;
	[tilespmem:s31+$0x4900] =	vst v18  }
0x16d: {  	v32 =	vld [tilespmem:s8+$0x2530];
	v14 =	vmul.f32 v24, v50;
	[tilespmem:s31+$0x4910] =	vst v19  }
0x16e: {  	v33 =	vld [tilespmem:s8+$0x2540];
	v15 =	vadd.f32 v15, v25;
	v21 =	vmul.f32 v24, v21;
	[tilespmem:s31+$0x4920] =	vst v20;
	v13 =	vmul.f32 $1.442695020e+00, v13  }
0x16f: {  	v36 =	vld [tilespmem:s8+$0x2550];
	v23 =	vmul.f32 v24, v23;
	v17 =	vmul.f32 v24, v52;
	[tilespmem:s31+$0x4930] =	vst v14  }
0x170: {  	v40 =	vld [tilespmem:s8+$0x2560];
	v60 =	vmin.f32 v15, $0.0e+00;
	v22 =	vmul.f32 v24, v53;
	[tilespmem:s31+$0x4940] =	vst v21;
	v59 =	vpop (erf);
	(erf) = vpow2.f32 v13  }
0x171: {  	v41 =	vld [tilespmem:s8+$0x2570];
	[tilespmem:s31+$0x4950] =	vst v23;
	v13 =	vmul.f32 $2.000000030e-01, v60;
	v62 =	vbroadcast v59, $0x0  }
0x172: {  	v42 =	vld [tilespmem:s4+$0x2500];
	v15 =	vmax.f32 v15, $0.0e+00;
	[tilespmem:s31+$0x4960] =	vst v17  }
0x173: {  	v43 =	vld [tilespmem:s4+$0x2510];
	[tilespmem:s31+$0x4970] =	vst v22;
	v13 =	vadd.f32 v13, v15;
	v18 =	vmul.f32 v62, v54  }
0x174: {  	s12 =	sor.u32 $0x6, s15;
	v44 =	vld [tilespmem:s4+$0x2520];
	[tilespmem:s2+$0x4980] =	vst v59;
	v19 =	vmul.f32 v62, v55  }
0x175: {  	v46 =	vld [tilespmem:s4+$0x2530];
	s3 =	sshll.u32 s12, $0x4;
	s1 =	sor.u32 $0x5, s15;
	v20 =	vmul.f32 v62, v56;
	v13 =	vsub.f32 v13, v1;
	[tilespmem:s2+$0x4900] =	vst v18  }
0x176: {  	v48 =	vld [tilespmem:s4+$0x2540];
	s24 =	sor.u32 $0x9, s15;
	s18 =	sand.u32 $0x3FFFFFF0, s3;
	s17 =	sshll.u32 s1, $0x4;
	v14 =	vmul.f32 v62, v57;
	[tilespmem:s2+$0x4910] =	vst v19  }
0x177: {  	s3 =	sshll.u32 s24, $0x4;
	v11 =	vld [tilespmem:s18+$0x7100];
	s25 =	sand.u32 $0x3FFFFFF0, s17;
	v16 =	vadd.f32 v16, v63;
	v21 =	vmul.f32 v62, v58;
	[tilespmem:s2+$0x4920] =	vst v20;
	v13 =	vmul.f32 $1.442695020e+00, v13  }
0x178: {  	s18 =	sand.u32 $0x3FFFFFF0, s3;
	v12 =	vld [tilespmem:s25+$0x7100];
	s25 =	sor.u32 $0x8, s15;
	v31 =	vmul.f32 v62, v61;
	v15 =	vmul.f32 v62, v26;
	[tilespmem:s2+$0x4930] =	vst v14  }
0x179: {  	v8 =	vld [tilespmem:s18+$0x7100];
	s21 =	sshll.u32 s25, $0x4;
	v35 =	vmin.f32 v16, $0.0e+00;
	s31 =	smul.u32 $0x90, s1;
	v22 =	vmul.f32 v62, v27;
	[tilespmem:s2+$0x4940] =	vst v21;
	v34 =	vpop (erf);
	(erf) = vpow2.f32 v13  }
0x17a: {  	s23 =	sand.u32 $0x3FFFFFF0, s21;
	s21 =	sor.u32 $0xA, s15;
	[tilespmem:s2+$0x4950] =	vst v31;
	v13 =	vmul.f32 $2.000000030e-01, v35;
	v37 =	vbroadcast v34, $0x0  }
0x17b: {  	v38 =	vmax.f32 v16, $0.0e+00;
	s19 =	sshll.u32 s21, $0x4;
	v39 =	vld [tilespmem:s31+$0x2580];
	[tilespmem:s2+$0x4960] =	vst v15  }
0x17c: {  	s20 =	sor.u32 $0xB, s15;
	v9 =	vld [tilespmem:s23+$0x7100];
	s23 =	sand.u32 $0x3FFFFFF0, s19;
	s19 =	sor.u32 $0xC, s15;
	[tilespmem:s2+$0x4970] =	vst v22;
	v13 =	vadd.f32 v13, v38;
	v18 =	vmul.f32 v37, v28  }
0x17d: {  	s3 =	sshll.u32 s20, $0x4;
	s18 =	sor.u32 $0xD, s15;
	v7 =	vld [tilespmem:s23+$0x7100];
	s23 =	sshll.u32 s19, $0x4;
	[tilespmem:s8+$0x4980] =	vst v34;
	v19 =	vmul.f32 v37, v29  }
0x17e: {  	s17 =	sand.u32 $0x3FFFFFF0, s3;
	v63 =	vld [tilespmem:s9+$0x2540];
	s3 =	sand.u32 $0x3FFFFFF0, s23;
	s23 =	sshll.u32 s18, $0x4;
	v20 =	vmul.f32 v37, v30;
	v13 =	vsub.f32 v13, v1;
	[tilespmem:s8+$0x4900] =	vst v18  }
0x17f: {  	s16 =	sor.u32 $0xF, s15;
	v6 =	vld [tilespmem:s17+$0x7100];
	s23 =	sand.u32 $0x3FFFFFF0, s23;
	v14 =	vmul.f32 v37, v32;
	[tilespmem:s8+$0x4910] =	vst v19  }
0x180: {  	v4 =	vld [tilespmem:s23+$0x7100];
	s23 =	sshll.u32 s16, $0x4;
	v12 =	vadd.f32 v12, v39;
	v21 =	vmul.f32 v37, v33;
	[tilespmem:s8+$0x4920] =	vst v20;
	v13 =	vmul.f32 $1.442695020e+00, v13  }
0x181: {  	v5 =	vld [tilespmem:s3+$0x7100];
	s23 =	sand.u32 $0x3FFFFFF0, s23;
	v45 =	vmul.f32 v37, v36;
	v15 =	vmul.f32 v37, v40;
	[tilespmem:s8+$0x4930] =	vst v14  }
0x182: {  	v2 =	vld [tilespmem:s23+$0x7100];
	s23 =	smul.u32 $0x90, s12;
	v50 =	vmin.f32 v12, $0.0e+00;
	v47 =	vmul.f32 v37, v41;
	[tilespmem:s8+$0x4940] =	vst v21;
	v49 =	vpop (erf);
	(erf) = vpow2.f32 v13  }
0x183: {  	v51 =	vld [tilespmem:s4+$0x2550];
	[tilespmem:s8+$0x4950] =	vst v45;
	v13 =	vmul.f32 $2.000000030e-01, v50;
	v52 =	vbroadcast v49, $0x0  }
0x184: {  	s17 =	sor.u32 $0xE, s15;
	v53 =	vld [tilespmem:s23+$0x2580];
	v12 =	vmax.f32 v12, $0.0e+00;
	[tilespmem:s8+$0x4960] =	vst v15  }
0x185: {  	s3 =	sshll.u32 s17, $0x4;
	v54 =	vld [tilespmem:s4+$0x2560];
	[tilespmem:s8+$0x4970] =	vst v47;
	v12 =	vadd.f32 v13, v12;
	v55 =	vmul.f32 v52, v42  }
0x186: {  	s3 =	sand.u32 $0x3FFFFFF0, s3;
	v56 =	vld [tilespmem:s4+$0x2570];
	[tilespmem:s4+$0x4980] =	vst v49;
	v19 =	vmul.f32 v52, v43  }
0x187: {  	v3 =	vld [tilespmem:s3+$0x7100];
	v20 =	vmul.f32 v52, v44;
	v12 =	vsub.f32 v12, v1;
	[tilespmem:s4+$0x4900] =	vst v55  }
0x188: {  	v59 =	vld [tilespmem:s9+$0x2520];
	v14 =	vmul.f32 v52, v46;
	[tilespmem:s4+$0x4910] =	vst v19  }
0x189: {  	v11 =	vadd.f32 v11, v53;
	v57 =	vld [tilespmem:s9+$0x2500];
	v21 =	vmul.f32 v52, v48;
	[tilespmem:s4+$0x4920] =	vst v20;
	v12 =	vmul.f32 $1.442695020e+00, v12  }
0x18a: {  	v58 =	vld [tilespmem:s9+$0x2510];
	v60 =	vmul.f32 v52, v51;
	v13 =	vmul.f32 v52, v54;
	[tilespmem:s4+$0x4930] =	vst v14  }
0x18b: {  	s1 =	smul.u32 $0x90, s26;
	v25 =	vmin.f32 v11, $0.0e+00;
	v61 =	vld [tilespmem:s9+$0x2530];
	v62 =	vmul.f32 v52, v56;
	[tilespmem:s4+$0x4940] =	vst v21;
	v24 =	vpop (erf);
	(erf) = vpow2.f32 v12  }
0x18c: {  	v26 =	vld [tilespmem:s9+$0x2550];
	[tilespmem:s4+$0x4950] =	vst v60;
	v12 =	vmul.f32 $2.000000030e-01, v25;
	v27 =	vbroadcast v24, $0x0  }
0x18d: {  	v11 =	vmax.f32 v11, $0.0e+00;
	v28 =	vld [tilespmem:s1+$0x2580];
	[tilespmem:s4+$0x4960] =	vst v13  }
0x18e: {  	v29 =	vld [tilespmem:s9+$0x2560];
	[tilespmem:s4+$0x4970] =	vst v62;
	v11 =	vadd.f32 v12, v11;
	v30 =	vmul.f32 v27, v57  }
0x18f: {  	v31 =	vld [tilespmem:s9+$0x2570];
	[tilespmem:s9+$0x4980] =	vst v24;
	v19 =	vmul.f32 v27, v58  }
0x190: {  	v34 =	vld [tilespmem:s31+$0x2520];
	v20 =	vmul.f32 v27, v59;
	v11 =	vsub.f32 v11, v1;
	[tilespmem:s9+$0x4900] =	vst v30  }
0x191: {  	v38 =	vld [tilespmem:s31+$0x2540];
	v14 =	vmul.f32 v27, v61;
	[tilespmem:s9+$0x4910] =	vst v19  }
0x192: {  	v32 =	vld [tilespmem:s31+$0x2500];
	v10 =	vadd.f32 v10, v28;
	v18 =	vmul.f32 v27, v63;
	[tilespmem:s9+$0x4920] =	vst v20;
	v11 =	vmul.f32 $1.442695020e+00, v11  }
0x193: {  	v33 =	vld [tilespmem:s31+$0x2510];
	v35 =	vmul.f32 v27, v26;
	v12 =	vmul.f32 v27, v29;
	[tilespmem:s9+$0x4930] =	vst v14  }
0x194: {  	s3 =	smul.u32 $0x90, s25;
	v36 =	vld [tilespmem:s31+$0x2530];
	v40 =	vmin.f32 v10, $0.0e+00;
	v37 =	vmul.f32 v27, v31;
	[tilespmem:s9+$0x4940] =	vst v18;
	v39 =	vpop (erf);
	(erf) = vpow2.f32 v11  }
0x195: {  	v41 =	vld [tilespmem:s31+$0x2550];
	[tilespmem:s9+$0x4950] =	vst v35;
	v11 =	vmul.f32 $2.000000030e-01, v40;
	v42 =	vbroadcast v39, $0x0  }
0x196: {  	v10 =	vmax.f32 v10, $0.0e+00;
	v43 =	vld [tilespmem:s3+$0x2580];
	[tilespmem:s9+$0x4960] =	vst v12  }
0x197: {  	v44 =	vld [tilespmem:s31+$0x2560];
	[tilespmem:s9+$0x4970] =	vst v37;
	v10 =	vadd.f32 v11, v10;
	v45 =	vmul.f32 v42, v32  }
0x198: {  	v46 =	vld [tilespmem:s31+$0x2570];
	[tilespmem:s31+$0x4980] =	vst v39;
	v47 =	vmul.f32 v42, v33  }
0x199: {  	v53 =	vld [tilespmem:s23+$0x2530];
	v48 =	vmul.f32 v42, v34;
	v10 =	vsub.f32 v10, v1;
	[tilespmem:s31+$0x4900] =	vst v45  }
0x19a: {  	v50 =	vld [tilespmem:s23+$0x2510];
	v14 =	vmul.f32 v42, v36;
	[tilespmem:s31+$0x4910] =	vst v47  }
0x19b: {  	v49 =	vld [tilespmem:s23+$0x2500];
	v9 =	vadd.f32 v9, v43;
	v17 =	vmul.f32 v42, v38;
	[tilespmem:s31+$0x4920] =	vst v48;
	v10 =	vmul.f32 $1.442695020e+00, v10  }
0x19c: {  	v51 =	vld [tilespmem:s23+$0x2520];
	s4 =	smul.u32 $0x90, s24;
	v52 =	vmul.f32 v42, v41;
	v11 =	vmul.f32 v42, v44;
	[tilespmem:s31+$0x4930] =	vst v14  }
0x19d: {  	v55 =	vld [tilespmem:s23+$0x2540];
	v57 =	vmin.f32 v9, $0.0e+00;
	v54 =	vmul.f32 v42, v46;
	[tilespmem:s31+$0x4940] =	vst v17;
	v56 =	vpop (erf);
	(erf) = vpow2.f32 v10  }
0x19e: {  	v60 =	vld [tilespmem:s4+$0x2580];
	[tilespmem:s31+$0x4950] =	vst v52;
	v10 =	vmul.f32 $2.000000030e-01, v57;
	v59 =	vbroadcast v56, $0x0  }
0x19f: {  	v58 =	vld [tilespmem:s23+$0x2550];
	v9 =	vmax.f32 v9, $0.0e+00;
	[tilespmem:s31+$0x4960] =	vst v11  }
0x1a0: {  	v61 =	vld [tilespmem:s23+$0x2560];
	[tilespmem:s31+$0x4970] =	vst v54;
	v9 =	vadd.f32 v10, v9;
	v62 =	vmul.f32 v59, v49  }
0x1a1: {  	v63 =	vld [tilespmem:s23+$0x2570];
	[tilespmem:s23+$0x4980] =	vst v56;
	v21 =	vmul.f32 v59, v50  }
0x1a2: {  	v23 =	vld [tilespmem:s1+$0x2500];
	v22 =	vmul.f32 v59, v51;
	v9 =	vsub.f32 v9, v1;
	[tilespmem:s23+$0x4900] =	vst v62  }
0x1a3: {  	v25 =	vld [tilespmem:s1+$0x2520];
	v13 =	vmul.f32 v59, v53;
	[tilespmem:s23+$0x4910] =	vst v21  }
0x1a4: {  	v24 =	vld [tilespmem:s1+$0x2510];
	v8 =	vadd.f32 v8, v60;
	v16 =	vmul.f32 v59, v55;
	[tilespmem:s23+$0x4920] =	vst v22;
	v9 =	vmul.f32 $1.442695020e+00, v9  }
0x1a5: {  	v27 =	vld [tilespmem:s1+$0x2530];
	v26 =	vmul.f32 v59, v58;
	v10 =	vmul.f32 v59, v61;
	[tilespmem:s23+$0x4930] =	vst v13  }
0x1a6: {  	s21 =	smul.u32 $0x90, s21;
	v29 =	vld [tilespmem:s1+$0x2540];
	v31 =	vmin.f32 v8, $0.0e+00;
	v28 =	vmul.f32 v59, v63;
	[tilespmem:s23+$0x4940] =	vst v16;
	v30 =	vpop (erf);
	(erf) = vpow2.f32 v9  }
0x1a7: {  	v35 =	vld [tilespmem:s1+$0x2560];
	[tilespmem:s23+$0x4950] =	vst v26;
	v9 =	vmul.f32 $2.000000030e-01, v31;
	v33 =	vbroadcast v30, $0x0  }
0x1a8: {  	v8 =	vmax.f32 v8, $0.0e+00;
	v34 =	vld [tilespmem:s21+$0x2580];
	[tilespmem:s23+$0x4960] =	vst v10  }
0x1a9: {  	v32 =	vld [tilespmem:s1+$0x2550];
	[tilespmem:s23+$0x4970] =	vst v28;
	v8 =	vadd.f32 v9, v8;
	v36 =	vmul.f32 v33, v23  }
0x1aa: {  	v37 =	vld [tilespmem:s1+$0x2570];
	[tilespmem:s1+$0x4980] =	vst v30;
	v38 =	vmul.f32 v33, v24  }
0x1ab: {  	v40 =	vld [tilespmem:s3+$0x2500];
	v39 =	vmul.f32 v33, v25;
	v8 =	vsub.f32 v8, v1;
	[tilespmem:s1+$0x4900] =	vst v36  }
0x1ac: {  	v41 =	vld [tilespmem:s3+$0x2510];
	v12 =	vmul.f32 v33, v27;
	[tilespmem:s1+$0x4910] =	vst v38  }
0x1ad: {  	v42 =	vld [tilespmem:s3+$0x2520];
	v7 =	vadd.f32 v7, v34;
	v15 =	vmul.f32 v33, v29;
	[tilespmem:s1+$0x4920] =	vst v39;
	v8 =	vmul.f32 $1.442695020e+00, v8  }
0x1ae: {  	v44 =	vld [tilespmem:s3+$0x2530];
	v43 =	vmul.f32 v33, v32;
	v9 =	vmul.f32 v33, v35;
	[tilespmem:s1+$0x4930] =	vst v12  }
0x1af: {  	s20 =	smul.u32 $0x90, s20;
	v46 =	vld [tilespmem:s3+$0x2540];
	v48 =	vmin.f32 v7, $0.0e+00;
	v45 =	vmul.f32 v33, v37;
	[tilespmem:s1+$0x4940] =	vst v15;
	v47 =	vpop (erf);
	(erf) = vpow2.f32 v8  }
0x1b0: {  	v52 =	vld [tilespmem:s3+$0x2560];
	[tilespmem:s1+$0x4950] =	vst v43;
	v8 =	vmul.f32 $2.000000030e-01, v48;
	v50 =	vbroadcast v47, $0x0  }
0x1b1: {  	v7 =	vmax.f32 v7, $0.0e+00;
	v51 =	vld [tilespmem:s20+$0x2580];
	[tilespmem:s1+$0x4960] =	vst v9  }
0x1b2: {  	v49 =	vld [tilespmem:s3+$0x2550];
	[tilespmem:s1+$0x4970] =	vst v45;
	v7 =	vadd.f32 v8, v7;
	v53 =	vmul.f32 v50, v40  }
0x1b3: {  	v54 =	vld [tilespmem:s3+$0x2570];
	[tilespmem:s3+$0x4980] =	vst v47;
	v55 =	vmul.f32 v50, v41  }
0x1b4: {  	v57 =	vld [tilespmem:s4+$0x2500];
	v56 =	vmul.f32 v50, v42;
	v7 =	vsub.f32 v7, v1;
	[tilespmem:s3+$0x4900] =	vst v53  }
0x1b5: {  	v58 =	vld [tilespmem:s4+$0x2510];
	v11 =	vmul.f32 v50, v44;
	[tilespmem:s3+$0x4910] =	vst v55  }
0x1b6: {  	v59 =	vld [tilespmem:s4+$0x2520];
	v6 =	vadd.f32 v6, v51;
	v14 =	vmul.f32 v50, v46;
	[tilespmem:s3+$0x4920] =	vst v56;
	v7 =	vmul.f32 $1.442695020e+00, v7  }
0x1b7: {  	v61 =	vld [tilespmem:s4+$0x2530];
	v60 =	vmul.f32 v50, v49;
	v8 =	vmul.f32 v50, v52;
	[tilespmem:s3+$0x4930] =	vst v11  }
0x1b8: {  	v63 =	vld [tilespmem:s4+$0x2540];
	s23 =	smul.u32 $0x90, s19;
	v21 =	vmin.f32 v6, $0.0e+00;
	v62 =	vmul.f32 v50, v54;
	[tilespmem:s3+$0x4940] =	vst v14;
	v20 =	vpop (erf);
	(erf) = vpow2.f32 v7  }
0x1b9: {  	v22 =	vld [tilespmem:s4+$0x2550];
	[tilespmem:s3+$0x4950] =	vst v60;
	v7 =	vmul.f32 $2.000000030e-01, v21;
	v23 =	vbroadcast v20, $0x0  }
0x1ba: {  	v6 =	vmax.f32 v6, $0.0e+00;
	v24 =	vld [tilespmem:s23+$0x2580];
	[tilespmem:s3+$0x4960] =	vst v8  }
0x1bb: {  	v25 =	vld [tilespmem:s4+$0x2560];
	[tilespmem:s3+$0x4970] =	vst v62;
	v6 =	vadd.f32 v7, v6;
	v26 =	vmul.f32 v23, v57  }
0x1bc: {  	v27 =	vld [tilespmem:s4+$0x2570];
	[tilespmem:s4+$0x4980] =	vst v20;
	v28 =	vmul.f32 v23, v58  }
0x1bd: {  	v34 =	vld [tilespmem:s21+$0x2530];
	v29 =	vmul.f32 v23, v59;
	v6 =	vsub.f32 v6, v1;
	[tilespmem:s4+$0x4900] =	vst v26  }
0x1be: {  	v31 =	vld [tilespmem:s21+$0x2510];
	v10 =	vmul.f32 v23, v61;
	[tilespmem:s4+$0x4910] =	vst v28  }
0x1bf: {  	v30 =	vld [tilespmem:s21+$0x2500];
	v5 =	vadd.f32 v5, v24;
	v13 =	vmul.f32 v23, v63;
	[tilespmem:s4+$0x4920] =	vst v29;
	v6 =	vmul.f32 $1.442695020e+00, v6  }
0x1c0: {  	v32 =	vld [tilespmem:s21+$0x2520];
	v33 =	vmul.f32 v23, v22;
	v7 =	vmul.f32 v23, v25;
	[tilespmem:s4+$0x4930] =	vst v10  }
0x1c1: {  	s24 =	smul.u32 $0x90, s18;
	v36 =	vld [tilespmem:s21+$0x2540];
	v38 =	vmin.f32 v5, $0.0e+00;
	v35 =	vmul.f32 v23, v27;
	[tilespmem:s4+$0x4940] =	vst v13;
	v37 =	vpop (erf);
	(erf) = vpow2.f32 v6  }
0x1c2: {  	v39 =	vld [tilespmem:s21+$0x2550];
	[tilespmem:s4+$0x4950] =	vst v33;
	v6 =	vmul.f32 $2.000000030e-01, v38;
	v40 =	vbroadcast v37, $0x0  }
0x1c3: {  	v5 =	vmax.f32 v5, $0.0e+00;
	v41 =	vld [tilespmem:s24+$0x2580];
	[tilespmem:s4+$0x4960] =	vst v7  }
0x1c4: {  	v42 =	vld [tilespmem:s21+$0x2560];
	[tilespmem:s4+$0x4970] =	vst v35;
	v5 =	vadd.f32 v6, v5;
	v43 =	vmul.f32 v40, v30  }
0x1c5: {  	v44 =	vld [tilespmem:s21+$0x2570];
	[tilespmem:s21+$0x4980] =	vst v37;
	v45 =	vmul.f32 v40, v31  }
0x1c6: {  	v51 =	vld [tilespmem:s20+$0x2530];
	v46 =	vmul.f32 v40, v32;
	v5 =	vsub.f32 v5, v1;
	[tilespmem:s21+$0x4900] =	vst v43  }
0x1c7: {  	v48 =	vld [tilespmem:s20+$0x2510];
	v9 =	vmul.f32 v40, v34;
	[tilespmem:s21+$0x4910] =	vst v45  }
0x1c8: {  	v47 =	vld [tilespmem:s20+$0x2500];
	v4 =	vadd.f32 v4, v41;
	v12 =	vmul.f32 v40, v36;
	[tilespmem:s21+$0x4920] =	vst v46;
	v5 =	vmul.f32 $1.442695020e+00, v5  }
0x1c9: {  	v49 =	vld [tilespmem:s20+$0x2520];
	v50 =	vmul.f32 v40, v39;
	v6 =	vmul.f32 v40, v42;
	[tilespmem:s21+$0x4930] =	vst v9  }
0x1ca: {  	s25 =	smul.u32 $0x90, s17;
	v53 =	vld [tilespmem:s20+$0x2540];
	v55 =	vmin.f32 v4, $0.0e+00;
	v52 =	vmul.f32 v40, v44;
	[tilespmem:s21+$0x4940] =	vst v12;
	v54 =	vpop (erf);
	(erf) = vpow2.f32 v5  }
0x1cb: {  	v56 =	vld [tilespmem:s20+$0x2550];
	[tilespmem:s21+$0x4950] =	vst v50;
	v5 =	vmul.f32 $2.000000030e-01, v55;
	v57 =	vbroadcast v54, $0x0  }
0x1cc: {  	v4 =	vmax.f32 v4, $0.0e+00;
	v58 =	vld [tilespmem:s25+$0x2580];
	[tilespmem:s21+$0x4960] =	vst v6  }
0x1cd: {  	v59 =	vld [tilespmem:s20+$0x2560];
	[tilespmem:s21+$0x4970] =	vst v52;
	v4 =	vadd.f32 v5, v4;
	v60 =	vmul.f32 v57, v47  }
0x1ce: {  	v61 =	vld [tilespmem:s20+$0x2570];
	[tilespmem:s20+$0x4980] =	vst v54;
	v62 =	vmul.f32 v57, v48  }
0x1cf: {  	v16 =	vld [tilespmem:s23+$0x2500];
	v63 =	vmul.f32 v57, v49;
	v4 =	vsub.f32 v4, v1;
	[tilespmem:s20+$0x4900] =	vst v60  }
0x1d0: {  	v17 =	vld [tilespmem:s23+$0x2510];
	v8 =	vmul.f32 v57, v51;
	[tilespmem:s20+$0x4910] =	vst v62  }
0x1d1: {  	v18 =	vld [tilespmem:s23+$0x2520];
	v3 =	vadd.f32 v3, v58;
	v11 =	vmul.f32 v57, v53;
	[tilespmem:s20+$0x4920] =	vst v63;
	v4 =	vmul.f32 $1.442695020e+00, v4  }
0x1d2: {  	v20 =	vld [tilespmem:s23+$0x2530];
	v19 =	vmul.f32 v57, v56;
	v5 =	vmul.f32 v57, v59;
	[tilespmem:s20+$0x4930] =	vst v8  }
0x1d3: {  	s26 =	smul.u32 $0x90, s16;
	v22 =	vld [tilespmem:s23+$0x2540];
	v24 =	vmin.f32 v3, $0.0e+00;
	v21 =	vmul.f32 v57, v61;
	[tilespmem:s20+$0x4940] =	vst v11;
	v23 =	vpop (erf);
	(erf) = vpow2.f32 v4  }
0x1d4: {  	v25 =	vld [tilespmem:s23+$0x2550];
	[tilespmem:s20+$0x4950] =	vst v19;
	v4 =	vmul.f32 $2.000000030e-01, v24;
	v26 =	vbroadcast v23, $0x0  }
0x1d5: {  	v27 =	vld [tilespmem:s26+$0x2580];
	v3 =	vmax.f32 v3, $0.0e+00;
	[tilespmem:s20+$0x4960] =	vst v5  }
0x1d6: {  	v28 =	vld [tilespmem:s23+$0x2560];
	[tilespmem:s20+$0x4970] =	vst v21;
	v3 =	vadd.f32 v4, v3;
	v29 =	vmul.f32 v26, v16  }
0x1d7: {  	v30 =	vld [tilespmem:s23+$0x2570];
	[tilespmem:s23+$0x4980] =	vst v23;
	v31 =	vmul.f32 v26, v17  }
0x1d8: {  	v32 =	vmul.f32 v26, v18;
	v3 =	vsub.f32 v3, v1;
	[tilespmem:s23+$0x4900] =	vst v29  }
0x1d9: {  	v7 =	vmul.f32 v26, v20;
	[tilespmem:s23+$0x4910] =	vst v31  }
0x1da: {  	v33 =	vld [tilespmem:s24+$0x2500];
	v2 =	vadd.f32 v2, v27;
	v10 =	vmul.f32 v26, v22;
	[tilespmem:s23+$0x4920] =	vst v32;
	v3 =	vmul.f32 $1.442695020e+00, v3  }
0x1db: {  	v35 =	vld [tilespmem:s24+$0x2510];
	v34 =	vmul.f32 v26, v25;
	v4 =	vmul.f32 v26, v28;
	[tilespmem:s23+$0x4930] =	vst v7  }
0x1dc: {  	v37 =	vld [tilespmem:s24+$0x2520];
	v36 =	vmul.f32 v26, v30;
	[tilespmem:s23+$0x4940] =	vst v10;
	v38 =	vpop (erf);
	(erf) = vpow2.f32 v3;
	v3 =	vmin.f32 v2, $0.0e+00  }
0x1dd: {  	v39 =	vld [tilespmem:s24+$0x2530];
	[tilespmem:s23+$0x4950] =	vst v34;
	v40 =	vbroadcast v38, $0x0;
	v3 =	vmul.f32 $2.000000030e-01, v3  }
0x1de: {  	v41 =	vld [tilespmem:s24+$0x2540];
	[tilespmem:s23+$0x4960] =	vst v4;
	v2 =	vmax.f32 v2, $0.0e+00  }
0x1df: {  	v42 =	vld [tilespmem:s24+$0x2550];
	[tilespmem:s23+$0x4970] =	vst v36;
	v8 =	vmul.f32 v40, v33;
	v2 =	vadd.f32 v3, v2  }
0x1e0: {  	[tilespmem:s24+$0x4980] =	vst v38;
	v3 =	vld [tilespmem:s24+$0x2560];
	v6 =	vmul.f32 v40, v35  }
0x1e1: {  	v9 =	vmul.f32 v40, v37;
	[tilespmem:s24+$0x4900] =	vst v8;
	v2 =	vsub.f32 v2, v1  }
0x1e2: {  	v43 =	vld [tilespmem:s24+$0x2570];
	v5 =	vmul.f32 v40, v39;
	[tilespmem:s24+$0x4910] =	vst v6  }
0x1e3: {  	v44 =	vld [tilespmem:s25+$0x2500];
	v4 =	vmul.f32 v40, v41;
	[tilespmem:s24+$0x4920] =	vst v9;
	v2 =	vmul.f32 $1.442695020e+00, v2  }
0x1e4: {  	v45 =	vld [tilespmem:s25+$0x2510];
	v7 =	vmul.f32 v40, v42;
	[tilespmem:s24+$0x4930] =	vst v5  }
0x1e5: {  	v46 =	vld [tilespmem:s25+$0x2520];
	[tilespmem:s24+$0x4940] =	vst v4;
	v3 =	vmul.f32 v40, v3;
	v47 =	vpop (erf);
	(erf) = vpow2.f32 v2  }
0x1e6: {  	v48 =	vld [tilespmem:s25+$0x2530];
	[tilespmem:s24+$0x4950] =	vst v7;
	v49 =	vbroadcast v47, $0x0  }
0x1e7: {  	v50 =	vld [tilespmem:s25+$0x2560];
	v2 =	vmul.f32 v40, v43;
	[tilespmem:s24+$0x4960] =	vst v3  }
0x1e8: {  	v51 =	vld [tilespmem:s25+$0x2570];
	[tilespmem:s25+$0x4980] =	vst v47;
	v6 =	vmul.f32 v49, v44  }
0x1e9: {  	v3 =	vld [tilespmem:s25+$0x2540];
	[tilespmem:s24+$0x4970] =	vst v2;
	v5 =	vmul.f32 v49, v45  }
0x1ea: {  	v2 =	vld [tilespmem:s25+$0x2550];
	v4 =	vmul.f32 v49, v46;
	[tilespmem:s25+$0x4900] =	vst v6  }
0x1eb: {  	v52 =	vmul.f32 v49, v48;
	[tilespmem:s25+$0x4910] =	vst v5  }
0x1ec: {  	v53 =	vld [tilespmem:s26+$0x2500];
	v55 =	vmul.f32 v49, v50;
	[tilespmem:s25+$0x4920] =	vst v4  }
0x1ed: {  	v54 =	vld [tilespmem:s26+$0x2510];
	v8 =	vmul.f32 v49, v51;
	[tilespmem:s25+$0x4930] =	vst v52  }
0x1ee: {  	v58 =	vld [tilespmem:s26+$0x2540];
	[tilespmem:s25+$0x4960] =	vst v55;
	v3 =	vmul.f32 v49, v3;
	v56 =	vpop (erf)  }
0x1ef: {  	v61 =	vld [tilespmem:s26+$0x2570];
	[tilespmem:s25+$0x4970] =	vst v8;
	v2 =	vmul.f32 v49, v2;
	v57 =	vbroadcast v56, $0x0  }
0x1f0: {  	[tilespmem:s25+$0x4940] =	vst v3;
	v3 =	vld [tilespmem:s26+$0x2520]  }
0x1f1: {  	[tilespmem:s25+$0x4950] =	vst v2;
	v2 =	vld [tilespmem:s26+$0x2530];
	v4 =	vmul.f32 v57, v53  }
0x1f2: {  	v59 =	vld [tilespmem:s26+$0x2550];
	[tilespmem:s26+$0x4980] =	vst v56;
	v5 =	vmul.f32 v57, v54  }
0x1f3: {  	v60 =	vld [tilespmem:s26+$0x2560];
	v62 =	vmul.f32 v57, v58;
	[tilespmem:s26+$0x4900] =	vst v4  }
0x1f4: {  	v63 =	vmul.f32 v57, v61;
	[tilespmem:s26+$0x4910] =	vst v5  }
0x1f5: {  	p1 =	slt.u32 s15, $0x30;
	v3 =	vmul.f32 v57, v3;
	[tilespmem:s26+$0x4940] =	vst v62  }
.Ltmp4:
0x1f6: {  	v2 =	vmul.f32 v57, v2;
	[tilespmem:s26+$0x4970] =	vst v63;
	(pc) =	sbr.rel @p1 .LBB2_7-.Ltmp4, $4  }
0x1f7: {  	[tilespmem:s26+$0x4920] =	vst v3;
	v3 =	vmul.f32 v57, v59  }
0x1f8: {  	[tilespmem:s26+$0x4930] =	vst v2;
	v2 =	vmul.f32 v57, v60  }
0x1f9: {  	s31 =	sadd.s32 $0x10, s15;
	[tilespmem:s26+$0x4950] =	vst v3  }
0x1fa: {  	s15 =	smov.u32 s31;
	[tilespmem:s26+$0x4960] =	vst v2  }
.Ltmp5:
0x1fb: {  	s1 =	rddreg [dreg:$0x2];
	(pc) =	sbr.rel @p0 .LBB2_10-.Ltmp5, $4  }
0x1fc: {  	[spmem:s1] =	stream.indirect.scatter.add.f32 [tilespmem:s28], [sflag:$0x3], $0x90, s30, s0, $0xb8;
	[tilespmem:$0x1D890] =	vst v63  }
0x1fd: {  	_ =	swait.ge [sflag:s29], $0x2400  }
0x1fe: {  	[sflag:s29] =	ssyncset.done $0x0  }
0x1ff: {  	[sflag:s29] =	ssyncadd.s32 $0xFFFFDC00  }
0x200: {  	s1 =	rddreg [dreg:$0x12]  }
0x201: {  	s1 =	sadd.s32 s14, s1  }
0x202: {  	s2 =	rddreg [dreg:$0x1];
	s1 =	sshrl.u32 s1, $0x3  }
0x203: {  	s3 =	simm.s32 $0x0;
	s2 =	sadd.s32 s2, s1  }
0x204: {  	[tilespmem:s0], [sflag:$0x3] =	stream.linear.gather [hbm4b:s2+s3], $0x40, $0x38;
	[tilespmem:$0x1D890] =	vst v63  }
0x205: {  	_ =	swait.ge [sflag:s29], $0x40  }
0x206: {  	[sflag:s29] =	ssyncset.done $0x0  }
0x207: {  	s1 =	sadd.s32 s7, s1;
	[sflag:s29] =	ssyncadd.s32 $0xFFFFFFC0  }
0x208: {  	[tilespmem:s30], [sflag:$0x3] =	stream.linear.gather [hbm4b:s1+s3], $0x40, $0x38;
	[tilespmem:$0x1D890] =	vst v63  }
0x209: {  	_ =	swait.ge [sflag:s29], $0x40  }
.Ltmp6:
0x20a: {  	[sflag:s29] =	ssyncset.done $0x0;
	(pc) =	sbr.rel .LBB2_4-.Ltmp6, $4  }
0x20b: {  	s26 =	simm.s32 $0x2500;
	[sflag:s29] =	ssyncadd.s32 $0xFFFFFFC0  }
0x20c: {  	[tilespmem:s26], [sflag:$0x2] =	stream.indirect.gather [hbm4b:s5+s0], $0x90, s0, s0, $0xb8;
	[tilespmem:$0x1D890] =	vst v63  }
0x20d: {  	s31 =	simm.s32 $0x7100;
	s13 =	sadd.s32 $0x1, s13  }
0x20e: {  	[tilespmem:s31], [sflag:$0x2] =	stream.indirect.gather [hbm4b:s6+s0], $0x10, s30, s0, $0xb8;
	[tilespmem:$0x1D890] =	vst v63  }
.LBB2_11:
0x20f: {  	_ =	sfence.sel $0x180000  }
0x210: {  	[bflag:$0x0] =	sbarrier.arrive $0xFFFF  }
0x211: {  	_ =	strace $0x9000004A  }
0x212: {  	s0 =	stileid.u32;
	[bflag:$0x2] =	sbarrier.arrive $0xFFFF  }
0x213: {  	p0 =	sne.s32 s0, $0x0;
	s0 =	rddreg [dreg:$0x3]  }
0x214: {  	s0 =	sadd.s32 @!p0 $0x100000, s0  }
0x215: {  	[sflag:s0] =	ssyncadd.tile.s32 @!p0 $0x1;
	_ =	shalt  }
.Lfunc_end2:
_tile_overlayer_lowered:
.L_overlay_start_2:
0x216: {  	(tag) =	ssettag $0x2  }
0x217: {  	s0 =	rddreg [dreg:$0x0];
	s2 =	stileid.u32  }
0x218: {  	s1 =	rddreg [dreg:$0x1];
	p0 =	sne.s32 s2, $0x0  }
0x219: {  	s3 =	rddreg [dreg:$0x2];
	[bflag:$0x3] =	sbarrier.arrive $0xFFFF;
	s2 =	simm.s32 @!p0 $0x1C03  }
0x21a: {  	[timem:s3], [sflag:s2] =	dma.local @!p0 [hbm:s0], s1  }
0x21b: {  	s0 =	simm.s32 @!p0 $0x3  }
0x21c: {  	_ =	swait.ge @!p0 [sflag:s0], s1  }
0x21d: {  	s1 =	ssub.s32 @!p0 $0x0, s1;
	[sflag:s0] =	ssyncset.done @!p0 $0x0  }
0x21e: {  	[sflag:s0] =	ssyncadd.s32 @!p0 s1  }
0x21f: {  	[bflag:$0x3] =	sbarrier.arrive $0xFFFF  }
0x220: {  	_ =	shalt  }

// kernel: kernel.7.cloned.1.call-start
scs
__scs_entry_jumppad:
0x0: {  	(pc) =	sbr.rel $0x88, $3  }
0x1: {  	(tag) =	ssettag $0x0;
	lr =	simm.s32 $0x1  }
0x2: {  	[smem:$0x3F97] =	sst lr;
	_ =	strace $0xD0000000  }
0x3: {  	_ = 	snop  }
0x4: {  	_ = 	snop  }
0x5: {  	_ = 	snop  }
0x6: {  	_ = 	snop  }
0x7: {  	_ = 	snop  }
__scs_overlays_trampoline_lowered:
0x8: {  	[smem:$0x3FA6] =	sst s0  }
0x9: {  	[smem:$0x3FA7] =	sst s1  }
0xa: {  	[smem:$0x3FA8] =	sst s2  }
0xb: {  	[smem:$0x3FA9] =	sst s3  }
0xc: {  	[smem:$0x3FAA] =	sst s4  }
0xd: {  	[smem:$0x3FAB] =	sst s5  }
0xe: {  	[smem:$0x3FAC] =	sst s6  }
0xf: {  	[smem:$0x3FAD] =	sst s7  }
0x10: {  	[smem:$0x3FAE] =	sst s8  }
0x11: {  	[smem:$0x3FAF] =	sst s9;
	s0 =	simm.s32 @!p0 $0x0  }
0x12: {  	s1 =	sld [smem:$0x3F95];
	s0 =	simm.s32 @p0 $0x1  }
0x13: {  	[smem:$0x3FB0] =	sst s0;
	s0 =	simm.s32 @!p1 $0x0  }
0x14: {  	s2 =	sld [smem:$0x3F94];
	s0 =	simm.s32 @p1 $0x1  }
0x15: {  	[smem:$0x3FB1] =	sst s0;
	s0 =	simm.s32 @!p2 $0x0  }
0x16: {  	s3 =	sld [smem:$0x3FDB];
	s0 =	simm.s32 @p2 $0x1  }
0x17: {  	s4 =	simm.s32 $0x1BF5;
	[smem:$0x3FB3] =	sst s0  }
0x18: {  	s0 =	sld [smem:$0x3F96];
	_ =	swait.ge [sflag:s4], $0x0  }
0x19: {  	s7 =	sld [smem:$0x3F97]  }
0x1a: {  	s8 =	sadd.s32 $0xFFFFE003, lr  }
0x1b: {  	s9 =	sadd.s32 $0xFFFFFEF7, lr;
	s5 =	simm.s32 $0xFFFFFFFF;
	p2 =	slt.u32 s8, $0xFFFFF086  }
0x1c: {  	p1 =	slt.u32 s9, $0xF7A;
	s5 =	simm.s32 @!p2 $0x0  }
0x1d: {  	s5 =	simm.s32 @p1 $0x1;
	p0 =	seq.s32 s7, s2  }
0x1e: {  	s7 =	smul.u32 @!p0 $0xF7A, s2;
	p2 =	seq.s32 @!p0 s5, $0x0  }
0x1f: {  	s9 =	smul.u32 $0xF7A, s1;
	s8 =	simm.s32 @!p0 $0x1BF5;
	p2 =	por !p2, p0  }
0x20: {  	[sflag:s8] =	ssyncset.s32 @!p0 $0xFFFFF086;
	s6 =	sadd.s32 @!p0 s3, s7;
	s7 =	simm.s32 @!p0 $0x108  }
0x21: {  	s3 =	sadd.s32 s3, s9;
	s6 =	sadd.s32 @!p0 $0x88, s6;
	s7 =	simm.s32 @p2 $0x1082  }
0x22: {  	[simem:s7], [sflag:s8] =	dma.local @!p0 [hbm:s6], $0xF7A  }
0x23: {  	s9 =	sor.u32 $0xD0000000, s2;
	s6 =	simm.s32 $0x108;
	_ =	swait.ge @!p0 [sflag:s8], $0x0  }
0x24: {  	s3 =	sadd.s32 $0x88, s3;
	s6 =	simm.s32 @!p1 $0x1082;
	[sflag:s4] =	ssyncset.s32 $0xFFFFF086  }
0x25: {  	[simem:s6], [sflag:s4] =	dma.local [hbm:s3], $0xF7A  }
0x26: {  	[smem:$0x3F97] =	sst s1;
	(tag) =	ssettag s2;
	_ =	strace s9  }
0x27: {  	s1 =	sld [smem:$0x3FA7]  }
0x28: {  	s2 =	sld [smem:$0x3FA8]  }
0x29: {  	s4 =	sld [smem:$0x3FAA]  }
0x2a: {  	p0 =	seq.s32 s5, $0x0;
	s5 =	sld [smem:$0x3FAB]  }
0x2b: {  	s6 =	sld [smem:$0x3FAC]  }
0x2c: {  	s7 =	sld [smem:$0x3FAD]  }
0x2d: {  	s3 =	simm.s32 $0x108;
	s8 =	sld [smem:$0x3FAE]  }
0x2e: {  	s3 =	simm.s32 @!p0 $0x1082;
	s9 =	sld [smem:$0x3FAF]  }
0x2f: {  	lr =	sadd.s32 s0, s3;
	s0 =	sld [smem:$0x3FA6]  }
0x30: {  	s3 =	sld [smem:$0x3FA9]  }
0x31: {  	[smem:$0x3FB2] =	sst s10  }
0x32: {  	s10 =	sld [smem:$0x3FB0];
	_ =	sdelay $0x3  }
0x33: {  	p0 =	seq.s32 s10, $0x1;
	s10 =	sld [smem:$0x3FB2];
	_ =	sdelay $0x3  }
0x34: {  	[smem:$0x3FB2] =	sst s10  }
0x35: {  	s10 =	sld [smem:$0x3FB1];
	_ =	sdelay $0x3  }
0x36: {  	p1 =	seq.s32 s10, $0x1;
	s10 =	sld [smem:$0x3FB2];
	_ =	sdelay $0x3  }
0x37: {  	[smem:$0x3FB2] =	sst s10  }
0x38: {  	s10 =	sld [smem:$0x3FB3]  }
0x39: {  	_ = 	snop;
	(pc) =	sbr.ind lr, $3  }
0x3a: {  	_ = 	snop  }
0x3b: {  	_ = 	snop  }
0x3c: {  	p2 =	seq.s32 s10, $0x1;
	s10 =	sld [smem:$0x3FB2]  }
0x3d: {  	_ =	shalt  }
0x3e: {  	_ =	shalt  }
0x3f: {  	_ =	shalt  }
0x40: {  	_ =	shalt  }
0x41: {  	_ =	shalt  }
0x42: {  	_ =	shalt  }
0x43: {  	_ =	shalt  }
0x44: {  	_ =	shalt  }
0x45: {  	_ =	shalt  }
0x46: {  	_ =	shalt  }
0x47: {  	_ =	shalt  }
0x48: {  	_ =	shalt  }
0x49: {  	_ =	shalt  }
0x4a: {  	_ =	shalt  }
0x4b: {  	_ =	shalt  }
0x4c: {  	_ =	shalt  }
0x4d: {  	_ =	shalt  }
0x4e: {  	_ =	shalt  }
0x4f: {  	_ =	shalt  }
0x50: {  	_ =	shalt  }
0x51: {  	_ =	shalt  }
0x52: {  	_ =	shalt  }
0x53: {  	_ =	shalt  }
0x54: {  	_ =	shalt  }
0x55: {  	_ =	shalt  }
0x56: {  	_ =	shalt  }
0x57: {  	_ =	shalt  }
0x58: {  	_ =	shalt  }
0x59: {  	_ =	shalt  }
0x5a: {  	_ =	shalt  }
0x5b: {  	_ =	shalt  }
0x5c: {  	_ =	shalt  }
0x5d: {  	_ =	shalt  }
0x5e: {  	_ =	shalt  }
0x5f: {  	_ =	shalt  }
0x60: {  	_ =	shalt  }
0x61: {  	_ =	shalt  }
0x62: {  	_ =	shalt  }
0x63: {  	_ =	shalt  }
0x64: {  	_ =	shalt  }
0x65: {  	_ =	shalt  }
0x66: {  	_ =	shalt  }
0x67: {  	_ =	shalt  }
0x68: {  	_ =	shalt  }
0x69: {  	_ =	shalt  }
0x6a: {  	_ =	shalt  }
0x6b: {  	_ =	shalt  }
0x6c: {  	_ =	shalt  }
0x6d: {  	_ =	shalt  }
0x6e: {  	_ =	shalt  }
0x6f: {  	_ =	shalt  }
0x70: {  	_ =	shalt  }
0x71: {  	_ =	shalt  }
0x72: {  	_ =	shalt  }
0x73: {  	_ =	shalt  }
0x74: {  	_ =	shalt  }
0x75: {  	_ =	shalt  }
0x76: {  	_ =	shalt  }
0x77: {  	_ =	shalt  }
0x78: {  	_ =	shalt  }
0x79: {  	_ =	shalt  }
0x7a: {  	_ =	shalt  }
0x7b: {  	_ =	shalt  }
0x7c: {  	_ =	shalt  }
0x7d: {  	_ =	shalt  }
0x7e: {  	_ =	shalt  }
0x7f: {  	_ =	shalt  }
0x80: {  	_ =	shalt  }
0x81: {  	_ =	shalt  }
0x82: {  	_ =	shalt  }
0x83: {  	_ =	shalt  }
0x84: {  	_ =	shalt  }
0x85: {  	_ =	shalt  }
0x86: {  	_ =	shalt  }
0x87: {  	_ =	shalt  }
.Lfunc_end0:
.L_simem_size_0:
called_computation_lowered:
.L_overlay_start_0:
0x88: {  	s2 =	sld [smem:$0x3FD9]  }
0x89: {  	s3 =	sld [smem:$0x3FFE];
	_ =	sdelay $0x1  }
0x8a: {  	s1 =	srdreg.scid  }
0x8b: {  	s0 =	sand.u32 $0x1, s1  }
0x8c: {  	s17 =	sshll.u32 s0, $0xA;
	s2 =	sadd.s32 s3, s2  }
0x8d: {  	s2 =	sadd.s32 s2, s17  }
0x8e: {  	[smem:$0x3FBE] =	sst s2  }
0x8f: {  	_ = 	snop  }
0x90: {  	s2 =	sld [smem:$0x3FD0];
	(tm) =	ssettm $0x1  }
0x91: {  	s18 =	sld [smem:$0x3FFB];
	_ =	sdelay $0x3  }
0x92: {  	_ =	strace s18  }
0x93: {  	s3 =	sld [smem:$0x3FFC];
	_ =	sdelay $0x3  }
0x94: {  	_ =	strace s3  }
0x95: {  	s3 =	sld [smem:$0x3FFD];
	_ =	sdelay $0x3  }
0x96: {  	_ =	strace s3  }
0x97: {  	_ =	strace $0x8FFFFFFF  }
0x98: {  	s19 =	sld [smem:$0x3FDB];
	_ =	sdelay $0x1  }
0x99: {  	s4 =	simm.s32 $_scs_section_size  }
0x9a: {  	s5 =	simm.s32 $_size__tile_overlayer_lowered;
	s6 =	simm.s32 $_tile_overlayer_lowered  }
0x9b: {  	s22 =	simm.s32 $0x1BFF;
	s21 =	sshll.u32 s6, $0x1;
	s3 =	sadd.s32 s4, s19  }
0x9c: {  	s7 =	simm.s32 $0x0;
	s20 =	sshll.u32 s5, $0x1;
	s5 =	sadd.s32 s21, s3  }
0x9d: {  	[timem:s7], [sflag:s22] =	dma.local [hbm:s5], s20  }
0x9e: {  	_ =	swait.ge [sflag:s22], s20  }
0x9f: {  	s4 =	ssub.s32 $0x0, s20;
	[sflag:s22] =	ssyncset.done $0x0  }
0xa0: {  	[sflag:s22] =	ssyncadd.s32 s4;
	_ =	sdelay $0x1  }
0xa1: {  	s23 =	simm.s32 $0x1B8B  }
0xa2: {  	_ =	swait.ge [sflag:s23], $0x1  }
0xa3: {  	[sflag:s23] =	ssyncset.done $0x0  }
0xa4: {  	s25 =	simm.s32 $0x1B8E;
	s24 =	sld [smem:$0x3FFE];
	[sflag:s23] =	ssyncadd.s32 $0xFFFFFFFF  }
0xa5: {  	s26 =	simm.s32 $execute0_lowered;
	[smem:$0x3FD2] =	sst s25  }
0xa6: {  	s5 =	sshll.u32 s26, $0x1;
	_ =	strace $0x80000046;
	[dreg:$0x1] =	wrdreg $0xFFFFFFFF  }
0xa7: {  	s28 =	simm.s32 $_size_execute0_lowered;
	s3 =	sadd.s32 s3, s5;
	[dreg:$0x0] =	wrdreg $0x0  }
0xa8: {  	s5 =	sshll.u32 s28, $0x1;
	[dreg:$0x2] =	wrdreg s3  }
0xa9: {  	[dreg:$0x3] =	wrdreg s5  }
0xaa: {  	[dreg:$0x4] =	wrdreg $0xC0  }
0xab: {  	_ =	task [dreg:s7], $0x5FFFF  }
0xac: {  	[dreg:$0x1] =	wrdreg $0xFFFFFFFF  }
0xad: {  	[dreg:$0x0] =	wrdreg $0x60  }
0xae: {  	[dreg:$0x2] =	wrdreg s24  }
0xaf: {  	[dreg:$0x3] =	wrdreg s2  }
0xb0: {  	[dreg:$0x4] =	wrdreg $0x75900  }
0xb1: {  	[dreg:$0x5] =	wrdreg $0x9  }
0xb2: {  	_ =	task.clear_ibuf [dreg:s7], $0x6FFFF;
	_ =	strace $0x90000046  }
0xb3: {  	s29 =	simm.s32 $0x9;
	_ =	strace $0x80000048  }
0xb4: {  	_ =	swait.ge [sflag:s29], $0x1  }
0xb5: {  	[sflag:s29] =	ssyncadd.s32 $0xFFFFFFFF  }
0xb6: {  	_ =	strace $0x90000048  }
0xb7: {  	_ =	sfence  }
0xb8: {  	s30 =	sld [smem:$0x0];
	_ =	sdelay $0x2  }
0xb9: {  	s31 =	sshll.u32 s1, $0xD;
	s1 =	sshrl.u32 s1, $0x2  }
0xba: {  	s3 =	sand.u32 $0x4000, s31;
	s1 =	sadd.s32 s1, s30  }
0xbb: {  	s0 =	sor.u32 s3, s0;
	s1 =	sshll.u32 s1, $0x11  }
0xbc: {  	s0 =	sor.u32 s1, s0  }
0xbd: {  	s0 =	sadd.s32 $0x8F2B, s0  }
0xbe: {  	[sflag:s0] =	ssyncadd.remote.s32 $0x1  }
0xbf: {  	_ =	sfence.sel $0xFFFF  }
0xc0: {  	[dreg:$0x0] =	wrdreg $0xFFFFFFFF;
	(pc) =	sbr.abs _section_cstart, $3  }
0xc1: {  	[dreg:$0x1] =	wrdreg $0xFFFFFFFF  }
0xc2: {  	_ =	task.clear_ibuf [dreg:s7], $0x2FFFF;
	_ =	strace $0x9FFFFFFF  }
0xc3: {  	(tm) =	ssettm $0x7FFFFFFF  }
tec
execute0_lowered:
.L_overlay_start_1:
0x0: {  	(tag) =	ssettag $0x1  }
0x1: {  	s0 =	rddreg [dreg:$0x0]  }
0x2: {  	s2 =	rddreg [dreg:$0x1]  }
0x3: {  	s11 =	rddreg [dreg:$0x2]  }
0x4: {  	s1 =	simm.s32 $0x0;
	s26 =	srdreg.scid;
	s12 =	stileid.u32  }
0x5: {  	s28 =	simm.s32 $0x4980;
	s29 =	simm.s32 $0x3;
	s3 =	smul.u32 $0x2C70, s12  }
0x6: {  	[smem:$0x7FF] =	sst s1;
	s1 =	sand.u32 $0x1, s26;
	s15 =	smul.u32 $0x5200, s12  }
0x7: {  	s30 =	simm.s32 $0xC0;
	s8 =	smul.u32 $0x58E00, s12;
	s4 =	sshll.u32 s1, $0x1  }
0x8: {  	_ =	strace $0x80000047;
	s4 =	sadd.s32 s4, s0;
	s24 =	sor.u32 $0xC0, s15  }
0x9: {  	s20 =	sshrl.u32 s15, $0x3;
	s4 =	sadd.s32 $0xB000, s4;
	[dreg:$0x11] =	wrdreg s24  }
0xa: {  	s7 =	sadd.s32 $0xB200, s0;
	s21 =	sadd.s32 s2, s20;
	[dreg:$0xc] =	wrdreg s4  }
0xb: {  	s8 =	sshrl.u32 s8, $0x2;
	s22 =	sadd.s32 s7, s20;
	[dreg:$0xd] =	wrdreg s21  }
0xc: {  	s5 =	sadd.s32 $0x9D800, s0;
	s13 =	sadd.s32 s8, s11;
	[dreg:$0xe] =	wrdreg s22  }
0xd: {  	s6 =	sadd.s32 $0x1200, s0;
	s8 =	sadd.s32 $0x2400, s13;
	[dreg:$0x4] =	wrdreg s13  }
0xe: {  	s12 =	simm.s32 $0x2;
	s11 =	sadd.s32 $0x4800, s13;
	[dreg:$0x5] =	wrdreg s8  }
0xf: {  	s9 =	smul.u32 $0x2C700, s1;
	s14 =	sadd.s32 $0x6C00, s13;
	[dreg:$0x6] =	wrdreg s11  }
0x10: {  	s10 =	ssub.s32 $0x2, s1;
	s16 =	sadd.s32 $0x9000, s13;
	[dreg:$0x7] =	wrdreg s14  }
0x11: {  	s1 =	smul.u32 $0x2718, s1;
	s17 =	sadd.s32 $0xB400, s13;
	[dreg:$0x8] =	wrdreg s16  }
0x12: {  	s31 =	sshrl.u32 s10, $0x1;
	s18 =	sadd.s32 $0xD800, s13;
	[dreg:$0x9] =	wrdreg s17  }
0x13: {  	s10 =	ssub.s32 s10, s31;
	s19 =	sadd.s32 $0xFC00, s13;
	[dreg:$0xa] =	wrdreg s18  }
0x14: {  	s3 =	sadd.s32 s3, s9;
	s25 =	smax.u32 s10, $0x1;
	[dreg:$0xb] =	wrdreg s19  }
0x15: {  	s4 =	sor.u32 $0x8, s20;
	s26 =	sadd.s32 $0x12000, s13;
	[dreg:$0x13] =	wrdreg s25  }
.Ltmp0:
0x16: {  	s31 =	sadd.s32 $0x14400, s13;
	[dreg:$0x14] =	wrdreg s26;
	(pc) =	sbr.rel .LBB2_1-.Ltmp0, $4  }
0x17: {  	s0 =	sadd.s32 s3, s0;
	s2 =	sadd.s32 s2, s4;
	[dreg:$0x15] =	wrdreg s31  }
0x18: {  	s21 =	sor.u32 $0x80, s15;
	s23 =	sadd.s32 s7, s4;
	[dreg:$0xf] =	wrdreg s2  }
0x19: {  	s0 =	sadd.s32 $0x15600, s0;
	s11 =	simm.s32 $0x1;
	[dreg:$0x10] =	wrdreg s23  }
0x1a: {  	v1 =	vimm.f32 $0.0e+00;
	v0 =	vmov s1;
	[dreg:$0x12] =	wrdreg s0;
	s0 =	simm.s32 $0x40;
	s2 =	simm.s32 $0x0  }
.LBB2_10:
0x1b: {  	s1 =	stileid.u32;
	[bflag:$0x0] =	sbarrier.arrive $0xFFFF  }
0x1c: {  	s1 =	sshll.u32 s1, $0x6;
	s13 =	rddreg [dreg:$0x4]  }
0x1d: {  	s3 =	rddreg [dreg:$0x12];
	s1 =	sor.u32 $0x1C03, s1;
	s2 =	sshrl.u32 s13, $0x3  }
0x1e: {  	[hbm:s3], [sflag:s1] =	dma.local [spmem:s2], $0x2C70  }
0x1f: {  	_ =	swait.ge [sflag:s29], $0x2C70  }
0x20: {  	s26 =	rddreg [dreg:$0x16]  }
0x21: {  	s31 =	rddreg [dreg:$0x13];
	s2 =	sadd.s32 $0x1, s26  }
0x22: {  	p0 =	sne.s32 s2, s31  }
.Ltmp1:
0x23: {  	_ = 	snop;
	(pc) =	sbr.rel @!p0 .LBB2_11-.Ltmp1, $3  }
0x24: {  	_ =	sdelay $0x1  }
0x25: {  	[sflag:s29] =	ssyncset.done $0x0  }
0x26: {  	[sflag:s29] =	ssyncadd.s32 $0xFFFFD390  }
.LBB2_1:
0x27: {  	[dreg:$0x16] =	wrdreg s2;
	s1 =	simm.s32 $0x0;
	s3 =	simm.s32 $0x240  }
.LBB2_2:
0x28: {  	p0 =	sne.s32 s3, $0x8DC0;
	[tilespmem:s1+$0x4A00] =	vst v1  }
0x29: {  	[tilespmem:s1+$0x4980] =	vst v1  }
0x2a: {  	[tilespmem:s1+$0x4990] =	vst v1  }
0x2b: {  	[tilespmem:s1+$0x49A0] =	vst v1  }
.Ltmp2:
0x2c: {  	[tilespmem:s1+$0x49B0] =	vst v1;
	(pc) =	sbr.rel @p0 .LBB2_2-.Ltmp2, $4  }
0x2d: {  	[tilespmem:s1+$0x49C0] =	vst v1  }
0x2e: {  	[tilespmem:s1+$0x49D0] =	vst v1  }
0x2f: {  	[tilespmem:s1+$0x49E0] =	vst v1  }
0x30: {  	[tilespmem:s1+$0x49F0] =	vst v1;
	s1 =	sshra.s32 s3, $0x2;
	s3 =	sadd.s32 $0x240, s3  }
0x31: {  	[tilespmem:s1+$0x4A00] =	vst v1  }
0x32: {  	[tilespmem:s1+$0x4980] =	vst v1  }
0x33: {  	[tilespmem:s1+$0x4990] =	vst v1  }
0x34: {  	[tilespmem:s1+$0x49A0] =	vst v1  }
0x35: {  	[tilespmem:s1+$0x49B0] =	vst v1  }
0x36: {  	[tilespmem:s1+$0x49C0] =	vst v1  }
0x37: {  	[tilespmem:s1+$0x49D0] =	vst v1  }
0x38: {  	[tilespmem:s1+$0x49E0] =	vst v1  }
0x39: {  	[tilespmem:s1+$0x49F0] =	vst v1  }
0x3a: {  	[spmem:s13] =	stream.linear.scatter [tilespmem:s28], [sflag:$0x3], $0x2400, $0x38;
	[tilespmem:$0x1D910] =	vst v63  }
0x3b: {  	_ =	swait.ge [sflag:s29], $0x2400  }
0x3c: {  	[sflag:s29] =	ssyncset.done $0x0  }
0x3d: {  	s31 =	rddreg [dreg:$0x5];
	[sflag:s29] =	ssyncadd.s32 $0xFFFFDC00  }
0x3e: {  	[spmem:s31] =	stream.linear.scatter [tilespmem:s28], [sflag:$0x3], $0x2400, $0x38;
	[tilespmem:$0x1D910] =	vst v63  }
0x3f: {  	_ =	swait.ge [sflag:s29], $0x2400  }
0x40: {  	[sflag:s29] =	ssyncset.done $0x0  }
0x41: {  	s2 =	rddreg [dreg:$0x6];
	[sflag:s29] =	ssyncadd.s32 $0xFFFFDC00  }
0x42: {  	[spmem:s2] =	stream.linear.scatter [tilespmem:s28], [sflag:$0x3], $0x2400, $0x38;
	[tilespmem:$0x1D910] =	vst v63  }
0x43: {  	_ =	swait.ge [sflag:s29], $0x2400  }
0x44: {  	[sflag:s29] =	ssyncset.done $0x0  }
0x45: {  	s3 =	rddreg [dreg:$0x7];
	[sflag:s29] =	ssyncadd.s32 $0xFFFFDC00  }
0x46: {  	[spmem:s3] =	stream.linear.scatter [tilespmem:s28], [sflag:$0x3], $0x2400, $0x38;
	[tilespmem:$0x1D910] =	vst v63  }
0x47: {  	_ =	swait.ge [sflag:s29], $0x2400  }
0x48: {  	[sflag:s29] =	ssyncset.done $0x0  }
0x49: {  	s4 =	rddreg [dreg:$0x8];
	[sflag:s29] =	ssyncadd.s32 $0xFFFFDC00  }
0x4a: {  	[spmem:s4] =	stream.linear.scatter [tilespmem:s28], [sflag:$0x3], $0x2400, $0x38;
	[tilespmem:$0x1D910] =	vst v63  }
0x4b: {  	_ =	swait.ge [sflag:s29], $0x2400  }
0x4c: {  	[sflag:s29] =	ssyncset.done $0x0  }
0x4d: {  	s8 =	rddreg [dreg:$0x9];
	[sflag:s29] =	ssyncadd.s32 $0xFFFFDC00  }
0x4e: {  	[spmem:s8] =	stream.linear.scatter [tilespmem:s28], [sflag:$0x3], $0x2400, $0x38;
	[tilespmem:$0x1D910] =	vst v63  }
0x4f: {  	_ =	swait.ge [sflag:s29], $0x2400  }
0x50: {  	[sflag:s29] =	ssyncset.done $0x0  }
0x51: {  	s9 =	rddreg [dreg:$0xa];
	[sflag:s29] =	ssyncadd.s32 $0xFFFFDC00  }
0x52: {  	[spmem:s9] =	stream.linear.scatter [tilespmem:s28], [sflag:$0x3], $0x2400, $0x38;
	[tilespmem:$0x1D910] =	vst v63  }
0x53: {  	_ =	swait.ge [sflag:s29], $0x2400  }
0x54: {  	[sflag:s29] =	ssyncset.done $0x0  }
0x55: {  	s10 =	rddreg [dreg:$0xb];
	[sflag:s29] =	ssyncadd.s32 $0xFFFFDC00  }
0x56: {  	[spmem:s10] =	stream.linear.scatter [tilespmem:s28], [sflag:$0x3], $0x2400, $0x38;
	[tilespmem:$0x1D910] =	vst v63  }
0x57: {  	_ =	swait.ge [sflag:s29], $0x2400  }
0x58: {  	[sflag:s29] =	ssyncset.done $0x0  }
0x59: {  	s13 =	rddreg [dreg:$0x14];
	[sflag:s29] =	ssyncadd.s32 $0xFFFFDC00  }
0x5a: {  	[spmem:s13] =	stream.linear.scatter [tilespmem:s28], [sflag:$0x3], $0x2400, $0x38;
	[tilespmem:$0x1D910] =	vst v63  }
0x5b: {  	_ =	swait.ge [sflag:s29], $0x2400  }
0x5c: {  	[sflag:s29] =	ssyncset.done $0x0  }
0x5d: {  	s14 =	rddreg [dreg:$0x15];
	[sflag:s29] =	ssyncadd.s32 $0xFFFFDC00  }
0x5e: {  	[spmem:s14] =	stream.linear.scatter [tilespmem:s28], [sflag:$0x3], $0x1F80, $0x38;
	[tilespmem:$0x1D910] =	vst v63  }
0x5f: {  	_ =	swait.ge [sflag:s29], $0x1F80  }
0x60: {  	[sflag:s29] =	ssyncset.done $0x0  }
0x61: {  	[sflag:s29] =	ssyncadd.s32 $0xFFFFE080  }
0x62: {  	[bflag:$0x0] =	sbarrier.arrive $0xFFFF  }
0x63: {  	s2 =	simm.s32 $0x7580;
	s14 =	simm.s32 $0x0;
	s15 =	rddreg [dreg:$0xc]  }
0x64: {  	[tilespmem:s2], [sflag:$0x3] =	stream.linear.gather [hbm4b:s15+s14], $0x10, $0x38;
	[tilespmem:$0x1D910] =	vst v63  }
0x65: {  	_ =	swait.ge [sflag:s29], $0x10  }
0x66: {  	[sflag:s29] =	ssyncset.done $0x0  }
0x67: {  	s16 =	rddreg [dreg:$0xd];
	[sflag:s29] =	ssyncadd.s32 $0xFFFFFFF0  }
0x68: {  	[tilespmem:s14], [sflag:$0x3] =	stream.linear.gather [hbm4b:s16+s14], $0x40, $0x38;
	[tilespmem:$0x1D910] =	vst v63  }
0x69: {  	_ =	swait.ge [sflag:s29], $0x40  }
0x6a: {  	[sflag:s29] =	ssyncset.done $0x0  }
0x6b: {  	s18 =	simm.s32 $0x80;
	s17 =	rddreg [dreg:$0xe];
	[sflag:s29] =	ssyncadd.s32 $0xFFFFFFC0  }
0x6c: {  	[tilespmem:s18], [sflag:$0x3] =	stream.linear.gather [hbm4b:s17+s14], $0x40, $0x38;
	[tilespmem:$0x1D910] =	vst v63  }
0x6d: {  	_ =	swait.ge [sflag:s29], $0x40  }
0x6e: {  	[sflag:s29] =	ssyncset.done $0x0  }
0x6f: {  	[sflag:s29] =	ssyncadd.s32 $0xFFFFFFC0  }
0x70: {  	v2 =	vld [tilespmem:$0x0]  }
0x71: {  	v3 =	vld [tilespmem:$0x80]  }
0x72: {  	v4 =	vld [tilespmem:$0x10]  }
0x73: {  	v5 =	vld [tilespmem:$0x90]  }
0x74: {  	v6 =	vld [tilespmem:$0x20]  }
0x75: {  	v7 =	vld [tilespmem:$0xA0];
	v2 =	vadd.s32 v0, v2  }
0x76: {  	[tilespmem:$0x0] =	vst v2;
	v2 =	vadd.s32 v0, v3;
	v3 =	vld [tilespmem:$0x30]  }
0x77: {  	v58 =	vld [tilespmem:$0xB0];
	[tilespmem:$0x100] =	vst v2;
	v2 =	vadd.s32 v0, v4  }
0x78: {  	[tilespmem:$0x10] =	vst v2;
	v2 =	vadd.s32 v0, v5  }
0x79: {  	[tilespmem:$0x110] =	vst v2;
	v2 =	vadd.s32 v0, v6  }
0x7a: {  	[tilespmem:$0x20] =	vst v2;
	v2 =	vadd.s32 v0, v7  }
0x7b: {  	[tilespmem:$0x120] =	vst v2;
	v2 =	vadd.s32 v0, v3  }
0x7c: {  	[tilespmem:$0x30] =	vst v2;
	v2 =	vadd.s32 v0, v58  }
0x7d: {  	s19 =	simm.s32 $0x180;
	[tilespmem:$0x130] =	vst v2  }
0x7e: {  	[tilespmem:s19], [sflag:$0x1] =	stream.indirect.gather [hbm4b:s5+s0], $0x90, s14, s0, $0xb8;
	[tilespmem:$0x1D910] =	vst v63  }
0x7f: {  	s20 =	simm.s32 $0x100;
	s22 =	simm.s32 $0x6D80  }
0x80: {  	[tilespmem:s22], [sflag:$0x1] =	stream.indirect.gather [hbm4b:s6+s0], $0x10, s20, s0, $0xb8;
	[tilespmem:$0x1D910] =	vst v63  }
0x81: {  	s23 =	rddreg [dreg:$0xf]  }
0x82: {  	[tilespmem:s0], [sflag:$0x3] =	stream.linear.gather [hbm4b:s23+s14], $0x40, $0x38;
	[tilespmem:$0x1D910] =	vst v63  }
0x83: {  	_ =	swait.ge [sflag:s29], $0x40  }
0x84: {  	[sflag:s29] =	ssyncset.done $0x0  }
0x85: {  	s24 =	rddreg [dreg:$0x10];
	[sflag:s29] =	ssyncadd.s32 $0xFFFFFFC0  }
0x86: {  	[tilespmem:s30], [sflag:$0x3] =	stream.linear.gather [hbm4b:s24+s14], $0x40, $0x38;
	[tilespmem:$0x1D910] =	vst v63  }
0x87: {  	_ =	swait.ge [sflag:s29], $0x40  }
0x88: {  	[sflag:s29] =	ssyncset.done $0x0  }
0x89: {  	[sflag:s29] =	ssyncadd.s32 $0xFFFFFFC0  }
0x8a: {  	v2 =	vld [tilespmem:$0x40]  }
0x8b: {  	v3 =	vld [tilespmem:$0xC0]  }
0x8c: {  	v59 =	vld [tilespmem:$0x50]  }
0x8d: {  	v60 =	vld [tilespmem:$0xD0]  }
0x8e: {  	v61 =	vld [tilespmem:$0x60]  }
0x8f: {  	v62 =	vld [tilespmem:$0xE0];
	v2 =	vadd.s32 v0, v2  }
0x90: {  	[tilespmem:$0x40] =	vst v2;
	v2 =	vadd.s32 v0, v3;
	v3 =	vld [tilespmem:$0x70]  }
0x91: {  	v63 =	vld [tilespmem:$0xF0];
	[tilespmem:$0x140] =	vst v2;
	v2 =	vadd.s32 v0, v59  }
0x92: {  	[tilespmem:$0x50] =	vst v2;
	v2 =	vadd.s32 v0, v60  }
0x93: {  	[tilespmem:$0x150] =	vst v2;
	v2 =	vadd.s32 v0, v61  }
0x94: {  	[tilespmem:$0x60] =	vst v2;
	v2 =	vadd.s32 v0, v62  }
0x95: {  	[tilespmem:$0x160] =	vst v2;
	v2 =	vadd.s32 v0, v3  }
0x96: {  	[tilespmem:$0x70] =	vst v2;
	v2 =	vadd.s32 v0, v63  }
0x97: {  	s25 =	simm.s32 $0x2580;
	[tilespmem:$0x170] =	vst v2  }
0x98: {  	[tilespmem:s25], [sflag:$0x2] =	stream.indirect.gather [hbm4b:s5+s0], $0x90, s0, s0, $0xb8;
	[tilespmem:$0x1D910] =	vst v63  }
0x99: {  	s26 =	simm.s32 $0x140;
	s31 =	simm.s32 $0x7180  }
0x9a: {  	[tilespmem:s31], [sflag:$0x2] =	stream.indirect.gather [hbm4b:s6+s0], $0x10, s26, s0, $0xb8;
	[tilespmem:$0x1D910] =	vst v63  }
.LBB2_4:
0x9b: {  	_ =	swait.ge [sflag:s11], $0x2400  }
0x9c: {  	[sflag:s11] =	ssyncset.done $0x0  }
0x9d: {  	[sflag:s11] =	ssyncadd.s32 $0xFFFFDC00  }
0x9e: {  	_ =	swait.ge [sflag:s11], $0x400  }
0x9f: {  	[sflag:s11] =	ssyncset.done $0x0  }
0xa0: {  	[sflag:s11] =	ssyncadd.s32 $0xFFFFFC00  }
0xa1: {  	s15 =	simm.s32 $0x0;
	v2 =	vld [tilespmem:$0x7580]  }
.LBB2_5:
0xa2: {  	s10 =	smul.u32 $0x90, s15  }
0xa3: {  	s1 =	sshll.u32 s15, $0x4  }
0xa4: {  	s1 =	sand.u32 $0x3FFFFFF0, s1;
	v3 =	vld [tilespmem:s10+$0x200]  }
0xa5: {  	v4 =	vld [tilespmem:s1+$0x6D80];
	_ =	sdelay $0x2  }
0xa6: {  	v19 =	vld [tilespmem:s10+$0x180]  }
0xa7: {  	v20 =	vld [tilespmem:s10+$0x190]  }
0xa8: {  	s22 =	sor.u32 $0x1, s15;
	v21 =	vld [tilespmem:s10+$0x1A0];
	v3 =	vadd.f32 v4, v3  }
0xa9: {  	s3 =	smul.u32 $0x90, s22;
	v33 =	vld [tilespmem:s10+$0x1B0]  }
0xaa: {  	s1 =	sshll.u32 s22, $0x4;
	v22 =	vld [tilespmem:s10+$0x1C0];
	v5 =	vmin.f32 v3, $0.0e+00  }
0xab: {  	v31 =	vld [tilespmem:s3+$0x200];
	s1 =	sand.u32 $0x3FFFFFF0, s1;
	v5 =	vmul.f32 $2.000000030e-01, v5  }
0xac: {  	v6 =	vld [tilespmem:s1+$0x6D80];
	v3 =	vmax.f32 v3, $0.0e+00  }
0xad: {  	s23 =	sor.u32 $0x2, s15;
	v24 =	vld [tilespmem:s10+$0x1D0];
	v3 =	vadd.f32 v5, v3  }
0xae: {  	s4 =	sor.u32 $0x3, s15;
	s8 =	smul.u32 $0x90, s23;
	v27 =	vld [tilespmem:s10+$0x1E0]  }
0xaf: {  	s9 =	sor.u32 $0x4, s15;
	s13 =	sshll.u32 s4, $0x4;
	v35 =	vld [tilespmem:s10+$0x1F0];
	v3 =	vsub.f32 v3, v2  }
0xb0: {  	s26 =	sor.u32 $0x7, s15;
	s16 =	sshll.u32 s9, $0x4;
	s13 =	sand.u32 $0x3FFFFFF0, s13;
	v14 =	vld [tilespmem:s8+$0x200]  }
0xb1: {  	s2 =	sshll.u32 s26, $0x4;
	s16 =	sand.u32 $0x3FFFFFF0, s16;
	v16 =	vld [tilespmem:s13+$0x6D80];
	v4 =	vadd.f32 v6, v31;
	v3 =	vmul.f32 $1.442695020e+00, v3  }
0xb2: {  	s4 =	smul.u32 $0x90, s4;
	s18 =	sand.u32 $0x3FFFFFF0, s2;
	v17 =	vld [tilespmem:s16+$0x6D80]  }
0xb3: {  	v11 =	vld [tilespmem:s18+$0x6D80];
	s1 =	sshll.u32 s23, $0x4;
	v32 =	vmin.f32 v4, $0.0e+00;
	(erf) = vpow2.f32 v3  }
0xb4: {  	v26 =	vld [tilespmem:s4+$0x200];
	s1 =	sand.u32 $0x3FFFFFF0, s1;
	v18 =	vmul.f32 $2.000000030e-01, v32  }
0xb5: {  	v15 =	vld [tilespmem:s1+$0x6D80];
	v3 =	vmax.f32 v4, $0.0e+00  }
0xb6: {  	v36 =	vld [tilespmem:s3+$0x180];
	v18 =	vadd.f32 v18, v3  }
0xb7: {  	v37 =	vld [tilespmem:s3+$0x190]  }
0xb8: {  	v38 =	vld [tilespmem:s3+$0x1A0];
	v18 =	vsub.f32 v18, v2  }
0xb9: {  	v40 =	vld [tilespmem:s3+$0x1B0]  }
0xba: {  	s9 =	smul.u32 $0x90, s9;
	v41 =	vld [tilespmem:s3+$0x1C0];
	v14 =	vadd.f32 v15, v14;
	v18 =	vmul.f32 $1.442695020e+00, v18  }
0xbb: {  	v44 =	vld [tilespmem:s3+$0x1D0]  }
0xbc: {  	v46 =	vld [tilespmem:s9+$0x200];
	v34 =	vmin.f32 v14, $0.0e+00;
	(erf) = vpow2.f32 v18;
	v23 =	vpop (erf)  }
0xbd: {  	v47 =	vld [tilespmem:s3+$0x1E0];
	v18 =	vmul.f32 $2.000000030e-01, v34;
	v25 =	vbroadcast v23, $0x0  }
0xbe: {  	v48 =	vld [tilespmem:s3+$0x1F0];
	v14 =	vmax.f32 v14, $0.0e+00  }
0xbf: {  	v49 =	vld [tilespmem:s8+$0x180];
	v14 =	vadd.f32 v18, v14;
	v19 =	vmul.f32 v25, v19  }
0xc0: {  	v50 =	vld [tilespmem:s8+$0x190];
	[tilespmem:s10+$0x4A00] =	vst v23;
	v20 =	vmul.f32 v25, v20  }
0xc1: {  	v51 =	vld [tilespmem:s8+$0x1A0];
	v23 =	vbroadcast v23, $0x1;
	v14 =	vsub.f32 v14, v2;
	v21 =	vmul.f32 v25, v21;
	[tilespmem:s10+$0x4980] =	vst v19  }
0xc2: {  	v52 =	vld [tilespmem:s8+$0x1B0];
	v15 =	vmul.f32 v25, v33;
	[tilespmem:s10+$0x4990] =	vst v20  }
0xc3: {  	v53 =	vld [tilespmem:s8+$0x1C0];
	v16 =	vadd.f32 v16, v26;
	v22 =	vmul.f32 v23, v22;
	v14 =	vmul.f32 $1.442695020e+00, v14;
	[tilespmem:s10+$0x49A0] =	vst v21  }
0xc4: {  	v56 =	vld [tilespmem:s8+$0x1D0];
	v24 =	vmul.f32 v23, v24;
	v39 =	vmul.f32 v23, v27;
	[tilespmem:s10+$0x49B0] =	vst v15  }
0xc5: {  	v59 =	vld [tilespmem:s8+$0x1E0];
	v43 =	vmin.f32 v16, $0.0e+00;
	v18 =	vmul.f32 v23, v35;
	[tilespmem:s10+$0x49C0] =	vst v22;
	v42 =	vpop (erf);
	(erf) = vpow2.f32 v14  }
0xc6: {  	v60 =	vld [tilespmem:s8+$0x1F0];
	[tilespmem:s10+$0x49D0] =	vst v24;
	v14 =	vmul.f32 $2.000000030e-01, v43;
	v45 =	vbroadcast v42, $0x0  }
0xc7: {  	v61 =	vld [tilespmem:s4+$0x180];
	v16 =	vmax.f32 v16, $0.0e+00;
	[tilespmem:s10+$0x49E0] =	vst v39  }
0xc8: {  	v62 =	vld [tilespmem:s4+$0x190];
	[tilespmem:s10+$0x49F0] =	vst v18;
	v14 =	vadd.f32 v14, v16;
	v19 =	vmul.f32 v45, v36  }
0xc9: {  	s13 =	sor.u32 $0x6, s15;
	v63 =	vld [tilespmem:s4+$0x1A0];
	[tilespmem:s3+$0x4A00] =	vst v42;
	v20 =	vmul.f32 v45, v37  }
0xca: {  	v28 =	vld [tilespmem:s4+$0x1B0];
	s25 =	sshll.u32 s13, $0x4;
	s23 =	sor.u32 $0xA, s15;
	v23 =	vbroadcast v42, $0x1;
	v21 =	vmul.f32 v45, v38;
	v14 =	vsub.f32 v14, v2;
	[tilespmem:s3+$0x4980] =	vst v19  }
0xcb: {  	v29 =	vld [tilespmem:s4+$0x1C0];
	s31 =	sand.u32 $0x3FFFFFF0, s25;
	s2 =	sshll.u32 s23, $0x4;
	s1 =	sor.u32 $0x5, s15;
	v15 =	vmul.f32 v45, v40;
	[tilespmem:s3+$0x4990] =	vst v20  }
0xcc: {  	s25 =	sor.u32 $0x8, s15;
	v12 =	vld [tilespmem:s31+$0x6D80];
	s18 =	sand.u32 $0x3FFFFFF0, s2;
	s17 =	sshll.u32 s1, $0x4;
	v17 =	vadd.f32 v17, v46;
	v22 =	vmul.f32 v23, v41;
	[tilespmem:s3+$0x49A0] =	vst v21;
	v14 =	vmul.f32 $1.442695020e+00, v14  }
0xcd: {  	s19 =	sshll.u32 s25, $0x4;
	v8 =	vld [tilespmem:s18+$0x6D80];
	s24 =	sand.u32 $0x3FFFFFF0, s17;
	v24 =	vmul.f32 v23, v44;
	v18 =	vmul.f32 v23, v47;
	[tilespmem:s3+$0x49B0] =	vst v15  }
0xce: {  	s20 =	sand.u32 $0x3FFFFFF0, s19;
	s1 =	smul.u32 $0x90, s1;
	v13 =	vld [tilespmem:s24+$0x6D80];
	s24 =	sor.u32 $0x9, s15;
	v55 =	vmin.f32 v17, $0.0e+00;
	v16 =	vmul.f32 v23, v48;
	[tilespmem:s3+$0x49C0] =	vst v22;
	v54 =	vpop (erf);
	(erf) = vpow2.f32 v14  }
0xcf: {  	v10 =	vld [tilespmem:s20+$0x6D80];
	s20 =	sor.u32 $0xB, s15;
	s22 =	sshll.u32 s24, $0x4;
	[tilespmem:s3+$0x49D0] =	vst v24;
	v14 =	vmul.f32 $2.000000030e-01, v55;
	v57 =	vbroadcast v54, $0x0  }
0xd0: {  	v58 =	vld [tilespmem:s1+$0x200];
	v17 =	vmax.f32 v17, $0.0e+00;
	s31 =	sand.u32 $0x3FFFFFF0, s22;
	s22 =	sshll.u32 s20, $0x4;
	[tilespmem:s3+$0x49E0] =	vst v18  }
0xd1: {  	s18 =	sor.u32 $0xD, s15;
	v9 =	vld [tilespmem:s31+$0x6D80];
	s31 =	sand.u32 $0x3FFFFFF0, s22;
	[tilespmem:s3+$0x49F0] =	vst v16;
	v14 =	vadd.f32 v14, v17;
	v19 =	vmul.f32 v57, v49  }
0xd2: {  	s19 =	sor.u32 $0xC, s15;
	v7 =	vld [tilespmem:s31+$0x6D80];
	s31 =	sshll.u32 s18, $0x4;
	[tilespmem:s8+$0x4A00] =	vst v54;
	v20 =	vmul.f32 v57, v50  }
0xd3: {  	s16 =	sor.u32 $0xF, s15;
	s2 =	sshll.u32 s19, $0x4;
	v32 =	vld [tilespmem:s4+$0x1D0];
	s31 =	sand.u32 $0x3FFFFFF0, s31;
	v23 =	vbroadcast v54, $0x1;
	v21 =	vmul.f32 v57, v51;
	v14 =	vsub.f32 v14, v2;
	[tilespmem:s8+$0x4980] =	vst v19  }
0xd4: {  	s17 =	sor.u32 $0xE, s15;
	s22 =	sand.u32 $0x3FFFFFF0, s2;
	s2 =	sshll.u32 s16, $0x4;
	v5 =	vld [tilespmem:s31+$0x6D80];
	v15 =	vmul.f32 v57, v52;
	[tilespmem:s8+$0x4990] =	vst v20  }
0xd5: {  	v13 =	vadd.f32 v13, v58;
	s31 =	sand.u32 $0x3FFFFFF0, s2;
	s2 =	smul.u32 $0x90, s13;
	v22 =	vmul.f32 v23, v53;
	[tilespmem:s8+$0x49A0] =	vst v21;
	v14 =	vmul.f32 $1.442695020e+00, v14  }
0xd6: {  	v6 =	vld [tilespmem:s22+$0x6D80];
	s22 =	sshll.u32 s17, $0x4;
	v27 =	vmul.f32 v23, v56;
	v16 =	vmul.f32 v23, v59;
	[tilespmem:s8+$0x49B0] =	vst v15  }
0xd7: {  	s22 =	sand.u32 $0x3FFFFFF0, s22;
	v31 =	vmin.f32 v13, $0.0e+00;
	v26 =	vld [tilespmem:s2+$0x1B0];
	v17 =	vmul.f32 v23, v60;
	[tilespmem:s8+$0x49C0] =	vst v22;
	v30 =	vpop (erf);
	(erf) = vpow2.f32 v14  }
0xd8: {  	v4 =	vld [tilespmem:s22+$0x6D80];
	[tilespmem:s8+$0x49D0] =	vst v27;
	v14 =	vmul.f32 $2.000000030e-01, v31;
	v33 =	vbroadcast v30, $0x0  }
0xd9: {  	v13 =	vmax.f32 v13, $0.0e+00;
	v34 =	vld [tilespmem:s2+$0x200];
	[tilespmem:s8+$0x49E0] =	vst v16  }
0xda: {  	v35 =	vld [tilespmem:s4+$0x1E0];
	[tilespmem:s8+$0x49F0] =	vst v17;
	v13 =	vadd.f32 v14, v13;
	v19 =	vmul.f32 v33, v61  }
0xdb: {  	v36 =	vld [tilespmem:s4+$0x1F0];
	[tilespmem:s4+$0x4A00] =	vst v30;
	v20 =	vmul.f32 v33, v62  }
0xdc: {  	v39 =	vld [tilespmem:s9+$0x1A0];
	v23 =	vbroadcast v30, $0x1;
	v21 =	vmul.f32 v33, v63;
	v13 =	vsub.f32 v13, v2;
	[tilespmem:s4+$0x4980] =	vst v19  }
0xdd: {  	v42 =	vld [tilespmem:s9+$0x1C0];
	v15 =	vmul.f32 v33, v28;
	[tilespmem:s4+$0x4990] =	vst v20  }
0xde: {  	v12 =	vadd.f32 v12, v34;
	v37 =	vld [tilespmem:s9+$0x180];
	v22 =	vmul.f32 v23, v29;
	[tilespmem:s4+$0x49A0] =	vst v21;
	v13 =	vmul.f32 $1.442695020e+00, v13  }
0xdf: {  	v38 =	vld [tilespmem:s9+$0x190];
	v40 =	vmul.f32 v23, v32;
	v17 =	vmul.f32 v23, v35;
	[tilespmem:s4+$0x49B0] =	vst v15  }
0xe0: {  	s26 =	smul.u32 $0x90, s26;
	v41 =	vld [tilespmem:s9+$0x1B0];
	v44 =	vmin.f32 v12, $0.0e+00;
	v14 =	vmul.f32 v23, v36;
	[tilespmem:s4+$0x49C0] =	vst v22;
	v43 =	vpop (erf);
	(erf) = vpow2.f32 v13  }
0xe1: {  	v45 =	vld [tilespmem:s9+$0x1D0];
	[tilespmem:s4+$0x49D0] =	vst v40;
	v13 =	vmul.f32 $2.000000030e-01, v44;
	v46 =	vbroadcast v43, $0x0  }
0xe2: {  	v12 =	vmax.f32 v12, $0.0e+00;
	v47 =	vld [tilespmem:s26+$0x200];
	[tilespmem:s4+$0x49E0] =	vst v17  }
0xe3: {  	v48 =	vld [tilespmem:s9+$0x1E0];
	[tilespmem:s4+$0x49F0] =	vst v14;
	v12 =	vadd.f32 v13, v12;
	v19 =	vmul.f32 v46, v37  }
0xe4: {  	v49 =	vld [tilespmem:s9+$0x1F0];
	[tilespmem:s9+$0x4A00] =	vst v43;
	v20 =	vmul.f32 v46, v38  }
0xe5: {  	v54 =	vld [tilespmem:s1+$0x1C0];
	v22 =	vbroadcast v43, $0x1;
	v21 =	vmul.f32 v46, v39;
	v12 =	vsub.f32 v12, v2;
	[tilespmem:s9+$0x4980] =	vst v19  }
0xe6: {  	v50 =	vld [tilespmem:s1+$0x180];
	v15 =	vmul.f32 v46, v41;
	[tilespmem:s9+$0x4990] =	vst v20  }
0xe7: {  	v11 =	vadd.f32 v11, v47;
	v51 =	vld [tilespmem:s1+$0x190];
	v18 =	vmul.f32 v22, v42;
	[tilespmem:s9+$0x49A0] =	vst v21;
	v12 =	vmul.f32 $1.442695020e+00, v12  }
0xe8: {  	v52 =	vld [tilespmem:s1+$0x1A0];
	v16 =	vmul.f32 v22, v45;
	v14 =	vmul.f32 v22, v48;
	[tilespmem:s9+$0x49B0] =	vst v15  }
0xe9: {  	s25 =	smul.u32 $0x90, s25;
	v53 =	vld [tilespmem:s1+$0x1B0];
	v56 =	vmin.f32 v11, $0.0e+00;
	v13 =	vmul.f32 v22, v49;
	[tilespmem:s9+$0x49C0] =	vst v18;
	v55 =	vpop (erf);
	(erf) = vpow2.f32 v12  }
0xea: {  	v57 =	vld [tilespmem:s1+$0x1D0];
	[tilespmem:s9+$0x49D0] =	vst v16;
	v12 =	vmul.f32 $2.000000030e-01, v56;
	v58 =	vbroadcast v55, $0x0  }
0xeb: {  	v11 =	vmax.f32 v11, $0.0e+00;
	v59 =	vld [tilespmem:s25+$0x200];
	[tilespmem:s9+$0x49E0] =	vst v14  }
0xec: {  	v60 =	vld [tilespmem:s1+$0x1E0];
	[tilespmem:s9+$0x49F0] =	vst v13;
	v11 =	vadd.f32 v12, v11;
	v19 =	vmul.f32 v58, v50  }
0xed: {  	v61 =	vld [tilespmem:s1+$0x1F0];
	[tilespmem:s1+$0x4A00] =	vst v55;
	v20 =	vmul.f32 v58, v51  }
0xee: {  	v3 =	vld [tilespmem:s31+$0x6D80];
	v18 =	vbroadcast v55, $0x1;
	v21 =	vmul.f32 v58, v52;
	v11 =	vsub.f32 v11, v2;
	[tilespmem:s1+$0x4980] =	vst v19  }
0xef: {  	v24 =	vld [tilespmem:s2+$0x1A0];
	v15 =	vmul.f32 v58, v53;
	[tilespmem:s1+$0x4990] =	vst v20  }
0xf0: {  	v10 =	vadd.f32 v10, v59;
	v62 =	vld [tilespmem:s2+$0x180];
	v17 =	vmul.f32 v18, v54;
	[tilespmem:s1+$0x49A0] =	vst v21;
	v11 =	vmul.f32 $1.442695020e+00, v11  }
0xf1: {  	v63 =	vld [tilespmem:s2+$0x190];
	v25 =	vmul.f32 v18, v57;
	v13 =	vmul.f32 v18, v60;
	[tilespmem:s1+$0x49B0] =	vst v15  }
0xf2: {  	v27 =	vld [tilespmem:s2+$0x1C0];
	v29 =	vmin.f32 v10, $0.0e+00;
	s9 =	smul.u32 $0x90, s24;
	v12 =	vmul.f32 v18, v61;
	[tilespmem:s1+$0x49C0] =	vst v17;
	v28 =	vpop (erf);
	(erf) = vpow2.f32 v11  }
0xf3: {  	v30 =	vld [tilespmem:s2+$0x1D0];
	[tilespmem:s1+$0x49D0] =	vst v25;
	v11 =	vmul.f32 $2.000000030e-01, v29;
	v31 =	vbroadcast v28, $0x0  }
0xf4: {  	v10 =	vmax.f32 v10, $0.0e+00;
	v32 =	vld [tilespmem:s9+$0x200];
	[tilespmem:s1+$0x49E0] =	vst v13  }
0xf5: {  	v33 =	vld [tilespmem:s2+$0x1E0];
	[tilespmem:s1+$0x49F0] =	vst v12;
	v10 =	vadd.f32 v11, v10;
	v19 =	vmul.f32 v31, v62  }
0xf6: {  	v34 =	vld [tilespmem:s2+$0x1F0];
	[tilespmem:s2+$0x4A00] =	vst v28;
	v20 =	vmul.f32 v31, v63  }
0xf7: {  	v35 =	vld [tilespmem:s26+$0x180];
	v17 =	vbroadcast v28, $0x1;
	v21 =	vmul.f32 v31, v24;
	v10 =	vsub.f32 v10, v2;
	[tilespmem:s2+$0x4980] =	vst v19  }
0xf8: {  	v36 =	vld [tilespmem:s26+$0x190];
	v15 =	vmul.f32 v31, v26;
	[tilespmem:s2+$0x4990] =	vst v20  }
0xf9: {  	v40 =	vld [tilespmem:s26+$0x1C0];
	v9 =	vadd.f32 v9, v32;
	v16 =	vmul.f32 v17, v27;
	[tilespmem:s2+$0x49A0] =	vst v21;
	v10 =	vmul.f32 $1.442695020e+00, v10  }
0xfa: {  	v43 =	vld [tilespmem:s26+$0x1D0];
	v38 =	vmul.f32 v17, v30;
	v12 =	vmul.f32 v17, v33;
	[tilespmem:s2+$0x49B0] =	vst v15  }
0xfb: {  	s13 =	smul.u32 $0x90, s23;
	v37 =	vld [tilespmem:s26+$0x1A0];
	v42 =	vmin.f32 v9, $0.0e+00;
	v11 =	vmul.f32 v17, v34;
	[tilespmem:s2+$0x49C0] =	vst v16;
	v41 =	vpop (erf);
	(erf) = vpow2.f32 v10  }
0xfc: {  	v39 =	vld [tilespmem:s26+$0x1B0];
	[tilespmem:s2+$0x49D0] =	vst v38;
	v10 =	vmul.f32 $2.000000030e-01, v42;
	v44 =	vbroadcast v41, $0x0  }
0xfd: {  	v45 =	vld [tilespmem:s13+$0x200];
	v9 =	vmax.f32 v9, $0.0e+00;
	[tilespmem:s2+$0x49E0] =	vst v12  }
0xfe: {  	v46 =	vld [tilespmem:s26+$0x1E0];
	[tilespmem:s2+$0x49F0] =	vst v11;
	v9 =	vadd.f32 v10, v9;
	v19 =	vmul.f32 v44, v35  }
0xff: {  	v47 =	vld [tilespmem:s26+$0x1F0];
	[tilespmem:s26+$0x4A00] =	vst v41;
	v18 =	vmul.f32 v44, v36  }
0x100: {  	v59 =	vld [tilespmem:s25+$0x1E0];
	v16 =	vbroadcast v41, $0x1;
	v20 =	vmul.f32 v44, v37;
	v9 =	vsub.f32 v9, v2;
	[tilespmem:s26+$0x4980] =	vst v19  }
0x101: {  	v48 =	vld [tilespmem:s25+$0x180];
	v14 =	vmul.f32 v44, v39;
	[tilespmem:s26+$0x4990] =	vst v18  }
0x102: {  	v49 =	vld [tilespmem:s25+$0x190];
	v8 =	vadd.f32 v8, v45;
	v15 =	vmul.f32 v16, v40;
	[tilespmem:s26+$0x49A0] =	vst v20;
	v9 =	vmul.f32 $1.442695020e+00, v9  }
0x103: {  	v50 =	vld [tilespmem:s25+$0x1A0];
	v51 =	vmul.f32 v16, v43;
	v11 =	vmul.f32 v16, v46;
	[tilespmem:s26+$0x49B0] =	vst v14  }
0x104: {  	s22 =	smul.u32 $0x90, s20;
	v55 =	vmin.f32 v8, $0.0e+00;
	v52 =	vld [tilespmem:s25+$0x1B0];
	v10 =	vmul.f32 v16, v47;
	[tilespmem:s26+$0x49C0] =	vst v15;
	v54 =	vpop (erf);
	(erf) = vpow2.f32 v9  }
0x105: {  	v53 =	vld [tilespmem:s25+$0x1C0];
	[tilespmem:s26+$0x49D0] =	vst v51;
	v9 =	vmul.f32 $2.000000030e-01, v55;
	v57 =	vbroadcast v54, $0x0  }
0x106: {  	v8 =	vmax.f32 v8, $0.0e+00;
	v58 =	vld [tilespmem:s22+$0x200];
	[tilespmem:s26+$0x49E0] =	vst v11  }
0x107: {  	v56 =	vld [tilespmem:s25+$0x1D0];
	[tilespmem:s26+$0x49F0] =	vst v10;
	v8 =	vadd.f32 v9, v8;
	v19 =	vmul.f32 v57, v48  }
0x108: {  	v60 =	vld [tilespmem:s25+$0x1F0];
	[tilespmem:s25+$0x4A00] =	vst v54;
	v17 =	vmul.f32 v57, v49  }
0x109: {  	v22 =	vld [tilespmem:s9+$0x1B0];
	v15 =	vbroadcast v54, $0x1;
	v18 =	vmul.f32 v57, v50;
	v8 =	vsub.f32 v8, v2;
	[tilespmem:s25+$0x4980] =	vst v19  }
0x10a: {  	v23 =	vld [tilespmem:s9+$0x1C0];
	v13 =	vmul.f32 v57, v52;
	[tilespmem:s25+$0x4990] =	vst v17  }
0x10b: {  	v61 =	vld [tilespmem:s9+$0x180];
	v7 =	vadd.f32 v7, v58;
	v14 =	vmul.f32 v15, v53;
	[tilespmem:s25+$0x49A0] =	vst v18;
	v8 =	vmul.f32 $1.442695020e+00, v8  }
0x10c: {  	v62 =	vld [tilespmem:s9+$0x190];
	v21 =	vmul.f32 v15, v56;
	v10 =	vmul.f32 v15, v59;
	[tilespmem:s25+$0x49B0] =	vst v13  }
0x10d: {  	s23 =	smul.u32 $0x90, s19;
	v25 =	vmin.f32 v7, $0.0e+00;
	v63 =	vld [tilespmem:s9+$0x1A0];
	v9 =	vmul.f32 v15, v60;
	[tilespmem:s25+$0x49C0] =	vst v14;
	(erf) = vpow2.f32 v8;
	v24 =	vpop (erf)  }
0x10e: {  	v29 =	vld [tilespmem:s9+$0x1E0];
	[tilespmem:s25+$0x49D0] =	vst v21;
	v8 =	vmul.f32 $2.000000030e-01, v25;
	v26 =	vbroadcast v24, $0x0  }
0x10f: {  	v7 =	vmax.f32 v7, $0.0e+00;
	v27 =	vld [tilespmem:s23+$0x200];
	[tilespmem:s25+$0x49E0] =	vst v10  }
0x110: {  	v28 =	vld [tilespmem:s9+$0x1D0];
	[tilespmem:s25+$0x49F0] =	vst v9;
	v7 =	vadd.f32 v8, v7;
	v30 =	vmul.f32 v26, v61  }
0x111: {  	v31 =	vld [tilespmem:s9+$0x1F0];
	[tilespmem:s9+$0x4A00] =	vst v24;
	v16 =	vmul.f32 v26, v62  }
0x112: {  	v32 =	vld [tilespmem:s13+$0x180];
	v14 =	vbroadcast v24, $0x1;
	v17 =	vmul.f32 v26, v63;
	v7 =	vsub.f32 v7, v2;
	[tilespmem:s9+$0x4980] =	vst v30  }
0x113: {  	v33 =	vld [tilespmem:s13+$0x190];
	v11 =	vmul.f32 v26, v22;
	[tilespmem:s9+$0x4990] =	vst v16  }
0x114: {  	v34 =	vld [tilespmem:s13+$0x1A0];
	v6 =	vadd.f32 v6, v27;
	v13 =	vmul.f32 v14, v23;
	[tilespmem:s9+$0x49A0] =	vst v17;
	v7 =	vmul.f32 $1.442695020e+00, v7  }
0x115: {  	v42 =	vld [tilespmem:s13+$0x1E0];
	v10 =	vmul.f32 v14, v28;
	v9 =	vmul.f32 v14, v29;
	[tilespmem:s9+$0x49B0] =	vst v11  }
0x116: {  	s24 =	smul.u32 $0x90, s18;
	v35 =	vld [tilespmem:s13+$0x1B0];
	v36 =	vmin.f32 v6, $0.0e+00;
	v8 =	vmul.f32 v14, v31;
	[tilespmem:s9+$0x49C0] =	vst v13;
	(erf) = vpow2.f32 v7;
	v38 =	vpop (erf)  }
0x117: {  	v37 =	vld [tilespmem:s13+$0x1C0];
	v16 =	vmul.f32 $2.000000030e-01, v36;
	[tilespmem:s9+$0x49D0] =	vst v10;
	v39 =	vbroadcast v38, $0x0  }
0x118: {  	v6 =	vmax.f32 v6, $0.0e+00;
	v40 =	vld [tilespmem:s24+$0x200];
	[tilespmem:s9+$0x49E0] =	vst v9  }
0x119: {  	v41 =	vld [tilespmem:s13+$0x1D0];
	[tilespmem:s9+$0x49F0] =	vst v8;
	v6 =	vadd.f32 v16, v6;
	v43 =	vmul.f32 v39, v32  }
0x11a: {  	v44 =	vld [tilespmem:s13+$0x1F0];
	[tilespmem:s13+$0x4A00] =	vst v38;
	v12 =	vmul.f32 v39, v33  }
0x11b: {  	v45 =	vld [tilespmem:s22+$0x180];
	v6 =	vsub.f32 v6, v2;
	v7 =	vbroadcast v38, $0x1;
	v15 =	vmul.f32 v39, v34;
	[tilespmem:s13+$0x4980] =	vst v43  }
0x11c: {  	v58 =	vld [tilespmem:s22+$0x1F0];
	s25 =	smul.u32 $0x90, s17;
	v10 =	vmul.f32 v39, v35;
	[tilespmem:s13+$0x4990] =	vst v12  }
0x11d: {  	v46 =	vld [tilespmem:s22+$0x190];
	v5 =	vadd.f32 v5, v40;
	v6 =	vmul.f32 $1.442695020e+00, v6;
	v47 =	vmul.f32 v7, v37;
	[tilespmem:s13+$0x49A0] =	vst v15  }
0x11e: {  	v55 =	vld [tilespmem:s25+$0x200];
	v9 =	vmul.f32 v7, v41;
	v8 =	vmul.f32 v7, v42;
	[tilespmem:s13+$0x49B0] =	vst v10  }
0x11f: {  	v48 =	vld [tilespmem:s22+$0x1A0];
	v50 =	vmin.f32 v5, $0.0e+00;
	v7 =	vmul.f32 v7, v44;
	(erf) = vpow2.f32 v6;
	[tilespmem:s13+$0x49C0] =	vst v47;
	v51 =	vpop (erf)  }
0x120: {  	v49 =	vld [tilespmem:s22+$0x1B0];
	v6 =	vmul.f32 $2.000000030e-01, v50;
	[tilespmem:s13+$0x49D0] =	vst v9;
	v54 =	vbroadcast v51, $0x0  }
0x121: {  	v52 =	vld [tilespmem:s22+$0x1C0];
	v5 =	vmax.f32 v5, $0.0e+00;
	[tilespmem:s13+$0x49E0] =	vst v8  }
0x122: {  	v53 =	vld [tilespmem:s22+$0x1D0];
	[tilespmem:s13+$0x49F0] =	vst v7;
	v5 =	vadd.f32 v6, v5;
	v57 =	vmul.f32 v54, v45  }
0x123: {  	v56 =	vld [tilespmem:s22+$0x1E0];
	v4 =	vadd.f32 v4, v55;
	[tilespmem:s22+$0x4A00] =	vst v51;
	v11 =	vmul.f32 v54, v46  }
0x124: {  	v20 =	vld [tilespmem:s23+$0x1C0];
	v5 =	vsub.f32 v5, v2;
	v14 =	vbroadcast v51, $0x1;
	v13 =	vmul.f32 v54, v48;
	[tilespmem:s22+$0x4980] =	vst v57  }
0x125: {  	s26 =	smul.u32 $0x90, s16;
	v59 =	vld [tilespmem:s23+$0x180];
	v10 =	vmul.f32 v54, v49;
	[tilespmem:s22+$0x4990] =	vst v11  }
0x126: {  	v60 =	vld [tilespmem:s23+$0x190];
	v22 =	vmin.f32 v4, $0.0e+00;
	v5 =	vmul.f32 $1.442695020e+00, v5;
	v12 =	vmul.f32 v14, v52;
	[tilespmem:s22+$0x49A0] =	vst v13  }
0x127: {  	v25 =	vld [tilespmem:s26+$0x200];
	v15 =	vmul.f32 $2.000000030e-01, v22;
	v62 =	vmul.f32 v14, v53;
	[tilespmem:s22+$0x49B0] =	vst v10  }
0x128: {  	v61 =	vld [tilespmem:s23+$0x1A0];
	v19 =	vmul.f32 v14, v56;
	[tilespmem:s22+$0x49C0] =	vst v12;
	v18 =	vpop (erf);
	(erf) = vpow2.f32 v5  }
0x129: {  	v63 =	vld [tilespmem:s23+$0x1B0];
	v14 =	vmul.f32 v14, v58;
	[tilespmem:s22+$0x49D0] =	vst v62;
	v21 =	vbroadcast v18, $0x0  }
0x12a: {  	v23 =	vld [tilespmem:s23+$0x1D0];
	v4 =	vmax.f32 v4, $0.0e+00;
	[tilespmem:s22+$0x49E0] =	vst v19  }
0x12b: {  	v26 =	vld [tilespmem:s23+$0x1E0];
	v4 =	vadd.f32 v15, v4;
	[tilespmem:s22+$0x49F0] =	vst v14;
	v24 =	vmul.f32 v21, v59  }
0x12c: {  	v27 =	vld [tilespmem:s23+$0x1F0];
	[tilespmem:s23+$0x4A00] =	vst v18;
	v11 =	vmul.f32 v21, v60  }
0x12d: {  	v4 =	vsub.f32 v4, v2;
	v10 =	vbroadcast v18, $0x1;
	v13 =	vmul.f32 v21, v61;
	[tilespmem:s23+$0x4980] =	vst v24  }
0x12e: {  	v9 =	vmul.f32 v21, v63;
	[tilespmem:s23+$0x4990] =	vst v11  }
0x12f: {  	v28 =	vld [tilespmem:s24+$0x180];
	v3 =	vadd.f32 v3, v25;
	v4 =	vmul.f32 $1.442695020e+00, v4;
	v7 =	vmul.f32 v10, v20;
	[tilespmem:s23+$0x49A0] =	vst v13  }
0x130: {  	v30 =	vld [tilespmem:s24+$0x190];
	v6 =	vmul.f32 v10, v23;
	v29 =	vmul.f32 v10, v26;
	[tilespmem:s23+$0x49B0] =	vst v9  }
0x131: {  	v32 =	vld [tilespmem:s24+$0x1A0];
	v34 =	vmin.f32 v3, $0.0e+00;
	v5 =	vmul.f32 v10, v27;
	[tilespmem:s23+$0x49C0] =	vst v7;
	v31 =	vpop (erf);
	(erf) = vpow2.f32 v4  }
0x132: {  	v35 =	vld [tilespmem:s24+$0x1B0];
	[tilespmem:s23+$0x49D0] =	vst v6;
	v4 =	vmul.f32 $2.000000030e-01, v34;
	v33 =	vbroadcast v31, $0x0  }
0x133: {  	v36 =	vld [tilespmem:s24+$0x1C0];
	v3 =	vmax.f32 v3, $0.0e+00;
	[tilespmem:s23+$0x49E0] =	vst v29  }
0x134: {  	v38 =	vld [tilespmem:s24+$0x1D0];
	[tilespmem:s23+$0x49F0] =	vst v5;
	v3 =	vadd.f32 v4, v3;
	v37 =	vmul.f32 v33, v28  }
0x135: {  	v39 =	vld [tilespmem:s24+$0x1E0];
	[tilespmem:s24+$0x4A00] =	vst v31;
	v9 =	vmul.f32 v33, v30  }
0x136: {  	v41 =	vbroadcast v31, $0x1;
	v7 =	vmul.f32 v33, v32;
	v3 =	vsub.f32 v3, v2;
	[tilespmem:s24+$0x4980] =	vst v37  }
0x137: {  	v40 =	vld [tilespmem:s24+$0x1F0];
	v6 =	vmul.f32 v33, v35;
	[tilespmem:s24+$0x4990] =	vst v9  }
0x138: {  	v42 =	vld [tilespmem:s25+$0x180];
	v8 =	vmul.f32 v41, v36;
	[tilespmem:s24+$0x49A0] =	vst v7;
	v3 =	vmul.f32 $1.442695020e+00, v3  }
0x139: {  	v43 =	vld [tilespmem:s25+$0x190];
	v5 =	vmul.f32 v41, v38;
	[tilespmem:s24+$0x49B0] =	vst v6  }
0x13a: {  	v44 =	vld [tilespmem:s25+$0x1A0];
	v4 =	vmul.f32 v41, v39;
	[tilespmem:s24+$0x49C0] =	vst v8;
	v45 =	vpop (erf);
	(erf) = vpow2.f32 v3  }
0x13b: {  	v46 =	vld [tilespmem:s25+$0x1B0];
	[tilespmem:s24+$0x49D0] =	vst v5;
	v47 =	vbroadcast v45, $0x0  }
0x13c: {  	v48 =	vld [tilespmem:s25+$0x1C0];
	[tilespmem:s24+$0x49E0] =	vst v4;
	v3 =	vmul.f32 v41, v40  }
0x13d: {  	v49 =	vld [tilespmem:s25+$0x1E0];
	[tilespmem:s25+$0x4A00] =	vst v45;
	v7 =	vmul.f32 v47, v42  }
0x13e: {  	[tilespmem:s24+$0x49F0] =	vst v3;
	v3 =	vld [tilespmem:s25+$0x1D0];
	v6 =	vmul.f32 v47, v43  }
0x13f: {  	v50 =	vld [tilespmem:s25+$0x1F0];
	v9 =	vbroadcast v45, $0x1;
	v8 =	vmul.f32 v47, v44;
	[tilespmem:s25+$0x4980] =	vst v7  }
0x140: {  	v5 =	vmul.f32 v47, v46;
	[tilespmem:s25+$0x4990] =	vst v6  }
0x141: {  	v51 =	vld [tilespmem:s26+$0x180];
	v4 =	vmul.f32 v9, v48;
	[tilespmem:s25+$0x49A0] =	vst v8  }
0x142: {  	v52 =	vld [tilespmem:s26+$0x190];
	v53 =	vmul.f32 v9, v49;
	[tilespmem:s25+$0x49B0] =	vst v5  }
0x143: {  	v54 =	vld [tilespmem:s26+$0x1A0];
	[tilespmem:s25+$0x49C0] =	vst v4;
	v3 =	vmul.f32 v9, v3;
	v55 =	vpop (erf)  }
0x144: {  	v57 =	vld [tilespmem:s26+$0x1C0];
	[tilespmem:s25+$0x49E0] =	vst v53;
	v9 =	vmul.f32 v9, v50;
	v56 =	vbroadcast v55, $0x0  }
0x145: {  	v58 =	vld [tilespmem:s26+$0x1D0];
	[tilespmem:s25+$0x49D0] =	vst v3  }
0x146: {  	v3 =	vld [tilespmem:s26+$0x1B0];
	[tilespmem:s25+$0x49F0] =	vst v9;
	v6 =	vmul.f32 v56, v51  }
0x147: {  	v60 =	vld [tilespmem:s26+$0x1F0];
	[tilespmem:s26+$0x4A00] =	vst v55;
	v8 =	vbroadcast v55, $0x1;
	v5 =	vmul.f32 v56, v52  }
0x148: {  	v59 =	vld [tilespmem:s26+$0x1E0];
	v4 =	vmul.f32 v56, v54;
	[tilespmem:s26+$0x4980] =	vst v6  }
0x149: {  	v61 =	vmul.f32 v8, v57;
	[tilespmem:s26+$0x4990] =	vst v5  }
0x14a: {  	p0 =	slt.u32 s15, $0x30;
	v62 =	vmul.f32 v8, v58;
	[tilespmem:s26+$0x49A0] =	vst v4  }
.Ltmp3:
0x14b: {  	v3 =	vmul.f32 v56, v3;
	[tilespmem:s26+$0x49C0] =	vst v61;
	(pc) =	sbr.rel @p0 .LBB2_5-.Ltmp3, $4  }
0x14c: {  	v63 =	vmul.f32 v8, v60;
	[tilespmem:s26+$0x49D0] =	vst v62  }
0x14d: {  	[tilespmem:s26+$0x49B0] =	vst v3;
	v3 =	vmul.f32 v8, v59  }
0x14e: {  	s31 =	sadd.s32 $0x10, s15;
	[tilespmem:s26+$0x49F0] =	vst v63  }
0x14f: {  	s15 =	smov.u32 s31;
	[tilespmem:s26+$0x49E0] =	vst v3  }
0x150: {  	s1 =	rddreg [dreg:$0x2];
	s2 =	simm.s32 $0x80  }
0x151: {  	[spmem:s1] =	stream.indirect.scatter.add.f32 [tilespmem:s28], [sflag:$0x3], $0x90, s2, s0, $0xb8;
	[tilespmem:$0x1D910] =	vst v63  }
0x152: {  	_ =	swait.ge [sflag:s29], $0x2400  }
0x153: {  	s15 =	sshll.u32 s14, $0x7;
	p0 =	seq.s32 s14, $0xA3;
	[sflag:s29] =	ssyncset.done $0x0  }
0x154: {  	s1 =	sadd.s32 @!p0 s15, s21;
	[sflag:s29] =	ssyncadd.s32 $0xFFFFDC00  }
0x155: {  	s1 =	sshrl.u32 @!p0 s1, $0x3;
	s2 =	rddreg [dreg:$0x1]  }
0x156: {  	s4 =	simm.s32 @!p0 $0x0;
	s3 =	sadd.s32 @!p0 s2, s1  }
0x157: {  	[tilespmem:s4], [sflag:$0x3] =	stream.linear.gather @!p0 [hbm4b:s3+s4], $0x40, $0x38;
	[tilespmem:$0x1D910] =	vst v63  }
0x158: {  	s3 =	simm.s32 @!p0 $0x3  }
0x159: {  	_ =	swait.ge @!p0 [sflag:s3], $0x40  }
0x15a: {  	[sflag:s3] =	ssyncset.done @!p0 $0x0  }
0x15b: {  	s8 =	simm.s32 @!p0 $0x80;
	s1 =	sadd.s32 @!p0 s7, s1;
	[sflag:s3] =	ssyncadd.s32 @!p0 $0xFFFFFFC0  }
0x15c: {  	[tilespmem:s8], [sflag:$0x3] =	stream.linear.gather @!p0 [hbm4b:s1+s4], $0x40, $0x38;
	[tilespmem:$0x1D910] =	vst v63  }
0x15d: {  	_ =	swait.ge @!p0 [sflag:s3], $0x40  }
0x15e: {  	[sflag:s3] =	ssyncset.done @!p0 $0x0  }
0x15f: {  	[sflag:s3] =	ssyncadd.s32 @!p0 $0xFFFFFFC0  }
0x160: {  	v2 =	vld @!p0 [tilespmem:$0x0]  }
0x161: {  	v3 =	vld @!p0 [tilespmem:$0x80]  }
0x162: {  	v4 =	vld @!p0 [tilespmem:$0x10]  }
0x163: {  	v5 =	vld @!p0 [tilespmem:$0x90]  }
0x164: {  	v6 =	vld @!p0 [tilespmem:$0x20]  }
0x165: {  	v7 =	vld @!p0 [tilespmem:$0xA0];
	v2 =	vadd.s32 @!p0 v0, v2  }
0x166: {  	[tilespmem:$0x0] =	vst @!p0 v2;
	v2 =	vadd.s32 @!p0 v0, v3;
	v3 =	vld @!p0 [tilespmem:$0x30]  }
0x167: {  	[tilespmem:$0x100] =	vst @!p0 v2;
	v2 =	vadd.s32 @!p0 v0, v4;
	v4 =	vld @!p0 [tilespmem:$0xB0]  }
0x168: {  	[tilespmem:$0x10] =	vst @!p0 v2;
	v2 =	vadd.s32 @!p0 v0, v5  }
0x169: {  	[tilespmem:$0x110] =	vst @!p0 v2;
	v2 =	vadd.s32 @!p0 v0, v6  }
0x16a: {  	[tilespmem:$0x20] =	vst @!p0 v2;
	v2 =	vadd.s32 @!p0 v0, v7  }
0x16b: {  	[tilespmem:$0x120] =	vst @!p0 v2;
	v2 =	vadd.s32 @!p0 v0, v3  }
0x16c: {  	[tilespmem:$0x30] =	vst @!p0 v2;
	v2 =	vadd.s32 @!p0 v0, v4  }
0x16d: {  	s1 =	simm.s32 @!p0 $0x40;
	s3 =	simm.s32 @!p0 $0x180;
	[tilespmem:$0x130] =	vst @!p0 v2  }
0x16e: {  	[tilespmem:s3], [sflag:$0x1] =	stream.indirect.gather @!p0 [hbm4b:s5+s1], $0x90, s4, s1, $0xb8;
	[tilespmem:$0x1D910] =	vst v63  }
0x16f: {  	s3 =	simm.s32 @!p0 $0x100;
	s4 =	simm.s32 @!p0 $0x6D80  }
0x170: {  	[tilespmem:s4], [sflag:$0x1] =	stream.indirect.gather @!p0 [hbm4b:s6+s1], $0x10, s3, s1, $0xb8;
	[tilespmem:$0x1D910] =	vst v63  }
0x171: {  	_ =	swait.ge [sflag:s12], $0x2400  }
0x172: {  	[sflag:s12] =	ssyncset.done $0x0  }
0x173: {  	[sflag:s12] =	ssyncadd.s32 $0xFFFFDC00  }
0x174: {  	_ =	swait.ge [sflag:s12], $0x400  }
0x175: {  	[sflag:s12] =	ssyncset.done $0x0  }
0x176: {  	[sflag:s12] =	ssyncadd.s32 $0xFFFFFC00  }
0x177: {  	s16 =	simm.s32 $0x0;
	v2 =	vld [tilespmem:$0x7580]  }
.LBB2_7:
0x178: {  	s31 =	smul.u32 $0x90, s16  }
0x179: {  	s1 =	sshll.u32 s16, $0x4  }
0x17a: {  	s1 =	sand.u32 $0x3FFFFFF0, s1;
	v3 =	vld [tilespmem:s31+$0x2600]  }
0x17b: {  	v4 =	vld [tilespmem:s1+$0x7180];
	_ =	sdelay $0x3  }
0x17c: {  	v19 =	vld [tilespmem:s31+$0x2580]  }
0x17d: {  	s8 =	sor.u32 $0x1, s16;
	v20 =	vld [tilespmem:s31+$0x2590];
	v3 =	vadd.f32 v4, v3  }
0x17e: {  	s9 =	smul.u32 $0x90, s8;
	v21 =	vld [tilespmem:s31+$0x25A0]  }
0x17f: {  	s1 =	sshll.u32 s8, $0x4;
	v33 =	vld [tilespmem:s31+$0x25B0];
	v5 =	vmin.f32 v3, $0.0e+00  }
0x180: {  	v31 =	vld [tilespmem:s9+$0x2600];
	s1 =	sand.u32 $0x3FFFFFF0, s1;
	v5 =	vmul.f32 $2.000000030e-01, v5  }
0x181: {  	v6 =	vld [tilespmem:s1+$0x7180];
	v3 =	vmax.f32 v3, $0.0e+00  }
0x182: {  	v22 =	vld [tilespmem:s31+$0x25C0];
	v3 =	vadd.f32 v5, v3  }
0x183: {  	s10 =	sor.u32 $0x2, s16;
	v24 =	vld [tilespmem:s31+$0x25D0]  }
0x184: {  	s13 =	smul.u32 $0x90, s10;
	v27 =	vld [tilespmem:s31+$0x25E0];
	v3 =	vsub.f32 v3, v2  }
0x185: {  	s26 =	sor.u32 $0x8, s16;
	s3 =	sshll.u32 s10, $0x4;
	v35 =	vld [tilespmem:s31+$0x25F0]  }
0x186: {  	s22 =	sshll.u32 s26, $0x4;
	s3 =	sand.u32 $0x3FFFFFF0, s3;
	v14 =	vld [tilespmem:s13+$0x2600];
	v4 =	vadd.f32 v6, v31;
	v3 =	vmul.f32 $1.442695020e+00, v3  }
0x187: {  	s23 =	sand.u32 $0x3FFFFFF0, s22;
	v15 =	vld [tilespmem:s3+$0x7180]  }
0x188: {  	v10 =	vld [tilespmem:s23+$0x7180];
	v32 =	vmin.f32 v4, $0.0e+00;
	(erf) = vpow2.f32 v3  }
0x189: {  	v36 =	vld [tilespmem:s9+$0x2580];
	v18 =	vmul.f32 $2.000000030e-01, v32  }
0x18a: {  	v37 =	vld [tilespmem:s9+$0x2590];
	v3 =	vmax.f32 v4, $0.0e+00  }
0x18b: {  	v38 =	vld [tilespmem:s9+$0x25A0];
	v18 =	vadd.f32 v18, v3  }
0x18c: {  	v40 =	vld [tilespmem:s9+$0x25B0]  }
0x18d: {  	v41 =	vld [tilespmem:s9+$0x25C0];
	v18 =	vsub.f32 v18, v2  }
0x18e: {  	v44 =	vld [tilespmem:s9+$0x25D0]  }
0x18f: {  	v47 =	vld [tilespmem:s9+$0x25E0];
	s1 =	sor.u32 $0x3, s16;
	v14 =	vadd.f32 v15, v14;
	v18 =	vmul.f32 $1.442695020e+00, v18  }
0x190: {  	v48 =	vld [tilespmem:s9+$0x25F0];
	s4 =	sshll.u32 s1, $0x4  }
0x191: {  	v49 =	vld [tilespmem:s13+$0x2580];
	s1 =	smul.u32 $0x90, s1;
	s17 =	sand.u32 $0x3FFFFFF0, s4;
	v34 =	vmin.f32 v14, $0.0e+00;
	(erf) = vpow2.f32 v18;
	v23 =	vpop (erf)  }
0x192: {  	v16 =	vld [tilespmem:s17+$0x7180];
	v18 =	vmul.f32 $2.000000030e-01, v34;
	v25 =	vbroadcast v23, $0x0  }
0x193: {  	v26 =	vld [tilespmem:s1+$0x2600];
	v14 =	vmax.f32 v14, $0.0e+00  }
0x194: {  	v50 =	vld [tilespmem:s13+$0x2590];
	v14 =	vadd.f32 v18, v14;
	v19 =	vmul.f32 v25, v19  }
0x195: {  	v51 =	vld [tilespmem:s13+$0x25A0];
	[tilespmem:s31+$0x4A00] =	vst v23;
	v20 =	vmul.f32 v25, v20  }
0x196: {  	v52 =	vld [tilespmem:s13+$0x25B0];
	v23 =	vbroadcast v23, $0x1;
	v14 =	vsub.f32 v14, v2;
	v21 =	vmul.f32 v25, v21;
	[tilespmem:s31+$0x4980] =	vst v19  }
0x197: {  	v53 =	vld [tilespmem:s13+$0x25C0];
	v15 =	vmul.f32 v25, v33;
	[tilespmem:s31+$0x4990] =	vst v20  }
0x198: {  	s10 =	sor.u32 $0x4, s16;
	v56 =	vld [tilespmem:s13+$0x25D0];
	v16 =	vadd.f32 v16, v26;
	v22 =	vmul.f32 v23, v22;
	v14 =	vmul.f32 $1.442695020e+00, v14;
	[tilespmem:s31+$0x49A0] =	vst v21  }
0x199: {  	s8 =	sshll.u32 s10, $0x4;
	v59 =	vld [tilespmem:s13+$0x25E0];
	v24 =	vmul.f32 v23, v24;
	v39 =	vmul.f32 v23, v27;
	[tilespmem:s31+$0x49B0] =	vst v15  }
0x19a: {  	s10 =	smul.u32 $0x90, s10;
	s8 =	sand.u32 $0x3FFFFFF0, s8;
	s3 =	sor.u32 $0x6, s16;
	v60 =	vld [tilespmem:s13+$0x25F0];
	v43 =	vmin.f32 v16, $0.0e+00;
	v18 =	vmul.f32 v23, v35;
	[tilespmem:s31+$0x49C0] =	vst v22;
	v42 =	vpop (erf);
	(erf) = vpow2.f32 v14  }
0x19b: {  	v17 =	vld [tilespmem:s8+$0x7180];
	s18 =	sshll.u32 s3, $0x4;
	s8 =	sor.u32 $0x7, s16;
	[tilespmem:s31+$0x49D0] =	vst v24;
	v14 =	vmul.f32 $2.000000030e-01, v43;
	v45 =	vbroadcast v42, $0x0  }
0x19c: {  	s25 =	sor.u32 $0x9, s16;
	v46 =	vld [tilespmem:s10+$0x2600];
	s18 =	sand.u32 $0x3FFFFFF0, s18;
	s19 =	sshll.u32 s8, $0x4;
	v16 =	vmax.f32 v16, $0.0e+00;
	[tilespmem:s31+$0x49E0] =	vst v39  }
0x19d: {  	s2 =	sshll.u32 s25, $0x4;
	v12 =	vld [tilespmem:s18+$0x7180];
	s20 =	sand.u32 $0x3FFFFFF0, s19;
	[tilespmem:s31+$0x49F0] =	vst v18;
	v14 =	vadd.f32 v14, v16;
	v19 =	vmul.f32 v45, v36  }
0x19e: {  	s19 =	sand.u32 $0x3FFFFFF0, s2;
	v11 =	vld [tilespmem:s20+$0x7180];
	[tilespmem:s9+$0x4A00] =	vst v42;
	v20 =	vmul.f32 v45, v37  }
0x19f: {  	v9 =	vld [tilespmem:s19+$0x7180];
	v23 =	vbroadcast v42, $0x1;
	v21 =	vmul.f32 v45, v38;
	v14 =	vsub.f32 v14, v2;
	[tilespmem:s9+$0x4980] =	vst v19  }
0x1a0: {  	v61 =	vld [tilespmem:s1+$0x2580];
	v15 =	vmul.f32 v45, v40;
	[tilespmem:s9+$0x4990] =	vst v20  }
0x1a1: {  	s4 =	sor.u32 $0x5, s16;
	v62 =	vld [tilespmem:s1+$0x2590];
	v17 =	vadd.f32 v17, v46;
	v22 =	vmul.f32 v23, v41;
	[tilespmem:s9+$0x49A0] =	vst v21;
	v14 =	vmul.f32 $1.442695020e+00, v14  }
0x1a2: {  	s17 =	sshll.u32 s4, $0x4;
	v63 =	vld [tilespmem:s1+$0x25A0];
	v24 =	vmul.f32 v23, v44;
	v18 =	vmul.f32 v23, v47;
	[tilespmem:s9+$0x49B0] =	vst v15  }
0x1a3: {  	s4 =	smul.u32 $0x90, s4;
	v28 =	vld [tilespmem:s1+$0x25B0];
	s17 =	sand.u32 $0x3FFFFFF0, s17;
	v55 =	vmin.f32 v17, $0.0e+00;
	v16 =	vmul.f32 v23, v48;
	[tilespmem:s9+$0x49C0] =	vst v22;
	v54 =	vpop (erf);
	(erf) = vpow2.f32 v14  }
0x1a4: {  	s24 =	sor.u32 $0xA, s16;
	v13 =	vld [tilespmem:s17+$0x7180];
	[tilespmem:s9+$0x49D0] =	vst v24;
	v14 =	vmul.f32 $2.000000030e-01, v55;
	v57 =	vbroadcast v54, $0x0  }
0x1a5: {  	s23 =	sor.u32 $0xB, s16;
	s20 =	sshll.u32 s24, $0x4;
	v58 =	vld [tilespmem:s4+$0x2600];
	v17 =	vmax.f32 v17, $0.0e+00;
	[tilespmem:s9+$0x49E0] =	vst v18  }
0x1a6: {  	s2 =	sshll.u32 s23, $0x4;
	v29 =	vld [tilespmem:s1+$0x25C0];
	s22 =	sand.u32 $0x3FFFFFF0, s20;
	s20 =	sor.u32 $0xC, s16;
	[tilespmem:s9+$0x49F0] =	vst v16;
	v14 =	vadd.f32 v14, v17;
	v19 =	vmul.f32 v57, v49  }
0x1a7: {  	s18 =	sand.u32 $0x3FFFFFF0, s2;
	s19 =	sor.u32 $0xD, s16;
	v8 =	vld [tilespmem:s22+$0x7180];
	s22 =	sshll.u32 s20, $0x4;
	[tilespmem:s13+$0x4A00] =	vst v54;
	v20 =	vmul.f32 v57, v50  }
0x1a8: {  	v7 =	vld [tilespmem:s18+$0x7180];
	s2 =	sand.u32 $0x3FFFFFF0, s22;
	s22 =	sshll.u32 s19, $0x4;
	v23 =	vbroadcast v54, $0x1;
	v21 =	vmul.f32 v57, v51;
	v14 =	vsub.f32 v14, v2;
	[tilespmem:s13+$0x4980] =	vst v19  }
0x1a9: {  	v6 =	vld [tilespmem:s2+$0x7180];
	s22 =	sand.u32 $0x3FFFFFF0, s22;
	v15 =	vmul.f32 v57, v52;
	[tilespmem:s13+$0x4990] =	vst v20  }
0x1aa: {  	s3 =	smul.u32 $0x90, s3;
	s18 =	sor.u32 $0xE, s16;
	v5 =	vld [tilespmem:s22+$0x7180];
	v13 =	vadd.f32 v13, v58;
	v22 =	vmul.f32 v23, v53;
	[tilespmem:s13+$0x49A0] =	vst v21;
	v14 =	vmul.f32 $1.442695020e+00, v14  }
0x1ab: {  	s2 =	sshll.u32 s18, $0x4;
	v32 =	vld [tilespmem:s1+$0x25D0];
	v27 =	vmul.f32 v23, v56;
	v16 =	vmul.f32 v23, v59;
	[tilespmem:s13+$0x49B0] =	vst v15  }
0x1ac: {  	s2 =	sand.u32 $0x3FFFFFF0, s2;
	v26 =	vld [tilespmem:s3+$0x25B0];
	v31 =	vmin.f32 v13, $0.0e+00;
	v17 =	vmul.f32 v23, v60;
	[tilespmem:s13+$0x49C0] =	vst v22;
	v30 =	vpop (erf);
	(erf) = vpow2.f32 v14  }
0x1ad: {  	v4 =	vld [tilespmem:s2+$0x7180];
	[tilespmem:s13+$0x49D0] =	vst v27;
	v14 =	vmul.f32 $2.000000030e-01, v31;
	v33 =	vbroadcast v30, $0x0  }
0x1ae: {  	v13 =	vmax.f32 v13, $0.0e+00;
	v34 =	vld [tilespmem:s3+$0x2600];
	[tilespmem:s13+$0x49E0] =	vst v16  }
0x1af: {  	v35 =	vld [tilespmem:s1+$0x25E0];
	[tilespmem:s13+$0x49F0] =	vst v17;
	v13 =	vadd.f32 v14, v13;
	v19 =	vmul.f32 v33, v61  }
0x1b0: {  	v36 =	vld [tilespmem:s1+$0x25F0];
	[tilespmem:s1+$0x4A00] =	vst v30;
	v20 =	vmul.f32 v33, v62  }
0x1b1: {  	v39 =	vld [tilespmem:s10+$0x25A0];
	v23 =	vbroadcast v30, $0x1;
	v21 =	vmul.f32 v33, v63;
	v13 =	vsub.f32 v13, v2;
	[tilespmem:s1+$0x4980] =	vst v19  }
0x1b2: {  	v42 =	vld [tilespmem:s10+$0x25C0];
	v15 =	vmul.f32 v33, v28;
	[tilespmem:s1+$0x4990] =	vst v20  }
0x1b3: {  	v12 =	vadd.f32 v12, v34;
	v37 =	vld [tilespmem:s10+$0x2580];
	v22 =	vmul.f32 v23, v29;
	[tilespmem:s1+$0x49A0] =	vst v21;
	v13 =	vmul.f32 $1.442695020e+00, v13  }
0x1b4: {  	v38 =	vld [tilespmem:s10+$0x2590];
	v40 =	vmul.f32 v23, v32;
	v17 =	vmul.f32 v23, v35;
	[tilespmem:s1+$0x49B0] =	vst v15  }
0x1b5: {  	v41 =	vld [tilespmem:s10+$0x25B0];
	v44 =	vmin.f32 v12, $0.0e+00;
	s9 =	smul.u32 $0x90, s8;
	v14 =	vmul.f32 v23, v36;
	[tilespmem:s1+$0x49C0] =	vst v22;
	v43 =	vpop (erf);
	(erf) = vpow2.f32 v13  }
0x1b6: {  	v45 =	vld [tilespmem:s10+$0x25D0];
	[tilespmem:s1+$0x49D0] =	vst v40;
	v13 =	vmul.f32 $2.000000030e-01, v44;
	v46 =	vbroadcast v43, $0x0  }
0x1b7: {  	v12 =	vmax.f32 v12, $0.0e+00;
	v47 =	vld [tilespmem:s9+$0x2600];
	[tilespmem:s1+$0x49E0] =	vst v17  }
0x1b8: {  	v48 =	vld [tilespmem:s10+$0x25E0];
	[tilespmem:s1+$0x49F0] =	vst v14;
	v12 =	vadd.f32 v13, v12;
	v19 =	vmul.f32 v46, v37  }
0x1b9: {  	v49 =	vld [tilespmem:s10+$0x25F0];
	[tilespmem:s10+$0x4A00] =	vst v43;
	v20 =	vmul.f32 v46, v38  }
0x1ba: {  	v54 =	vld [tilespmem:s4+$0x25C0];
	v22 =	vbroadcast v43, $0x1;
	v21 =	vmul.f32 v46, v39;
	v12 =	vsub.f32 v12, v2;
	[tilespmem:s10+$0x4980] =	vst v19  }
0x1bb: {  	v50 =	vld [tilespmem:s4+$0x2580];
	v15 =	vmul.f32 v46, v41;
	[tilespmem:s10+$0x4990] =	vst v20  }
0x1bc: {  	v51 =	vld [tilespmem:s4+$0x2590];
	v11 =	vadd.f32 v11, v47;
	v18 =	vmul.f32 v22, v42;
	[tilespmem:s10+$0x49A0] =	vst v21;
	v12 =	vmul.f32 $1.442695020e+00, v12  }
0x1bd: {  	v52 =	vld [tilespmem:s4+$0x25A0];
	v16 =	vmul.f32 v22, v45;
	v14 =	vmul.f32 v22, v48;
	[tilespmem:s10+$0x49B0] =	vst v15  }
0x1be: {  	s26 =	smul.u32 $0x90, s26;
	v53 =	vld [tilespmem:s4+$0x25B0];
	v56 =	vmin.f32 v11, $0.0e+00;
	v13 =	vmul.f32 v22, v49;
	[tilespmem:s10+$0x49C0] =	vst v18;
	v55 =	vpop (erf);
	(erf) = vpow2.f32 v12  }
0x1bf: {  	v57 =	vld [tilespmem:s4+$0x25D0];
	[tilespmem:s10+$0x49D0] =	vst v16;
	v12 =	vmul.f32 $2.000000030e-01, v56;
	v58 =	vbroadcast v55, $0x0  }
0x1c0: {  	s17 =	sor.u32 $0xF, s16;
	v59 =	vld [tilespmem:s26+$0x2600];
	v11 =	vmax.f32 v11, $0.0e+00;
	[tilespmem:s10+$0x49E0] =	vst v14  }
0x1c1: {  	s22 =	sshll.u32 s17, $0x4;
	v60 =	vld [tilespmem:s4+$0x25E0];
	[tilespmem:s10+$0x49F0] =	vst v13;
	v11 =	vadd.f32 v12, v11;
	v19 =	vmul.f32 v58, v50  }
0x1c2: {  	s22 =	sand.u32 $0x3FFFFFF0, s22;
	v61 =	vld [tilespmem:s4+$0x25F0];
	[tilespmem:s4+$0x4A00] =	vst v55;
	v20 =	vmul.f32 v58, v51  }
0x1c3: {  	v3 =	vld [tilespmem:s22+$0x7180];
	v18 =	vbroadcast v55, $0x1;
	v21 =	vmul.f32 v58, v52;
	v11 =	vsub.f32 v11, v2;
	[tilespmem:s4+$0x4980] =	vst v19  }
0x1c4: {  	v24 =	vld [tilespmem:s3+$0x25A0];
	v15 =	vmul.f32 v58, v53;
	[tilespmem:s4+$0x4990] =	vst v20  }
0x1c5: {  	v10 =	vadd.f32 v10, v59;
	v62 =	vld [tilespmem:s3+$0x2580];
	v17 =	vmul.f32 v18, v54;
	[tilespmem:s4+$0x49A0] =	vst v21;
	v11 =	vmul.f32 $1.442695020e+00, v11  }
0x1c6: {  	v63 =	vld [tilespmem:s3+$0x2590];
	v25 =	vmul.f32 v18, v57;
	v13 =	vmul.f32 v18, v60;
	[tilespmem:s4+$0x49B0] =	vst v15  }
0x1c7: {  	v27 =	vld [tilespmem:s3+$0x25C0];
	v29 =	vmin.f32 v10, $0.0e+00;
	s10 =	smul.u32 $0x90, s25;
	v12 =	vmul.f32 v18, v61;
	[tilespmem:s4+$0x49C0] =	vst v17;
	v28 =	vpop (erf);
	(erf) = vpow2.f32 v11  }
0x1c8: {  	v30 =	vld [tilespmem:s3+$0x25D0];
	[tilespmem:s4+$0x49D0] =	vst v25;
	v11 =	vmul.f32 $2.000000030e-01, v29;
	v31 =	vbroadcast v28, $0x0  }
0x1c9: {  	v10 =	vmax.f32 v10, $0.0e+00;
	v32 =	vld [tilespmem:s10+$0x2600];
	[tilespmem:s4+$0x49E0] =	vst v13  }
0x1ca: {  	v33 =	vld [tilespmem:s3+$0x25E0];
	[tilespmem:s4+$0x49F0] =	vst v12;
	v10 =	vadd.f32 v11, v10;
	v19 =	vmul.f32 v31, v62  }
0x1cb: {  	v34 =	vld [tilespmem:s3+$0x25F0];
	[tilespmem:s3+$0x4A00] =	vst v28;
	v20 =	vmul.f32 v31, v63  }
0x1cc: {  	v35 =	vld [tilespmem:s9+$0x2580];
	v17 =	vbroadcast v28, $0x1;
	v21 =	vmul.f32 v31, v24;
	v10 =	vsub.f32 v10, v2;
	[tilespmem:s3+$0x4980] =	vst v19  }
0x1cd: {  	v36 =	vld [tilespmem:s9+$0x2590];
	v15 =	vmul.f32 v31, v26;
	[tilespmem:s3+$0x4990] =	vst v20  }
0x1ce: {  	v40 =	vld [tilespmem:s9+$0x25C0];
	v9 =	vadd.f32 v9, v32;
	v16 =	vmul.f32 v17, v27;
	[tilespmem:s3+$0x49A0] =	vst v21;
	v10 =	vmul.f32 $1.442695020e+00, v10  }
0x1cf: {  	v43 =	vld [tilespmem:s9+$0x25D0];
	v38 =	vmul.f32 v17, v30;
	v12 =	vmul.f32 v17, v33;
	[tilespmem:s3+$0x49B0] =	vst v15  }
0x1d0: {  	s13 =	smul.u32 $0x90, s24;
	v37 =	vld [tilespmem:s9+$0x25A0];
	v42 =	vmin.f32 v9, $0.0e+00;
	v11 =	vmul.f32 v17, v34;
	[tilespmem:s3+$0x49C0] =	vst v16;
	v41 =	vpop (erf);
	(erf) = vpow2.f32 v10  }
0x1d1: {  	v39 =	vld [tilespmem:s9+$0x25B0];
	[tilespmem:s3+$0x49D0] =	vst v38;
	v10 =	vmul.f32 $2.000000030e-01, v42;
	v44 =	vbroadcast v41, $0x0  }
0x1d2: {  	v45 =	vld [tilespmem:s13+$0x2600];
	v9 =	vmax.f32 v9, $0.0e+00;
	[tilespmem:s3+$0x49E0] =	vst v12  }
0x1d3: {  	v46 =	vld [tilespmem:s9+$0x25E0];
	[tilespmem:s3+$0x49F0] =	vst v11;
	v9 =	vadd.f32 v10, v9;
	v19 =	vmul.f32 v44, v35  }
0x1d4: {  	v47 =	vld [tilespmem:s9+$0x25F0];
	[tilespmem:s9+$0x4A00] =	vst v41;
	v18 =	vmul.f32 v44, v36  }
0x1d5: {  	v59 =	vld [tilespmem:s26+$0x25E0];
	v16 =	vbroadcast v41, $0x1;
	v20 =	vmul.f32 v44, v37;
	v9 =	vsub.f32 v9, v2;
	[tilespmem:s9+$0x4980] =	vst v19  }
0x1d6: {  	v48 =	vld [tilespmem:s26+$0x2580];
	v14 =	vmul.f32 v44, v39;
	[tilespmem:s9+$0x4990] =	vst v18  }
0x1d7: {  	v49 =	vld [tilespmem:s26+$0x2590];
	v8 =	vadd.f32 v8, v45;
	v15 =	vmul.f32 v16, v40;
	[tilespmem:s9+$0x49A0] =	vst v20;
	v9 =	vmul.f32 $1.442695020e+00, v9  }
0x1d8: {  	v50 =	vld [tilespmem:s26+$0x25A0];
	v51 =	vmul.f32 v16, v43;
	v11 =	vmul.f32 v16, v46;
	[tilespmem:s9+$0x49B0] =	vst v14  }
0x1d9: {  	s22 =	smul.u32 $0x90, s23;
	v55 =	vmin.f32 v8, $0.0e+00;
	v52 =	vld [tilespmem:s26+$0x25B0];
	v10 =	vmul.f32 v16, v47;
	[tilespmem:s9+$0x49C0] =	vst v15;
	v54 =	vpop (erf);
	(erf) = vpow2.f32 v9  }
0x1da: {  	v53 =	vld [tilespmem:s26+$0x25C0];
	[tilespmem:s9+$0x49D0] =	vst v51;
	v9 =	vmul.f32 $2.000000030e-01, v55;
	v57 =	vbroadcast v54, $0x0  }
0x1db: {  	v8 =	vmax.f32 v8, $0.0e+00;
	v58 =	vld [tilespmem:s22+$0x2600];
	[tilespmem:s9+$0x49E0] =	vst v11  }
0x1dc: {  	v56 =	vld [tilespmem:s26+$0x25D0];
	[tilespmem:s9+$0x49F0] =	vst v10;
	v8 =	vadd.f32 v9, v8;
	v19 =	vmul.f32 v57, v48  }
0x1dd: {  	v60 =	vld [tilespmem:s26+$0x25F0];
	[tilespmem:s26+$0x4A00] =	vst v54;
	v17 =	vmul.f32 v57, v49  }
0x1de: {  	v22 =	vld [tilespmem:s10+$0x25B0];
	v15 =	vbroadcast v54, $0x1;
	v18 =	vmul.f32 v57, v50;
	v8 =	vsub.f32 v8, v2;
	[tilespmem:s26+$0x4980] =	vst v19  }
0x1df: {  	v23 =	vld [tilespmem:s10+$0x25C0];
	v13 =	vmul.f32 v57, v52;
	[tilespmem:s26+$0x4990] =	vst v17  }
0x1e0: {  	v61 =	vld [tilespmem:s10+$0x2580];
	v7 =	vadd.f32 v7, v58;
	v14 =	vmul.f32 v15, v53;
	[tilespmem:s26+$0x49A0] =	vst v18;
	v8 =	vmul.f32 $1.442695020e+00, v8  }
0x1e1: {  	v62 =	vld [tilespmem:s10+$0x2590];
	v21 =	vmul.f32 v15, v56;
	v10 =	vmul.f32 v15, v59;
	[tilespmem:s26+$0x49B0] =	vst v13  }
0x1e2: {  	s23 =	smul.u32 $0x90, s20;
	v25 =	vmin.f32 v7, $0.0e+00;
	v63 =	vld [tilespmem:s10+$0x25A0];
	v9 =	vmul.f32 v15, v60;
	[tilespmem:s26+$0x49C0] =	vst v14;
	(erf) = vpow2.f32 v8;
	v24 =	vpop (erf)  }
0x1e3: {  	v29 =	vld [tilespmem:s10+$0x25E0];
	[tilespmem:s26+$0x49D0] =	vst v21;
	v8 =	vmul.f32 $2.000000030e-01, v25;
	v26 =	vbroadcast v24, $0x0  }
0x1e4: {  	v7 =	vmax.f32 v7, $0.0e+00;
	v27 =	vld [tilespmem:s23+$0x2600];
	[tilespmem:s26+$0x49E0] =	vst v10  }
0x1e5: {  	v28 =	vld [tilespmem:s10+$0x25D0];
	[tilespmem:s26+$0x49F0] =	vst v9;
	v7 =	vadd.f32 v8, v7;
	v30 =	vmul.f32 v26, v61  }
0x1e6: {  	v31 =	vld [tilespmem:s10+$0x25F0];
	[tilespmem:s10+$0x4A00] =	vst v24;
	v16 =	vmul.f32 v26, v62  }
0x1e7: {  	v32 =	vld [tilespmem:s13+$0x2580];
	v14 =	vbroadcast v24, $0x1;
	v17 =	vmul.f32 v26, v63;
	v7 =	vsub.f32 v7, v2;
	[tilespmem:s10+$0x4980] =	vst v30  }
0x1e8: {  	v33 =	vld [tilespmem:s13+$0x2590];
	v11 =	vmul.f32 v26, v22;
	[tilespmem:s10+$0x4990] =	vst v16  }
0x1e9: {  	v34 =	vld [tilespmem:s13+$0x25A0];
	v6 =	vadd.f32 v6, v27;
	v13 =	vmul.f32 v14, v23;
	[tilespmem:s10+$0x49A0] =	vst v17;
	v7 =	vmul.f32 $1.442695020e+00, v7  }
0x1ea: {  	v42 =	vld [tilespmem:s13+$0x25E0];
	v10 =	vmul.f32 v14, v28;
	v9 =	vmul.f32 v14, v29;
	[tilespmem:s10+$0x49B0] =	vst v11  }
0x1eb: {  	s24 =	smul.u32 $0x90, s19;
	v35 =	vld [tilespmem:s13+$0x25B0];
	v36 =	vmin.f32 v6, $0.0e+00;
	v8 =	vmul.f32 v14, v31;
	[tilespmem:s10+$0x49C0] =	vst v13;
	(erf) = vpow2.f32 v7;
	v38 =	vpop (erf)  }
0x1ec: {  	v37 =	vld [tilespmem:s13+$0x25C0];
	v16 =	vmul.f32 $2.000000030e-01, v36;
	[tilespmem:s10+$0x49D0] =	vst v10;
	v39 =	vbroadcast v38, $0x0  }
0x1ed: {  	v6 =	vmax.f32 v6, $0.0e+00;
	v40 =	vld [tilespmem:s24+$0x2600];
	[tilespmem:s10+$0x49E0] =	vst v9  }
0x1ee: {  	v41 =	vld [tilespmem:s13+$0x25D0];
	[tilespmem:s10+$0x49F0] =	vst v8;
	v6 =	vadd.f32 v16, v6;
	v43 =	vmul.f32 v39, v32  }
0x1ef: {  	v44 =	vld [tilespmem:s13+$0x25F0];
	[tilespmem:s13+$0x4A00] =	vst v38;
	v12 =	vmul.f32 v39, v33  }
0x1f0: {  	v45 =	vld [tilespmem:s22+$0x2580];
	v6 =	vsub.f32 v6, v2;
	v7 =	vbroadcast v38, $0x1;
	v15 =	vmul.f32 v39, v34;
	[tilespmem:s13+$0x4980] =	vst v43  }
0x1f1: {  	s25 =	smul.u32 $0x90, s18;
	v58 =	vld [tilespmem:s22+$0x25F0];
	v10 =	vmul.f32 v39, v35;
	[tilespmem:s13+$0x4990] =	vst v12  }
0x1f2: {  	v46 =	vld [tilespmem:s22+$0x2590];
	v5 =	vadd.f32 v5, v40;
	v6 =	vmul.f32 $1.442695020e+00, v6;
	v47 =	vmul.f32 v7, v37;
	[tilespmem:s13+$0x49A0] =	vst v15  }
0x1f3: {  	v55 =	vld [tilespmem:s25+$0x2600];
	v9 =	vmul.f32 v7, v41;
	v8 =	vmul.f32 v7, v42;
	[tilespmem:s13+$0x49B0] =	vst v10  }
0x1f4: {  	v48 =	vld [tilespmem:s22+$0x25A0];
	v50 =	vmin.f32 v5, $0.0e+00;
	v7 =	vmul.f32 v7, v44;
	(erf) = vpow2.f32 v6;
	[tilespmem:s13+$0x49C0] =	vst v47;
	v51 =	vpop (erf)  }
0x1f5: {  	v49 =	vld [tilespmem:s22+$0x25B0];
	v6 =	vmul.f32 $2.000000030e-01, v50;
	[tilespmem:s13+$0x49D0] =	vst v9;
	v54 =	vbroadcast v51, $0x0  }
0x1f6: {  	v52 =	vld [tilespmem:s22+$0x25C0];
	v5 =	vmax.f32 v5, $0.0e+00;
	[tilespmem:s13+$0x49E0] =	vst v8  }
0x1f7: {  	v53 =	vld [tilespmem:s22+$0x25D0];
	[tilespmem:s13+$0x49F0] =	vst v7;
	v5 =	vadd.f32 v6, v5;
	v57 =	vmul.f32 v54, v45  }
0x1f8: {  	v56 =	vld [tilespmem:s22+$0x25E0];
	v4 =	vadd.f32 v4, v55;
	[tilespmem:s22+$0x4A00] =	vst v51;
	v11 =	vmul.f32 v54, v46  }
0x1f9: {  	v20 =	vld [tilespmem:s23+$0x25C0];
	v5 =	vsub.f32 v5, v2;
	v14 =	vbroadcast v51, $0x1;
	v13 =	vmul.f32 v54, v48;
	[tilespmem:s22+$0x4980] =	vst v57  }
0x1fa: {  	v59 =	vld [tilespmem:s23+$0x2580];
	s26 =	smul.u32 $0x90, s17;
	v10 =	vmul.f32 v54, v49;
	[tilespmem:s22+$0x4990] =	vst v11  }
0x1fb: {  	v60 =	vld [tilespmem:s23+$0x2590];
	v22 =	vmin.f32 v4, $0.0e+00;
	v5 =	vmul.f32 $1.442695020e+00, v5;
	v12 =	vmul.f32 v14, v52;
	[tilespmem:s22+$0x49A0] =	vst v13  }
0x1fc: {  	v25 =	vld [tilespmem:s26+$0x2600];
	v15 =	vmul.f32 $2.000000030e-01, v22;
	v62 =	vmul.f32 v14, v53;
	[tilespmem:s22+$0x49B0] =	vst v10  }
0x1fd: {  	v61 =	vld [tilespmem:s23+$0x25A0];
	v19 =	vmul.f32 v14, v56;
	[tilespmem:s22+$0x49C0] =	vst v12;
	v18 =	vpop (erf);
	(erf) = vpow2.f32 v5  }
0x1fe: {  	v63 =	vld [tilespmem:s23+$0x25B0];
	v14 =	vmul.f32 v14, v58;
	[tilespmem:s22+$0x49D0] =	vst v62;
	v21 =	vbroadcast v18, $0x0  }
0x1ff: {  	v23 =	vld [tilespmem:s23+$0x25D0];
	v4 =	vmax.f32 v4, $0.0e+00;
	[tilespmem:s22+$0x49E0] =	vst v19  }
0x200: {  	v26 =	vld [tilespmem:s23+$0x25E0];
	v4 =	vadd.f32 v15, v4;
	[tilespmem:s22+$0x49F0] =	vst v14;
	v24 =	vmul.f32 v21, v59  }
0x201: {  	v27 =	vld [tilespmem:s23+$0x25F0];
	[tilespmem:s23+$0x4A00] =	vst v18;
	v11 =	vmul.f32 v21, v60  }
0x202: {  	v4 =	vsub.f32 v4, v2;
	v10 =	vbroadcast v18, $0x1;
	v13 =	vmul.f32 v21, v61;
	[tilespmem:s23+$0x4980] =	vst v24  }
0x203: {  	v9 =	vmul.f32 v21, v63;
	[tilespmem:s23+$0x4990] =	vst v11  }
0x204: {  	v28 =	vld [tilespmem:s24+$0x2580];
	v3 =	vadd.f32 v3, v25;
	v4 =	vmul.f32 $1.442695020e+00, v4;
	v7 =	vmul.f32 v10, v20;
	[tilespmem:s23+$0x49A0] =	vst v13  }
0x205: {  	v30 =	vld [tilespmem:s24+$0x2590];
	v6 =	vmul.f32 v10, v23;
	v29 =	vmul.f32 v10, v26;
	[tilespmem:s23+$0x49B0] =	vst v9  }
0x206: {  	v32 =	vld [tilespmem:s24+$0x25A0];
	v34 =	vmin.f32 v3, $0.0e+00;
	v5 =	vmul.f32 v10, v27;
	[tilespmem:s23+$0x49C0] =	vst v7;
	v31 =	vpop (erf);
	(erf) = vpow2.f32 v4  }
0x207: {  	v35 =	vld [tilespmem:s24+$0x25B0];
	[tilespmem:s23+$0x49D0] =	vst v6;
	v4 =	vmul.f32 $2.000000030e-01, v34;
	v33 =	vbroadcast v31, $0x0  }
0x208: {  	v36 =	vld [tilespmem:s24+$0x25C0];
	v3 =	vmax.f32 v3, $0.0e+00;
	[tilespmem:s23+$0x49E0] =	vst v29  }
0x209: {  	v38 =	vld [tilespmem:s24+$0x25D0];
	[tilespmem:s23+$0x49F0] =	vst v5;
	v3 =	vadd.f32 v4, v3;
	v37 =	vmul.f32 v33, v28  }
0x20a: {  	v39 =	vld [tilespmem:s24+$0x25E0];
	[tilespmem:s24+$0x4A00] =	vst v31;
	v9 =	vmul.f32 v33, v30  }
0x20b: {  	v41 =	vbroadcast v31, $0x1;
	v7 =	vmul.f32 v33, v32;
	v3 =	vsub.f32 v3, v2;
	[tilespmem:s24+$0x4980] =	vst v37  }
0x20c: {  	v40 =	vld [tilespmem:s24+$0x25F0];
	v6 =	vmul.f32 v33, v35;
	[tilespmem:s24+$0x4990] =	vst v9  }
0x20d: {  	v42 =	vld [tilespmem:s25+$0x2580];
	v8 =	vmul.f32 v41, v36;
	[tilespmem:s24+$0x49A0] =	vst v7;
	v3 =	vmul.f32 $1.442695020e+00, v3  }
0x20e: {  	v43 =	vld [tilespmem:s25+$0x2590];
	v5 =	vmul.f32 v41, v38;
	[tilespmem:s24+$0x49B0] =	vst v6  }
0x20f: {  	v44 =	vld [tilespmem:s25+$0x25A0];
	v4 =	vmul.f32 v41, v39;
	[tilespmem:s24+$0x49C0] =	vst v8;
	v45 =	vpop (erf);
	(erf) = vpow2.f32 v3  }
0x210: {  	v46 =	vld [tilespmem:s25+$0x25B0];
	[tilespmem:s24+$0x49D0] =	vst v5;
	v47 =	vbroadcast v45, $0x0  }
0x211: {  	v48 =	vld [tilespmem:s25+$0x25C0];
	[tilespmem:s24+$0x49E0] =	vst v4;
	v3 =	vmul.f32 v41, v40  }
0x212: {  	v49 =	vld [tilespmem:s25+$0x25E0];
	[tilespmem:s25+$0x4A00] =	vst v45;
	v7 =	vmul.f32 v47, v42  }
0x213: {  	[tilespmem:s24+$0x49F0] =	vst v3;
	v3 =	vld [tilespmem:s25+$0x25D0];
	v6 =	vmul.f32 v47, v43  }
0x214: {  	v50 =	vld [tilespmem:s25+$0x25F0];
	v9 =	vbroadcast v45, $0x1;
	v8 =	vmul.f32 v47, v44;
	[tilespmem:s25+$0x4980] =	vst v7  }
0x215: {  	v5 =	vmul.f32 v47, v46;
	[tilespmem:s25+$0x4990] =	vst v6  }
0x216: {  	v51 =	vld [tilespmem:s26+$0x2580];
	v4 =	vmul.f32 v9, v48;
	[tilespmem:s25+$0x49A0] =	vst v8  }
0x217: {  	v52 =	vld [tilespmem:s26+$0x2590];
	v53 =	vmul.f32 v9, v49;
	[tilespmem:s25+$0x49B0] =	vst v5  }
0x218: {  	v54 =	vld [tilespmem:s26+$0x25A0];
	[tilespmem:s25+$0x49C0] =	vst v4;
	v3 =	vmul.f32 v9, v3;
	v55 =	vpop (erf)  }
0x219: {  	v57 =	vld [tilespmem:s26+$0x25C0];
	[tilespmem:s25+$0x49E0] =	vst v53;
	v9 =	vmul.f32 v9, v50;
	v56 =	vbroadcast v55, $0x0  }
0x21a: {  	v58 =	vld [tilespmem:s26+$0x25D0];
	[tilespmem:s25+$0x49D0] =	vst v3  }
0x21b: {  	v3 =	vld [tilespmem:s26+$0x25B0];
	[tilespmem:s25+$0x49F0] =	vst v9;
	v6 =	vmul.f32 v56, v51  }
0x21c: {  	v60 =	vld [tilespmem:s26+$0x25F0];
	[tilespmem:s26+$0x4A00] =	vst v55;
	v8 =	vbroadcast v55, $0x1;
	v5 =	vmul.f32 v56, v52  }
0x21d: {  	v59 =	vld [tilespmem:s26+$0x25E0];
	v4 =	vmul.f32 v56, v54;
	[tilespmem:s26+$0x4980] =	vst v6  }
0x21e: {  	v61 =	vmul.f32 v8, v57;
	[tilespmem:s26+$0x4990] =	vst v5  }
0x21f: {  	p1 =	slt.u32 s16, $0x30;
	v62 =	vmul.f32 v8, v58;
	[tilespmem:s26+$0x49A0] =	vst v4  }
.Ltmp4:
0x220: {  	v3 =	vmul.f32 v56, v3;
	[tilespmem:s26+$0x49C0] =	vst v61;
	(pc) =	sbr.rel @p1 .LBB2_7-.Ltmp4, $4  }
0x221: {  	v63 =	vmul.f32 v8, v60;
	[tilespmem:s26+$0x49D0] =	vst v62  }
0x222: {  	[tilespmem:s26+$0x49B0] =	vst v3;
	v3 =	vmul.f32 v8, v59  }
0x223: {  	s31 =	sadd.s32 $0x10, s16;
	[tilespmem:s26+$0x49F0] =	vst v63  }
0x224: {  	s16 =	smov.u32 s31;
	[tilespmem:s26+$0x49E0] =	vst v3  }
.Ltmp5:
0x225: {  	s1 =	rddreg [dreg:$0x2];
	(pc) =	sbr.rel @p0 .LBB2_10-.Ltmp5, $4  }
0x226: {  	[spmem:s1] =	stream.indirect.scatter.add.f32 [tilespmem:s28], [sflag:$0x3], $0x90, s30, s0, $0xb8;
	[tilespmem:$0x1D910] =	vst v63  }
0x227: {  	_ =	swait.ge [sflag:s29], $0x2400  }
0x228: {  	[sflag:s29] =	ssyncset.done $0x0  }
0x229: {  	[sflag:s29] =	ssyncadd.s32 $0xFFFFDC00  }
0x22a: {  	s1 =	rddreg [dreg:$0x11]  }
0x22b: {  	s1 =	sadd.s32 s15, s1  }
0x22c: {  	s2 =	rddreg [dreg:$0x1];
	s1 =	sshrl.u32 s1, $0x3  }
0x22d: {  	s3 =	simm.s32 $0x0;
	s2 =	sadd.s32 s2, s1  }
0x22e: {  	[tilespmem:s0], [sflag:$0x3] =	stream.linear.gather [hbm4b:s2+s3], $0x40, $0x38;
	[tilespmem:$0x1D910] =	vst v63  }
0x22f: {  	_ =	swait.ge [sflag:s29], $0x40  }
0x230: {  	[sflag:s29] =	ssyncset.done $0x0  }
0x231: {  	s1 =	sadd.s32 s7, s1;
	[sflag:s29] =	ssyncadd.s32 $0xFFFFFFC0  }
0x232: {  	[tilespmem:s30], [sflag:$0x3] =	stream.linear.gather [hbm4b:s1+s3], $0x40, $0x38;
	[tilespmem:$0x1D910] =	vst v63  }
0x233: {  	_ =	swait.ge [sflag:s29], $0x40  }
0x234: {  	[sflag:s29] =	ssyncset.done $0x0  }
0x235: {  	[sflag:s29] =	ssyncadd.s32 $0xFFFFFFC0  }
0x236: {  	v2 =	vld [tilespmem:$0x40]  }
0x237: {  	v3 =	vld [tilespmem:$0xC0]  }
0x238: {  	v4 =	vld [tilespmem:$0x50]  }
0x239: {  	v5 =	vld [tilespmem:$0xD0]  }
0x23a: {  	v6 =	vld [tilespmem:$0x60]  }
0x23b: {  	v7 =	vld [tilespmem:$0xE0];
	v2 =	vadd.s32 v0, v2  }
0x23c: {  	[tilespmem:$0x40] =	vst v2;
	v2 =	vadd.s32 v0, v3;
	v3 =	vld [tilespmem:$0x70]  }
0x23d: {  	v63 =	vld [tilespmem:$0xF0];
	[tilespmem:$0x140] =	vst v2;
	v2 =	vadd.s32 v0, v4  }
0x23e: {  	[tilespmem:$0x50] =	vst v2;
	v2 =	vadd.s32 v0, v5  }
0x23f: {  	[tilespmem:$0x150] =	vst v2;
	v2 =	vadd.s32 v0, v6  }
0x240: {  	[tilespmem:$0x60] =	vst v2;
	v2 =	vadd.s32 v0, v7  }
0x241: {  	[tilespmem:$0x160] =	vst v2;
	v2 =	vadd.s32 v0, v3  }
.Ltmp6:
0x242: {  	[tilespmem:$0x70] =	vst v2;
	v2 =	vadd.s32 v0, v63;
	(pc) =	sbr.rel .LBB2_4-.Ltmp6, $4  }
0x243: {  	s25 =	simm.s32 $0x2580;
	[tilespmem:$0x170] =	vst v2  }
0x244: {  	[tilespmem:s25], [sflag:$0x2] =	stream.indirect.gather [hbm4b:s5+s0], $0x90, s0, s0, $0xb8;
	[tilespmem:$0x1D910] =	vst v63  }
0x245: {  	s26 =	simm.s32 $0x140;
	s31 =	simm.s32 $0x7180;
	s14 =	sadd.s32 $0x1, s14  }
0x246: {  	[tilespmem:s31], [sflag:$0x2] =	stream.indirect.gather [hbm4b:s6+s0], $0x10, s26, s0, $0xb8;
	[tilespmem:$0x1D910] =	vst v63  }
.LBB2_11:
0x247: {  	_ =	sfence.sel $0x180000  }
0x248: {  	[bflag:$0x0] =	sbarrier.arrive $0xFFFF  }
0x249: {  	_ =	strace $0x90000047  }
0x24a: {  	s0 =	stileid.u32;
	[bflag:$0x2] =	sbarrier.arrive $0xFFFF  }
0x24b: {  	p0 =	sne.s32 s0, $0x0;
	s0 =	rddreg [dreg:$0x3]  }
0x24c: {  	s0 =	sadd.s32 @!p0 $0x100000, s0  }
0x24d: {  	[sflag:s0] =	ssyncadd.tile.s32 @!p0 $0x1;
	_ =	shalt  }
.Lfunc_end2:
_tile_overlayer_lowered:
.L_overlay_start_2:
0x24e: {  	(tag) =	ssettag $0x2  }
0x24f: {  	s0 =	rddreg [dreg:$0x0];
	s2 =	stileid.u32  }
0x250: {  	s1 =	rddreg [dreg:$0x1];
	p0 =	sne.s32 s2, $0x0  }
0x251: {  	s3 =	rddreg [dreg:$0x2];
	[bflag:$0x3] =	sbarrier.arrive $0xFFFF;
	s2 =	simm.s32 @!p0 $0x1C03  }
0x252: {  	[timem:s3], [sflag:s2] =	dma.local @!p0 [hbm:s0], s1  }
0x253: {  	s0 =	simm.s32 @!p0 $0x3  }
0x254: {  	_ =	swait.ge @!p0 [sflag:s0], s1  }
0x255: {  	s1 =	ssub.s32 @!p0 $0x0, s1;
	[sflag:s0] =	ssyncset.done @!p0 $0x0  }
0x256: {  	[sflag:s0] =	ssyncadd.s32 @!p0 s1  }
0x257: {  	[bflag:$0x3] =	sbarrier.arrive $0xFFFF  }
0x258: {  	_ =	shalt  }

</sc_bundles>
